<compile_context>
chip_gen: v7x
topology: tpu7x:2x2x1
jax: 0.10.2.dev20260603
libtpu: 0.0.44.dev20260713+nightly
codegen_flags: <defaults>
</compile_context>

<pallas_src>
import functools

import jax
import jax.numpy as jnp
from jax import lax
from jax.experimental import pallas as pl
from jax.experimental.pallas import tpu as pltpu
from jax.experimental.pallas import tpu_sc as plsc

N = 10000
E = 320000
D = 128
DH = D // 2
NC = 2
NS = 16
NP = 10240
CH = 128
EP = 327680
CPS = 2
CHR = CPS * CH
TROWS = EP // CH // NS
SLABR = 80
NSLAB = TROWS // SLABR
SPS = SLABR // CPS
NBUF = 4
RPT = NP // NS

_mesh = plsc.VectorSubcoreMesh(core_axis_name="c", subcore_axis_name="s")
_sc_params = pltpu.CompilerParams(use_tc_tiling_on_sc=False)


def _agg_body(with_deg, *refs):
    if with_deg:
        (table_hbm, src_hbm, srcn_hbm, dst_hbm, zrows_hbm, zcol_hbm,
         ones_hbm,
         psum_hbm, pdeg_hbm,
         acc_sh, deg_sh, sidx_v, didx_v, rows_v, ones_v,
         g0, g1, g2, g3, s0, s1, s2, s3) = refs
    else:
        (table_hbm, src_hbm, srcn_hbm, dst_hbm, zrows_hbm,
         psum_hbm,
         acc_sh, sidx_v, didx_v, rows_v,
         g0, g1, g2, g3, s0, s1, s2, s3) = refs
    gsems = (g0, g1, g2, g3)
    ssems = (s0, s1, s2, s3)

    cid = lax.axis_index("c")
    sid = lax.axis_index("s")
    r0 = sid * RPT
    core0 = cid == 0

    pltpu.sync_copy(zrows_hbm, acc_sh.at[pl.ds(r0, RPT)])
    if with_deg:
        @pl.when(core0)
        def _():
            pltpu.sync_copy(zcol_hbm, deg_sh.at[pl.ds(r0, RPT)])
            pltpu.sync_copy(ones_hbm, ones_v)
    plsc.subcore_barrier()

    ebase = sid * TROWS * CH

    def fire_gather(t, b):
        idx = sidx_v.at[pl.ds(CHR * t, CHR)]
        pltpu.async_copy(table_hbm.at[idx], rows_v.at[b], gsems[b])

    def scatter_parts(t, b):
        for k in range(CPS):
            yield (rows_v.at[b, pl.ds(k * CH, CH)], didx_v.at[CPS * t + k])

    for s in range(NSLAB):
        @pl.when(core0)
        def _():
            pltpu.sync_copy(src_hbm.at[pl.ds(ebase + s * SLABR * CH,
                                             SLABR * CH)], sidx_v)

        @pl.when(jnp.logical_not(core0))
        def _():
            pltpu.sync_copy(srcn_hbm.at[pl.ds(ebase + s * SLABR * CH,
                                              SLABR * CH)], sidx_v)

        pltpu.sync_copy(
            dst_hbm.at[pl.ds(sid * TROWS + s * SLABR, SLABR)], didx_v)
        for b in range(NBUF):
            fire_gather(b, b)

        def group(g, carry):
            for b in range(NBUF):
                t = NBUF * g + b
                idx = sidx_v.at[pl.ds(CHR * t, CHR)]
                pltpu.make_async_copy(table_hbm.at[idx],
                                      rows_v.at[b], gsems[b]).wait()
                for rsrc, didx in scatter_parts(t, b):
                    pltpu.async_copy(rsrc, acc_sh.at[didx],
                                     ssems[b], add=True)
                    if with_deg:
                        @pl.when(core0)
                        def _():
                            pltpu.async_copy(ones_v, deg_sh.at[didx],
                                             ssems[b], add=True)
            for b in range(NBUF):
                t = NBUF * g + b
                t2 = t + NBUF
                for rsrc, didx in scatter_parts(t, b):
                    pltpu.make_async_copy(rsrc, acc_sh.at[didx],
                                          ssems[b]).wait()
                    if with_deg:
                        @pl.when(core0)
                        def _():
                            pltpu.make_async_copy(ones_v, deg_sh.at[didx],
                                                  ssems[b]).wait()

                @pl.when(t2 < SPS)
                def _():
                    fire_gather(t2, b)
            return carry

        lax.fori_loop(0, SPS // NBUF, group, 0)

    plsc.subcore_barrier()
    pltpu.sync_copy(acc_sh.at[pl.ds(r0, RPT)], psum_hbm.at[cid, pl.ds(r0, RPT)])
    if with_deg:
        @pl.when(core0)
        def _():
            pltpu.sync_copy(deg_sh.at[pl.ds(r0, RPT)],
                            pdeg_hbm.at[pl.ds(r0, RPT)])


def _sc_agg_deg(table, src, srcn, dst, zrows, zcol, ones):
    f = pl.kernel(
        functools.partial(_agg_body, True),
        mesh=_mesh,
        out_type=[
            jax.ShapeDtypeStruct((NC, NP, DH), jnp.float32),
            jax.ShapeDtypeStruct((NP,), jnp.float32),
        ],
        scratch_types=[
            pltpu.VMEM_SHARED((NP, DH), jnp.float32),
            pltpu.VMEM_SHARED((NP,), jnp.float32),
            pltpu.VMEM((SLABR * CH,), jnp.int32),
            pltpu.VMEM((SLABR, CH), jnp.int32),
            pltpu.VMEM((NBUF, CHR, DH), jnp.float32),
            pltpu.VMEM((CH,), jnp.float32),
        ] + [pltpu.SemaphoreType.DMA] * (2 * NBUF),
        compiler_params=_sc_params,
    )
    return f(table, src, srcn, dst, zrows, zcol, ones)


def _sc_agg(table, src, srcn, dst, zrows):
    f = pl.kernel(
        functools.partial(_agg_body, False),
        mesh=_mesh,
        out_type=jax.ShapeDtypeStruct((NC, NP, DH), jnp.float32),
        scratch_types=[
            pltpu.VMEM_SHARED((NP, DH), jnp.float32),
            pltpu.VMEM((SLABR * CH,), jnp.int32),
            pltpu.VMEM((SLABR, CH), jnp.int32),
            pltpu.VMEM((NBUF, CHR, DH), jnp.float32),
        ] + [pltpu.SemaphoreType.DMA] * (2 * NBUF),
        compiler_params=_sc_params,
    )
    return f(table, src, srcn, dst, zrows)


_DOT = functools.partial(
    lax.dot_general,
    dimension_numbers=(((1,), (0,)), ((), ())),
    preferred_element_type=jnp.float32,
    precision=lax.Precision.HIGHEST,
)

_R = 1000


def _root1_body(x_ref, wr_ref, b_ref, o_ref):
    o_ref[...] = _DOT(x_ref[...], wr_ref[...]) + b_ref[...]


def _root1(x, wr, b):
    return pl.pallas_call(
        _root1_body,
        grid=(N // _R,),
        in_specs=[
            pl.BlockSpec((_R, D), lambda i: (i, 0)),
            pl.BlockSpec((D, D), lambda i: (0, 0)),
            pl.BlockSpec((1, D), lambda i: (0, 0)),
        ],
        out_specs=pl.BlockSpec((_R, D), lambda i: (i, 0)),
        out_shape=jax.ShapeDtypeStruct((N, D), jnp.float32),
    )(x, wr, b)


def _dense1_body(ps_ref, dg_ref, r_ref, wl_ref, o_ref):
    inv = 1.0 / jnp.maximum(dg_ref[...], 1.0)
    wl = wl_ref[...]
    h1 = jnp.maximum(_DOT(ps_ref[0] * inv, wl[:DH])
                     + _DOT(ps_ref[1] * inv, wl[DH:]) + r_ref[...], 0.0)
    o_ref[0] = h1[:, :DH]
    o_ref[1] = h1[:, DH:]


def _dense1(psum, pdeg2, r1, wl):
    return pl.pallas_call(
        _dense1_body,
        grid=(N // _R,),
        in_specs=[
            pl.BlockSpec((NC, _R, DH), lambda i: (0, i, 0)),
            pl.BlockSpec((_R, 1), lambda i: (i, 0)),
            pl.BlockSpec((_R, D), lambda i: (i, 0)),
            pl.BlockSpec((D, D), lambda i: (0, 0)),
        ],
        out_specs=pl.BlockSpec((NC, _R, DH), lambda i: (0, i, 0)),
        out_shape=jax.ShapeDtypeStruct((NC, N, DH), jnp.float32),
    )(psum, pdeg2, r1, wl)


def _root2_body(hs_ref, wr_ref, b_ref, wa_ref, r_ref, o1_ref):
    h1l = hs_ref[0]
    h1r = hs_ref[1]
    wr = wr_ref[...]
    wa = wa_ref[...]
    r_ref[...] = _DOT(h1l, wr[:DH]) + _DOT(h1r, wr[DH:]) + b_ref[...]
    o1_ref[...] = _DOT(h1l, wa[:DH]) + _DOT(h1r, wa[DH:])


def _root2(hs, wr, b, wa):
    return pl.pallas_call(
        _root2_body,
        grid=(N // _R,),
        in_specs=[
            pl.BlockSpec((NC, _R, DH), lambda i: (0, i, 0)),
            pl.BlockSpec((D, D), lambda i: (0, 0)),
            pl.BlockSpec((1, D), lambda i: (0, 0)),
            pl.BlockSpec((D, 1), lambda i: (0, 0)),
        ],
        out_specs=[
            pl.BlockSpec((_R, D), lambda i: (i, 0)),
            pl.BlockSpec((_R, 1), lambda i: (i, 0)),
        ],
        out_shape=[
            jax.ShapeDtypeStruct((N, D), jnp.float32),
            jax.ShapeDtypeStruct((N, 1), jnp.float32),
        ],
    )(hs, wr, b, wa)


def _dense2_body(ps_ref, dg_ref, r_ref, o1_ref, wl_ref, wb_ref, bro_ref,
                 o_ref):
    inv = 1.0 / jnp.maximum(dg_ref[...], 1.0)
    wl = wl_ref[...]
    h2 = jnp.maximum(_DOT(ps_ref[0] * inv, wl[:DH])
                     + _DOT(ps_ref[1] * inv, wl[DH:]) + r_ref[...], 0.0)
    o_ref[...] = o1_ref[...] + _DOT(h2, wb_ref[...]) + bro_ref[...]


def _dense2(psum, pdeg2, r2, o1, wl, wb, bro):
    return pl.pallas_call(
        _dense2_body,
        grid=(N // _R,),
        in_specs=[
            pl.BlockSpec((NC, _R, DH), lambda i: (0, i, 0)),
            pl.BlockSpec((_R, 1), lambda i: (i, 0)),
            pl.BlockSpec((_R, D), lambda i: (i, 0)),
            pl.BlockSpec((_R, 1), lambda i: (i, 0)),
            pl.BlockSpec((D, D), lambda i: (0, 0)),
            pl.BlockSpec((D, 1), lambda i: (0, 0)),
            pl.BlockSpec((1, 1), lambda i: (0, 0)),
        ],
        out_specs=pl.BlockSpec((_R, 1), lambda i: (i, 0)),
        out_shape=jax.ShapeDtypeStruct((N, 1), jnp.float32),
    )(psum, pdeg2, r2, o1, wl, wb, bro)


def kernel(x, edge_index, W1l, W1r, b1, W2l, W2r, b2, Wro, bro):
    src = edge_index[0]
    dst = edge_index[1]
    pad = jnp.arange(EP - E, dtype=jnp.int32)
    srcp = jnp.concatenate([src, pad % N])
    srcn = srcp + N
    dstp = jnp.concatenate([dst, N + pad % (NP - N)]).reshape(EP // CH, CH)
    zrows = jnp.zeros((RPT, DH), jnp.float32)
    zcol = jnp.zeros((RPT,), jnp.float32)
    ones = jnp.ones((CH,), jnp.float32)

    xs = jnp.concatenate([x[:, :DH], x[:, DH:]], axis=0)

    r1 = _root1(x, W1r, b1.reshape(1, D))
    psum1, pdeg = _sc_agg_deg(xs, srcp, srcn, dstp, zrows, zcol, ones)
    pdeg2 = pdeg[:N, None]
    h1s = _dense1(psum1, pdeg2, r1, W1l)
    r2, o1 = _root2(h1s, W2r, b2.reshape(1, D), Wro[:D])
    psum2 = _sc_agg(h1s.reshape(NC * N, DH), srcp, srcn, dstp, zrows)
    out = _dense2(psum2, pdeg2, r2, o1, W2l, Wro[D:], bro.reshape(1, 1))
    return out

# --- scband reference (transcript-rebuilt; emitter-appended) ---
"""Pipeline reference for scband-gnnbackbone-63917703299286 (READ-ONLY COPY).

The authoritative reference and input builder live on the scoring server;
editing this copy changes nothing except your own understanding.
"""

import jax, jax.numpy as jnp
import numpy as np

N = 10000
E = 320000
D = 128
HID = 128
OUT = 1


def setup_inputs(seed: int = 0) -> dict:
    key = jax.random.key(seed)
    ks = jax.random.split(key, 12)
    x = jax.random.normal(ks[0], (N, D), dtype=jnp.float32)
    edge_index = jax.random.randint(ks[1], (2, E), 0, N, dtype=jnp.int32)

    def w(k, shape):
        return jax.random.normal(k, shape, dtype=jnp.float32) * 0.05

    # SAGEConv layer 1 (D -> HID): lin_l acts on aggregated neighbors (has bias),
    # lin_r acts on root features (no bias). PyG default aggr='mean'.
    W1l = w(ks[2], (D, HID))
    W1r = w(ks[3], (D, HID))
    b1 = jnp.zeros((HID,), dtype=jnp.float32)
    # SAGEConv layer 2 (HID -> HID)
    W2l = w(ks[4], (HID, HID))
    W2r = w(ks[5], (HID, HID))
    b2 = jnp.zeros((HID,), dtype=jnp.float32)
    # Readout over concatenated per-layer outputs (jumping-knowledge style):
    # Linear(sum(hidden_dims)=256 -> out_dim=1)
    Wro = w(ks[6], (2 * HID, OUT))
    bro = jnp.zeros((OUT,), dtype=jnp.float32)
    return {
        "x": x,
        "edge_index": edge_index,
        "W1l": W1l,
        "W1r": W1r,
        "b1": b1,
        "W2l": W2l,
        "W2r": W2r,
        "b2": b2,
        "Wro": Wro,
        "bro": bro,
    }


def _sage_layer(x, src, dst, Wl, Wr, b):
    # mean aggregation of source-node features at destination nodes
    msg = x[src]
    agg_sum = jax.ops.segment_sum(msg, dst, num_segments=N)
    deg = jax.ops.segment_sum(jnp.ones((src.shape[0],), jnp.float32), dst, num_segments=N)
    agg = agg_sum / jnp.clip(deg, 1.0, None)[:, None]
    return agg @ Wl + b + x @ Wr


def reference(x, edge_index, W1l, W1r, b1, W2l, W2r, b2, Wro, bro):
    src = edge_index[0]
    dst = edge_index[1]
    # layer 1: conv -> ReLU -> dropout(p=0, identity in eval)
    h1 = jax.nn.relu(_sage_layer(x, src, dst, W1l, W1r, b1))
    # layer 2
    h2 = jax.nn.relu(_sage_layer(h1, src, dst, W2l, W2r, b2))
    # residue_logits=True: readout on concatenated node features -> [N, out_dim]
    h = jnp.concatenate([h1, h2], axis=-1)
    out = h @ Wro + bro
    return out

if __name__ == "__main__":
    import jax
    _d = setup_inputs()
    print(jax.jit(kernel)(*tuple(_d.values())))

</pallas_src>

<mosaic_0001>
#map = affine_map<(d0, d1) -> (0, 0)>
#map1 = affine_map<(d0, d1) -> (0)>
#map2 = affine_map<(d0, d1) -> (0, 0, 0)>
module attributes {stable_mosaic.version = 14 : i64} {
  func.func @_agg_body(%arg0: i32, %arg1: i32, %arg2: memref<20000x64xf32, #tpu.memory_space<hbm>>, %arg3: memref<327680xi32, #tpu.memory_space<hbm>>, %arg4: memref<327680xi32, #tpu.memory_space<hbm>>, %arg5: memref<2560x128xi32, #tpu.memory_space<hbm>>, %arg6: memref<640x64xf32, #tpu.memory_space<hbm>>, %arg7: memref<2x10240x64xf32, #tpu.memory_space<hbm>>, %arg8: memref<10240x64xf32, #tpu.memory_space<vmem_shared>>, %arg9: memref<10240xi32, #tpu.memory_space<vmem>>, %arg10: memref<80x128xi32, #tpu.memory_space<vmem>>, %arg11: memref<4x256x64xf32, #tpu.memory_space<vmem>>, %arg12: memref<!tpu.dma_semaphore, #tpu.memory_space<semaphore_mem>>, %arg13: memref<!tpu.dma_semaphore, #tpu.memory_space<semaphore_mem>>, %arg14: memref<!tpu.dma_semaphore, #tpu.memory_space<semaphore_mem>>, %arg15: memref<!tpu.dma_semaphore, #tpu.memory_space<semaphore_mem>>, %arg16: memref<!tpu.dma_semaphore, #tpu.memory_space<semaphore_mem>>, %arg17: memref<!tpu.dma_semaphore, #tpu.memory_space<semaphore_mem>>, %arg18: memref<!tpu.dma_semaphore, #tpu.memory_space<semaphore_mem>>, %arg19: memref<!tpu.dma_semaphore, #tpu.memory_space<semaphore_mem>>) attributes {dimension_semantics = [#tpu.dimension_semantics<core_parallel>, #tpu.dimension_semantics<subcore_parallel>], iteration_bounds = array<i64: 2, 16>, scalar_prefetch = 0 : i64, scratch_operands = 12 : i64, tpu.core_type = #tpu.core_type<sc_vector_subcore>, window_params = [{transform_indices = #map}, {transform_indices = #map1}, {transform_indices = #map1}, {transform_indices = #map}, {transform_indices = #map}, {transform_indices = #map2}]} {
    %mul3A = arith.constant 640 : i32
    %mul3A_0 = arith.muli %arg1, %mul3A : i32
    %eq3A = arith.constant 0 : i32
    %eq3A_1 = arith.cmpi eq, %arg0, %eq3A : i32
    "tpu.region"() ({
      %run_scoped3A = tpu.sem_alloc : memref<!tpu.dma_semaphore, #tpu.memory_space<semaphore_mem>>
      %dma_start3A_117 = arith.constant 0 : i32
      %dma_start3A_118 = tpu.memref_slice %arg8[%mul3A_0, %dma_start3A_117] : memref<10240x64xf32, #tpu.memory_space<vmem_shared>> -> memref<640x64xf32, #tpu.memory_space<vmem_shared>>
      tpu.enqueue_dma source(%arg6 : memref<640x64xf32, #tpu.memory_space<hbm>>) target(%dma_start3A_118 : memref<640x64xf32, #tpu.memory_space<vmem_shared>>) target_semaphore(%run_scoped3A : memref<!tpu.dma_semaphore, #tpu.memory_space<semaphore_mem>>)
      %dma_wait3A = arith.constant 0 : i32
      %dma_wait3A_119 = tpu.memref_slice %arg8[%mul3A_0, %dma_wait3A] : memref<10240x64xf32, #tpu.memory_space<vmem_shared>> -> memref<640x64xf32, #tpu.memory_space<vmem_shared>>
      tpu.wait_dma2 semaphore(%run_scoped3A : memref<!tpu.dma_semaphore, #tpu.memory_space<semaphore_mem>>) src(%arg6 : memref<640x64xf32, #tpu.memory_space<hbm>>) dst(%dma_wait3A_119 : memref<640x64xf32, #tpu.memory_space<vmem_shared>>)
      tpu.yield
    }) : () -> ()
    %barrier3A = arith.constant 0 : index
    tpu.barrier barrier_id(%barrier3A)
    %mul3A_2 = arith.constant 160 : i32
    %mul3A_3 = arith.muli %arg1, %mul3A_2 : i32
    %mul3A_4 = arith.constant 128 : i32
    %mul3A_5 = arith.muli %mul3A_3, %mul3A_4 : i32
    %convert_element_type3A = arith.extui %eq3A_1 : i1 to i32
    %cond3A = arith.constant 0 : i32
    %cond3A_6 = arith.cmpi ne, %convert_element_type3A, %cond3A : i32
    scf.if %cond3A_6 {
      %add3A_117 = arith.constant 0 : i32
      %add3A_118 = arith.addi %mul3A_5, %add3A_117 : i32
      "tpu.region"() ({
        %run_scoped3A = tpu.sem_alloc : memref<!tpu.dma_semaphore, #tpu.memory_space<semaphore_mem>>
        %dma_start3A_119 = tpu.memref_slice %arg3[%add3A_118] : memref<327680xi32, #tpu.memory_space<hbm>> -> memref<10240xi32, #tpu.memory_space<hbm>>
        %dma_start3A_120 = tpu.memref_slice %arg3[%add3A_118] : memref<327680xi32, #tpu.memory_space<hbm>> -> memref<10240xi32, #tpu.memory_space<hbm>>
        tpu.enqueue_dma source(%dma_start3A_120 : memref<10240xi32, #tpu.memory_space<hbm>>) target(%arg9 : memref<10240xi32, #tpu.memory_space<vmem>>) target_semaphore(%run_scoped3A : memref<!tpu.dma_semaphore, #tpu.memory_space<semaphore_mem>>)
        %dma_wait3A = tpu.memref_slice %arg3[%add3A_118] : memref<327680xi32, #tpu.memory_space<hbm>> -> memref<10240xi32, #tpu.memory_space<hbm>>
        %dma_wait3A_121 = tpu.memref_slice %arg3[%add3A_118] : memref<327680xi32, #tpu.memory_space<hbm>> -> memref<10240xi32, #tpu.memory_space<hbm>>
        tpu.wait_dma2 semaphore(%run_scoped3A : memref<!tpu.dma_semaphore, #tpu.memory_space<semaphore_mem>>) src(%dma_wait3A_121 : memref<10240xi32, #tpu.memory_space<hbm>>) dst(%arg9 : memref<10240xi32, #tpu.memory_space<vmem>>)
        tpu.yield
      }) : () -> ()
    } else {
    }
    %not3A = arith.constant true
    %not3A_7 = arith.xori %eq3A_1, %not3A : i1
    %convert_element_type3A_8 = arith.extui %not3A_7 : i1 to i32
    %cond3A_9 = arith.constant 0 : i32
    %cond3A_10 = arith.cmpi ne, %convert_element_type3A_8, %cond3A_9 : i32
    scf.if %cond3A_10 {
      %add3A_117 = arith.constant 0 : i32
      %add3A_118 = arith.addi %mul3A_5, %add3A_117 : i32
      "tpu.region"() ({
        %run_scoped3A = tpu.sem_alloc : memref<!tpu.dma_semaphore, #tpu.memory_space<semaphore_mem>>
        %dma_start3A_119 = tpu.memref_slice %arg4[%add3A_118] : memref<327680xi32, #tpu.memory_space<hbm>> -> memref<10240xi32, #tpu.memory_space<hbm>>
        %dma_start3A_120 = tpu.memref_slice %arg4[%add3A_118] : memref<327680xi32, #tpu.memory_space<hbm>> -> memref<10240xi32, #tpu.memory_space<hbm>>
        tpu.enqueue_dma source(%dma_start3A_120 : memref<10240xi32, #tpu.memory_space<hbm>>) target(%arg9 : memref<10240xi32, #tpu.memory_space<vmem>>) target_semaphore(%run_scoped3A : memref<!tpu.dma_semaphore, #tpu.memory_space<semaphore_mem>>)
        %dma_wait3A = tpu.memref_slice %arg4[%add3A_118] : memref<327680xi32, #tpu.memory_space<hbm>> -> memref<10240xi32, #tpu.memory_space<hbm>>
        %dma_wait3A_121 = tpu.memref_slice %arg4[%add3A_118] : memref<327680xi32, #tpu.memory_space<hbm>> -> memref<10240xi32, #tpu.memory_space<hbm>>
        tpu.wait_dma2 semaphore(%run_scoped3A : memref<!tpu.dma_semaphore, #tpu.memory_space<semaphore_mem>>) src(%dma_wait3A_121 : memref<10240xi32, #tpu.memory_space<hbm>>) dst(%arg9 : memref<10240xi32, #tpu.memory_space<vmem>>)
        tpu.yield
      }) : () -> ()
    } else {
    }
    %mul3A_11 = arith.constant 160 : i32
    %mul3A_12 = arith.muli %arg1, %mul3A_11 : i32
    %add3A = arith.constant 0 : i32
    %add3A_13 = arith.addi %mul3A_12, %add3A : i32
    "tpu.region"() ({
      %run_scoped3A = tpu.sem_alloc : memref<!tpu.dma_semaphore, #tpu.memory_space<semaphore_mem>>
      %dma_start3A_117 = arith.constant 0 : i32
      %dma_start3A_118 = tpu.memref_slice %arg5[%add3A_13, %dma_start3A_117] : memref<2560x128xi32, #tpu.memory_space<hbm>> -> memref<80x128xi32, #tpu.memory_space<hbm>>
      %dma_start3A_119 = arith.constant 0 : i32
      %dma_start3A_120 = tpu.memref_slice %arg5[%add3A_13, %dma_start3A_119] : memref<2560x128xi32, #tpu.memory_space<hbm>> -> memref<80x128xi32, #tpu.memory_space<hbm>>
      tpu.enqueue_dma source(%dma_start3A_120 : memref<80x128xi32, #tpu.memory_space<hbm>>) target(%arg10 : memref<80x128xi32, #tpu.memory_space<vmem>>) target_semaphore(%run_scoped3A : memref<!tpu.dma_semaphore, #tpu.memory_space<semaphore_mem>>)
      %dma_wait3A = arith.constant 0 : i32
      %dma_wait3A_121 = tpu.memref_slice %arg5[%add3A_13, %dma_wait3A] : memref<2560x128xi32, #tpu.memory_space<hbm>> -> memref<80x128xi32, #tpu.memory_space<hbm>>
      %dma_wait3A_122 = arith.constant 0 : i32
      %dma_wait3A_123 = tpu.memref_slice %arg5[%add3A_13, %dma_wait3A_122] : memref<2560x128xi32, #tpu.memory_space<hbm>> -> memref<80x128xi32, #tpu.memory_space<hbm>>
      tpu.wait_dma2 semaphore(%run_scoped3A : memref<!tpu.dma_semaphore, #tpu.memory_space<semaphore_mem>>) src(%dma_wait3A_123 : memref<80x128xi32, #tpu.memory_space<hbm>>) dst(%arg10 : memref<80x128xi32, #tpu.memory_space<vmem>>)
      tpu.yield
    }) : () -> ()
    %dma_start3A = arith.constant 0 : i32
    %dma_start3A_14 = arith.constant 0 : i32
    %dma_start3A_15 = arith.constant 0 : i32
    %dma_start3A_16 = tpu.memref_slice %arg11[%dma_start3A, %dma_start3A_14, %dma_start3A_15] : memref<4x256x64xf32, #tpu.memory_space<vmem>> -> memref<1x256x64xf32, #tpu.memory_space<vmem>>
    %dma_start3A_17 = tpu.memref_squeeze %dma_start3A_16 : memref<1x256x64xf32, #tpu.memory_space<vmem>> -> memref<256x64xf32, #tpu.memory_space<vmem>>
    %dma_start3A_18 = arith.constant 0 : i32
    %dma_start3A_19 = tpu.memref_slice %arg9[%dma_start3A_18] : memref<10240xi32, #tpu.memory_space<vmem>> -> memref<256xi32, #tpu.memory_space<vmem>>
    %dma_start3A_20 = arith.constant 0 : i32
    %dma_start3A_21 = arith.constant 0 : i32
    %dma_start3A_22 = tpu.memref_slice %arg2[%dma_start3A_20, %dma_start3A_21] : memref<20000x64xf32, #tpu.memory_space<hbm>> -> memref<20000x64xf32, #tpu.memory_space<hbm>>
    tpu.enqueue_indirect_dma source(%dma_start3A_22 : memref<20000x64xf32, #tpu.memory_space<hbm>>) target(%dma_start3A_17 : memref<256x64xf32, #tpu.memory_space<vmem>>) offsets(%dma_start3A_19 : memref<256xi32, #tpu.memory_space<vmem>>) semaphore(%arg12 : memref<!tpu.dma_semaphore, #tpu.memory_space<semaphore_mem>>)
    %dma_start3A_23 = arith.constant 1 : i32
    %dma_start3A_24 = arith.constant 0 : i32
    %dma_start3A_25 = arith.constant 0 : i32
    %dma_start3A_26 = tpu.memref_slice %arg11[%dma_start3A_23, %dma_start3A_24, %dma_start3A_25] : memref<4x256x64xf32, #tpu.memory_space<vmem>> -> memref<1x256x64xf32, #tpu.memory_space<vmem>>
    %dma_start3A_27 = tpu.memref_squeeze %dma_start3A_26 : memref<1x256x64xf32, #tpu.memory_space<vmem>> -> memref<256x64xf32, #tpu.memory_space<vmem>>
    %dma_start3A_28 = arith.constant 256 : i32
    %dma_start3A_29 = tpu.memref_slice %arg9[%dma_start3A_28] : memref<10240xi32, #tpu.memory_space<vmem>> -> memref<256xi32, #tpu.memory_space<vmem>>
    %dma_start3A_30 = arith.constant 0 : i32
    %dma_start3A_31 = arith.constant 0 : i32
    %dma_start3A_32 = tpu.memref_slice %arg2[%dma_start3A_30, %dma_start3A_31] : memref<20000x64xf32, #tpu.memory_space<hbm>> -> memref<20000x64xf32, #tpu.memory_space<hbm>>
    tpu.enqueue_indirect_dma source(%dma_start3A_32 : memref<20000x64xf32, #tpu.memory_space<hbm>>) target(%dma_start3A_27 : memref<256x64xf32, #tpu.memory_space<vmem>>) offsets(%dma_start3A_29 : memref<256xi32, #tpu.memory_space<vmem>>) semaphore(%arg13 : memref<!tpu.dma_semaphore, #tpu.memory_space<semaphore_mem>>)
    %dma_start3A_33 = arith.constant 2 : i32
    %dma_start3A_34 = arith.constant 0 : i32
    %dma_start3A_35 = arith.constant 0 : i32
    %dma_start3A_36 = tpu.memref_slice %arg11[%dma_start3A_33, %dma_start3A_34, %dma_start3A_35] : memref<4x256x64xf32, #tpu.memory_space<vmem>> -> memref<1x256x64xf32, #tpu.memory_space<vmem>>
    %dma_start3A_37 = tpu.memref_squeeze %dma_start3A_36 : memref<1x256x64xf32, #tpu.memory_space<vmem>> -> memref<256x64xf32, #tpu.memory_space<vmem>>
    %dma_start3A_38 = arith.constant 512 : i32
    %dma_start3A_39 = tpu.memref_slice %arg9[%dma_start3A_38] : memref<10240xi32, #tpu.memory_space<vmem>> -> memref<256xi32, #tpu.memory_space<vmem>>
    %dma_start3A_40 = arith.constant 0 : i32
    %dma_start3A_41 = arith.constant 0 : i32
    %dma_start3A_42 = tpu.memref_slice %arg2[%dma_start3A_40, %dma_start3A_41] : memref<20000x64xf32, #tpu.memory_space<hbm>> -> memref<20000x64xf32, #tpu.memory_space<hbm>>
    tpu.enqueue_indirect_dma source(%dma_start3A_42 : memref<20000x64xf32, #tpu.memory_space<hbm>>) target(%dma_start3A_37 : memref<256x64xf32, #tpu.memory_space<vmem>>) offsets(%dma_start3A_39 : memref<256xi32, #tpu.memory_space<vmem>>) semaphore(%arg14 : memref<!tpu.dma_semaphore, #tpu.memory_space<semaphore_mem>>)
    %dma_start3A_43 = arith.constant 3 : i32
    %dma_start3A_44 = arith.constant 0 : i32
    %dma_start3A_45 = arith.constant 0 : i32
    %dma_start3A_46 = tpu.memref_slice %arg11[%dma_start3A_43, %dma_start3A_44, %dma_start3A_45] : memref<4x256x64xf32, #tpu.memory_space<vmem>> -> memref<1x256x64xf32, #tpu.memory_space<vmem>>
    %dma_start3A_47 = tpu.memref_squeeze %dma_start3A_46 : memref<1x256x64xf32, #tpu.memory_space<vmem>> -> memref<256x64xf32, #tpu.memory_space<vmem>>
    %dma_start3A_48 = arith.constant 768 : i32
    %dma_start3A_49 = tpu.memref_slice %arg9[%dma_start3A_48] : memref<10240xi32, #tpu.memory_space<vmem>> -> memref<256xi32, #tpu.memory_space<vmem>>
    %dma_start3A_50 = arith.constant 0 : i32
    %dma_start3A_51 = arith.constant 0 : i32
    %dma_start3A_52 = tpu.memref_slice %arg2[%dma_start3A_50, %dma_start3A_51] : memref<20000x64xf32, #tpu.memory_space<hbm>> -> memref<20000x64xf32, #tpu.memory_space<hbm>>
    tpu.enqueue_indirect_dma source(%dma_start3A_52 : memref<20000x64xf32, #tpu.memory_space<hbm>>) target(%dma_start3A_47 : memref<256x64xf32, #tpu.memory_space<vmem>>) offsets(%dma_start3A_49 : memref<256xi32, #tpu.memory_space<vmem>>) semaphore(%arg15 : memref<!tpu.dma_semaphore, #tpu.memory_space<semaphore_mem>>)
    %scan3A = arith.constant 0 : i32
    %scan3A_53 = arith.constant 0 : i32
    %scan3A_54 = arith.constant 10 : i32
    %scan3A_55 = arith.addi %scan3A_53, %scan3A_54 : i32
    %scan3A_56 = arith.constant 1 : i32
    scf.for %scan3A_117 = %scan3A_53 to %scan3A_55 step %scan3A_56  : i32 {
      %mul3A_118 = arith.constant 4 : i32
      %mul3A_119 = arith.muli %mul3A_118, %scan3A_117 : i32
      %add3A_120 = arith.constant 0 : i32
      %add3A_121 = arith.addi %mul3A_119, %add3A_120 : i32
      %mul3A_122 = arith.constant 256 : i32
      %mul3A_123 = arith.muli %mul3A_122, %add3A_121 : i32
      %dma_wait3A = arith.constant 0 : i32
      %dma_wait3A_124 = arith.constant 0 : i32
      %dma_wait3A_125 = arith.constant 0 : i32
      %dma_wait3A_126 = tpu.memref_slice %arg11[%dma_wait3A, %dma_wait3A_124, %dma_wait3A_125] : memref<4x256x64xf32, #tpu.memory_space<vmem>> -> memref<1x256x64xf32, #tpu.memory_space<vmem>>
      %dma_wait3A_127 = tpu.memref_squeeze %dma_wait3A_126 : memref<1x256x64xf32, #tpu.memory_space<vmem>> -> memref<256x64xf32, #tpu.memory_space<vmem>>
      %dma_wait3A_128 = tpu.memref_slice %arg9[%mul3A_123] : memref<10240xi32, #tpu.memory_space<vmem>> -> memref<256xi32, #tpu.memory_space<vmem>>
      %dma_wait3A_129 = arith.constant 0 : i32
      %dma_wait3A_130 = arith.constant 0 : i32
      %dma_wait3A_131 = tpu.memref_slice %arg2[%dma_wait3A_129, %dma_wait3A_130] : memref<20000x64xf32, #tpu.memory_space<hbm>> -> memref<20000x64xf32, #tpu.memory_space<hbm>>
      tpu.wait_indirect_dma semaphore(%arg12 : memref<!tpu.dma_semaphore, #tpu.memory_space<semaphore_mem>>) src(%dma_wait3A_131 : memref<20000x64xf32, #tpu.memory_space<hbm>>) dst(%dma_wait3A_127 : memref<256x64xf32, #tpu.memory_space<vmem>>)
      %mul3A_132 = arith.constant 2 : i32
      %mul3A_133 = arith.muli %mul3A_132, %add3A_121 : i32
      %add3A_134 = arith.constant 0 : i32
      %add3A_135 = arith.addi %mul3A_133, %add3A_134 : i32
      %dma_start3A_136 = arith.constant 0 : i32
      %dma_start3A_137 = arith.constant 0 : i32
      %dma_start3A_138 = arith.constant 0 : i32
      %dma_start3A_139 = tpu.memref_slice %arg11[%dma_start3A_136, %dma_start3A_137, %dma_start3A_138] : memref<4x256x64xf32, #tpu.memory_space<vmem>> -> memref<1x128x64xf32, #tpu.memory_space<vmem>>
      %dma_start3A_140 = tpu.memref_squeeze %dma_start3A_139 : memref<1x128x64xf32, #tpu.memory_space<vmem>> -> memref<128x64xf32, #tpu.memory_space<vmem>>
      %dma_start3A_141 = arith.constant 0 : i32
      %dma_start3A_142 = tpu.memref_slice %arg10[%add3A_135, %dma_start3A_141] : memref<80x128xi32, #tpu.memory_space<vmem>> -> memref<1x128xi32, #tpu.memory_space<vmem>>
      %dma_start3A_143 = tpu.memref_squeeze %dma_start3A_142 : memref<1x128xi32, #tpu.memory_space<vmem>> -> memref<128xi32, #tpu.memory_space<vmem>>
      %dma_start3A_144 = arith.constant 0 : i32
      %dma_start3A_145 = arith.constant 0 : i32
      %dma_start3A_146 = tpu.memref_slice %arg8[%dma_start3A_144, %dma_start3A_145] : memref<10240x64xf32, #tpu.memory_space<vmem_shared>> -> memref<10240x64xf32, #tpu.memory_space<vmem_shared>>
      tpu.enqueue_indirect_dma source(%dma_start3A_140 : memref<128x64xf32, #tpu.memory_space<vmem>>) target(%dma_start3A_146 : memref<10240x64xf32, #tpu.memory_space<vmem_shared>>) offsets(%dma_start3A_143 : memref<128xi32, #tpu.memory_space<vmem>>) semaphore(%arg16 : memref<!tpu.dma_semaphore, #tpu.memory_space<semaphore_mem>>) {add = true}
      %mul3A_147 = arith.constant 2 : i32
      %mul3A_148 = arith.muli %mul3A_147, %add3A_121 : i32
      %add3A_149 = arith.constant 1 : i32
      %add3A_150 = arith.addi %mul3A_148, %add3A_149 : i32
      %dma_start3A_151 = arith.constant 0 : i32
      %dma_start3A_152 = arith.constant 128 : i32
      %dma_start3A_153 = arith.constant 0 : i32
      %dma_start3A_154 = tpu.memref_slice %arg11[%dma_start3A_151, %dma_start3A_152, %dma_start3A_153] : memref<4x256x64xf32, #tpu.memory_space<vmem>> -> memref<1x128x64xf32, #tpu.memory_space<vmem>>
      %dma_start3A_155 = tpu.memref_squeeze %dma_start3A_154 : memref<1x128x64xf32, #tpu.memory_space<vmem>> -> memref<128x64xf32, #tpu.memory_space<vmem>>
      %dma_start3A_156 = arith.constant 0 : i32
      %dma_start3A_157 = tpu.memref_slice %arg10[%add3A_150, %dma_start3A_156] : memref<80x128xi32, #tpu.memory_space<vmem>> -> memref<1x128xi32, #tpu.memory_space<vmem>>
      %dma_start3A_158 = tpu.memref_squeeze %dma_start3A_157 : memref<1x128xi32, #tpu.memory_space<vmem>> -> memref<128xi32, #tpu.memory_space<vmem>>
      %dma_start3A_159 = arith.constant 0 : i32
      %dma_start3A_160 = arith.constant 0 : i32
      %dma_start3A_161 = tpu.memref_slice %arg8[%dma_start3A_159, %dma_start3A_160] : memref<10240x64xf32, #tpu.memory_space<vmem_shared>> -> memref<10240x64xf32, #tpu.memory_space<vmem_shared>>
      tpu.enqueue_indirect_dma source(%dma_start3A_155 : memref<128x64xf32, #tpu.memory_space<vmem>>) target(%dma_start3A_161 : memref<10240x64xf32, #tpu.memory_space<vmem_shared>>) offsets(%dma_start3A_158 : memref<128xi32, #tpu.memory_space<vmem>>) semaphore(%arg16 : memref<!tpu.dma_semaphore, #tpu.memory_space<semaphore_mem>>) {add = true}
      %mul3A_162 = arith.constant 4 : i32
      %mul3A_163 = arith.muli %mul3A_162, %scan3A_117 : i32
      %add3A_164 = arith.constant 1 : i32
      %add3A_165 = arith.addi %mul3A_163, %add3A_164 : i32
      %mul3A_166 = arith.constant 256 : i32
      %mul3A_167 = arith.muli %mul3A_166, %add3A_165 : i32
      %dma_wait3A_168 = arith.constant 1 : i32
      %dma_wait3A_169 = arith.constant 0 : i32
      %dma_wait3A_170 = arith.constant 0 : i32
      %dma_wait3A_171 = tpu.memref_slice %arg11[%dma_wait3A_168, %dma_wait3A_169, %dma_wait3A_170] : memref<4x256x64xf32, #tpu.memory_space<vmem>> -> memref<1x256x64xf32, #tpu.memory_space<vmem>>
      %dma_wait3A_172 = tpu.memref_squeeze %dma_wait3A_171 : memref<1x256x64xf32, #tpu.memory_space<vmem>> -> memref<256x64xf32, #tpu.memory_space<vmem>>
      %dma_wait3A_173 = tpu.memref_slice %arg9[%mul3A_167] : memref<10240xi32, #tpu.memory_space<vmem>> -> memref<256xi32, #tpu.memory_space<vmem>>
      %dma_wait3A_174 = arith.constant 0 : i32
      %dma_wait3A_175 = arith.constant 0 : i32
      %dma_wait3A_176 = tpu.memref_slice %arg2[%dma_wait3A_174, %dma_wait3A_175] : memref<20000x64xf32, #tpu.memory_space<hbm>> -> memref<20000x64xf32, #tpu.memory_space<hbm>>
      tpu.wait_indirect_dma semaphore(%arg13 : memref<!tpu.dma_semaphore, #tpu.memory_space<semaphore_mem>>) src(%dma_wait3A_176 : memref<20000x64xf32, #tpu.memory_space<hbm>>) dst(%dma_wait3A_172 : memref<256x64xf32, #tpu.memory_space<vmem>>)
      %mul3A_177 = arith.constant 2 : i32
      %mul3A_178 = arith.muli %mul3A_177, %add3A_165 : i32
      %add3A_179 = arith.constant 0 : i32
      %add3A_180 = arith.addi %mul3A_178, %add3A_179 : i32
      %dma_start3A_181 = arith.constant 1 : i32
      %dma_start3A_182 = arith.constant 0 : i32
      %dma_start3A_183 = arith.constant 0 : i32
      %dma_start3A_184 = tpu.memref_slice %arg11[%dma_start3A_181, %dma_start3A_182, %dma_start3A_183] : memref<4x256x64xf32, #tpu.memory_space<vmem>> -> memref<1x128x64xf32, #tpu.memory_space<vmem>>
      %dma_start3A_185 = tpu.memref_squeeze %dma_start3A_184 : memref<1x128x64xf32, #tpu.memory_space<vmem>> -> memref<128x64xf32, #tpu.memory_space<vmem>>
      %dma_start3A_186 = arith.constant 0 : i32
      %dma_start3A_187 = tpu.memref_slice %arg10[%add3A_180, %dma_start3A_186] : memref<80x128xi32, #tpu.memory_space<vmem>> -> memref<1x128xi32, #tpu.memory_space<vmem>>
      %dma_start3A_188 = tpu.memref_squeeze %dma_start3A_187 : memref<1x128xi32, #tpu.memory_space<vmem>> -> memref<128xi32, #tpu.memory_space<vmem>>
      %dma_start3A_189 = arith.constant 0 : i32
      %dma_start3A_190 = arith.constant 0 : i32
      %dma_start3A_191 = tpu.memref_slice %arg8[%dma_start3A_189, %dma_start3A_190] : memref<10240x64xf32, #tpu.memory_space<vmem_shared>> -> memref<10240x64xf32, #tpu.memory_space<vmem_shared>>
      tpu.enqueue_indirect_dma source(%dma_start3A_185 : memref<128x64xf32, #tpu.memory_space<vmem>>) target(%dma_start3A_191 : memref<10240x64xf32, #tpu.memory_space<vmem_shared>>) offsets(%dma_start3A_188 : memref<128xi32, #tpu.memory_space<vmem>>) semaphore(%arg17 : memref<!tpu.dma_semaphore, #tpu.memory_space<semaphore_mem>>) {add = true}
      %mul3A_192 = arith.constant 2 : i32
      %mul3A_193 = arith.muli %mul3A_192, %add3A_165 : i32
      %add3A_194 = arith.constant 1 : i32
      %add3A_195 = arith.addi %mul3A_193, %add3A_194 : i32
      %dma_start3A_196 = arith.constant 1 : i32
      %dma_start3A_197 = arith.constant 128 : i32
      %dma_start3A_198 = arith.constant 0 : i32
      %dma_start3A_199 = tpu.memref_slice %arg11[%dma_start3A_196, %dma_start3A_197, %dma_start3A_198] : memref<4x256x64xf32, #tpu.memory_space<vmem>> -> memref<1x128x64xf32, #tpu.memory_space<vmem>>
      %dma_start3A_200 = tpu.memref_squeeze %dma_start3A_199 : memref<1x128x64xf32, #tpu.memory_space<vmem>> -> memref<128x64xf32, #tpu.memory_space<vmem>>
      %dma_start3A_201 = arith.constant 0 : i32
      %dma_start3A_202 = tpu.memref_slice %arg10[%add3A_195, %dma_start3A_201] : memref<80x128xi32, #tpu.memory_space<vmem>> -> memref<1x128xi32, #tpu.memory_space<vmem>>
      %dma_start3A_203 = tpu.memref_squeeze %dma_start3A_202 : memref<1x128xi32, #tpu.memory_space<vmem>> -> memref<128xi32, #tpu.memory_space<vmem>>
      %dma_start3A_204 = arith.constant 0 : i32
      %dma_start3A_205 = arith.constant 0 : i32
      %dma_start3A_206 = tpu.memref_slice %arg8[%dma_start3A_204, %dma_start3A_205] : memref<10240x64xf32, #tpu.memory_space<vmem_shared>> -> memref<10240x64xf32, #tpu.memory_space<vmem_shared>>
      tpu.enqueue_indirect_dma source(%dma_start3A_200 : memref<128x64xf32, #tpu.memory_space<vmem>>) target(%dma_start3A_206 : memref<10240x64xf32, #tpu.memory_space<vmem_shared>>) offsets(%dma_start3A_203 : memref<128xi32, #tpu.memory_space<vmem>>) semaphore(%arg17 : memref<!tpu.dma_semaphore, #tpu.memory_space<semaphore_mem>>) {add = true}
      %mul3A_207 = arith.constant 4 : i32
      %mul3A_208 = arith.muli %mul3A_207, %scan3A_117 : i32
      %add3A_209 = arith.constant 2 : i32
      %add3A_210 = arith.addi %mul3A_208, %add3A_209 : i32
      %mul3A_211 = arith.constant 256 : i32
      %mul3A_212 = arith.muli %mul3A_211, %add3A_210 : i32
      %dma_wait3A_213 = arith.constant 2 : i32
      %dma_wait3A_214 = arith.constant 0 : i32
      %dma_wait3A_215 = arith.constant 0 : i32
      %dma_wait3A_216 = tpu.memref_slice %arg11[%dma_wait3A_213, %dma_wait3A_214, %dma_wait3A_215] : memref<4x256x64xf32, #tpu.memory_space<vmem>> -> memref<1x256x64xf32, #tpu.memory_space<vmem>>
      %dma_wait3A_217 = tpu.memref_squeeze %dma_wait3A_216 : memref<1x256x64xf32, #tpu.memory_space<vmem>> -> memref<256x64xf32, #tpu.memory_space<vmem>>
      %dma_wait3A_218 = tpu.memref_slice %arg9[%mul3A_212] : memref<10240xi32, #tpu.memory_space<vmem>> -> memref<256xi32, #tpu.memory_space<vmem>>
      %dma_wait3A_219 = arith.constant 0 : i32
      %dma_wait3A_220 = arith.constant 0 : i32
      %dma_wait3A_221 = tpu.memref_slice %arg2[%dma_wait3A_219, %dma_wait3A_220] : memref<20000x64xf32, #tpu.memory_space<hbm>> -> memref<20000x64xf32, #tpu.memory_space<hbm>>
      tpu.wait_indirect_dma semaphore(%arg14 : memref<!tpu.dma_semaphore, #tpu.memory_space<semaphore_mem>>) src(%dma_wait3A_221 : memref<20000x64xf32, #tpu.memory_space<hbm>>) dst(%dma_wait3A_217 : memref<256x64xf32, #tpu.memory_space<vmem>>)
      %mul3A_222 = arith.constant 2 : i32
      %mul3A_223 = arith.muli %mul3A_222, %add3A_210 : i32
      %add3A_224 = arith.constant 0 : i32
      %add3A_225 = arith.addi %mul3A_223, %add3A_224 : i32
      %dma_start3A_226 = arith.constant 2 : i32
      %dma_start3A_227 = arith.constant 0 : i32
      %dma_start3A_228 = arith.constant 0 : i32
      %dma_start3A_229 = tpu.memref_slice %arg11[%dma_start3A_226, %dma_start3A_227, %dma_start3A_228] : memref<4x256x64xf32, #tpu.memory_space<vmem>> -> memref<1x128x64xf32, #tpu.memory_space<vmem>>
      %dma_start3A_230 = tpu.memref_squeeze %dma_start3A_229 : memref<1x128x64xf32, #tpu.memory_space<vmem>> -> memref<128x64xf32, #tpu.memory_space<vmem>>
      %dma_start3A_231 = arith.constant 0 : i32
      %dma_start3A_232 = tpu.memref_slice %arg10[%add3A_225, %dma_start3A_231] : memref<80x128xi32, #tpu.memory_space<vmem>> -> memref<1x128xi32, #tpu.memory_space<vmem>>
      %dma_start3A_233 = tpu.memref_squeeze %dma_start3A_232 : memref<1x128xi32, #tpu.memory_space<vmem>> -> memref<128xi32, #tpu.memory_space<vmem>>
      %dma_start3A_234 = arith.constant 0 : i32
      %dma_start3A_235 = arith.constant 0 : i32
      %dma_start3A_236 = tpu.memref_slice %arg8[%dma_start3A_234, %dma_start3A_235] : memref<10240x64xf32, #tpu.memory_space<vmem_shared>> -> memref<10240x64xf32, #tpu.memory_space<vmem_shared>>
      tpu.enqueue_indirect_dma source(%dma_start3A_230 : memref<128x64xf32, #tpu.memory_space<vmem>>) target(%dma_start3A_236 : memref<10240x64xf32, #tpu.memory_space<vmem_shared>>) offsets(%dma_start3A_233 : memref<128xi32, #tpu.memory_space<vmem>>) semaphore(%arg18 : memref<!tpu.dma_semaphore, #tpu.memory_space<semaphore_mem>>) {add = true}
      %mul3A_237 = arith.constant 2 : i32
      %mul3A_238 = arith.muli %mul3A_237, %add3A_210 : i32
      %add3A_239 = arith.constant 1 : i32
      %add3A_240 = arith.addi %mul3A_238, %add3A_239 : i32
      %dma_start3A_241 = arith.constant 2 : i32
      %dma_start3A_242 = arith.constant 128 : i32
      %dma_start3A_243 = arith.constant 0 : i32
      %dma_start3A_244 = tpu.memref_slice %arg11[%dma_start3A_241, %dma_start3A_242, %dma_start3A_243] : memref<4x256x64xf32, #tpu.memory_space<vmem>> -> memref<1x128x64xf32, #tpu.memory_space<vmem>>
      %dma_start3A_245 = tpu.memref_squeeze %dma_start3A_244 : memref<1x128x64xf32, #tpu.memory_space<vmem>> -> memref<128x64xf32, #tpu.memory_space<vmem>>
      %dma_start3A_246 = arith.constant 0 : i32
      %dma_start3A_247 = tpu.memref_slice %arg10[%add3A_240, %dma_start3A_246] : memref<80x128xi32, #tpu.memory_space<vmem>> -> memref<1x128xi32, #tpu.memory_space<vmem>>
      %dma_start3A_248 = tpu.memref_squeeze %dma_start3A_247 : memref<1x128xi32, #tpu.memory_space<vmem>> -> memref<128xi32, #tpu.memory_space<vmem>>
      %dma_start3A_249 = arith.constant 0 : i32
      %dma_start3A_250 = arith.constant 0 : i32
      %dma_start3A_251 = tpu.memref_slice %arg8[%dma_start3A_249, %dma_start3A_250] : memref<10240x64xf32, #tpu.memory_space<vmem_shared>> -> memref<10240x64xf32, #tpu.memory_space<vmem_shared>>
      tpu.enqueue_indirect_dma source(%dma_start3A_245 : memref<128x64xf32, #tpu.memory_space<vmem>>) target(%dma_start3A_251 : memref<10240x64xf32, #tpu.memory_space<vmem_shared>>) offsets(%dma_start3A_248 : memref<128xi32, #tpu.memory_space<vmem>>) semaphore(%arg18 : memref<!tpu.dma_semaphore, #tpu.memory_space<semaphore_mem>>) {add = true}
      %mul3A_252 = arith.constant 4 : i32
      %mul3A_253 = arith.muli %mul3A_252, %scan3A_117 : i32
      %add3A_254 = arith.constant 3 : i32
      %add3A_255 = arith.addi %mul3A_253, %add3A_254 : i32
      %mul3A_256 = arith.constant 256 : i32
      %mul3A_257 = arith.muli %mul3A_256, %add3A_255 : i32
      %dma_wait3A_258 = arith.constant 3 : i32
      %dma_wait3A_259 = arith.constant 0 : i32
      %dma_wait3A_260 = arith.constant 0 : i32
      %dma_wait3A_261 = tpu.memref_slice %arg11[%dma_wait3A_258, %dma_wait3A_259, %dma_wait3A_260] : memref<4x256x64xf32, #tpu.memory_space<vmem>> -> memref<1x256x64xf32, #tpu.memory_space<vmem>>
      %dma_wait3A_262 = tpu.memref_squeeze %dma_wait3A_261 : memref<1x256x64xf32, #tpu.memory_space<vmem>> -> memref<256x64xf32, #tpu.memory_space<vmem>>
      %dma_wait3A_263 = tpu.memref_slice %arg9[%mul3A_257] : memref<10240xi32, #tpu.memory_space<vmem>> -> memref<256xi32, #tpu.memory_space<vmem>>
      %dma_wait3A_264 = arith.constant 0 : i32
      %dma_wait3A_265 = arith.constant 0 : i32
      %dma_wait3A_266 = tpu.memref_slice %arg2[%dma_wait3A_264, %dma_wait3A_265] : memref<20000x64xf32, #tpu.memory_space<hbm>> -> memref<20000x64xf32, #tpu.memory_space<hbm>>
      tpu.wait_indirect_dma semaphore(%arg15 : memref<!tpu.dma_semaphore, #tpu.memory_space<semaphore_mem>>) src(%dma_wait3A_266 : memref<20000x64xf32, #tpu.memory_space<hbm>>) dst(%dma_wait3A_262 : memref<256x64xf32, #tpu.memory_space<vmem>>)
      %mul3A_267 = arith.constant 2 : i32
      %mul3A_268 = arith.muli %mul3A_267, %add3A_255 : i32
      %add3A_269 = arith.constant 0 : i32
      %add3A_270 = arith.addi %mul3A_268, %add3A_269 : i32
      %dma_start3A_271 = arith.constant 3 : i32
      %dma_start3A_272 = arith.constant 0 : i32
      %dma_start3A_273 = arith.constant 0 : i32
      %dma_start3A_274 = tpu.memref_slice %arg11[%dma_start3A_271, %dma_start3A_272, %dma_start3A_273] : memref<4x256x64xf32, #tpu.memory_space<vmem>> -> memref<1x128x64xf32, #tpu.memory_space<vmem>>
      %dma_start3A_275 = tpu.memref_squeeze %dma_start3A_274 : memref<1x128x64xf32, #tpu.memory_space<vmem>> -> memref<128x64xf32, #tpu.memory_space<vmem>>
      %dma_start3A_276 = arith.constant 0 : i32
      %dma_start3A_277 = tpu.memref_slice %arg10[%add3A_270, %dma_start3A_276] : memref<80x128xi32, #tpu.memory_space<vmem>> -> memref<1x128xi32, #tpu.memory_space<vmem>>
      %dma_start3A_278 = tpu.memref_squeeze %dma_start3A_277 : memref<1x128xi32, #tpu.memory_space<vmem>> -> memref<128xi32, #tpu.memory_space<vmem>>
      %dma_start3A_279 = arith.constant 0 : i32
      %dma_start3A_280 = arith.constant 0 : i32
      %dma_start3A_281 = tpu.memref_slice %arg8[%dma_start3A_279, %dma_start3A_280] : memref<10240x64xf32, #tpu.memory_space<vmem_shared>> -> memref<10240x64xf32, #tpu.memory_space<vmem_shared>>
      tpu.enqueue_indirect_dma source(%dma_start3A_275 : memref<128x64xf32, #tpu.memory_space<vmem>>) target(%dma_start3A_281 : memref<10240x64xf32, #tpu.memory_space<vmem_shared>>) offsets(%dma_start3A_278 : memref<128xi32, #tpu.memory_space<vmem>>) semaphore(%arg19 : memref<!tpu.dma_semaphore, #tpu.memory_space<semaphore_mem>>) {add = true}
      %mul3A_282 = arith.constant 2 : i32
      %mul3A_283 = arith.muli %mul3A_282, %add3A_255 : i32
      %add3A_284 = arith.constant 1 : i32
      %add3A_285 = arith.addi %mul3A_283, %add3A_284 : i32
      %dma_start3A_286 = arith.constant 3 : i32
      %dma_start3A_287 = arith.constant 128 : i32
      %dma_start3A_288 = arith.constant 0 : i32
      %dma_start3A_289 = tpu.memref_slice %arg11[%dma_start3A_286, %dma_start3A_287, %dma_start3A_288] : memref<4x256x64xf32, #tpu.memory_space<vmem>> -> memref<1x128x64xf32, #tpu.memory_space<vmem>>
      %dma_start3A_290 = tpu.memref_squeeze %dma_start3A_289 : memref<1x128x64xf32, #tpu.memory_space<vmem>> -> memref<128x64xf32, #tpu.memory_space<vmem>>
      %dma_start3A_291 = arith.constant 0 : i32
      %dma_start3A_292 = tpu.memref_slice %arg10[%add3A_285, %dma_start3A_291] : memref<80x128xi32, #tpu.memory_space<vmem>> -> memref<1x128xi32, #tpu.memory_space<vmem>>
      %dma_start3A_293 = tpu.memref_squeeze %dma_start3A_292 : memref<1x128xi32, #tpu.memory_space<vmem>> -> memref<128xi32, #tpu.memory_space<vmem>>
      %dma_start3A_294 = arith.constant 0 : i32
      %dma_start3A_295 = arith.constant 0 : i32
      %dma_start3A_296 = tpu.memref_slice %arg8[%dma_start3A_294, %dma_start3A_295] : memref<10240x64xf32, #tpu.memory_space<vmem_shared>> -> memref<10240x64xf32, #tpu.memory_space<vmem_shared>>
      tpu.enqueue_indirect_dma source(%dma_start3A_290 : memref<128x64xf32, #tpu.memory_space<vmem>>) target(%dma_start3A_296 : memref<10240x64xf32, #tpu.memory_space<vmem_shared>>) offsets(%dma_start3A_293 : memref<128xi32, #tpu.memory_space<vmem>>) semaphore(%arg19 : memref<!tpu.dma_semaphore, #tpu.memory_space<semaphore_mem>>) {add = true}
      %mul3A_297 = arith.constant 4 : i32
      %mul3A_298 = arith.muli %mul3A_297, %scan3A_117 : i32
      %add3A_299 = arith.constant 0 : i32
      %add3A_300 = arith.addi %mul3A_298, %add3A_299 : i32
      %add3A_301 = arith.constant 4 : i32
      %add3A_302 = arith.addi %add3A_300, %add3A_301 : i32
      %mul3A_303 = arith.constant 2 : i32
      %mul3A_304 = arith.muli %mul3A_303, %add3A_300 : i32
      %add3A_305 = arith.constant 0 : i32
      %add3A_306 = arith.addi %mul3A_304, %add3A_305 : i32
      %dma_wait3A_307 = arith.constant 0 : i32
      %dma_wait3A_308 = arith.constant 0 : i32
      %dma_wait3A_309 = arith.constant 0 : i32
      %dma_wait3A_310 = tpu.memref_slice %arg11[%dma_wait3A_307, %dma_wait3A_308, %dma_wait3A_309] : memref<4x256x64xf32, #tpu.memory_space<vmem>> -> memref<1x128x64xf32, #tpu.memory_space<vmem>>
      %dma_wait3A_311 = tpu.memref_squeeze %dma_wait3A_310 : memref<1x128x64xf32, #tpu.memory_space<vmem>> -> memref<128x64xf32, #tpu.memory_space<vmem>>
      %dma_wait3A_312 = arith.constant 0 : i32
      %dma_wait3A_313 = tpu.memref_slice %arg10[%add3A_306, %dma_wait3A_312] : memref<80x128xi32, #tpu.memory_space<vmem>> -> memref<1x128xi32, #tpu.memory_space<vmem>>
      %dma_wait3A_314 = tpu.memref_squeeze %dma_wait3A_313 : memref<1x128xi32, #tpu.memory_space<vmem>> -> memref<128xi32, #tpu.memory_space<vmem>>
      %dma_wait3A_315 = arith.constant 0 : i32
      %dma_wait3A_316 = arith.constant 0 : i32
      %dma_wait3A_317 = tpu.memref_slice %arg8[%dma_wait3A_315, %dma_wait3A_316] : memref<10240x64xf32, #tpu.memory_space<vmem_shared>> -> memref<10240x64xf32, #tpu.memory_space<vmem_shared>>
      tpu.wait_indirect_dma semaphore(%arg16 : memref<!tpu.dma_semaphore, #tpu.memory_space<semaphore_mem>>) src(%dma_wait3A_311 : memref<128x64xf32, #tpu.memory_space<vmem>>) dst(%dma_wait3A_317 : memref<10240x64xf32, #tpu.memory_space<vmem_shared>>)
      %mul3A_318 = arith.constant 2 : i32
      %mul3A_319 = arith.muli %mul3A_318, %add3A_300 : i32
      %add3A_320 = arith.constant 1 : i32
      %add3A_321 = arith.addi %mul3A_319, %add3A_320 : i32
      %dma_wait3A_322 = arith.constant 0 : i32
      %dma_wait3A_323 = arith.constant 128 : i32
      %dma_wait3A_324 = arith.constant 0 : i32
      %dma_wait3A_325 = tpu.memref_slice %arg11[%dma_wait3A_322, %dma_wait3A_323, %dma_wait3A_324] : memref<4x256x64xf32, #tpu.memory_space<vmem>> -> memref<1x128x64xf32, #tpu.memory_space<vmem>>
      %dma_wait3A_326 = tpu.memref_squeeze %dma_wait3A_325 : memref<1x128x64xf32, #tpu.memory_space<vmem>> -> memref<128x64xf32, #tpu.memory_space<vmem>>
      %dma_wait3A_327 = arith.constant 0 : i32
      %dma_wait3A_328 = tpu.memref_slice %arg10[%add3A_321, %dma_wait3A_327] : memref<80x128xi32, #tpu.memory_space<vmem>> -> memref<1x128xi32, #tpu.memory_space<vmem>>
      %dma_wait3A_329 = tpu.memref_squeeze %dma_wait3A_328 : memref<1x128xi32, #tpu.memory_space<vmem>> -> memref<128xi32, #tpu.memory_space<vmem>>
      %dma_wait3A_330 = arith.constant 0 : i32
      %dma_wait3A_331 = arith.constant 0 : i32
      %dma_wait3A_332 = tpu.memref_slice %arg8[%dma_wait3A_330, %dma_wait3A_331] : memref<10240x64xf32, #tpu.memory_space<vmem_shared>> -> memref<10240x64xf32, #tpu.memory_space<vmem_shared>>
      tpu.wait_indirect_dma semaphore(%arg16 : memref<!tpu.dma_semaphore, #tpu.memory_space<semaphore_mem>>) src(%dma_wait3A_326 : memref<128x64xf32, #tpu.memory_space<vmem>>) dst(%dma_wait3A_332 : memref<10240x64xf32, #tpu.memory_space<vmem_shared>>)
      %lt3A = arith.constant 40 : i32
      %lt3A_333 = arith.cmpi slt, %add3A_302, %lt3A : i32
      %convert_element_type3A_334 = arith.extui %lt3A_333 : i1 to i32
      %cond3A_335 = arith.constant 0 : i32
      %cond3A_336 = arith.cmpi ne, %convert_element_type3A_334, %cond3A_335 : i32
      scf.if %cond3A_336 {
        %mul3A_460 = arith.constant 256 : i32
        %mul3A_461 = arith.muli %mul3A_460, %add3A_302 : i32
        %dma_start3A_462 = arith.constant 0 : i32
        %dma_start3A_463 = arith.constant 0 : i32
        %dma_start3A_464 = arith.constant 0 : i32
        %dma_start3A_465 = tpu.memref_slice %arg11[%dma_start3A_462, %dma_start3A_463, %dma_start3A_464] : memref<4x256x64xf32, #tpu.memory_space<vmem>> -> memref<1x256x64xf32, #tpu.memory_space<vmem>>
        %dma_start3A_466 = tpu.memref_squeeze %dma_start3A_465 : memref<1x256x64xf32, #tpu.memory_space<vmem>> -> memref<256x64xf32, #tpu.memory_space<vmem>>
        %dma_start3A_467 = tpu.memref_slice %arg9[%mul3A_461] : memref<10240xi32, #tpu.memory_space<vmem>> -> memref<256xi32, #tpu.memory_space<vmem>>
        %dma_start3A_468 = arith.constant 0 : i32
        %dma_start3A_469 = arith.constant 0 : i32
        %dma_start3A_470 = tpu.memref_slice %arg2[%dma_start3A_468, %dma_start3A_469] : memref<20000x64xf32, #tpu.memory_space<hbm>> -> memref<20000x64xf32, #tpu.memory_space<hbm>>
        tpu.enqueue_indirect_dma source(%dma_start3A_470 : memref<20000x64xf32, #tpu.memory_space<hbm>>) target(%dma_start3A_466 : memref<256x64xf32, #tpu.memory_space<vmem>>) offsets(%dma_start3A_467 : memref<256xi32, #tpu.memory_space<vmem>>) semaphore(%arg12 : memref<!tpu.dma_semaphore, #tpu.memory_space<semaphore_mem>>)
      } else {
      }
      %mul3A_337 = arith.constant 4 : i32
      %mul3A_338 = arith.muli %mul3A_337, %scan3A_117 : i32
      %add3A_339 = arith.constant 1 : i32
      %add3A_340 = arith.addi %mul3A_338, %add3A_339 : i32
      %add3A_341 = arith.constant 4 : i32
      %add3A_342 = arith.addi %add3A_340, %add3A_341 : i32
      %mul3A_343 = arith.constant 2 : i32
      %mul3A_344 = arith.muli %mul3A_343, %add3A_340 : i32
      %add3A_345 = arith.constant 0 : i32
      %add3A_346 = arith.addi %mul3A_344, %add3A_345 : i32
      %dma_wait3A_347 = arith.constant 1 : i32
      %dma_wait3A_348 = arith.constant 0 : i32
      %dma_wait3A_349 = arith.constant 0 : i32
      %dma_wait3A_350 = tpu.memref_slice %arg11[%dma_wait3A_347, %dma_wait3A_348, %dma_wait3A_349] : memref<4x256x64xf32, #tpu.memory_space<vmem>> -> memref<1x128x64xf32, #tpu.memory_space<vmem>>
      %dma_wait3A_351 = tpu.memref_squeeze %dma_wait3A_350 : memref<1x128x64xf32, #tpu.memory_space<vmem>> -> memref<128x64xf32, #tpu.memory_space<vmem>>
      %dma_wait3A_352 = arith.constant 0 : i32
      %dma_wait3A_353 = tpu.memref_slice %arg10[%add3A_346, %dma_wait3A_352] : memref<80x128xi32, #tpu.memory_space<vmem>> -> memref<1x128xi32, #tpu.memory_space<vmem>>
      %dma_wait3A_354 = tpu.memref_squeeze %dma_wait3A_353 : memref<1x128xi32, #tpu.memory_space<vmem>> -> memref<128xi32, #tpu.memory_space<vmem>>
      %dma_wait3A_355 = arith.constant 0 : i32
      %dma_wait3A_356 = arith.constant 0 : i32
      %dma_wait3A_357 = tpu.memref_slice %arg8[%dma_wait3A_355, %dma_wait3A_356] : memref<10240x64xf32, #tpu.memory_space<vmem_shared>> -> memref<10240x64xf32, #tpu.memory_space<vmem_shared>>
      tpu.wait_indirect_dma semaphore(%arg17 : memref<!tpu.dma_semaphore, #tpu.memory_space<semaphore_mem>>) src(%dma_wait3A_351 : memref<128x64xf32, #tpu.memory_space<vmem>>) dst(%dma_wait3A_357 : memref<10240x64xf32, #tpu.memory_space<vmem_shared>>)
      %mul3A_358 = arith.constant 2 : i32
      %mul3A_359 = arith.muli %mul3A_358, %add3A_340 : i32
      %add3A_360 = arith.constant 1 : i32
      %add3A_361 = arith.addi %mul3A_359, %add3A_360 : i32
      %dma_wait3A_362 = arith.constant 1 : i32
      %dma_wait3A_363 = arith.constant 128 : i32
      %dma_wait3A_364 = arith.constant 0 : i32
      %dma_wait3A_365 = tpu.memref_slice %arg11[%dma_wait3A_362, %dma_wait3A_363, %dma_wait3A_364] : memref<4x256x64xf32, #tpu.memory_space<vmem>> -> memref<1x128x64xf32, #tpu.memory_space<vmem>>
      %dma_wait3A_366 = tpu.memref_squeeze %dma_wait3A_365 : memref<1x128x64xf32, #tpu.memory_space<vmem>> -> memref<128x64xf32, #tpu.memory_space<vmem>>
      %dma_wait3A_367 = arith.constant 0 : i32
      %dma_wait3A_368 = tpu.memref_slice %arg10[%add3A_361, %dma_wait3A_367] : memref<80x128xi32, #tpu.memory_space<vmem>> -> memref<1x128xi32, #tpu.memory_space<vmem>>
      %dma_wait3A_369 = tpu.memref_squeeze %dma_wait3A_368 : memref<1x128xi32, #tpu.memory_space<vmem>> -> memref<128xi32, #tpu.memory_space<vmem>>
      %dma_wait3A_370 = arith.constant 0 : i32
      %dma_wait3A_371 = arith.constant 0 : i32
      %dma_wait3A_372 = tpu.memref_slice %arg8[%dma_wait3A_370, %dma_wait3A_371] : memref<10240x64xf32, #tpu.memory_space<vmem_shared>> -> memref<10240x64xf32, #tpu.memory_space<vmem_shared>>
      tpu.wait_indirect_dma semaphore(%arg17 : memref<!tpu.dma_semaphore, #tpu.memory_space<semaphore_mem>>) src(%dma_wait3A_366 : memref<128x64xf32, #tpu.memory_space<vmem>>) dst(%dma_wait3A_372 : memref<10240x64xf32, #tpu.memory_space<vmem_shared>>)
      %lt3A_373 = arith.constant 40 : i32
      %lt3A_374 = arith.cmpi slt, %add3A_342, %lt3A_373 : i32
      %convert_element_type3A_375 = arith.extui %lt3A_374 : i1 to i32
      %cond3A_376 = arith.constant 0 : i32
      %cond3A_377 = arith.cmpi ne, %convert_element_type3A_375, %cond3A_376 : i32
      scf.if %cond3A_377 {
        %mul3A_460 = arith.constant 256 : i32
        %mul3A_461 = arith.muli %mul3A_460, %add3A_342 : i32
        %dma_start3A_462 = arith.constant 1 : i32
        %dma_start3A_463 = arith.constant 0 : i32
        %dma_start3A_464 = arith.constant 0 : i32
        %dma_start3A_465 = tpu.memref_slice %arg11[%dma_start3A_462, %dma_start3A_463, %dma_start3A_464] : memref<4x256x64xf32, #tpu.memory_space<vmem>> -> memref<1x256x64xf32, #tpu.memory_space<vmem>>
        %dma_start3A_466 = tpu.memref_squeeze %dma_start3A_465 : memref<1x256x64xf32, #tpu.memory_space<vmem>> -> memref<256x64xf32, #tpu.memory_space<vmem>>
        %dma_start3A_467 = tpu.memref_slice %arg9[%mul3A_461] : memref<10240xi32, #tpu.memory_space<vmem>> -> memref<256xi32, #tpu.memory_space<vmem>>
        %dma_start3A_468 = arith.constant 0 : i32
        %dma_start3A_469 = arith.constant 0 : i32
        %dma_start3A_470 = tpu.memref_slice %arg2[%dma_start3A_468, %dma_start3A_469] : memref<20000x64xf32, #tpu.memory_space<hbm>> -> memref<20000x64xf32, #tpu.memory_space<hbm>>
        tpu.enqueue_indirect_dma source(%dma_start3A_470 : memref<20000x64xf32, #tpu.memory_space<hbm>>) target(%dma_start3A_466 : memref<256x64xf32, #tpu.memory_space<vmem>>) offsets(%dma_start3A_467 : memref<256xi32, #tpu.memory_space<vmem>>) semaphore(%arg13 : memref<!tpu.dma_semaphore, #tpu.memory_space<semaphore_mem>>)
      } else {
      }
      %mul3A_378 = arith.constant 4 : i32
      %mul3A_379 = arith.muli %mul3A_378, %scan3A_117 : i32
      %add3A_380 = arith.constant 2 : i32
      %add3A_381 = arith.addi %mul3A_379, %add3A_380 : i32
      %add3A_382 = arith.constant 4 : i32
      %add3A_383 = arith.addi %add3A_381, %add3A_382 : i32
      %mul3A_384 = arith.constant 2 : i32
      %mul3A_385 = arith.muli %mul3A_384, %add3A_381 : i32
      %add3A_386 = arith.constant 0 : i32
      %add3A_387 = arith.addi %mul3A_385, %add3A_386 : i32
      %dma_wait3A_388 = arith.constant 2 : i32
      %dma_wait3A_389 = arith.constant 0 : i32
      %dma_wait3A_390 = arith.constant 0 : i32
      %dma_wait3A_391 = tpu.memref_slice %arg11[%dma_wait3A_388, %dma_wait3A_389, %dma_wait3A_390] : memref<4x256x64xf32, #tpu.memory_space<vmem>> -> memref<1x128x64xf32, #tpu.memory_space<vmem>>
      %dma_wait3A_392 = tpu.memref_squeeze %dma_wait3A_391 : memref<1x128x64xf32, #tpu.memory_space<vmem>> -> memref<128x64xf32, #tpu.memory_space<vmem>>
      %dma_wait3A_393 = arith.constant 0 : i32
      %dma_wait3A_394 = tpu.memref_slice %arg10[%add3A_387, %dma_wait3A_393] : memref<80x128xi32, #tpu.memory_space<vmem>> -> memref<1x128xi32, #tpu.memory_space<vmem>>
      %dma_wait3A_395 = tpu.memref_squeeze %dma_wait3A_394 : memref<1x128xi32, #tpu.memory_space<vmem>> -> memref<128xi32, #tpu.memory_space<vmem>>
      %dma_wait3A_396 = arith.constant 0 : i32
      %dma_wait3A_397 = arith.constant 0 : i32
      %dma_wait3A_398 = tpu.memref_slice %arg8[%dma_wait3A_396, %dma_wait3A_397] : memref<10240x64xf32, #tpu.memory_space<vmem_shared>> -> memref<10240x64xf32, #tpu.memory_space<vmem_shared>>
      tpu.wait_indirect_dma semaphore(%arg18 : memref<!tpu.dma_semaphore, #tpu.memory_space<semaphore_mem>>) src(%dma_wait3A_392 : memref<128x64xf32, #tpu.memory_space<vmem>>) dst(%dma_wait3A_398 : memref<10240x64xf32, #tpu.memory_space<vmem_shared>>)
      %mul3A_399 = arith.constant 2 : i32
      %mul3A_400 = arith.muli %mul3A_399, %add3A_381 : i32
      %add3A_401 = arith.constant 1 : i32
      %add3A_402 = arith.addi %mul3A_400, %add3A_401 : i32
      %dma_wait3A_403 = arith.constant 2 : i32
      %dma_wait3A_404 = arith.constant 128 : i32
      %dma_wait3A_405 = arith.constant 0 : i32
      %dma_wait3A_406 = tpu.memref_slice %arg11[%dma_wait3A_403, %dma_wait3A_404, %dma_wait3A_405] : memref<4x256x64xf32, #tpu.memory_space<vmem>> -> memref<1x128x64xf32, #tpu.memory_space<vmem>>
      %dma_wait3A_407 = tpu.memref_squeeze %dma_wait3A_406 : memref<1x128x64xf32, #tpu.memory_space<vmem>> -> memref<128x64xf32, #tpu.memory_space<vmem>>
      %dma_wait3A_408 = arith.constant 0 : i32
      %dma_wait3A_409 = tpu.memref_slice %arg10[%add3A_402, %dma_wait3A_408] : memref<80x128xi32, #tpu.memory_space<vmem>> -> memref<1x128xi32, #tpu.memory_space<vmem>>
      %dma_wait3A_410 = tpu.memref_squeeze %dma_wait3A_409 : memref<1x128xi32, #tpu.memory_space<vmem>> -> memref<128xi32, #tpu.memory_space<vmem>>
      %dma_wait3A_411 = arith.constant 0 : i32
      %dma_wait3A_412 = arith.constant 0 : i32
      %dma_wait3A_413 = tpu.memref_slice %arg8[%dma_wait3A_411, %dma_wait3A_412] : memref<10240x64xf32, #tpu.memory_space<vmem_shared>> -> memref<10240x64xf32, #tpu.memory_space<vmem_shared>>
      tpu.wait_indirect_dma semaphore(%arg18 : memref<!tpu.dma_semaphore, #tpu.memory_space<semaphore_mem>>) src(%dma_wait3A_407 : memref<128x64xf32, #tpu.memory_space<vmem>>) dst(%dma_wait3A_413 : memref<10240x64xf32, #tpu.memory_space<vmem_shared>>)
      %lt3A_414 = arith.constant 40 : i32
      %lt3A_415 = arith.cmpi slt, %add3A_383, %lt3A_414 : i32
      %convert_element_type3A_416 = arith.extui %lt3A_415 : i1 to i32
      %cond3A_417 = arith.constant 0 : i32
      %cond3A_418 = arith.cmpi ne, %convert_element_type3A_416, %cond3A_417 : i32
      scf.if %cond3A_418 {
        %mul3A_460 = arith.constant 256 : i32
        %mul3A_461 = arith.muli %mul3A_460, %add3A_383 : i32
        %dma_start3A_462 = arith.constant 2 : i32
        %dma_start3A_463 = arith.constant 0 : i32
        %dma_start3A_464 = arith.constant 0 : i32
        %dma_start3A_465 = tpu.memref_slice %arg11[%dma_start3A_462, %dma_start3A_463, %dma_start3A_464] : memref<4x256x64xf32, #tpu.memory_space<vmem>> -> memref<1x256x64xf32, #tpu.memory_space<vmem>>
        %dma_start3A_466 = tpu.memref_squeeze %dma_start3A_465 : memref<1x256x64xf32, #tpu.memory_space<vmem>> -> memref<256x64xf32, #tpu.memory_space<vmem>>
        %dma_start3A_467 = tpu.memref_slice %arg9[%mul3A_461] : memref<10240xi32, #tpu.memory_space<vmem>> -> memref<256xi32, #tpu.memory_space<vmem>>
        %dma_start3A_468 = arith.constant 0 : i32
        %dma_start3A_469 = arith.constant 0 : i32
        %dma_start3A_470 = tpu.memref_slice %arg2[%dma_start3A_468, %dma_start3A_469] : memref<20000x64xf32, #tpu.memory_space<hbm>> -> memref<20000x64xf32, #tpu.memory_space<hbm>>
        tpu.enqueue_indirect_dma source(%dma_start3A_470 : memref<20000x64xf32, #tpu.memory_space<hbm>>) target(%dma_start3A_466 : memref<256x64xf32, #tpu.memory_space<vmem>>) offsets(%dma_start3A_467 : memref<256xi32, #tpu.memory_space<vmem>>) semaphore(%arg14 : memref<!tpu.dma_semaphore, #tpu.memory_space<semaphore_mem>>)
      } else {
      }
      %mul3A_419 = arith.constant 4 : i32
      %mul3A_420 = arith.muli %mul3A_419, %scan3A_117 : i32
      %add3A_421 = arith.constant 3 : i32
      %add3A_422 = arith.addi %mul3A_420, %add3A_421 : i32
      %add3A_423 = arith.constant 4 : i32
      %add3A_424 = arith.addi %add3A_422, %add3A_423 : i32
      %mul3A_425 = arith.constant 2 : i32
      %mul3A_426 = arith.muli %mul3A_425, %add3A_422 : i32
      %add3A_427 = arith.constant 0 : i32
      %add3A_428 = arith.addi %mul3A_426, %add3A_427 : i32
      %dma_wait3A_429 = arith.constant 3 : i32
      %dma_wait3A_430 = arith.constant 0 : i32
      %dma_wait3A_431 = arith.constant 0 : i32
      %dma_wait3A_432 = tpu.memref_slice %arg11[%dma_wait3A_429, %dma_wait3A_430, %dma_wait3A_431] : memref<4x256x64xf32, #tpu.memory_space<vmem>> -> memref<1x128x64xf32, #tpu.memory_space<vmem>>
      %dma_wait3A_433 = tpu.memref_squeeze %dma_wait3A_432 : memref<1x128x64xf32, #tpu.memory_space<vmem>> -> memref<128x64xf32, #tpu.memory_space<vmem>>
      %dma_wait3A_434 = arith.constant 0 : i32
      %dma_wait3A_435 = tpu.memref_slice %arg10[%add3A_428, %dma_wait3A_434] : memref<80x128xi32, #tpu.memory_space<vmem>> -> memref<1x128xi32, #tpu.memory_space<vmem>>
      %dma_wait3A_436 = tpu.memref_squeeze %dma_wait3A_435 : memref<1x128xi32, #tpu.memory_space<vmem>> -> memref<128xi32, #tpu.memory_space<vmem>>
      %dma_wait3A_437 = arith.constant 0 : i32
      %dma_wait3A_438 = arith.constant 0 : i32
      %dma_wait3A_439 = tpu.memref_slice %arg8[%dma_wait3A_437, %dma_wait3A_438] : memref<10240x64xf32, #tpu.memory_space<vmem_shared>> -> memref<10240x64xf32, #tpu.memory_space<vmem_shared>>
      tpu.wait_indirect_dma semaphore(%arg19 : memref<!tpu.dma_semaphore, #tpu.memory_space<semaphore_mem>>) src(%dma_wait3A_433 : memref<128x64xf32, #tpu.memory_space<vmem>>) dst(%dma_wait3A_439 : memref<10240x64xf32, #tpu.memory_space<vmem_shared>>)
      %mul3A_440 = arith.constant 2 : i32
      %mul3A_441 = arith.muli %mul3A_440, %add3A_422 : i32
      %add3A_442 = arith.constant 1 : i32
      %add3A_443 = arith.addi %mul3A_441, %add3A_442 : i32
      %dma_wait3A_444 = arith.constant 3 : i32
      %dma_wait3A_445 = arith.constant 128 : i32
      %dma_wait3A_446 = arith.constant 0 : i32
      %dma_wait3A_447 = tpu.memref_slice %arg11[%dma_wait3A_444, %dma_wait3A_445, %dma_wait3A_446] : memref<4x256x64xf32, #tpu.memory_space<vmem>> -> memref<1x128x64xf32, #tpu.memory_space<vmem>>
      %dma_wait3A_448 = tpu.memref_squeeze %dma_wait3A_447 : memref<1x128x64xf32, #tpu.memory_space<vmem>> -> memref<128x64xf32, #tpu.memory_space<vmem>>
      %dma_wait3A_449 = arith.constant 0 : i32
      %dma_wait3A_450 = tpu.memref_slice %arg10[%add3A_443, %dma_wait3A_449] : memref<80x128xi32, #tpu.memory_space<vmem>> -> memref<1x128xi32, #tpu.memory_space<vmem>>
      %dma_wait3A_451 = tpu.memref_squeeze %dma_wait3A_450 : memref<1x128xi32, #tpu.memory_space<vmem>> -> memref<128xi32, #tpu.memory_space<vmem>>
      %dma_wait3A_452 = arith.constant 0 : i32
      %dma_wait3A_453 = arith.constant 0 : i32
      %dma_wait3A_454 = tpu.memref_slice %arg8[%dma_wait3A_452, %dma_wait3A_453] : memref<10240x64xf32, #tpu.memory_space<vmem_shared>> -> memref<10240x64xf32, #tpu.memory_space<vmem_shared>>
      tpu.wait_indirect_dma semaphore(%arg19 : memref<!tpu.dma_semaphore, #tpu.memory_space<semaphore_mem>>) src(%dma_wait3A_448 : memref<128x64xf32, #tpu.memory_space<vmem>>) dst(%dma_wait3A_454 : memref<10240x64xf32, #tpu.memory_space<vmem_shared>>)
      %lt3A_455 = arith.constant 40 : i32
      %lt3A_456 = arith.cmpi slt, %add3A_424, %lt3A_455 : i32
      %convert_element_type3A_457 = arith.extui %lt3A_456 : i1 to i32
      %cond3A_458 = arith.constant 0 : i32
      %cond3A_459 = arith.cmpi ne, %convert_element_type3A_457, %cond3A_458 : i32
      scf.if %cond3A_459 {
        %mul3A_460 = arith.constant 256 : i32
        %mul3A_461 = arith.muli %mul3A_460, %add3A_424 : i32
        %dma_start3A_462 = arith.constant 3 : i32
        %dma_start3A_463 = arith.constant 0 : i32
        %dma_start3A_464 = arith.constant 0 : i32
        %dma_start3A_465 = tpu.memref_slice %arg11[%dma_start3A_462, %dma_start3A_463, %dma_start3A_464] : memref<4x256x64xf32, #tpu.memory_space<vmem>> -> memref<1x256x64xf32, #tpu.memory_space<vmem>>
        %dma_start3A_466 = tpu.memref_squeeze %dma_start3A_465 : memref<1x256x64xf32, #tpu.memory_space<vmem>> -> memref<256x64xf32, #tpu.memory_space<vmem>>
        %dma_start3A_467 = tpu.memref_slice %arg9[%mul3A_461] : memref<10240xi32, #tpu.memory_space<vmem>> -> memref<256xi32, #tpu.memory_space<vmem>>
        %dma_start3A_468 = arith.constant 0 : i32
        %dma_start3A_469 = arith.constant 0 : i32
        %dma_start3A_470 = tpu.memref_slice %arg2[%dma_start3A_468, %dma_start3A_469] : memref<20000x64xf32, #tpu.memory_space<hbm>> -> memref<20000x64xf32, #tpu.memory_space<hbm>>
        tpu.enqueue_indirect_dma source(%dma_start3A_470 : memref<20000x64xf32, #tpu.memory_space<hbm>>) target(%dma_start3A_466 : memref<256x64xf32, #tpu.memory_space<vmem>>) offsets(%dma_start3A_467 : memref<256xi32, #tpu.memory_space<vmem>>) semaphore(%arg15 : memref<!tpu.dma_semaphore, #tpu.memory_space<semaphore_mem>>)
      } else {
      }
    }
    %scan3A_57 = arith.constant 10 : i32
    %convert_element_type3A_58 = arith.extui %eq3A_1 : i1 to i32
    %cond3A_59 = arith.constant 0 : i32
    %cond3A_60 = arith.cmpi ne, %convert_element_type3A_58, %cond3A_59 : i32
    scf.if %cond3A_60 {
      %add3A_117 = arith.constant 10240 : i32
      %add3A_118 = arith.addi %mul3A_5, %add3A_117 : i32
      "tpu.region"() ({
        %run_scoped3A = tpu.sem_alloc : memref<!tpu.dma_semaphore, #tpu.memory_space<semaphore_mem>>
        %dma_start3A_119 = tpu.memref_slice %arg3[%add3A_118] : memref<327680xi32, #tpu.memory_space<hbm>> -> memref<10240xi32, #tpu.memory_space<hbm>>
        %dma_start3A_120 = tpu.memref_slice %arg3[%add3A_118] : memref<327680xi32, #tpu.memory_space<hbm>> -> memref<10240xi32, #tpu.memory_space<hbm>>
        tpu.enqueue_dma source(%dma_start3A_120 : memref<10240xi32, #tpu.memory_space<hbm>>) target(%arg9 : memref<10240xi32, #tpu.memory_space<vmem>>) target_semaphore(%run_scoped3A : memref<!tpu.dma_semaphore, #tpu.memory_space<semaphore_mem>>)
        %dma_wait3A = tpu.memref_slice %arg3[%add3A_118] : memref<327680xi32, #tpu.memory_space<hbm>> -> memref<10240xi32, #tpu.memory_space<hbm>>
        %dma_wait3A_121 = tpu.memref_slice %arg3[%add3A_118] : memref<327680xi32, #tpu.memory_space<hbm>> -> memref<10240xi32, #tpu.memory_space<hbm>>
        tpu.wait_dma2 semaphore(%run_scoped3A : memref<!tpu.dma_semaphore, #tpu.memory_space<semaphore_mem>>) src(%dma_wait3A_121 : memref<10240xi32, #tpu.memory_space<hbm>>) dst(%arg9 : memref<10240xi32, #tpu.memory_space<vmem>>)
        tpu.yield
      }) : () -> ()
    } else {
    }
    %not3A_61 = arith.constant true
    %not3A_62 = arith.xori %eq3A_1, %not3A_61 : i1
    %convert_element_type3A_63 = arith.extui %not3A_62 : i1 to i32
    %cond3A_64 = arith.constant 0 : i32
    %cond3A_65 = arith.cmpi ne, %convert_element_type3A_63, %cond3A_64 : i32
    scf.if %cond3A_65 {
      %add3A_117 = arith.constant 10240 : i32
      %add3A_118 = arith.addi %mul3A_5, %add3A_117 : i32
      "tpu.region"() ({
        %run_scoped3A = tpu.sem_alloc : memref<!tpu.dma_semaphore, #tpu.memory_space<semaphore_mem>>
        %dma_start3A_119 = tpu.memref_slice %arg4[%add3A_118] : memref<327680xi32, #tpu.memory_space<hbm>> -> memref<10240xi32, #tpu.memory_space<hbm>>
        %dma_start3A_120 = tpu.memref_slice %arg4[%add3A_118] : memref<327680xi32, #tpu.memory_space<hbm>> -> memref<10240xi32, #tpu.memory_space<hbm>>
        tpu.enqueue_dma source(%dma_start3A_120 : memref<10240xi32, #tpu.memory_space<hbm>>) target(%arg9 : memref<10240xi32, #tpu.memory_space<vmem>>) target_semaphore(%run_scoped3A : memref<!tpu.dma_semaphore, #tpu.memory_space<semaphore_mem>>)
        %dma_wait3A = tpu.memref_slice %arg4[%add3A_118] : memref<327680xi32, #tpu.memory_space<hbm>> -> memref<10240xi32, #tpu.memory_space<hbm>>
        %dma_wait3A_121 = tpu.memref_slice %arg4[%add3A_118] : memref<327680xi32, #tpu.memory_space<hbm>> -> memref<10240xi32, #tpu.memory_space<hbm>>
        tpu.wait_dma2 semaphore(%run_scoped3A : memref<!tpu.dma_semaphore, #tpu.memory_space<semaphore_mem>>) src(%dma_wait3A_121 : memref<10240xi32, #tpu.memory_space<hbm>>) dst(%arg9 : memref<10240xi32, #tpu.memory_space<vmem>>)
        tpu.yield
      }) : () -> ()
    } else {
    }
    %mul3A_66 = arith.constant 160 : i32
    %mul3A_67 = arith.muli %arg1, %mul3A_66 : i32
    %add3A_68 = arith.constant 80 : i32
    %add3A_69 = arith.addi %mul3A_67, %add3A_68 : i32
    "tpu.region"() ({
      %run_scoped3A = tpu.sem_alloc : memref<!tpu.dma_semaphore, #tpu.memory_space<semaphore_mem>>
      %dma_start3A_117 = arith.constant 0 : i32
      %dma_start3A_118 = tpu.memref_slice %arg5[%add3A_69, %dma_start3A_117] : memref<2560x128xi32, #tpu.memory_space<hbm>> -> memref<80x128xi32, #tpu.memory_space<hbm>>
      %dma_start3A_119 = arith.constant 0 : i32
      %dma_start3A_120 = tpu.memref_slice %arg5[%add3A_69, %dma_start3A_119] : memref<2560x128xi32, #tpu.memory_space<hbm>> -> memref<80x128xi32, #tpu.memory_space<hbm>>
      tpu.enqueue_dma source(%dma_start3A_120 : memref<80x128xi32, #tpu.memory_space<hbm>>) target(%arg10 : memref<80x128xi32, #tpu.memory_space<vmem>>) target_semaphore(%run_scoped3A : memref<!tpu.dma_semaphore, #tpu.memory_space<semaphore_mem>>)
      %dma_wait3A = arith.constant 0 : i32
      %dma_wait3A_121 = tpu.memref_slice %arg5[%add3A_69, %dma_wait3A] : memref<2560x128xi32, #tpu.memory_space<hbm>> -> memref<80x128xi32, #tpu.memory_space<hbm>>
      %dma_wait3A_122 = arith.constant 0 : i32
      %dma_wait3A_123 = tpu.memref_slice %arg5[%add3A_69, %dma_wait3A_122] : memref<2560x128xi32, #tpu.memory_space<hbm>> -> memref<80x128xi32, #tpu.memory_space<hbm>>
      tpu.wait_dma2 semaphore(%run_scoped3A : memref<!tpu.dma_semaphore, #tpu.memory_space<semaphore_mem>>) src(%dma_wait3A_123 : memref<80x128xi32, #tpu.memory_space<hbm>>) dst(%arg10 : memref<80x128xi32, #tpu.memory_space<vmem>>)
      tpu.yield
    }) : () -> ()
    %dma_start3A_70 = arith.constant 0 : i32
    %dma_start3A_71 = arith.constant 0 : i32
    %dma_start3A_72 = arith.constant 0 : i32
    %dma_start3A_73 = tpu.memref_slice %arg11[%dma_start3A_70, %dma_start3A_71, %dma_start3A_72] : memref<4x256x64xf32, #tpu.memory_space<vmem>> -> memref<1x256x64xf32, #tpu.memory_space<vmem>>
    %dma_start3A_74 = tpu.memref_squeeze %dma_start3A_73 : memref<1x256x64xf32, #tpu.memory_space<vmem>> -> memref<256x64xf32, #tpu.memory_space<vmem>>
    %dma_start3A_75 = arith.constant 0 : i32
    %dma_start3A_76 = tpu.memref_slice %arg9[%dma_start3A_75] : memref<10240xi32, #tpu.memory_space<vmem>> -> memref<256xi32, #tpu.memory_space<vmem>>
    %dma_start3A_77 = arith.constant 0 : i32
    %dma_start3A_78 = arith.constant 0 : i32
    %dma_start3A_79 = tpu.memref_slice %arg2[%dma_start3A_77, %dma_start3A_78] : memref<20000x64xf32, #tpu.memory_space<hbm>> -> memref<20000x64xf32, #tpu.memory_space<hbm>>
    tpu.enqueue_indirect_dma source(%dma_start3A_79 : memref<20000x64xf32, #tpu.memory_space<hbm>>) target(%dma_start3A_74 : memref<256x64xf32, #tpu.memory_space<vmem>>) offsets(%dma_start3A_76 : memref<256xi32, #tpu.memory_space<vmem>>) semaphore(%arg12 : memref<!tpu.dma_semaphore, #tpu.memory_space<semaphore_mem>>)
    %dma_start3A_80 = arith.constant 1 : i32
    %dma_start3A_81 = arith.constant 0 : i32
    %dma_start3A_82 = arith.constant 0 : i32
    %dma_start3A_83 = tpu.memref_slice %arg11[%dma_start3A_80, %dma_start3A_81, %dma_start3A_82] : memref<4x256x64xf32, #tpu.memory_space<vmem>> -> memref<1x256x64xf32, #tpu.memory_space<vmem>>
    %dma_start3A_84 = tpu.memref_squeeze %dma_start3A_83 : memref<1x256x64xf32, #tpu.memory_space<vmem>> -> memref<256x64xf32, #tpu.memory_space<vmem>>
    %dma_start3A_85 = arith.constant 256 : i32
    %dma_start3A_86 = tpu.memref_slice %arg9[%dma_start3A_85] : memref<10240xi32, #tpu.memory_space<vmem>> -> memref<256xi32, #tpu.memory_space<vmem>>
    %dma_start3A_87 = arith.constant 0 : i32
    %dma_start3A_88 = arith.constant 0 : i32
    %dma_start3A_89 = tpu.memref_slice %arg2[%dma_start3A_87, %dma_start3A_88] : memref<20000x64xf32, #tpu.memory_space<hbm>> -> memref<20000x64xf32, #tpu.memory_space<hbm>>
    tpu.enqueue_indirect_dma source(%dma_start3A_89 : memref<20000x64xf32, #tpu.memory_space<hbm>>) target(%dma_start3A_84 : memref<256x64xf32, #tpu.memory_space<vmem>>) offsets(%dma_start3A_86 : memref<256xi32, #tpu.memory_space<vmem>>) semaphore(%arg13 : memref<!tpu.dma_semaphore, #tpu.memory_space<semaphore_mem>>)
    %dma_start3A_90 = arith.constant 2 : i32
    %dma_start3A_91 = arith.constant 0 : i32
    %dma_start3A_92 = arith.constant 0 : i32
    %dma_start3A_93 = tpu.memref_slice %arg11[%dma_start3A_90, %dma_start3A_91, %dma_start3A_92] : memref<4x256x64xf32, #tpu.memory_space<vmem>> -> memref<1x256x64xf32, #tpu.memory_space<vmem>>
    %dma_start3A_94 = tpu.memref_squeeze %dma_start3A_93 : memref<1x256x64xf32, #tpu.memory_space<vmem>> -> memref<256x64xf32, #tpu.memory_space<vmem>>
    %dma_start3A_95 = arith.constant 512 : i32
    %dma_start3A_96 = tpu.memref_slice %arg9[%dma_start3A_95] : memref<10240xi32, #tpu.memory_space<vmem>> -> memref<256xi32, #tpu.memory_space<vmem>>
    %dma_start3A_97 = arith.constant 0 : i32
    %dma_start3A_98 = arith.constant 0 : i32
    %dma_start3A_99 = tpu.memref_slice %arg2[%dma_start3A_97, %dma_start3A_98] : memref<20000x64xf32, #tpu.memory_space<hbm>> -> memref<20000x64xf32, #tpu.memory_space<hbm>>
    tpu.enqueue_indirect_dma source(%dma_start3A_99 : memref<20000x64xf32, #tpu.memory_space<hbm>>) target(%dma_start3A_94 : memref<256x64xf32, #tpu.memory_space<vmem>>) offsets(%dma_start3A_96 : memref<256xi32, #tpu.memory_space<vmem>>) semaphore(%arg14 : memref<!tpu.dma_semaphore, #tpu.memory_space<semaphore_mem>>)
    %dma_start3A_100 = arith.constant 3 : i32
    %dma_start3A_101 = arith.constant 0 : i32
    %dma_start3A_102 = arith.constant 0 : i32
    %dma_start3A_103 = tpu.memref_slice %arg11[%dma_start3A_100, %dma_start3A_101, %dma_start3A_102] : memref<4x256x64xf32, #tpu.memory_space<vmem>> -> memref<1x256x64xf32, #tpu.memory_space<vmem>>
    %dma_start3A_104 = tpu.memref_squeeze %dma_start3A_103 : memref<1x256x64xf32, #tpu.memory_space<vmem>> -> memref<256x64xf32, #tpu.memory_space<vmem>>
    %dma_start3A_105 = arith.constant 768 : i32
    %dma_start3A_106 = tpu.memref_slice %arg9[%dma_start3A_105] : memref<10240xi32, #tpu.memory_space<vmem>> -> memref<256xi32, #tpu.memory_space<vmem>>
    %dma_start3A_107 = arith.constant 0 : i32
    %dma_start3A_108 = arith.constant 0 : i32
    %dma_start3A_109 = tpu.memref_slice %arg2[%dma_start3A_107, %dma_start3A_108] : memref<20000x64xf32, #tpu.memory_space<hbm>> -> memref<20000x64xf32, #tpu.memory_space<hbm>>
    tpu.enqueue_indirect_dma source(%dma_start3A_109 : memref<20000x64xf32, #tpu.memory_space<hbm>>) target(%dma_start3A_104 : memref<256x64xf32, #tpu.memory_space<vmem>>) offsets(%dma_start3A_106 : memref<256xi32, #tpu.memory_space<vmem>>) semaphore(%arg15 : memref<!tpu.dma_semaphore, #tpu.memory_space<semaphore_mem>>)
    %scan3A_110 = arith.constant 0 : i32
    %scan3A_111 = arith.constant 0 : i32
    %scan3A_112 = arith.constant 10 : i32
    %scan3A_113 = arith.addi %scan3A_111, %scan3A_112 : i32
    %scan3A_114 = arith.constant 1 : i32
    scf.for %scan3A_117 = %scan3A_111 to %scan3A_113 step %scan3A_114  : i32 {
      %mul3A_118 = arith.constant 4 : i32
      %mul3A_119 = arith.muli %mul3A_118, %scan3A_117 : i32
      %add3A_120 = arith.constant 0 : i32
      %add3A_121 = arith.addi %mul3A_119, %add3A_120 : i32
      %mul3A_122 = arith.constant 256 : i32
      %mul3A_123 = arith.muli %mul3A_122, %add3A_121 : i32
      %dma_wait3A = arith.constant 0 : i32
      %dma_wait3A_124 = arith.constant 0 : i32
      %dma_wait3A_125 = arith.constant 0 : i32
      %dma_wait3A_126 = tpu.memref_slice %arg11[%dma_wait3A, %dma_wait3A_124, %dma_wait3A_125] : memref<4x256x64xf32, #tpu.memory_space<vmem>> -> memref<1x256x64xf32, #tpu.memory_space<vmem>>
      %dma_wait3A_127 = tpu.memref_squeeze %dma_wait3A_126 : memref<1x256x64xf32, #tpu.memory_space<vmem>> -> memref<256x64xf32, #tpu.memory_space<vmem>>
      %dma_wait3A_128 = tpu.memref_slice %arg9[%mul3A_123] : memref<10240xi32, #tpu.memory_space<vmem>> -> memref<256xi32, #tpu.memory_space<vmem>>
      %dma_wait3A_129 = arith.constant 0 : i32
      %dma_wait3A_130 = arith.constant 0 : i32
      %dma_wait3A_131 = tpu.memref_slice %arg2[%dma_wait3A_129, %dma_wait3A_130] : memref<20000x64xf32, #tpu.memory_space<hbm>> -> memref<20000x64xf32, #tpu.memory_space<hbm>>
      tpu.wait_indirect_dma semaphore(%arg12 : memref<!tpu.dma_semaphore, #tpu.memory_space<semaphore_mem>>) src(%dma_wait3A_131 : memref<20000x64xf32, #tpu.memory_space<hbm>>) dst(%dma_wait3A_127 : memref<256x64xf32, #tpu.memory_space<vmem>>)
      %mul3A_132 = arith.constant 2 : i32
      %mul3A_133 = arith.muli %mul3A_132, %add3A_121 : i32
      %add3A_134 = arith.constant 0 : i32
      %add3A_135 = arith.addi %mul3A_133, %add3A_134 : i32
      %dma_start3A_136 = arith.constant 0 : i32
      %dma_start3A_137 = arith.constant 0 : i32
      %dma_start3A_138 = arith.constant 0 : i32
      %dma_start3A_139 = tpu.memref_slice %arg11[%dma_start3A_136, %dma_start3A_137, %dma_start3A_138] : memref<4x256x64xf32, #tpu.memory_space<vmem>> -> memref<1x128x64xf32, #tpu.memory_space<vmem>>
      %dma_start3A_140 = tpu.memref_squeeze %dma_start3A_139 : memref<1x128x64xf32, #tpu.memory_space<vmem>> -> memref<128x64xf32, #tpu.memory_space<vmem>>
      %dma_start3A_141 = arith.constant 0 : i32
      %dma_start3A_142 = tpu.memref_slice %arg10[%add3A_135, %dma_start3A_141] : memref<80x128xi32, #tpu.memory_space<vmem>> -> memref<1x128xi32, #tpu.memory_space<vmem>>
      %dma_start3A_143 = tpu.memref_squeeze %dma_start3A_142 : memref<1x128xi32, #tpu.memory_space<vmem>> -> memref<128xi32, #tpu.memory_space<vmem>>
      %dma_start3A_144 = arith.constant 0 : i32
      %dma_start3A_145 = arith.constant 0 : i32
      %dma_start3A_146 = tpu.memref_slice %arg8[%dma_start3A_144, %dma_start3A_145] : memref<10240x64xf32, #tpu.memory_space<vmem_shared>> -> memref<10240x64xf32, #tpu.memory_space<vmem_shared>>
      tpu.enqueue_indirect_dma source(%dma_start3A_140 : memref<128x64xf32, #tpu.memory_space<vmem>>) target(%dma_start3A_146 : memref<10240x64xf32, #tpu.memory_space<vmem_shared>>) offsets(%dma_start3A_143 : memref<128xi32, #tpu.memory_space<vmem>>) semaphore(%arg16 : memref<!tpu.dma_semaphore, #tpu.memory_space<semaphore_mem>>) {add = true}
      %mul3A_147 = arith.constant 2 : i32
      %mul3A_148 = arith.muli %mul3A_147, %add3A_121 : i32
      %add3A_149 = arith.constant 1 : i32
      %add3A_150 = arith.addi %mul3A_148, %add3A_149 : i32
      %dma_start3A_151 = arith.constant 0 : i32
      %dma_start3A_152 = arith.constant 128 : i32
      %dma_start3A_153 = arith.constant 0 : i32
      %dma_start3A_154 = tpu.memref_slice %arg11[%dma_start3A_151, %dma_start3A_152, %dma_start3A_153] : memref<4x256x64xf32, #tpu.memory_space<vmem>> -> memref<1x128x64xf32, #tpu.memory_space<vmem>>
      %dma_start3A_155 = tpu.memref_squeeze %dma_start3A_154 : memref<1x128x64xf32, #tpu.memory_space<vmem>> -> memref<128x64xf32, #tpu.memory_space<vmem>>
      %dma_start3A_156 = arith.constant 0 : i32
      %dma_start3A_157 = tpu.memref_slice %arg10[%add3A_150, %dma_start3A_156] : memref<80x128xi32, #tpu.memory_space<vmem>> -> memref<1x128xi32, #tpu.memory_space<vmem>>
      %dma_start3A_158 = tpu.memref_squeeze %dma_start3A_157 : memref<1x128xi32, #tpu.memory_space<vmem>> -> memref<128xi32, #tpu.memory_space<vmem>>
      %dma_start3A_159 = arith.constant 0 : i32
      %dma_start3A_160 = arith.constant 0 : i32
      %dma_start3A_161 = tpu.memref_slice %arg8[%dma_start3A_159, %dma_start3A_160] : memref<10240x64xf32, #tpu.memory_space<vmem_shared>> -> memref<10240x64xf32, #tpu.memory_space<vmem_shared>>
      tpu.enqueue_indirect_dma source(%dma_start3A_155 : memref<128x64xf32, #tpu.memory_space<vmem>>) target(%dma_start3A_161 : memref<10240x64xf32, #tpu.memory_space<vmem_shared>>) offsets(%dma_start3A_158 : memref<128xi32, #tpu.memory_space<vmem>>) semaphore(%arg16 : memref<!tpu.dma_semaphore, #tpu.memory_space<semaphore_mem>>) {add = true}
      %mul3A_162 = arith.constant 4 : i32
      %mul3A_163 = arith.muli %mul3A_162, %scan3A_117 : i32
      %add3A_164 = arith.constant 1 : i32
      %add3A_165 = arith.addi %mul3A_163, %add3A_164 : i32
      %mul3A_166 = arith.constant 256 : i32
      %mul3A_167 = arith.muli %mul3A_166, %add3A_165 : i32
      %dma_wait3A_168 = arith.constant 1 : i32
      %dma_wait3A_169 = arith.constant 0 : i32
      %dma_wait3A_170 = arith.constant 0 : i32
      %dma_wait3A_171 = tpu.memref_slice %arg11[%dma_wait3A_168, %dma_wait3A_169, %dma_wait3A_170] : memref<4x256x64xf32, #tpu.memory_space<vmem>> -> memref<1x256x64xf32, #tpu.memory_space<vmem>>
      %dma_wait3A_172 = tpu.memref_squeeze %dma_wait3A_171 : memref<1x256x64xf32, #tpu.memory_space<vmem>> -> memref<256x64xf32, #tpu.memory_space<vmem>>
      %dma_wait3A_173 = tpu.memref_slice %arg9[%mul3A_167] : memref<10240xi32, #tpu.memory_space<vmem>> -> memref<256xi32, #tpu.memory_space<vmem>>
      %dma_wait3A_174 = arith.constant 0 : i32
      %dma_wait3A_175 = arith.constant 0 : i32
      %dma_wait3A_176 = tpu.memref_slice %arg2[%dma_wait3A_174, %dma_wait3A_175] : memref<20000x64xf32, #tpu.memory_space<hbm>> -> memref<20000x64xf32, #tpu.memory_space<hbm>>
      tpu.wait_indirect_dma semaphore(%arg13 : memref<!tpu.dma_semaphore, #tpu.memory_space<semaphore_mem>>) src(%dma_wait3A_176 : memref<20000x64xf32, #tpu.memory_space<hbm>>) dst(%dma_wait3A_172 : memref<256x64xf32, #tpu.memory_space<vmem>>)
      %mul3A_177 = arith.constant 2 : i32
      %mul3A_178 = arith.muli %mul3A_177, %add3A_165 : i32
      %add3A_179 = arith.constant 0 : i32
      %add3A_180 = arith.addi %mul3A_178, %add3A_179 : i32
      %dma_start3A_181 = arith.constant 1 : i32
      %dma_start3A_182 = arith.constant 0 : i32
      %dma_start3A_183 = arith.constant 0 : i32
      %dma_start3A_184 = tpu.memref_slice %arg11[%dma_start3A_181, %dma_start3A_182, %dma_start3A_183] : memref<4x256x64xf32, #tpu.memory_space<vmem>> -> memref<1x128x64xf32, #tpu.memory_space<vmem>>
      %dma_start3A_185 = tpu.memref_squeeze %dma_start3A_184 : memref<1x128x64xf32, #tpu.memory_space<vmem>> -> memref<128x64xf32, #tpu.memory_space<vmem>>
      %dma_start3A_186 = arith.constant 0 : i32
      %dma_start3A_187 = tpu.memref_slice %arg10[%add3A_180, %dma_start3A_186] : memref<80x128xi32, #tpu.memory_space<vmem>> -> memref<1x128xi32, #tpu.memory_space<vmem>>
      %dma_start3A_188 = tpu.memref_squeeze %dma_start3A_187 : memref<1x128xi32, #tpu.memory_space<vmem>> -> memref<128xi32, #tpu.memory_space<vmem>>
      %dma_start3A_189 = arith.constant 0 : i32
      %dma_start3A_190 = arith.constant 0 : i32
      %dma_start3A_191 = tpu.memref_slice %arg8[%dma_start3A_189, %dma_start3A_190] : memref<10240x64xf32, #tpu.memory_space<vmem_shared>> -> memref<10240x64xf32, #tpu.memory_space<vmem_shared>>
      tpu.enqueue_indirect_dma source(%dma_start3A_185 : memref<128x64xf32, #tpu.memory_space<vmem>>) target(%dma_start3A_191 : memref<10240x64xf32, #tpu.memory_space<vmem_shared>>) offsets(%dma_start3A_188 : memref<128xi32, #tpu.memory_space<vmem>>) semaphore(%arg17 : memref<!tpu.dma_semaphore, #tpu.memory_space<semaphore_mem>>) {add = true}
      %mul3A_192 = arith.constant 2 : i32
      %mul3A_193 = arith.muli %mul3A_192, %add3A_165 : i32
      %add3A_194 = arith.constant 1 : i32
      %add3A_195 = arith.addi %mul3A_193, %add3A_194 : i32
      %dma_start3A_196 = arith.constant 1 : i32
      %dma_start3A_197 = arith.constant 128 : i32
      %dma_start3A_198 = arith.constant 0 : i32
      %dma_start3A_199 = tpu.memref_slice %arg11[%dma_start3A_196, %dma_start3A_197, %dma_start3A_198] : memref<4x256x64xf32, #tpu.memory_space<vmem>> -> memref<1x128x64xf32, #tpu.memory_space<vmem>>
      %dma_start3A_200 = tpu.memref_squeeze %dma_start3A_199 : memref<1x128x64xf32, #tpu.memory_space<vmem>> -> memref<128x64xf32, #tpu.memory_space<vmem>>
      %dma_start3A_201 = arith.constant 0 : i32
      %dma_start3A_202 = tpu.memref_slice %arg10[%add3A_195, %dma_start3A_201] : memref<80x128xi32, #tpu.memory_space<vmem>> -> memref<1x128xi32, #tpu.memory_space<vmem>>
      %dma_start3A_203 = tpu.memref_squeeze %dma_start3A_202 : memref<1x128xi32, #tpu.memory_space<vmem>> -> memref<128xi32, #tpu.memory_space<vmem>>
      %dma_start3A_204 = arith.constant 0 : i32
      %dma_start3A_205 = arith.constant 0 : i32
      %dma_start3A_206 = tpu.memref_slice %arg8[%dma_start3A_204, %dma_start3A_205] : memref<10240x64xf32, #tpu.memory_space<vmem_shared>> -> memref<10240x64xf32, #tpu.memory_space<vmem_shared>>
      tpu.enqueue_indirect_dma source(%dma_start3A_200 : memref<128x64xf32, #tpu.memory_space<vmem>>) target(%dma_start3A_206 : memref<10240x64xf32, #tpu.memory_space<vmem_shared>>) offsets(%dma_start3A_203 : memref<128xi32, #tpu.memory_space<vmem>>) semaphore(%arg17 : memref<!tpu.dma_semaphore, #tpu.memory_space<semaphore_mem>>) {add = true}
      %mul3A_207 = arith.constant 4 : i32
      %mul3A_208 = arith.muli %mul3A_207, %scan3A_117 : i32
      %add3A_209 = arith.constant 2 : i32
      %add3A_210 = arith.addi %mul3A_208, %add3A_209 : i32
      %mul3A_211 = arith.constant 256 : i32
      %mul3A_212 = arith.muli %mul3A_211, %add3A_210 : i32
      %dma_wait3A_213 = arith.constant 2 : i32
      %dma_wait3A_214 = arith.constant 0 : i32
      %dma_wait3A_215 = arith.constant 0 : i32
      %dma_wait3A_216 = tpu.memref_slice %arg11[%dma_wait3A_213, %dma_wait3A_214, %dma_wait3A_215] : memref<4x256x64xf32, #tpu.memory_space<vmem>> -> memref<1x256x64xf32, #tpu.memory_space<vmem>>
      %dma_wait3A_217 = tpu.memref_squeeze %dma_wait3A_216 : memref<1x256x64xf32, #tpu.memory_space<vmem>> -> memref<256x64xf32, #tpu.memory_space<vmem>>
      %dma_wait3A_218 = tpu.memref_slice %arg9[%mul3A_212] : memref<10240xi32, #tpu.memory_space<vmem>> -> memref<256xi32, #tpu.memory_space<vmem>>
      %dma_wait3A_219 = arith.constant 0 : i32
      %dma_wait3A_220 = arith.constant 0 : i32
      %dma_wait3A_221 = tpu.memref_slice %arg2[%dma_wait3A_219, %dma_wait3A_220] : memref<20000x64xf32, #tpu.memory_space<hbm>> -> memref<20000x64xf32, #tpu.memory_space<hbm>>
      tpu.wait_indirect_dma semaphore(%arg14 : memref<!tpu.dma_semaphore, #tpu.memory_space<semaphore_mem>>) src(%dma_wait3A_221 : memref<20000x64xf32, #tpu.memory_space<hbm>>) dst(%dma_wait3A_217 : memref<256x64xf32, #tpu.memory_space<vmem>>)
      %mul3A_222 = arith.constant 2 : i32
      %mul3A_223 = arith.muli %mul3A_222, %add3A_210 : i32
      %add3A_224 = arith.constant 0 : i32
      %add3A_225 = arith.addi %mul3A_223, %add3A_224 : i32
      %dma_start3A_226 = arith.constant 2 : i32
      %dma_start3A_227 = arith.constant 0 : i32
      %dma_start3A_228 = arith.constant 0 : i32
      %dma_start3A_229 = tpu.memref_slice %arg11[%dma_start3A_226, %dma_start3A_227, %dma_start3A_228] : memref<4x256x64xf32, #tpu.memory_space<vmem>> -> memref<1x128x64xf32, #tpu.memory_space<vmem>>
      %dma_start3A_230 = tpu.memref_squeeze %dma_start3A_229 : memref<1x128x64xf32, #tpu.memory_space<vmem>> -> memref<128x64xf32, #tpu.memory_space<vmem>>
      %dma_start3A_231 = arith.constant 0 : i32
      %dma_start3A_232 = tpu.memref_slice %arg10[%add3A_225, %dma_start3A_231] : memref<80x128xi32, #tpu.memory_space<vmem>> -> memref<1x128xi32, #tpu.memory_space<vmem>>
      %dma_start3A_233 = tpu.memref_squeeze %dma_start3A_232 : memref<1x128xi32, #tpu.memory_space<vmem>> -> memref<128xi32, #tpu.memory_space<vmem>>
      %dma_start3A_234 = arith.constant 0 : i32
      %dma_start3A_235 = arith.constant 0 : i32
      %dma_start3A_236 = tpu.memref_slice %arg8[%dma_start3A_234, %dma_start3A_235] : memref<10240x64xf32, #tpu.memory_space<vmem_shared>> -> memref<10240x64xf32, #tpu.memory_space<vmem_shared>>
      tpu.enqueue_indirect_dma source(%dma_start3A_230 : memref<128x64xf32, #tpu.memory_space<vmem>>) target(%dma_start3A_236 : memref<10240x64xf32, #tpu.memory_space<vmem_shared>>) offsets(%dma_start3A_233 : memref<128xi32, #tpu.memory_space<vmem>>) semaphore(%arg18 : memref<!tpu.dma_semaphore, #tpu.memory_space<semaphore_mem>>) {add = true}
      %mul3A_237 = arith.constant 2 : i32
      %mul3A_238 = arith.muli %mul3A_237, %add3A_210 : i32
      %add3A_239 = arith.constant 1 : i32
      %add3A_240 = arith.addi %mul3A_238, %add3A_239 : i32
      %dma_start3A_241 = arith.constant 2 : i32
      %dma_start3A_242 = arith.constant 128 : i32
      %dma_start3A_243 = arith.constant 0 : i32
      %dma_start3A_244 = tpu.memref_slice %arg11[%dma_start3A_241, %dma_start3A_242, %dma_start3A_243] : memref<4x256x64xf32, #tpu.memory_space<vmem>> -> memref<1x128x64xf32, #tpu.memory_space<vmem>>
      %dma_start3A_245 = tpu.memref_squeeze %dma_start3A_244 : memref<1x128x64xf32, #tpu.memory_space<vmem>> -> memref<128x64xf32, #tpu.memory_space<vmem>>
      %dma_start3A_246 = arith.constant 0 : i32
      %dma_start3A_247 = tpu.memref_slice %arg10[%add3A_240, %dma_start3A_246] : memref<80x128xi32, #tpu.memory_space<vmem>> -> memref<1x128xi32, #tpu.memory_space<vmem>>
      %dma_start3A_248 = tpu.memref_squeeze %dma_start3A_247 : memref<1x128xi32, #tpu.memory_space<vmem>> -> memref<128xi32, #tpu.memory_space<vmem>>
      %dma_start3A_249 = arith.constant 0 : i32
      %dma_start3A_250 = arith.constant 0 : i32
      %dma_start3A_251 = tpu.memref_slice %arg8[%dma_start3A_249, %dma_start3A_250] : memref<10240x64xf32, #tpu.memory_space<vmem_shared>> -> memref<10240x64xf32, #tpu.memory_space<vmem_shared>>
      tpu.enqueue_indirect_dma source(%dma_start3A_245 : memref<128x64xf32, #tpu.memory_space<vmem>>) target(%dma_start3A_251 : memref<10240x64xf32, #tpu.memory_space<vmem_shared>>) offsets(%dma_start3A_248 : memref<128xi32, #tpu.memory_space<vmem>>) semaphore(%arg18 : memref<!tpu.dma_semaphore, #tpu.memory_space<semaphore_mem>>) {add = true}
      %mul3A_252 = arith.constant 4 : i32
      %mul3A_253 = arith.muli %mul3A_252, %scan3A_117 : i32
      %add3A_254 = arith.constant 3 : i32
      %add3A_255 = arith.addi %mul3A_253, %add3A_254 : i32
      %mul3A_256 = arith.constant 256 : i32
      %mul3A_257 = arith.muli %mul3A_256, %add3A_255 : i32
      %dma_wait3A_258 = arith.constant 3 : i32
      %dma_wait3A_259 = arith.constant 0 : i32
      %dma_wait3A_260 = arith.constant 0 : i32
      %dma_wait3A_261 = tpu.memref_slice %arg11[%dma_wait3A_258, %dma_wait3A_259, %dma_wait3A_260] : memref<4x256x64xf32, #tpu.memory_space<vmem>> -> memref<1x256x64xf32, #tpu.memory_space<vmem>>
      %dma_wait3A_262 = tpu.memref_squeeze %dma_wait3A_261 : memref<1x256x64xf32, #tpu.memory_space<vmem>> -> memref<256x64xf32, #tpu.memory_space<vmem>>
      %dma_wait3A_263 = tpu.memref_slice %arg9[%mul3A_257] : memref<10240xi32, #tpu.memory_space<vmem>> -> memref<256xi32, #tpu.memory_space<vmem>>
      %dma_wait3A_264 = arith.constant 0 : i32
      %dma_wait3A_265 = arith.constant 0 : i32
      %dma_wait3A_266 = tpu.memref_slice %arg2[%dma_wait3A_264, %dma_wait3A_265] : memref<20000x64xf32, #tpu.memory_space<hbm>> -> memref<20000x64xf32, #tpu.memory_space<hbm>>
      tpu.wait_indirect_dma semaphore(%arg15 : memref<!tpu.dma_semaphore, #tpu.memory_space<semaphore_mem>>) src(%dma_wait3A_266 : memref<20000x64xf32, #tpu.memory_space<hbm>>) dst(%dma_wait3A_262 : memref<256x64xf32, #tpu.memory_space<vmem>>)
      %mul3A_267 = arith.constant 2 : i32
      %mul3A_268 = arith.muli %mul3A_267, %add3A_255 : i32
      %add3A_269 = arith.constant 0 : i32
      %add3A_270 = arith.addi %mul3A_268, %add3A_269 : i32
      %dma_start3A_271 = arith.constant 3 : i32
      %dma_start3A_272 = arith.constant 0 : i32
      %dma_start3A_273 = arith.constant 0 : i32
      %dma_start3A_274 = tpu.memref_slice %arg11[%dma_start3A_271, %dma_start3A_272, %dma_start3A_273] : memref<4x256x64xf32, #tpu.memory_space<vmem>> -> memref<1x128x64xf32, #tpu.memory_space<vmem>>
      %dma_start3A_275 = tpu.memref_squeeze %dma_start3A_274 : memref<1x128x64xf32, #tpu.memory_space<vmem>> -> memref<128x64xf32, #tpu.memory_space<vmem>>
      %dma_start3A_276 = arith.constant 0 : i32
      %dma_start3A_277 = tpu.memref_slice %arg10[%add3A_270, %dma_start3A_276] : memref<80x128xi32, #tpu.memory_space<vmem>> -> memref<1x128xi32, #tpu.memory_space<vmem>>
      %dma_start3A_278 = tpu.memref_squeeze %dma_start3A_277 : memref<1x128xi32, #tpu.memory_space<vmem>> -> memref<128xi32, #tpu.memory_space<vmem>>
      %dma_start3A_279 = arith.constant 0 : i32
      %dma_start3A_280 = arith.constant 0 : i32
      %dma_start3A_281 = tpu.memref_slice %arg8[%dma_start3A_279, %dma_start3A_280] : memref<10240x64xf32, #tpu.memory_space<vmem_shared>> -> memref<10240x64xf32, #tpu.memory_space<vmem_shared>>
      tpu.enqueue_indirect_dma source(%dma_start3A_275 : memref<128x64xf32, #tpu.memory_space<vmem>>) target(%dma_start3A_281 : memref<10240x64xf32, #tpu.memory_space<vmem_shared>>) offsets(%dma_start3A_278 : memref<128xi32, #tpu.memory_space<vmem>>) semaphore(%arg19 : memref<!tpu.dma_semaphore, #tpu.memory_space<semaphore_mem>>) {add = true}
      %mul3A_282 = arith.constant 2 : i32
      %mul3A_283 = arith.muli %mul3A_282, %add3A_255 : i32
      %add3A_284 = arith.constant 1 : i32
      %add3A_285 = arith.addi %mul3A_283, %add3A_284 : i32
      %dma_start3A_286 = arith.constant 3 : i32
      %dma_start3A_287 = arith.constant 128 : i32
      %dma_start3A_288 = arith.constant 0 : i32
      %dma_start3A_289 = tpu.memref_slice %arg11[%dma_start3A_286, %dma_start3A_287, %dma_start3A_288] : memref<4x256x64xf32, #tpu.memory_space<vmem>> -> memref<1x128x64xf32, #tpu.memory_space<vmem>>
      %dma_start3A_290 = tpu.memref_squeeze %dma_start3A_289 : memref<1x128x64xf32, #tpu.memory_space<vmem>> -> memref<128x64xf32, #tpu.memory_space<vmem>>
      %dma_start3A_291 = arith.constant 0 : i32
      %dma_start3A_292 = tpu.memref_slice %arg10[%add3A_285, %dma_start3A_291] : memref<80x128xi32, #tpu.memory_space<vmem>> -> memref<1x128xi32, #tpu.memory_space<vmem>>
      %dma_start3A_293 = tpu.memref_squeeze %dma_start3A_292 : memref<1x128xi32, #tpu.memory_space<vmem>> -> memref<128xi32, #tpu.memory_space<vmem>>
      %dma_start3A_294 = arith.constant 0 : i32
      %dma_start3A_295 = arith.constant 0 : i32
      %dma_start3A_296 = tpu.memref_slice %arg8[%dma_start3A_294, %dma_start3A_295] : memref<10240x64xf32, #tpu.memory_space<vmem_shared>> -> memref<10240x64xf32, #tpu.memory_space<vmem_shared>>
      tpu.enqueue_indirect_dma source(%dma_start3A_290 : memref<128x64xf32, #tpu.memory_space<vmem>>) target(%dma_start3A_296 : memref<10240x64xf32, #tpu.memory_space<vmem_shared>>) offsets(%dma_start3A_293 : memref<128xi32, #tpu.memory_space<vmem>>) semaphore(%arg19 : memref<!tpu.dma_semaphore, #tpu.memory_space<semaphore_mem>>) {add = true}
      %mul3A_297 = arith.constant 4 : i32
      %mul3A_298 = arith.muli %mul3A_297, %scan3A_117 : i32
      %add3A_299 = arith.constant 0 : i32
      %add3A_300 = arith.addi %mul3A_298, %add3A_299 : i32
      %add3A_301 = arith.constant 4 : i32
      %add3A_302 = arith.addi %add3A_300, %add3A_301 : i32
      %mul3A_303 = arith.constant 2 : i32
      %mul3A_304 = arith.muli %mul3A_303, %add3A_300 : i32
      %add3A_305 = arith.constant 0 : i32
      %add3A_306 = arith.addi %mul3A_304, %add3A_305 : i32
      %dma_wait3A_307 = arith.constant 0 : i32
      %dma_wait3A_308 = arith.constant 0 : i32
      %dma_wait3A_309 = arith.constant 0 : i32
      %dma_wait3A_310 = tpu.memref_slice %arg11[%dma_wait3A_307, %dma_wait3A_308, %dma_wait3A_309] : memref<4x256x64xf32, #tpu.memory_space<vmem>> -> memref<1x128x64xf32, #tpu.memory_space<vmem>>
      %dma_wait3A_311 = tpu.memref_squeeze %dma_wait3A_310 : memref<1x128x64xf32, #tpu.memory_space<vmem>> -> memref<128x64xf32, #tpu.memory_space<vmem>>
      %dma_wait3A_312 = arith.constant 0 : i32
      %dma_wait3A_313 = tpu.memref_slice %arg10[%add3A_306, %dma_wait3A_312] : memref<80x128xi32, #tpu.memory_space<vmem>> -> memref<1x128xi32, #tpu.memory_space<vmem>>
      %dma_wait3A_314 = tpu.memref_squeeze %dma_wait3A_313 : memref<1x128xi32, #tpu.memory_space<vmem>> -> memref<128xi32, #tpu.memory_space<vmem>>
      %dma_wait3A_315 = arith.constant 0 : i32
      %dma_wait3A_316 = arith.constant 0 : i32
      %dma_wait3A_317 = tpu.memref_slice %arg8[%dma_wait3A_315, %dma_wait3A_316] : memref<10240x64xf32, #tpu.memory_space<vmem_shared>> -> memref<10240x64xf32, #tpu.memory_space<vmem_shared>>
      tpu.wait_indirect_dma semaphore(%arg16 : memref<!tpu.dma_semaphore, #tpu.memory_space<semaphore_mem>>) src(%dma_wait3A_311 : memref<128x64xf32, #tpu.memory_space<vmem>>) dst(%dma_wait3A_317 : memref<10240x64xf32, #tpu.memory_space<vmem_shared>>)
      %mul3A_318 = arith.constant 2 : i32
      %mul3A_319 = arith.muli %mul3A_318, %add3A_300 : i32
      %add3A_320 = arith.constant 1 : i32
      %add3A_321 = arith.addi %mul3A_319, %add3A_320 : i32
      %dma_wait3A_322 = arith.constant 0 : i32
      %dma_wait3A_323 = arith.constant 128 : i32
      %dma_wait3A_324 = arith.constant 0 : i32
      %dma_wait3A_325 = tpu.memref_slice %arg11[%dma_wait3A_322, %dma_wait3A_323, %dma_wait3A_324] : memref<4x256x64xf32, #tpu.memory_space<vmem>> -> memref<1x128x64xf32, #tpu.memory_space<vmem>>
      %dma_wait3A_326 = tpu.memref_squeeze %dma_wait3A_325 : memref<1x128x64xf32, #tpu.memory_space<vmem>> -> memref<128x64xf32, #tpu.memory_space<vmem>>
      %dma_wait3A_327 = arith.constant 0 : i32
      %dma_wait3A_328 = tpu.memref_slice %arg10[%add3A_321, %dma_wait3A_327] : memref<80x128xi32, #tpu.memory_space<vmem>> -> memref<1x128xi32, #tpu.memory_space<vmem>>
      %dma_wait3A_329 = tpu.memref_squeeze %dma_wait3A_328 : memref<1x128xi32, #tpu.memory_space<vmem>> -> memref<128xi32, #tpu.memory_space<vmem>>
      %dma_wait3A_330 = arith.constant 0 : i32
      %dma_wait3A_331 = arith.constant 0 : i32
      %dma_wait3A_332 = tpu.memref_slice %arg8[%dma_wait3A_330, %dma_wait3A_331] : memref<10240x64xf32, #tpu.memory_space<vmem_shared>> -> memref<10240x64xf32, #tpu.memory_space<vmem_shared>>
      tpu.wait_indirect_dma semaphore(%arg16 : memref<!tpu.dma_semaphore, #tpu.memory_space<semaphore_mem>>) src(%dma_wait3A_326 : memref<128x64xf32, #tpu.memory_space<vmem>>) dst(%dma_wait3A_332 : memref<10240x64xf32, #tpu.memory_space<vmem_shared>>)
      %lt3A = arith.constant 40 : i32
      %lt3A_333 = arith.cmpi slt, %add3A_302, %lt3A : i32
      %convert_element_type3A_334 = arith.extui %lt3A_333 : i1 to i32
      %cond3A_335 = arith.constant 0 : i32
      %cond3A_336 = arith.cmpi ne, %convert_element_type3A_334, %cond3A_335 : i32
      scf.if %cond3A_336 {
        %mul3A_460 = arith.constant 256 : i32
        %mul3A_461 = arith.muli %mul3A_460, %add3A_302 : i32
        %dma_start3A_462 = arith.constant 0 : i32
        %dma_start3A_463 = arith.constant 0 : i32
        %dma_start3A_464 = arith.constant 0 : i32
        %dma_start3A_465 = tpu.memref_slice %arg11[%dma_start3A_462, %dma_start3A_463, %dma_start3A_464] : memref<4x256x64xf32, #tpu.memory_space<vmem>> -> memref<1x256x64xf32, #tpu.memory_space<vmem>>
        %dma_start3A_466 = tpu.memref_squeeze %dma_start3A_465 : memref<1x256x64xf32, #tpu.memory_space<vmem>> -> memref<256x64xf32, #tpu.memory_space<vmem>>
        %dma_start3A_467 = tpu.memref_slice %arg9[%mul3A_461] : memref<10240xi32, #tpu.memory_space<vmem>> -> memref<256xi32, #tpu.memory_space<vmem>>
        %dma_start3A_468 = arith.constant 0 : i32
        %dma_start3A_469 = arith.constant 0 : i32
        %dma_start3A_470 = tpu.memref_slice %arg2[%dma_start3A_468, %dma_start3A_469] : memref<20000x64xf32, #tpu.memory_space<hbm>> -> memref<20000x64xf32, #tpu.memory_space<hbm>>
        tpu.enqueue_indirect_dma source(%dma_start3A_470 : memref<20000x64xf32, #tpu.memory_space<hbm>>) target(%dma_start3A_466 : memref<256x64xf32, #tpu.memory_space<vmem>>) offsets(%dma_start3A_467 : memref<256xi32, #tpu.memory_space<vmem>>) semaphore(%arg12 : memref<!tpu.dma_semaphore, #tpu.memory_space<semaphore_mem>>)
      } else {
      }
      %mul3A_337 = arith.constant 4 : i32
      %mul3A_338 = arith.muli %mul3A_337, %scan3A_117 : i32
      %add3A_339 = arith.constant 1 : i32
      %add3A_340 = arith.addi %mul3A_338, %add3A_339 : i32
      %add3A_341 = arith.constant 4 : i32
      %add3A_342 = arith.addi %add3A_340, %add3A_341 : i32
      %mul3A_343 = arith.constant 2 : i32
      %mul3A_344 = arith.muli %mul3A_343, %add3A_340 : i32
      %add3A_345 = arith.constant 0 : i32
      %add3A_346 = arith.addi %mul3A_344, %add3A_345 : i32
      %dma_wait3A_347 = arith.constant 1 : i32
      %dma_wait3A_348 = arith.constant 0 : i32
      %dma_wait3A_349 = arith.constant 0 : i32
      %dma_wait3A_350 = tpu.memref_slice %arg11[%dma_wait3A_347, %dma_wait3A_348, %dma_wait3A_349] : memref<4x256x64xf32, #tpu.memory_space<vmem>> -> memref<1x128x64xf32, #tpu.memory_space<vmem>>
      %dma_wait3A_351 = tpu.memref_squeeze %dma_wait3A_350 : memref<1x128x64xf32, #tpu.memory_space<vmem>> -> memref<128x64xf32, #tpu.memory_space<vmem>>
      %dma_wait3A_352 = arith.constant 0 : i32
      %dma_wait3A_353 = tpu.memref_slice %arg10[%add3A_346, %dma_wait3A_352] : memref<80x128xi32, #tpu.memory_space<vmem>> -> memref<1x128xi32, #tpu.memory_space<vmem>>
      %dma_wait3A_354 = tpu.memref_squeeze %dma_wait3A_353 : memref<1x128xi32, #tpu.memory_space<vmem>> -> memref<128xi32, #tpu.memory_space<vmem>>
      %dma_wait3A_355 = arith.constant 0 : i32
      %dma_wait3A_356 = arith.constant 0 : i32
      %dma_wait3A_357 = tpu.memref_slice %arg8[%dma_wait3A_355, %dma_wait3A_356] : memref<10240x64xf32, #tpu.memory_space<vmem_shared>> -> memref<10240x64xf32, #tpu.memory_space<vmem_shared>>
      tpu.wait_indirect_dma semaphore(%arg17 : memref<!tpu.dma_semaphore, #tpu.memory_space<semaphore_mem>>) src(%dma_wait3A_351 : memref<128x64xf32, #tpu.memory_space<vmem>>) dst(%dma_wait3A_357 : memref<10240x64xf32, #tpu.memory_space<vmem_shared>>)
      %mul3A_358 = arith.constant 2 : i32
      %mul3A_359 = arith.muli %mul3A_358, %add3A_340 : i32
      %add3A_360 = arith.constant 1 : i32
      %add3A_361 = arith.addi %mul3A_359, %add3A_360 : i32
      %dma_wait3A_362 = arith.constant 1 : i32
      %dma_wait3A_363 = arith.constant 128 : i32
      %dma_wait3A_364 = arith.constant 0 : i32
      %dma_wait3A_365 = tpu.memref_slice %arg11[%dma_wait3A_362, %dma_wait3A_363, %dma_wait3A_364] : memref<4x256x64xf32, #tpu.memory_space<vmem>> -> memref<1x128x64xf32, #tpu.memory_space<vmem>>
      %dma_wait3A_366 = tpu.memref_squeeze %dma_wait3A_365 : memref<1x128x64xf32, #tpu.memory_space<vmem>> -> memref<128x64xf32, #tpu.memory_space<vmem>>
      %dma_wait3A_367 = arith.constant 0 : i32
      %dma_wait3A_368 = tpu.memref_slice %arg10[%add3A_361, %dma_wait3A_367] : memref<80x128xi32, #tpu.memory_space<vmem>> -> memref<1x128xi32, #tpu.memory_space<vmem>>
      %dma_wait3A_369 = tpu.memref_squeeze %dma_wait3A_368 : memref<1x128xi32, #tpu.memory_space<vmem>> -> memref<128xi32, #tpu.memory_space<vmem>>
      %dma_wait3A_370 = arith.constant 0 : i32
      %dma_wait3A_371 = arith.constant 0 : i32
      %dma_wait3A_372 = tpu.memref_slice %arg8[%dma_wait3A_370, %dma_wait3A_371] : memref<10240x64xf32, #tpu.memory_space<vmem_shared>> -> memref<10240x64xf32, #tpu.memory_space<vmem_shared>>
      tpu.wait_indirect_dma semaphore(%arg17 : memref<!tpu.dma_semaphore, #tpu.memory_space<semaphore_mem>>) src(%dma_wait3A_366 : memref<128x64xf32, #tpu.memory_space<vmem>>) dst(%dma_wait3A_372 : memref<10240x64xf32, #tpu.memory_space<vmem_shared>>)
      %lt3A_373 = arith.constant 40 : i32
      %lt3A_374 = arith.cmpi slt, %add3A_342, %lt3A_373 : i32
      %convert_element_type3A_375 = arith.extui %lt3A_374 : i1 to i32
      %cond3A_376 = arith.constant 0 : i32
      %cond3A_377 = arith.cmpi ne, %convert_element_type3A_375, %cond3A_376 : i32
      scf.if %cond3A_377 {
        %mul3A_460 = arith.constant 256 : i32
        %mul3A_461 = arith.muli %mul3A_460, %add3A_342 : i32
        %dma_start3A_462 = arith.constant 1 : i32
        %dma_start3A_463 = arith.constant 0 : i32
        %dma_start3A_464 = arith.constant 0 : i32
        %dma_start3A_465 = tpu.memref_slice %arg11[%dma_start3A_462, %dma_start3A_463, %dma_start3A_464] : memref<4x256x64xf32, #tpu.memory_space<vmem>> -> memref<1x256x64xf32, #tpu.memory_space<vmem>>
        %dma_start3A_466 = tpu.memref_squeeze %dma_start3A_465 : memref<1x256x64xf32, #tpu.memory_space<vmem>> -> memref<256x64xf32, #tpu.memory_space<vmem>>
        %dma_start3A_467 = tpu.memref_slice %arg9[%mul3A_461] : memref<10240xi32, #tpu.memory_space<vmem>> -> memref<256xi32, #tpu.memory_space<vmem>>
        %dma_start3A_468 = arith.constant 0 : i32
        %dma_start3A_469 = arith.constant 0 : i32
        %dma_start3A_470 = tpu.memref_slice %arg2[%dma_start3A_468, %dma_start3A_469] : memref<20000x64xf32, #tpu.memory_space<hbm>> -> memref<20000x64xf32, #tpu.memory_space<hbm>>
        tpu.enqueue_indirect_dma source(%dma_start3A_470 : memref<20000x64xf32, #tpu.memory_space<hbm>>) target(%dma_start3A_466 : memref<256x64xf32, #tpu.memory_space<vmem>>) offsets(%dma_start3A_467 : memref<256xi32, #tpu.memory_space<vmem>>) semaphore(%arg13 : memref<!tpu.dma_semaphore, #tpu.memory_space<semaphore_mem>>)
      } else {
      }
      %mul3A_378 = arith.constant 4 : i32
      %mul3A_379 = arith.muli %mul3A_378, %scan3A_117 : i32
      %add3A_380 = arith.constant 2 : i32
      %add3A_381 = arith.addi %mul3A_379, %add3A_380 : i32
      %add3A_382 = arith.constant 4 : i32
      %add3A_383 = arith.addi %add3A_381, %add3A_382 : i32
      %mul3A_384 = arith.constant 2 : i32
      %mul3A_385 = arith.muli %mul3A_384, %add3A_381 : i32
      %add3A_386 = arith.constant 0 : i32
      %add3A_387 = arith.addi %mul3A_385, %add3A_386 : i32
      %dma_wait3A_388 = arith.constant 2 : i32
      %dma_wait3A_389 = arith.constant 0 : i32
      %dma_wait3A_390 = arith.constant 0 : i32
      %dma_wait3A_391 = tpu.memref_slice %arg11[%dma_wait3A_388, %dma_wait3A_389, %dma_wait3A_390] : memref<4x256x64xf32, #tpu.memory_space<vmem>> -> memref<1x128x64xf32, #tpu.memory_space<vmem>>
      %dma_wait3A_392 = tpu.memref_squeeze %dma_wait3A_391 : memref<1x128x64xf32, #tpu.memory_space<vmem>> -> memref<128x64xf32, #tpu.memory_space<vmem>>
      %dma_wait3A_393 = arith.constant 0 : i32
      %dma_wait3A_394 = tpu.memref_slice %arg10[%add3A_387, %dma_wait3A_393] : memref<80x128xi32, #tpu.memory_space<vmem>> -> memref<1x128xi32, #tpu.memory_space<vmem>>
      %dma_wait3A_395 = tpu.memref_squeeze %dma_wait3A_394 : memref<1x128xi32, #tpu.memory_space<vmem>> -> memref<128xi32, #tpu.memory_space<vmem>>
      %dma_wait3A_396 = arith.constant 0 : i32
      %dma_wait3A_397 = arith.constant 0 : i32
      %dma_wait3A_398 = tpu.memref_slice %arg8[%dma_wait3A_396, %dma_wait3A_397] : memref<10240x64xf32, #tpu.memory_space<vmem_shared>> -> memref<10240x64xf32, #tpu.memory_space<vmem_shared>>
      tpu.wait_indirect_dma semaphore(%arg18 : memref<!tpu.dma_semaphore, #tpu.memory_space<semaphore_mem>>) src(%dma_wait3A_392 : memref<128x64xf32, #tpu.memory_space<vmem>>) dst(%dma_wait3A_398 : memref<10240x64xf32, #tpu.memory_space<vmem_shared>>)
      %mul3A_399 = arith.constant 2 : i32
      %mul3A_400 = arith.muli %mul3A_399, %add3A_381 : i32
      %add3A_401 = arith.constant 1 : i32
      %add3A_402 = arith.addi %mul3A_400, %add3A_401 : i32
      %dma_wait3A_403 = arith.constant 2 : i32
      %dma_wait3A_404 = arith.constant 128 : i32
      %dma_wait3A_405 = arith.constant 0 : i32
      %dma_wait3A_406 = tpu.memref_slice %arg11[%dma_wait3A_403, %dma_wait3A_404, %dma_wait3A_405] : memref<4x256x64xf32, #tpu.memory_space<vmem>> -> memref<1x128x64xf32, #tpu.memory_space<vmem>>
      %dma_wait3A_407 = tpu.memref_squeeze %dma_wait3A_406 : memref<1x128x64xf32, #tpu.memory_space<vmem>> -> memref<128x64xf32, #tpu.memory_space<vmem>>
      %dma_wait3A_408 = arith.constant 0 : i32
      %dma_wait3A_409 = tpu.memref_slice %arg10[%add3A_402, %dma_wait3A_408] : memref<80x128xi32, #tpu.memory_space<vmem>> -> memref<1x128xi32, #tpu.memory_space<vmem>>
      %dma_wait3A_410 = tpu.memref_squeeze %dma_wait3A_409 : memref<1x128xi32, #tpu.memory_space<vmem>> -> memref<128xi32, #tpu.memory_space<vmem>>
      %dma_wait3A_411 = arith.constant 0 : i32
      %dma_wait3A_412 = arith.constant 0 : i32
      %dma_wait3A_413 = tpu.memref_slice %arg8[%dma_wait3A_411, %dma_wait3A_412] : memref<10240x64xf32, #tpu.memory_space<vmem_shared>> -> memref<10240x64xf32, #tpu.memory_space<vmem_shared>>
      tpu.wait_indirect_dma semaphore(%arg18 : memref<!tpu.dma_semaphore, #tpu.memory_space<semaphore_mem>>) src(%dma_wait3A_407 : memref<128x64xf32, #tpu.memory_space<vmem>>) dst(%dma_wait3A_413 : memref<10240x64xf32, #tpu.memory_space<vmem_shared>>)
      %lt3A_414 = arith.constant 40 : i32
      %lt3A_415 = arith.cmpi slt, %add3A_383, %lt3A_414 : i32
      %convert_element_type3A_416 = arith.extui %lt3A_415 : i1 to i32
      %cond3A_417 = arith.constant 0 : i32
      %cond3A_418 = arith.cmpi ne, %convert_element_type3A_416, %cond3A_417 : i32
      scf.if %cond3A_418 {
        %mul3A_460 = arith.constant 256 : i32
        %mul3A_461 = arith.muli %mul3A_460, %add3A_383 : i32
        %dma_start3A_462 = arith.constant 2 : i32
        %dma_start3A_463 = arith.constant 0 : i32
        %dma_start3A_464 = arith.constant 0 : i32
        %dma_start3A_465 = tpu.memref_slice %arg11[%dma_start3A_462, %dma_start3A_463, %dma_start3A_464] : memref<4x256x64xf32, #tpu.memory_space<vmem>> -> memref<1x256x64xf32, #tpu.memory_space<vmem>>
        %dma_start3A_466 = tpu.memref_squeeze %dma_start3A_465 : memref<1x256x64xf32, #tpu.memory_space<vmem>> -> memref<256x64xf32, #tpu.memory_space<vmem>>
        %dma_start3A_467 = tpu.memref_slice %arg9[%mul3A_461] : memref<10240xi32, #tpu.memory_space<vmem>> -> memref<256xi32, #tpu.memory_space<vmem>>
        %dma_start3A_468 = arith.constant 0 : i32
        %dma_start3A_469 = arith.constant 0 : i32
        %dma_start3A_470 = tpu.memref_slice %arg2[%dma_start3A_468, %dma_start3A_469] : memref<20000x64xf32, #tpu.memory_space<hbm>> -> memref<20000x64xf32, #tpu.memory_space<hbm>>
        tpu.enqueue_indirect_dma source(%dma_start3A_470 : memref<20000x64xf32, #tpu.memory_space<hbm>>) target(%dma_start3A_466 : memref<256x64xf32, #tpu.memory_space<vmem>>) offsets(%dma_start3A_467 : memref<256xi32, #tpu.memory_space<vmem>>) semaphore(%arg14 : memref<!tpu.dma_semaphore, #tpu.memory_space<semaphore_mem>>)
      } else {
      }
      %mul3A_419 = arith.constant 4 : i32
      %mul3A_420 = arith.muli %mul3A_419, %scan3A_117 : i32
      %add3A_421 = arith.constant 3 : i32
      %add3A_422 = arith.addi %mul3A_420, %add3A_421 : i32
      %add3A_423 = arith.constant 4 : i32
      %add3A_424 = arith.addi %add3A_422, %add3A_423 : i32
      %mul3A_425 = arith.constant 2 : i32
      %mul3A_426 = arith.muli %mul3A_425, %add3A_422 : i32
      %add3A_427 = arith.constant 0 : i32
      %add3A_428 = arith.addi %mul3A_426, %add3A_427 : i32
      %dma_wait3A_429 = arith.constant 3 : i32
      %dma_wait3A_430 = arith.constant 0 : i32
      %dma_wait3A_431 = arith.constant 0 : i32
      %dma_wait3A_432 = tpu.memref_slice %arg11[%dma_wait3A_429, %dma_wait3A_430, %dma_wait3A_431] : memref<4x256x64xf32, #tpu.memory_space<vmem>> -> memref<1x128x64xf32, #tpu.memory_space<vmem>>
      %dma_wait3A_433 = tpu.memref_squeeze %dma_wait3A_432 : memref<1x128x64xf32, #tpu.memory_space<vmem>> -> memref<128x64xf32, #tpu.memory_space<vmem>>
      %dma_wait3A_434 = arith.constant 0 : i32
      %dma_wait3A_435 = tpu.memref_slice %arg10[%add3A_428, %dma_wait3A_434] : memref<80x128xi32, #tpu.memory_space<vmem>> -> memref<1x128xi32, #tpu.memory_space<vmem>>
      %dma_wait3A_436 = tpu.memref_squeeze %dma_wait3A_435 : memref<1x128xi32, #tpu.memory_space<vmem>> -> memref<128xi32, #tpu.memory_space<vmem>>
      %dma_wait3A_437 = arith.constant 0 : i32
      %dma_wait3A_438 = arith.constant 0 : i32
      %dma_wait3A_439 = tpu.memref_slice %arg8[%dma_wait3A_437, %dma_wait3A_438] : memref<10240x64xf32, #tpu.memory_space<vmem_shared>> -> memref<10240x64xf32, #tpu.memory_space<vmem_shared>>
      tpu.wait_indirect_dma semaphore(%arg19 : memref<!tpu.dma_semaphore, #tpu.memory_space<semaphore_mem>>) src(%dma_wait3A_433 : memref<128x64xf32, #tpu.memory_space<vmem>>) dst(%dma_wait3A_439 : memref<10240x64xf32, #tpu.memory_space<vmem_shared>>)
      %mul3A_440 = arith.constant 2 : i32
      %mul3A_441 = arith.muli %mul3A_440, %add3A_422 : i32
      %add3A_442 = arith.constant 1 : i32
      %add3A_443 = arith.addi %mul3A_441, %add3A_442 : i32
      %dma_wait3A_444 = arith.constant 3 : i32
      %dma_wait3A_445 = arith.constant 128 : i32
      %dma_wait3A_446 = arith.constant 0 : i32
      %dma_wait3A_447 = tpu.memref_slice %arg11[%dma_wait3A_444, %dma_wait3A_445, %dma_wait3A_446] : memref<4x256x64xf32, #tpu.memory_space<vmem>> -> memref<1x128x64xf32, #tpu.memory_space<vmem>>
      %dma_wait3A_448 = tpu.memref_squeeze %dma_wait3A_447 : memref<1x128x64xf32, #tpu.memory_space<vmem>> -> memref<128x64xf32, #tpu.memory_space<vmem>>
      %dma_wait3A_449 = arith.constant 0 : i32
      %dma_wait3A_450 = tpu.memref_slice %arg10[%add3A_443, %dma_wait3A_449] : memref<80x128xi32, #tpu.memory_space<vmem>> -> memref<1x128xi32, #tpu.memory_space<vmem>>
      %dma_wait3A_451 = tpu.memref_squeeze %dma_wait3A_450 : memref<1x128xi32, #tpu.memory_space<vmem>> -> memref<128xi32, #tpu.memory_space<vmem>>
      %dma_wait3A_452 = arith.constant 0 : i32
      %dma_wait3A_453 = arith.constant 0 : i32
      %dma_wait3A_454 = tpu.memref_slice %arg8[%dma_wait3A_452, %dma_wait3A_453] : memref<10240x64xf32, #tpu.memory_space<vmem_shared>> -> memref<10240x64xf32, #tpu.memory_space<vmem_shared>>
      tpu.wait_indirect_dma semaphore(%arg19 : memref<!tpu.dma_semaphore, #tpu.memory_space<semaphore_mem>>) src(%dma_wait3A_448 : memref<128x64xf32, #tpu.memory_space<vmem>>) dst(%dma_wait3A_454 : memref<10240x64xf32, #tpu.memory_space<vmem_shared>>)
      %lt3A_455 = arith.constant 40 : i32
      %lt3A_456 = arith.cmpi slt, %add3A_424, %lt3A_455 : i32
      %convert_element_type3A_457 = arith.extui %lt3A_456 : i1 to i32
      %cond3A_458 = arith.constant 0 : i32
      %cond3A_459 = arith.cmpi ne, %convert_element_type3A_457, %cond3A_458 : i32
      scf.if %cond3A_459 {
        %mul3A_460 = arith.constant 256 : i32
        %mul3A_461 = arith.muli %mul3A_460, %add3A_424 : i32
        %dma_start3A_462 = arith.constant 3 : i32
        %dma_start3A_463 = arith.constant 0 : i32
        %dma_start3A_464 = arith.constant 0 : i32
        %dma_start3A_465 = tpu.memref_slice %arg11[%dma_start3A_462, %dma_start3A_463, %dma_start3A_464] : memref<4x256x64xf32, #tpu.memory_space<vmem>> -> memref<1x256x64xf32, #tpu.memory_space<vmem>>
        %dma_start3A_466 = tpu.memref_squeeze %dma_start3A_465 : memref<1x256x64xf32, #tpu.memory_space<vmem>> -> memref<256x64xf32, #tpu.memory_space<vmem>>
        %dma_start3A_467 = tpu.memref_slice %arg9[%mul3A_461] : memref<10240xi32, #tpu.memory_space<vmem>> -> memref<256xi32, #tpu.memory_space<vmem>>
        %dma_start3A_468 = arith.constant 0 : i32
        %dma_start3A_469 = arith.constant 0 : i32
        %dma_start3A_470 = tpu.memref_slice %arg2[%dma_start3A_468, %dma_start3A_469] : memref<20000x64xf32, #tpu.memory_space<hbm>> -> memref<20000x64xf32, #tpu.memory_space<hbm>>
        tpu.enqueue_indirect_dma source(%dma_start3A_470 : memref<20000x64xf32, #tpu.memory_space<hbm>>) target(%dma_start3A_466 : memref<256x64xf32, #tpu.memory_space<vmem>>) offsets(%dma_start3A_467 : memref<256xi32, #tpu.memory_space<vmem>>) semaphore(%arg15 : memref<!tpu.dma_semaphore, #tpu.memory_space<semaphore_mem>>)
      } else {
      }
    }
    %scan3A_115 = arith.constant 10 : i32
    %barrier3A_116 = arith.constant 0 : index
    tpu.barrier barrier_id(%barrier3A_116)
    "tpu.region"() ({
      %run_scoped3A = tpu.sem_alloc : memref<!tpu.dma_semaphore, #tpu.memory_space<semaphore_mem>>
      %dma_start3A_117 = arith.constant 0 : i32
      %dma_start3A_118 = tpu.memref_slice %arg7[%arg0, %mul3A_0, %dma_start3A_117] : memref<2x10240x64xf32, #tpu.memory_space<hbm>> -> memref<1x640x64xf32, #tpu.memory_space<hbm>>
      %dma_start3A_119 = tpu.memref_squeeze %dma_start3A_118 : memref<1x640x64xf32, #tpu.memory_space<hbm>> -> memref<640x64xf32, #tpu.memory_space<hbm>>
      %dma_start3A_120 = arith.constant 0 : i32
      %dma_start3A_121 = tpu.memref_slice %arg8[%mul3A_0, %dma_start3A_120] : memref<10240x64xf32, #tpu.memory_space<vmem_shared>> -> memref<640x64xf32, #tpu.memory_space<vmem_shared>>
      tpu.enqueue_dma source(%dma_start3A_121 : memref<640x64xf32, #tpu.memory_space<vmem_shared>>) target(%dma_start3A_119 : memref<640x64xf32, #tpu.memory_space<hbm>>) target_semaphore(%run_scoped3A : memref<!tpu.dma_semaphore, #tpu.memory_space<semaphore_mem>>)
      %dma_wait3A = arith.constant 0 : i32
      %dma_wait3A_122 = tpu.memref_slice %arg7[%arg0, %mul3A_0, %dma_wait3A] : memref<2x10240x64xf32, #tpu.memory_space<hbm>> -> memref<1x640x64xf32, #tpu.memory_space<hbm>>
      %dma_wait3A_123 = tpu.memref_squeeze %dma_wait3A_122 : memref<1x640x64xf32, #tpu.memory_space<hbm>> -> memref<640x64xf32, #tpu.memory_space<hbm>>
      %dma_wait3A_124 = arith.constant 0 : i32
      %dma_wait3A_125 = tpu.memref_slice %arg8[%mul3A_0, %dma_wait3A_124] : memref<10240x64xf32, #tpu.memory_space<vmem_shared>> -> memref<640x64xf32, #tpu.memory_space<vmem_shared>>
      tpu.wait_dma2 semaphore(%run_scoped3A : memref<!tpu.dma_semaphore, #tpu.memory_space<semaphore_mem>>) src(%dma_wait3A_125 : memref<640x64xf32, #tpu.memory_space<vmem_shared>>) dst(%dma_wait3A_123 : memref<640x64xf32, #tpu.memory_space<hbm>>)
      tpu.yield
    }) : () -> ()
    return
  }
}

#map = affine_map<(d0, d1) -> (0, 0)>
#map1 = affine_map<(d0, d1) -> (0)>
#map2 = affine_map<(d0, d1) -> (0, 0, 0)>
module attributes {stable_mosaic.version = 14 : i64} {
  func.func @_agg_body(%arg0: i32, %arg1: i32, %arg2: memref<20000x64xf32, #tpu.memory_space<hbm>>, %arg3: memref<327680xi32, #tpu.memory_space<hbm>>, %arg4: memref<327680xi32, #tpu.memory_space<hbm>>, %arg5: memref<2560x128xi32, #tpu.memory_space<hbm>>, %arg6: memref<640x64xf32, #tpu.memory_space<hbm>>, %arg7: memref<640xf32, #tpu.memory_space<hbm>>, %arg8: memref<128xf32, #tpu.memory_space<hbm>>, %arg9: memref<2x10240x64xf32, #tpu.memory_space<hbm>>, %arg10: memref<10240xf32, #tpu.memory_space<hbm>>, %arg11: memref<10240x64xf32, #tpu.memory_space<vmem_shared>>, %arg12: memref<10240xf32, #tpu.memory_space<vmem_shared>>, %arg13: memref<10240xi32, #tpu.memory_space<vmem>>, %arg14: memref<80x128xi32, #tpu.memory_space<vmem>>, %arg15: memref<4x256x64xf32, #tpu.memory_space<vmem>>, %arg16: memref<128xf32, #tpu.memory_space<vmem>>, %arg17: memref<!tpu.dma_semaphore, #tpu.memory_space<semaphore_mem>>, %arg18: memref<!tpu.dma_semaphore, #tpu.memory_space<semaphore_mem>>, %arg19: memref<!tpu.dma_semaphore, #tpu.memory_space<semaphore_mem>>, %arg20: memref<!tpu.dma_semaphore, #tpu.memory_space<semaphore_mem>>, %arg21: memref<!tpu.dma_semaphore, #tpu.memory_space<semaphore_mem>>, %arg22: memref<!tpu.dma_semaphore, #tpu.memory_space<semaphore_mem>>, %arg23: memref<!tpu.dma_semaphore, #tpu.memory_space<semaphore_mem>>, %arg24: memref<!tpu.dma_semaphore, #tpu.memory_space<semaphore_mem>>) attributes {dimension_semantics = [#tpu.dimension_semantics<core_parallel>, #tpu.dimension_semantics<subcore_parallel>], iteration_bounds = array<i64: 2, 16>, scalar_prefetch = 0 : i64, scratch_operands = 14 : i64, tpu.core_type = #tpu.core_type<sc_vector_subcore>, window_params = [{transform_indices = #map}, {transform_indices = #map1}, {transform_indices = #map1}, {transform_indices = #map}, {transform_indices = #map}, {transform_indices = #map1}, {transform_indices = #map1}, {transform_indices = #map2}, {transform_indices = #map1}]} {
    %mul3A = arith.constant 640 : i32
    %mul3A_0 = arith.muli %arg1, %mul3A : i32
    %eq3A = arith.constant 0 : i32
    %eq3A_1 = arith.cmpi eq, %arg0, %eq3A : i32
    "tpu.region"() ({
      %run_scoped3A = tpu.sem_alloc : memref<!tpu.dma_semaphore, #tpu.memory_space<semaphore_mem>>
      %dma_start3A_123 = arith.constant 0 : i32
      %dma_start3A_124 = tpu.memref_slice %arg11[%mul3A_0, %dma_start3A_123] : memref<10240x64xf32, #tpu.memory_space<vmem_shared>> -> memref<640x64xf32, #tpu.memory_space<vmem_shared>>
      tpu.enqueue_dma source(%arg6 : memref<640x64xf32, #tpu.memory_space<hbm>>) target(%dma_start3A_124 : memref<640x64xf32, #tpu.memory_space<vmem_shared>>) target_semaphore(%run_scoped3A : memref<!tpu.dma_semaphore, #tpu.memory_space<semaphore_mem>>)
      %dma_wait3A = arith.constant 0 : i32
      %dma_wait3A_125 = tpu.memref_slice %arg11[%mul3A_0, %dma_wait3A] : memref<10240x64xf32, #tpu.memory_space<vmem_shared>> -> memref<640x64xf32, #tpu.memory_space<vmem_shared>>
      tpu.wait_dma2 semaphore(%run_scoped3A : memref<!tpu.dma_semaphore, #tpu.memory_space<semaphore_mem>>) src(%arg6 : memref<640x64xf32, #tpu.memory_space<hbm>>) dst(%dma_wait3A_125 : memref<640x64xf32, #tpu.memory_space<vmem_shared>>)
      tpu.yield
    }) : () -> ()
    %convert_element_type3A = arith.extui %eq3A_1 : i1 to i32
    %cond3A = arith.constant 0 : i32
    %cond3A_2 = arith.cmpi ne, %convert_element_type3A, %cond3A : i32
    scf.if %cond3A_2 {
      "tpu.region"() ({
        %run_scoped3A = tpu.sem_alloc : memref<!tpu.dma_semaphore, #tpu.memory_space<semaphore_mem>>
        %dma_start3A_123 = tpu.memref_slice %arg12[%mul3A_0] : memref<10240xf32, #tpu.memory_space<vmem_shared>> -> memref<640xf32, #tpu.memory_space<vmem_shared>>
        tpu.enqueue_dma source(%arg7 : memref<640xf32, #tpu.memory_space<hbm>>) target(%dma_start3A_123 : memref<640xf32, #tpu.memory_space<vmem_shared>>) target_semaphore(%run_scoped3A : memref<!tpu.dma_semaphore, #tpu.memory_space<semaphore_mem>>)
        %dma_wait3A = tpu.memref_slice %arg12[%mul3A_0] : memref<10240xf32, #tpu.memory_space<vmem_shared>> -> memref<640xf32, #tpu.memory_space<vmem_shared>>
        tpu.wait_dma2 semaphore(%run_scoped3A : memref<!tpu.dma_semaphore, #tpu.memory_space<semaphore_mem>>) src(%arg7 : memref<640xf32, #tpu.memory_space<hbm>>) dst(%dma_wait3A : memref<640xf32, #tpu.memory_space<vmem_shared>>)
        tpu.yield
      }) : () -> ()
      "tpu.region"() ({
        %run_scoped3A = tpu.sem_alloc : memref<!tpu.dma_semaphore, #tpu.memory_space<semaphore_mem>>
        tpu.enqueue_dma source(%arg8 : memref<128xf32, #tpu.memory_space<hbm>>) target(%arg16 : memref<128xf32, #tpu.memory_space<vmem>>) target_semaphore(%run_scoped3A : memref<!tpu.dma_semaphore, #tpu.memory_space<semaphore_mem>>)
        tpu.wait_dma2 semaphore(%run_scoped3A : memref<!tpu.dma_semaphore, #tpu.memory_space<semaphore_mem>>) src(%arg8 : memref<128xf32, #tpu.memory_space<hbm>>) dst(%arg16 : memref<128xf32, #tpu.memory_space<vmem>>)
        tpu.yield
      }) : () -> ()
    } else {
    }
    %barrier3A = arith.constant 0 : index
    tpu.barrier barrier_id(%barrier3A)
    %mul3A_3 = arith.constant 160 : i32
    %mul3A_4 = arith.muli %arg1, %mul3A_3 : i32
    %mul3A_5 = arith.constant 128 : i32
    %mul3A_6 = arith.muli %mul3A_4, %mul3A_5 : i32
    %convert_element_type3A_7 = arith.extui %eq3A_1 : i1 to i32
    %cond3A_8 = arith.constant 0 : i32
    %cond3A_9 = arith.cmpi ne, %convert_element_type3A_7, %cond3A_8 : i32
    scf.if %cond3A_9 {
      %add3A_123 = arith.constant 0 : i32
      %add3A_124 = arith.addi %mul3A_6, %add3A_123 : i32
      "tpu.region"() ({
        %run_scoped3A = tpu.sem_alloc : memref<!tpu.dma_semaphore, #tpu.memory_space<semaphore_mem>>
        %dma_start3A_125 = tpu.memref_slice %arg3[%add3A_124] : memref<327680xi32, #tpu.memory_space<hbm>> -> memref<10240xi32, #tpu.memory_space<hbm>>
        %dma_start3A_126 = tpu.memref_slice %arg3[%add3A_124] : memref<327680xi32, #tpu.memory_space<hbm>> -> memref<10240xi32, #tpu.memory_space<hbm>>
        tpu.enqueue_dma source(%dma_start3A_126 : memref<10240xi32, #tpu.memory_space<hbm>>) target(%arg13 : memref<10240xi32, #tpu.memory_space<vmem>>) target_semaphore(%run_scoped3A : memref<!tpu.dma_semaphore, #tpu.memory_space<semaphore_mem>>)
        %dma_wait3A = tpu.memref_slice %arg3[%add3A_124] : memref<327680xi32, #tpu.memory_space<hbm>> -> memref<10240xi32, #tpu.memory_space<hbm>>
        %dma_wait3A_127 = tpu.memref_slice %arg3[%add3A_124] : memref<327680xi32, #tpu.memory_space<hbm>> -> memref<10240xi32, #tpu.memory_space<hbm>>
        tpu.wait_dma2 semaphore(%run_scoped3A : memref<!tpu.dma_semaphore, #tpu.memory_space<semaphore_mem>>) src(%dma_wait3A_127 : memref<10240xi32, #tpu.memory_space<hbm>>) dst(%arg13 : memref<10240xi32, #tpu.memory_space<vmem>>)
        tpu.yield
      }) : () -> ()
    } else {
    }
    %not3A = arith.constant true
    %not3A_10 = arith.xori %eq3A_1, %not3A : i1
    %convert_element_type3A_11 = arith.extui %not3A_10 : i1 to i32
    %cond3A_12 = arith.constant 0 : i32
    %cond3A_13 = arith.cmpi ne, %convert_element_type3A_11, %cond3A_12 : i32
    scf.if %cond3A_13 {
      %add3A_123 = arith.constant 0 : i32
      %add3A_124 = arith.addi %mul3A_6, %add3A_123 : i32
      "tpu.region"() ({
        %run_scoped3A = tpu.sem_alloc : memref<!tpu.dma_semaphore, #tpu.memory_space<semaphore_mem>>
        %dma_start3A_125 = tpu.memref_slice %arg4[%add3A_124] : memref<327680xi32, #tpu.memory_space<hbm>> -> memref<10240xi32, #tpu.memory_space<hbm>>
        %dma_start3A_126 = tpu.memref_slice %arg4[%add3A_124] : memref<327680xi32, #tpu.memory_space<hbm>> -> memref<10240xi32, #tpu.memory_space<hbm>>
        tpu.enqueue_dma source(%dma_start3A_126 : memref<10240xi32, #tpu.memory_space<hbm>>) target(%arg13 : memref<10240xi32, #tpu.memory_space<vmem>>) target_semaphore(%run_scoped3A : memref<!tpu.dma_semaphore, #tpu.memory_space<semaphore_mem>>)
        %dma_wait3A = tpu.memref_slice %arg4[%add3A_124] : memref<327680xi32, #tpu.memory_space<hbm>> -> memref<10240xi32, #tpu.memory_space<hbm>>
        %dma_wait3A_127 = tpu.memref_slice %arg4[%add3A_124] : memref<327680xi32, #tpu.memory_space<hbm>> -> memref<10240xi32, #tpu.memory_space<hbm>>
        tpu.wait_dma2 semaphore(%run_scoped3A : memref<!tpu.dma_semaphore, #tpu.memory_space<semaphore_mem>>) src(%dma_wait3A_127 : memref<10240xi32, #tpu.memory_space<hbm>>) dst(%arg13 : memref<10240xi32, #tpu.memory_space<vmem>>)
        tpu.yield
      }) : () -> ()
    } else {
    }
    %mul3A_14 = arith.constant 160 : i32
    %mul3A_15 = arith.muli %arg1, %mul3A_14 : i32
    %add3A = arith.constant 0 : i32
    %add3A_16 = arith.addi %mul3A_15, %add3A : i32
    "tpu.region"() ({
      %run_scoped3A = tpu.sem_alloc : memref<!tpu.dma_semaphore, #tpu.memory_space<semaphore_mem>>
      %dma_start3A_123 = arith.constant 0 : i32
      %dma_start3A_124 = tpu.memref_slice %arg5[%add3A_16, %dma_start3A_123] : memref<2560x128xi32, #tpu.memory_space<hbm>> -> memref<80x128xi32, #tpu.memory_space<hbm>>
      %dma_start3A_125 = arith.constant 0 : i32
      %dma_start3A_126 = tpu.memref_slice %arg5[%add3A_16, %dma_start3A_125] : memref<2560x128xi32, #tpu.memory_space<hbm>> -> memref<80x128xi32, #tpu.memory_space<hbm>>
      tpu.enqueue_dma source(%dma_start3A_126 : memref<80x128xi32, #tpu.memory_space<hbm>>) target(%arg14 : memref<80x128xi32, #tpu.memory_space<vmem>>) target_semaphore(%run_scoped3A : memref<!tpu.dma_semaphore, #tpu.memory_space<semaphore_mem>>)
      %dma_wait3A = arith.constant 0 : i32
      %dma_wait3A_127 = tpu.memref_slice %arg5[%add3A_16, %dma_wait3A] : memref<2560x128xi32, #tpu.memory_space<hbm>> -> memref<80x128xi32, #tpu.memory_space<hbm>>
      %dma_wait3A_128 = arith.constant 0 : i32
      %dma_wait3A_129 = tpu.memref_slice %arg5[%add3A_16, %dma_wait3A_128] : memref<2560x128xi32, #tpu.memory_space<hbm>> -> memref<80x128xi32, #tpu.memory_space<hbm>>
      tpu.wait_dma2 semaphore(%run_scoped3A : memref<!tpu.dma_semaphore, #tpu.memory_space<semaphore_mem>>) src(%dma_wait3A_129 : memref<80x128xi32, #tpu.memory_space<hbm>>) dst(%arg14 : memref<80x128xi32, #tpu.memory_space<vmem>>)
      tpu.yield
    }) : () -> ()
    %dma_start3A = arith.constant 0 : i32
    %dma_start3A_17 = arith.constant 0 : i32
    %dma_start3A_18 = arith.constant 0 : i32
    %dma_start3A_19 = tpu.memref_slice %arg15[%dma_start3A, %dma_start3A_17, %dma_start3A_18] : memref<4x256x64xf32, #tpu.memory_space<vmem>> -> memref<1x256x64xf32, #tpu.memory_space<vmem>>
    %dma_start3A_20 = tpu.memref_squeeze %dma_start3A_19 : memref<1x256x64xf32, #tpu.memory_space<vmem>> -> memref<256x64xf32, #tpu.memory_space<vmem>>
    %dma_start3A_21 = arith.constant 0 : i32
    %dma_start3A_22 = tpu.memref_slice %arg13[%dma_start3A_21] : memref<10240xi32, #tpu.memory_space<vmem>> -> memref<256xi32, #tpu.memory_space<vmem>>
    %dma_start3A_23 = arith.constant 0 : i32
    %dma_start3A_24 = arith.constant 0 : i32
    %dma_start3A_25 = tpu.memref_slice %arg2[%dma_start3A_23, %dma_start3A_24] : memref<20000x64xf32, #tpu.memory_space<hbm>> -> memref<20000x64xf32, #tpu.memory_space<hbm>>
    tpu.enqueue_indirect_dma source(%dma_start3A_25 : memref<20000x64xf32, #tpu.memory_space<hbm>>) target(%dma_start3A_20 : memref<256x64xf32, #tpu.memory_space<vmem>>) offsets(%dma_start3A_22 : memref<256xi32, #tpu.memory_space<vmem>>) semaphore(%arg17 : memref<!tpu.dma_semaphore, #tpu.memory_space<semaphore_mem>>)
    %dma_start3A_26 = arith.constant 1 : i32
    %dma_start3A_27 = arith.constant 0 : i32
    %dma_start3A_28 = arith.constant 0 : i32
    %dma_start3A_29 = tpu.memref_slice %arg15[%dma_start3A_26, %dma_start3A_27, %dma_start3A_28] : memref<4x256x64xf32, #tpu.memory_space<vmem>> -> memref<1x256x64xf32, #tpu.memory_space<vmem>>
    %dma_start3A_30 = tpu.memref_squeeze %dma_start3A_29 : memref<1x256x64xf32, #tpu.memory_space<vmem>> -> memref<256x64xf32, #tpu.memory_space<vmem>>
    %dma_start3A_31 = arith.constant 256 : i32
    %dma_start3A_32 = tpu.memref_slice %arg13[%dma_start3A_31] : memref<10240xi32, #tpu.memory_space<vmem>> -> memref<256xi32, #tpu.memory_space<vmem>>
    %dma_start3A_33 = arith.constant 0 : i32
    %dma_start3A_34 = arith.constant 0 : i32
    %dma_start3A_35 = tpu.memref_slice %arg2[%dma_start3A_33, %dma_start3A_34] : memref<20000x64xf32, #tpu.memory_space<hbm>> -> memref<20000x64xf32, #tpu.memory_space<hbm>>
    tpu.enqueue_indirect_dma source(%dma_start3A_35 : memref<20000x64xf32, #tpu.memory_space<hbm>>) target(%dma_start3A_30 : memref<256x64xf32, #tpu.memory_space<vmem>>) offsets(%dma_start3A_32 : memref<256xi32, #tpu.memory_space<vmem>>) semaphore(%arg18 : memref<!tpu.dma_semaphore, #tpu.memory_space<semaphore_mem>>)
    %dma_start3A_36 = arith.constant 2 : i32
    %dma_start3A_37 = arith.constant 0 : i32
    %dma_start3A_38 = arith.constant 0 : i32
    %dma_start3A_39 = tpu.memref_slice %arg15[%dma_start3A_36, %dma_start3A_37, %dma_start3A_38] : memref<4x256x64xf32, #tpu.memory_space<vmem>> -> memref<1x256x64xf32, #tpu.memory_space<vmem>>
    %dma_start3A_40 = tpu.memref_squeeze %dma_start3A_39 : memref<1x256x64xf32, #tpu.memory_space<vmem>> -> memref<256x64xf32, #tpu.memory_space<vmem>>
    %dma_start3A_41 = arith.constant 512 : i32
    %dma_start3A_42 = tpu.memref_slice %arg13[%dma_start3A_41] : memref<10240xi32, #tpu.memory_space<vmem>> -> memref<256xi32, #tpu.memory_space<vmem>>
    %dma_start3A_43 = arith.constant 0 : i32
    %dma_start3A_44 = arith.constant 0 : i32
    %dma_start3A_45 = tpu.memref_slice %arg2[%dma_start3A_43, %dma_start3A_44] : memref<20000x64xf32, #tpu.memory_space<hbm>> -> memref<20000x64xf32, #tpu.memory_space<hbm>>
    tpu.enqueue_indirect_dma source(%dma_start3A_45 : memref<20000x64xf32, #tpu.memory_space<hbm>>) target(%dma_start3A_40 : memref<256x64xf32, #tpu.memory_space<vmem>>) offsets(%dma_start3A_42 : memref<256xi32, #tpu.memory_space<vmem>>) semaphore(%arg19 : memref<!tpu.dma_semaphore, #tpu.memory_space<semaphore_mem>>)
    %dma_start3A_46 = arith.constant 3 : i32
    %dma_start3A_47 = arith.constant 0 : i32
    %dma_start3A_48 = arith.constant 0 : i32
    %dma_start3A_49 = tpu.memref_slice %arg15[%dma_start3A_46, %dma_start3A_47, %dma_start3A_48] : memref<4x256x64xf32, #tpu.memory_space<vmem>> -> memref<1x256x64xf32, #tpu.memory_space<vmem>>
    %dma_start3A_50 = tpu.memref_squeeze %dma_start3A_49 : memref<1x256x64xf32, #tpu.memory_space<vmem>> -> memref<256x64xf32, #tpu.memory_space<vmem>>
    %dma_start3A_51 = arith.constant 768 : i32
    %dma_start3A_52 = tpu.memref_slice %arg13[%dma_start3A_51] : memref<10240xi32, #tpu.memory_space<vmem>> -> memref<256xi32, #tpu.memory_space<vmem>>
    %dma_start3A_53 = arith.constant 0 : i32
    %dma_start3A_54 = arith.constant 0 : i32
    %dma_start3A_55 = tpu.memref_slice %arg2[%dma_start3A_53, %dma_start3A_54] : memref<20000x64xf32, #tpu.memory_space<hbm>> -> memref<20000x64xf32, #tpu.memory_space<hbm>>
    tpu.enqueue_indirect_dma source(%dma_start3A_55 : memref<20000x64xf32, #tpu.memory_space<hbm>>) target(%dma_start3A_50 : memref<256x64xf32, #tpu.memory_space<vmem>>) offsets(%dma_start3A_52 : memref<256xi32, #tpu.memory_space<vmem>>) semaphore(%arg20 : memref<!tpu.dma_semaphore, #tpu.memory_space<semaphore_mem>>)
    %scan3A = arith.constant 0 : i32
    %scan3A_56 = arith.constant 0 : i32
    %scan3A_57 = arith.constant 10 : i32
    %scan3A_58 = arith.addi %scan3A_56, %scan3A_57 : i32
    %scan3A_59 = arith.constant 1 : i32
    scf.for %scan3A_123 = %scan3A_56 to %scan3A_58 step %scan3A_59  : i32 {
      %mul3A_124 = arith.constant 4 : i32
      %mul3A_125 = arith.muli %mul3A_124, %scan3A_123 : i32
      %add3A_126 = arith.constant 0 : i32
      %add3A_127 = arith.addi %mul3A_125, %add3A_126 : i32
      %mul3A_128 = arith.constant 256 : i32
      %mul3A_129 = arith.muli %mul3A_128, %add3A_127 : i32
      %dma_wait3A = arith.constant 0 : i32
      %dma_wait3A_130 = arith.constant 0 : i32
      %dma_wait3A_131 = arith.constant 0 : i32
      %dma_wait3A_132 = tpu.memref_slice %arg15[%dma_wait3A, %dma_wait3A_130, %dma_wait3A_131] : memref<4x256x64xf32, #tpu.memory_space<vmem>> -> memref<1x256x64xf32, #tpu.memory_space<vmem>>
      %dma_wait3A_133 = tpu.memref_squeeze %dma_wait3A_132 : memref<1x256x64xf32, #tpu.memory_space<vmem>> -> memref<256x64xf32, #tpu.memory_space<vmem>>
      %dma_wait3A_134 = tpu.memref_slice %arg13[%mul3A_129] : memref<10240xi32, #tpu.memory_space<vmem>> -> memref<256xi32, #tpu.memory_space<vmem>>
      %dma_wait3A_135 = arith.constant 0 : i32
      %dma_wait3A_136 = arith.constant 0 : i32
      %dma_wait3A_137 = tpu.memref_slice %arg2[%dma_wait3A_135, %dma_wait3A_136] : memref<20000x64xf32, #tpu.memory_space<hbm>> -> memref<20000x64xf32, #tpu.memory_space<hbm>>
      tpu.wait_indirect_dma semaphore(%arg17 : memref<!tpu.dma_semaphore, #tpu.memory_space<semaphore_mem>>) src(%dma_wait3A_137 : memref<20000x64xf32, #tpu.memory_space<hbm>>) dst(%dma_wait3A_133 : memref<256x64xf32, #tpu.memory_space<vmem>>)
      %mul3A_138 = arith.constant 2 : i32
      %mul3A_139 = arith.muli %mul3A_138, %add3A_127 : i32
      %add3A_140 = arith.constant 0 : i32
      %add3A_141 = arith.addi %mul3A_139, %add3A_140 : i32
      %dma_start3A_142 = arith.constant 0 : i32
      %dma_start3A_143 = arith.constant 0 : i32
      %dma_start3A_144 = arith.constant 0 : i32
      %dma_start3A_145 = tpu.memref_slice %arg15[%dma_start3A_142, %dma_start3A_143, %dma_start3A_144] : memref<4x256x64xf32, #tpu.memory_space<vmem>> -> memref<1x128x64xf32, #tpu.memory_space<vmem>>
      %dma_start3A_146 = tpu.memref_squeeze %dma_start3A_145 : memref<1x128x64xf32, #tpu.memory_space<vmem>> -> memref<128x64xf32, #tpu.memory_space<vmem>>
      %dma_start3A_147 = arith.constant 0 : i32
      %dma_start3A_148 = tpu.memref_slice %arg14[%add3A_141, %dma_start3A_147] : memref<80x128xi32, #tpu.memory_space<vmem>> -> memref<1x128xi32, #tpu.memory_space<vmem>>
      %dma_start3A_149 = tpu.memref_squeeze %dma_start3A_148 : memref<1x128xi32, #tpu.memory_space<vmem>> -> memref<128xi32, #tpu.memory_space<vmem>>
      %dma_start3A_150 = arith.constant 0 : i32
      %dma_start3A_151 = arith.constant 0 : i32
      %dma_start3A_152 = tpu.memref_slice %arg11[%dma_start3A_150, %dma_start3A_151] : memref<10240x64xf32, #tpu.memory_space<vmem_shared>> -> memref<10240x64xf32, #tpu.memory_space<vmem_shared>>
      tpu.enqueue_indirect_dma source(%dma_start3A_146 : memref<128x64xf32, #tpu.memory_space<vmem>>) target(%dma_start3A_152 : memref<10240x64xf32, #tpu.memory_space<vmem_shared>>) offsets(%dma_start3A_149 : memref<128xi32, #tpu.memory_space<vmem>>) semaphore(%arg21 : memref<!tpu.dma_semaphore, #tpu.memory_space<semaphore_mem>>) {add = true}
      %convert_element_type3A_153 = arith.extui %eq3A_1 : i1 to i32
      %cond3A_154 = arith.constant 0 : i32
      %cond3A_155 = arith.cmpi ne, %convert_element_type3A_153, %cond3A_154 : i32
      scf.if %cond3A_155 {
        %dma_start3A_514 = arith.constant 0 : i32
        %dma_start3A_515 = tpu.memref_slice %arg14[%add3A_141, %dma_start3A_514] : memref<80x128xi32, #tpu.memory_space<vmem>> -> memref<1x128xi32, #tpu.memory_space<vmem>>
        %dma_start3A_516 = tpu.memref_squeeze %dma_start3A_515 : memref<1x128xi32, #tpu.memory_space<vmem>> -> memref<128xi32, #tpu.memory_space<vmem>>
        %dma_start3A_517 = arith.constant 0 : i32
        %dma_start3A_518 = tpu.memref_slice %arg12[%dma_start3A_517] : memref<10240xf32, #tpu.memory_space<vmem_shared>> -> memref<10240xf32, #tpu.memory_space<vmem_shared>>
        tpu.enqueue_indirect_dma source(%arg16 : memref<128xf32, #tpu.memory_space<vmem>>) target(%dma_start3A_518 : memref<10240xf32, #tpu.memory_space<vmem_shared>>) offsets(%dma_start3A_516 : memref<128xi32, #tpu.memory_space<vmem>>) semaphore(%arg21 : memref<!tpu.dma_semaphore, #tpu.memory_space<semaphore_mem>>) {add = true}
      } else {
      }
      %mul3A_156 = arith.constant 2 : i32
      %mul3A_157 = arith.muli %mul3A_156, %add3A_127 : i32
      %add3A_158 = arith.constant 1 : i32
      %add3A_159 = arith.addi %mul3A_157, %add3A_158 : i32
      %dma_start3A_160 = arith.constant 0 : i32
      %dma_start3A_161 = arith.constant 128 : i32
      %dma_start3A_162 = arith.constant 0 : i32
      %dma_start3A_163 = tpu.memref_slice %arg15[%dma_start3A_160, %dma_start3A_161, %dma_start3A_162] : memref<4x256x64xf32, #tpu.memory_space<vmem>> -> memref<1x128x64xf32, #tpu.memory_space<vmem>>
      %dma_start3A_164 = tpu.memref_squeeze %dma_start3A_163 : memref<1x128x64xf32, #tpu.memory_space<vmem>> -> memref<128x64xf32, #tpu.memory_space<vmem>>
      %dma_start3A_165 = arith.constant 0 : i32
      %dma_start3A_166 = tpu.memref_slice %arg14[%add3A_159, %dma_start3A_165] : memref<80x128xi32, #tpu.memory_space<vmem>> -> memref<1x128xi32, #tpu.memory_space<vmem>>
      %dma_start3A_167 = tpu.memref_squeeze %dma_start3A_166 : memref<1x128xi32, #tpu.memory_space<vmem>> -> memref<128xi32, #tpu.memory_space<vmem>>
      %dma_start3A_168 = arith.constant 0 : i32
      %dma_start3A_169 = arith.constant 0 : i32
      %dma_start3A_170 = tpu.memref_slice %arg11[%dma_start3A_168, %dma_start3A_169] : memref<10240x64xf32, #tpu.memory_space<vmem_shared>> -> memref<10240x64xf32, #tpu.memory_space<vmem_shared>>
      tpu.enqueue_indirect_dma source(%dma_start3A_164 : memref<128x64xf32, #tpu.memory_space<vmem>>) target(%dma_start3A_170 : memref<10240x64xf32, #tpu.memory_space<vmem_shared>>) offsets(%dma_start3A_167 : memref<128xi32, #tpu.memory_space<vmem>>) semaphore(%arg21 : memref<!tpu.dma_semaphore, #tpu.memory_space<semaphore_mem>>) {add = true}
      %convert_element_type3A_171 = arith.extui %eq3A_1 : i1 to i32
      %cond3A_172 = arith.constant 0 : i32
      %cond3A_173 = arith.cmpi ne, %convert_element_type3A_171, %cond3A_172 : i32
      scf.if %cond3A_173 {
        %dma_start3A_514 = arith.constant 0 : i32
        %dma_start3A_515 = tpu.memref_slice %arg14[%add3A_159, %dma_start3A_514] : memref<80x128xi32, #tpu.memory_space<vmem>> -> memref<1x128xi32, #tpu.memory_space<vmem>>
        %dma_start3A_516 = tpu.memref_squeeze %dma_start3A_515 : memref<1x128xi32, #tpu.memory_space<vmem>> -> memref<128xi32, #tpu.memory_space<vmem>>
        %dma_start3A_517 = arith.constant 0 : i32
        %dma_start3A_518 = tpu.memref_slice %arg12[%dma_start3A_517] : memref<10240xf32, #tpu.memory_space<vmem_shared>> -> memref<10240xf32, #tpu.memory_space<vmem_shared>>
        tpu.enqueue_indirect_dma source(%arg16 : memref<128xf32, #tpu.memory_space<vmem>>) target(%dma_start3A_518 : memref<10240xf32, #tpu.memory_space<vmem_shared>>) offsets(%dma_start3A_516 : memref<128xi32, #tpu.memory_space<vmem>>) semaphore(%arg21 : memref<!tpu.dma_semaphore, #tpu.memory_space<semaphore_mem>>) {add = true}
      } else {
      }
      %mul3A_174 = arith.constant 4 : i32
      %mul3A_175 = arith.muli %mul3A_174, %scan3A_123 : i32
      %add3A_176 = arith.constant 1 : i32
      %add3A_177 = arith.addi %mul3A_175, %add3A_176 : i32
      %mul3A_178 = arith.constant 256 : i32
      %mul3A_179 = arith.muli %mul3A_178, %add3A_177 : i32
      %dma_wait3A_180 = arith.constant 1 : i32
      %dma_wait3A_181 = arith.constant 0 : i32
      %dma_wait3A_182 = arith.constant 0 : i32
      %dma_wait3A_183 = tpu.memref_slice %arg15[%dma_wait3A_180, %dma_wait3A_181, %dma_wait3A_182] : memref<4x256x64xf32, #tpu.memory_space<vmem>> -> memref<1x256x64xf32, #tpu.memory_space<vmem>>
      %dma_wait3A_184 = tpu.memref_squeeze %dma_wait3A_183 : memref<1x256x64xf32, #tpu.memory_space<vmem>> -> memref<256x64xf32, #tpu.memory_space<vmem>>
      %dma_wait3A_185 = tpu.memref_slice %arg13[%mul3A_179] : memref<10240xi32, #tpu.memory_space<vmem>> -> memref<256xi32, #tpu.memory_space<vmem>>
      %dma_wait3A_186 = arith.constant 0 : i32
      %dma_wait3A_187 = arith.constant 0 : i32
      %dma_wait3A_188 = tpu.memref_slice %arg2[%dma_wait3A_186, %dma_wait3A_187] : memref<20000x64xf32, #tpu.memory_space<hbm>> -> memref<20000x64xf32, #tpu.memory_space<hbm>>
      tpu.wait_indirect_dma semaphore(%arg18 : memref<!tpu.dma_semaphore, #tpu.memory_space<semaphore_mem>>) src(%dma_wait3A_188 : memref<20000x64xf32, #tpu.memory_space<hbm>>) dst(%dma_wait3A_184 : memref<256x64xf32, #tpu.memory_space<vmem>>)
      %mul3A_189 = arith.constant 2 : i32
      %mul3A_190 = arith.muli %mul3A_189, %add3A_177 : i32
      %add3A_191 = arith.constant 0 : i32
      %add3A_192 = arith.addi %mul3A_190, %add3A_191 : i32
      %dma_start3A_193 = arith.constant 1 : i32
      %dma_start3A_194 = arith.constant 0 : i32
      %dma_start3A_195 = arith.constant 0 : i32
      %dma_start3A_196 = tpu.memref_slice %arg15[%dma_start3A_193, %dma_start3A_194, %dma_start3A_195] : memref<4x256x64xf32, #tpu.memory_space<vmem>> -> memref<1x128x64xf32, #tpu.memory_space<vmem>>
      %dma_start3A_197 = tpu.memref_squeeze %dma_start3A_196 : memref<1x128x64xf32, #tpu.memory_space<vmem>> -> memref<128x64xf32, #tpu.memory_space<vmem>>
      %dma_start3A_198 = arith.constant 0 : i32
      %dma_start3A_199 = tpu.memref_slice %arg14[%add3A_192, %dma_start3A_198] : memref<80x128xi32, #tpu.memory_space<vmem>> -> memref<1x128xi32, #tpu.memory_space<vmem>>
      %dma_start3A_200 = tpu.memref_squeeze %dma_start3A_199 : memref<1x128xi32, #tpu.memory_space<vmem>> -> memref<128xi32, #tpu.memory_space<vmem>>
      %dma_start3A_201 = arith.constant 0 : i32
      %dma_start3A_202 = arith.constant 0 : i32
      %dma_start3A_203 = tpu.memref_slice %arg11[%dma_start3A_201, %dma_start3A_202] : memref<10240x64xf32, #tpu.memory_space<vmem_shared>> -> memref<10240x64xf32, #tpu.memory_space<vmem_shared>>
      tpu.enqueue_indirect_dma source(%dma_start3A_197 : memref<128x64xf32, #tpu.memory_space<vmem>>) target(%dma_start3A_203 : memref<10240x64xf32, #tpu.memory_space<vmem_shared>>) offsets(%dma_start3A_200 : memref<128xi32, #tpu.memory_space<vmem>>) semaphore(%arg22 : memref<!tpu.dma_semaphore, #tpu.memory_space<semaphore_mem>>) {add = true}
      %convert_element_type3A_204 = arith.extui %eq3A_1 : i1 to i32
      %cond3A_205 = arith.constant 0 : i32
      %cond3A_206 = arith.cmpi ne, %convert_element_type3A_204, %cond3A_205 : i32
      scf.if %cond3A_206 {
        %dma_start3A_514 = arith.constant 0 : i32
        %dma_start3A_515 = tpu.memref_slice %arg14[%add3A_192, %dma_start3A_514] : memref<80x128xi32, #tpu.memory_space<vmem>> -> memref<1x128xi32, #tpu.memory_space<vmem>>
        %dma_start3A_516 = tpu.memref_squeeze %dma_start3A_515 : memref<1x128xi32, #tpu.memory_space<vmem>> -> memref<128xi32, #tpu.memory_space<vmem>>
        %dma_start3A_517 = arith.constant 0 : i32
        %dma_start3A_518 = tpu.memref_slice %arg12[%dma_start3A_517] : memref<10240xf32, #tpu.memory_space<vmem_shared>> -> memref<10240xf32, #tpu.memory_space<vmem_shared>>
        tpu.enqueue_indirect_dma source(%arg16 : memref<128xf32, #tpu.memory_space<vmem>>) target(%dma_start3A_518 : memref<10240xf32, #tpu.memory_space<vmem_shared>>) offsets(%dma_start3A_516 : memref<128xi32, #tpu.memory_space<vmem>>) semaphore(%arg22 : memref<!tpu.dma_semaphore, #tpu.memory_space<semaphore_mem>>) {add = true}
      } else {
      }
      %mul3A_207 = arith.constant 2 : i32
      %mul3A_208 = arith.muli %mul3A_207, %add3A_177 : i32
      %add3A_209 = arith.constant 1 : i32
      %add3A_210 = arith.addi %mul3A_208, %add3A_209 : i32
      %dma_start3A_211 = arith.constant 1 : i32
      %dma_start3A_212 = arith.constant 128 : i32
      %dma_start3A_213 = arith.constant 0 : i32
      %dma_start3A_214 = tpu.memref_slice %arg15[%dma_start3A_211, %dma_start3A_212, %dma_start3A_213] : memref<4x256x64xf32, #tpu.memory_space<vmem>> -> memref<1x128x64xf32, #tpu.memory_space<vmem>>
      %dma_start3A_215 = tpu.memref_squeeze %dma_start3A_214 : memref<1x128x64xf32, #tpu.memory_space<vmem>> -> memref<128x64xf32, #tpu.memory_space<vmem>>
      %dma_start3A_216 = arith.constant 0 : i32
      %dma_start3A_217 = tpu.memref_slice %arg14[%add3A_210, %dma_start3A_216] : memref<80x128xi32, #tpu.memory_space<vmem>> -> memref<1x128xi32, #tpu.memory_space<vmem>>
      %dma_start3A_218 = tpu.memref_squeeze %dma_start3A_217 : memref<1x128xi32, #tpu.memory_space<vmem>> -> memref<128xi32, #tpu.memory_space<vmem>>
      %dma_start3A_219 = arith.constant 0 : i32
      %dma_start3A_220 = arith.constant 0 : i32
      %dma_start3A_221 = tpu.memref_slice %arg11[%dma_start3A_219, %dma_start3A_220] : memref<10240x64xf32, #tpu.memory_space<vmem_shared>> -> memref<10240x64xf32, #tpu.memory_space<vmem_shared>>
      tpu.enqueue_indirect_dma source(%dma_start3A_215 : memref<128x64xf32, #tpu.memory_space<vmem>>) target(%dma_start3A_221 : memref<10240x64xf32, #tpu.memory_space<vmem_shared>>) offsets(%dma_start3A_218 : memref<128xi32, #tpu.memory_space<vmem>>) semaphore(%arg22 : memref<!tpu.dma_semaphore, #tpu.memory_space<semaphore_mem>>) {add = true}
      %convert_element_type3A_222 = arith.extui %eq3A_1 : i1 to i32
      %cond3A_223 = arith.constant 0 : i32
      %cond3A_224 = arith.cmpi ne, %convert_element_type3A_222, %cond3A_223 : i32
      scf.if %cond3A_224 {
        %dma_start3A_514 = arith.constant 0 : i32
        %dma_start3A_515 = tpu.memref_slice %arg14[%add3A_210, %dma_start3A_514] : memref<80x128xi32, #tpu.memory_space<vmem>> -> memref<1x128xi32, #tpu.memory_space<vmem>>
        %dma_start3A_516 = tpu.memref_squeeze %dma_start3A_515 : memref<1x128xi32, #tpu.memory_space<vmem>> -> memref<128xi32, #tpu.memory_space<vmem>>
        %dma_start3A_517 = arith.constant 0 : i32
        %dma_start3A_518 = tpu.memref_slice %arg12[%dma_start3A_517] : memref<10240xf32, #tpu.memory_space<vmem_shared>> -> memref<10240xf32, #tpu.memory_space<vmem_shared>>
        tpu.enqueue_indirect_dma source(%arg16 : memref<128xf32, #tpu.memory_space<vmem>>) target(%dma_start3A_518 : memref<10240xf32, #tpu.memory_space<vmem_shared>>) offsets(%dma_start3A_516 : memref<128xi32, #tpu.memory_space<vmem>>) semaphore(%arg22 : memref<!tpu.dma_semaphore, #tpu.memory_space<semaphore_mem>>) {add = true}
      } else {
      }
      %mul3A_225 = arith.constant 4 : i32
      %mul3A_226 = arith.muli %mul3A_225, %scan3A_123 : i32
      %add3A_227 = arith.constant 2 : i32
      %add3A_228 = arith.addi %mul3A_226, %add3A_227 : i32
      %mul3A_229 = arith.constant 256 : i32
      %mul3A_230 = arith.muli %mul3A_229, %add3A_228 : i32
      %dma_wait3A_231 = arith.constant 2 : i32
      %dma_wait3A_232 = arith.constant 0 : i32
      %dma_wait3A_233 = arith.constant 0 : i32
      %dma_wait3A_234 = tpu.memref_slice %arg15[%dma_wait3A_231, %dma_wait3A_232, %dma_wait3A_233] : memref<4x256x64xf32, #tpu.memory_space<vmem>> -> memref<1x256x64xf32, #tpu.memory_space<vmem>>
      %dma_wait3A_235 = tpu.memref_squeeze %dma_wait3A_234 : memref<1x256x64xf32, #tpu.memory_space<vmem>> -> memref<256x64xf32, #tpu.memory_space<vmem>>
      %dma_wait3A_236 = tpu.memref_slice %arg13[%mul3A_230] : memref<10240xi32, #tpu.memory_space<vmem>> -> memref<256xi32, #tpu.memory_space<vmem>>
      %dma_wait3A_237 = arith.constant 0 : i32
      %dma_wait3A_238 = arith.constant 0 : i32
      %dma_wait3A_239 = tpu.memref_slice %arg2[%dma_wait3A_237, %dma_wait3A_238] : memref<20000x64xf32, #tpu.memory_space<hbm>> -> memref<20000x64xf32, #tpu.memory_space<hbm>>
      tpu.wait_indirect_dma semaphore(%arg19 : memref<!tpu.dma_semaphore, #tpu.memory_space<semaphore_mem>>) src(%dma_wait3A_239 : memref<20000x64xf32, #tpu.memory_space<hbm>>) dst(%dma_wait3A_235 : memref<256x64xf32, #tpu.memory_space<vmem>>)
      %mul3A_240 = arith.constant 2 : i32
      %mul3A_241 = arith.muli %mul3A_240, %add3A_228 : i32
      %add3A_242 = arith.constant 0 : i32
      %add3A_243 = arith.addi %mul3A_241, %add3A_242 : i32
      %dma_start3A_244 = arith.constant 2 : i32
      %dma_start3A_245 = arith.constant 0 : i32
      %dma_start3A_246 = arith.constant 0 : i32
      %dma_start3A_247 = tpu.memref_slice %arg15[%dma_start3A_244, %dma_start3A_245, %dma_start3A_246] : memref<4x256x64xf32, #tpu.memory_space<vmem>> -> memref<1x128x64xf32, #tpu.memory_space<vmem>>
      %dma_start3A_248 = tpu.memref_squeeze %dma_start3A_247 : memref<1x128x64xf32, #tpu.memory_space<vmem>> -> memref<128x64xf32, #tpu.memory_space<vmem>>
      %dma_start3A_249 = arith.constant 0 : i32
      %dma_start3A_250 = tpu.memref_slice %arg14[%add3A_243, %dma_start3A_249] : memref<80x128xi32, #tpu.memory_space<vmem>> -> memref<1x128xi32, #tpu.memory_space<vmem>>
      %dma_start3A_251 = tpu.memref_squeeze %dma_start3A_250 : memref<1x128xi32, #tpu.memory_space<vmem>> -> memref<128xi32, #tpu.memory_space<vmem>>
      %dma_start3A_252 = arith.constant 0 : i32
      %dma_start3A_253 = arith.constant 0 : i32
      %dma_start3A_254 = tpu.memref_slice %arg11[%dma_start3A_252, %dma_start3A_253] : memref<10240x64xf32, #tpu.memory_space<vmem_shared>> -> memref<10240x64xf32, #tpu.memory_space<vmem_shared>>
      tpu.enqueue_indirect_dma source(%dma_start3A_248 : memref<128x64xf32, #tpu.memory_space<vmem>>) target(%dma_start3A_254 : memref<10240x64xf32, #tpu.memory_space<vmem_shared>>) offsets(%dma_start3A_251 : memref<128xi32, #tpu.memory_space<vmem>>) semaphore(%arg23 : memref<!tpu.dma_semaphore, #tpu.memory_space<semaphore_mem>>) {add = true}
      %convert_element_type3A_255 = arith.extui %eq3A_1 : i1 to i32
      %cond3A_256 = arith.constant 0 : i32
      %cond3A_257 = arith.cmpi ne, %convert_element_type3A_255, %cond3A_256 : i32
      scf.if %cond3A_257 {
        %dma_start3A_514 = arith.constant 0 : i32
        %dma_start3A_515 = tpu.memref_slice %arg14[%add3A_243, %dma_start3A_514] : memref<80x128xi32, #tpu.memory_space<vmem>> -> memref<1x128xi32, #tpu.memory_space<vmem>>
        %dma_start3A_516 = tpu.memref_squeeze %dma_start3A_515 : memref<1x128xi32, #tpu.memory_space<vmem>> -> memref<128xi32, #tpu.memory_space<vmem>>
        %dma_start3A_517 = arith.constant 0 : i32
        %dma_start3A_518 = tpu.memref_slice %arg12[%dma_start3A_517] : memref<10240xf32, #tpu.memory_space<vmem_shared>> -> memref<10240xf32, #tpu.memory_space<vmem_shared>>
        tpu.enqueue_indirect_dma source(%arg16 : memref<128xf32, #tpu.memory_space<vmem>>) target(%dma_start3A_518 : memref<10240xf32, #tpu.memory_space<vmem_shared>>) offsets(%dma_start3A_516 : memref<128xi32, #tpu.memory_space<vmem>>) semaphore(%arg23 : memref<!tpu.dma_semaphore, #tpu.memory_space<semaphore_mem>>) {add = true}
      } else {
      }
      %mul3A_258 = arith.constant 2 : i32
      %mul3A_259 = arith.muli %mul3A_258, %add3A_228 : i32
      %add3A_260 = arith.constant 1 : i32
      %add3A_261 = arith.addi %mul3A_259, %add3A_260 : i32
      %dma_start3A_262 = arith.constant 2 : i32
      %dma_start3A_263 = arith.constant 128 : i32
      %dma_start3A_264 = arith.constant 0 : i32
      %dma_start3A_265 = tpu.memref_slice %arg15[%dma_start3A_262, %dma_start3A_263, %dma_start3A_264] : memref<4x256x64xf32, #tpu.memory_space<vmem>> -> memref<1x128x64xf32, #tpu.memory_space<vmem>>
      %dma_start3A_266 = tpu.memref_squeeze %dma_start3A_265 : memref<1x128x64xf32, #tpu.memory_space<vmem>> -> memref<128x64xf32, #tpu.memory_space<vmem>>
      %dma_start3A_267 = arith.constant 0 : i32
      %dma_start3A_268 = tpu.memref_slice %arg14[%add3A_261, %dma_start3A_267] : memref<80x128xi32, #tpu.memory_space<vmem>> -> memref<1x128xi32, #tpu.memory_space<vmem>>
      %dma_start3A_269 = tpu.memref_squeeze %dma_start3A_268 : memref<1x128xi32, #tpu.memory_space<vmem>> -> memref<128xi32, #tpu.memory_space<vmem>>
      %dma_start3A_270 = arith.constant 0 : i32
      %dma_start3A_271 = arith.constant 0 : i32
      %dma_start3A_272 = tpu.memref_slice %arg11[%dma_start3A_270, %dma_start3A_271] : memref<10240x64xf32, #tpu.memory_space<vmem_shared>> -> memref<10240x64xf32, #tpu.memory_space<vmem_shared>>
      tpu.enqueue_indirect_dma source(%dma_start3A_266 : memref<128x64xf32, #tpu.memory_space<vmem>>) target(%dma_start3A_272 : memref<10240x64xf32, #tpu.memory_space<vmem_shared>>) offsets(%dma_start3A_269 : memref<128xi32, #tpu.memory_space<vmem>>) semaphore(%arg23 : memref<!tpu.dma_semaphore, #tpu.memory_space<semaphore_mem>>) {add = true}
      %convert_element_type3A_273 = arith.extui %eq3A_1 : i1 to i32
      %cond3A_274 = arith.constant 0 : i32
      %cond3A_275 = arith.cmpi ne, %convert_element_type3A_273, %cond3A_274 : i32
      scf.if %cond3A_275 {
        %dma_start3A_514 = arith.constant 0 : i32
        %dma_start3A_515 = tpu.memref_slice %arg14[%add3A_261, %dma_start3A_514] : memref<80x128xi32, #tpu.memory_space<vmem>> -> memref<1x128xi32, #tpu.memory_space<vmem>>
        %dma_start3A_516 = tpu.memref_squeeze %dma_start3A_515 : memref<1x128xi32, #tpu.memory_space<vmem>> -> memref<128xi32, #tpu.memory_space<vmem>>
        %dma_start3A_517 = arith.constant 0 : i32
        %dma_start3A_518 = tpu.memref_slice %arg12[%dma_start3A_517] : memref<10240xf32, #tpu.memory_space<vmem_shared>> -> memref<10240xf32, #tpu.memory_space<vmem_shared>>
        tpu.enqueue_indirect_dma source(%arg16 : memref<128xf32, #tpu.memory_space<vmem>>) target(%dma_start3A_518 : memref<10240xf32, #tpu.memory_space<vmem_shared>>) offsets(%dma_start3A_516 : memref<128xi32, #tpu.memory_space<vmem>>) semaphore(%arg23 : memref<!tpu.dma_semaphore, #tpu.memory_space<semaphore_mem>>) {add = true}
      } else {
      }
      %mul3A_276 = arith.constant 4 : i32
      %mul3A_277 = arith.muli %mul3A_276, %scan3A_123 : i32
      %add3A_278 = arith.constant 3 : i32
      %add3A_279 = arith.addi %mul3A_277, %add3A_278 : i32
      %mul3A_280 = arith.constant 256 : i32
      %mul3A_281 = arith.muli %mul3A_280, %add3A_279 : i32
      %dma_wait3A_282 = arith.constant 3 : i32
      %dma_wait3A_283 = arith.constant 0 : i32
      %dma_wait3A_284 = arith.constant 0 : i32
      %dma_wait3A_285 = tpu.memref_slice %arg15[%dma_wait3A_282, %dma_wait3A_283, %dma_wait3A_284] : memref<4x256x64xf32, #tpu.memory_space<vmem>> -> memref<1x256x64xf32, #tpu.memory_space<vmem>>
      %dma_wait3A_286 = tpu.memref_squeeze %dma_wait3A_285 : memref<1x256x64xf32, #tpu.memory_space<vmem>> -> memref<256x64xf32, #tpu.memory_space<vmem>>
      %dma_wait3A_287 = tpu.memref_slice %arg13[%mul3A_281] : memref<10240xi32, #tpu.memory_space<vmem>> -> memref<256xi32, #tpu.memory_space<vmem>>
      %dma_wait3A_288 = arith.constant 0 : i32
      %dma_wait3A_289 = arith.constant 0 : i32
      %dma_wait3A_290 = tpu.memref_slice %arg2[%dma_wait3A_288, %dma_wait3A_289] : memref<20000x64xf32, #tpu.memory_space<hbm>> -> memref<20000x64xf32, #tpu.memory_space<hbm>>
      tpu.wait_indirect_dma semaphore(%arg20 : memref<!tpu.dma_semaphore, #tpu.memory_space<semaphore_mem>>) src(%dma_wait3A_290 : memref<20000x64xf32, #tpu.memory_space<hbm>>) dst(%dma_wait3A_286 : memref<256x64xf32, #tpu.memory_space<vmem>>)
      %mul3A_291 = arith.constant 2 : i32
      %mul3A_292 = arith.muli %mul3A_291, %add3A_279 : i32
      %add3A_293 = arith.constant 0 : i32
      %add3A_294 = arith.addi %mul3A_292, %add3A_293 : i32
      %dma_start3A_295 = arith.constant 3 : i32
      %dma_start3A_296 = arith.constant 0 : i32
      %dma_start3A_297 = arith.constant 0 : i32
      %dma_start3A_298 = tpu.memref_slice %arg15[%dma_start3A_295, %dma_start3A_296, %dma_start3A_297] : memref<4x256x64xf32, #tpu.memory_space<vmem>> -> memref<1x128x64xf32, #tpu.memory_space<vmem>>
      %dma_start3A_299 = tpu.memref_squeeze %dma_start3A_298 : memref<1x128x64xf32, #tpu.memory_space<vmem>> -> memref<128x64xf32, #tpu.memory_space<vmem>>
      %dma_start3A_300 = arith.constant 0 : i32
      %dma_start3A_301 = tpu.memref_slice %arg14[%add3A_294, %dma_start3A_300] : memref<80x128xi32, #tpu.memory_space<vmem>> -> memref<1x128xi32, #tpu.memory_space<vmem>>
      %dma_start3A_302 = tpu.memref_squeeze %dma_start3A_301 : memref<1x128xi32, #tpu.memory_space<vmem>> -> memref<128xi32, #tpu.memory_space<vmem>>
      %dma_start3A_303 = arith.constant 0 : i32
      %dma_start3A_304 = arith.constant 0 : i32
      %dma_start3A_305 = tpu.memref_slice %arg11[%dma_start3A_303, %dma_start3A_304] : memref<10240x64xf32, #tpu.memory_space<vmem_shared>> -> memref<10240x64xf32, #tpu.memory_space<vmem_shared>>
      tpu.enqueue_indirect_dma source(%dma_start3A_299 : memref<128x64xf32, #tpu.memory_space<vmem>>) target(%dma_start3A_305 : memref<10240x64xf32, #tpu.memory_space<vmem_shared>>) offsets(%dma_start3A_302 : memref<128xi32, #tpu.memory_space<vmem>>) semaphore(%arg24 : memref<!tpu.dma_semaphore, #tpu.memory_space<semaphore_mem>>) {add = true}
      %convert_element_type3A_306 = arith.extui %eq3A_1 : i1 to i32
      %cond3A_307 = arith.constant 0 : i32
      %cond3A_308 = arith.cmpi ne, %convert_element_type3A_306, %cond3A_307 : i32
      scf.if %cond3A_308 {
        %dma_start3A_514 = arith.constant 0 : i32
        %dma_start3A_515 = tpu.memref_slice %arg14[%add3A_294, %dma_start3A_514] : memref<80x128xi32, #tpu.memory_space<vmem>> -> memref<1x128xi32, #tpu.memory_space<vmem>>
        %dma_start3A_516 = tpu.memref_squeeze %dma_start3A_515 : memref<1x128xi32, #tpu.memory_space<vmem>> -> memref<128xi32, #tpu.memory_space<vmem>>
        %dma_start3A_517 = arith.constant 0 : i32
        %dma_start3A_518 = tpu.memref_slice %arg12[%dma_start3A_517] : memref<10240xf32, #tpu.memory_space<vmem_shared>> -> memref<10240xf32, #tpu.memory_space<vmem_shared>>
        tpu.enqueue_indirect_dma source(%arg16 : memref<128xf32, #tpu.memory_space<vmem>>) target(%dma_start3A_518 : memref<10240xf32, #tpu.memory_space<vmem_shared>>) offsets(%dma_start3A_516 : memref<128xi32, #tpu.memory_space<vmem>>) semaphore(%arg24 : memref<!tpu.dma_semaphore, #tpu.memory_space<semaphore_mem>>) {add = true}
      } else {
      }
      %mul3A_309 = arith.constant 2 : i32
      %mul3A_310 = arith.muli %mul3A_309, %add3A_279 : i32
      %add3A_311 = arith.constant 1 : i32
      %add3A_312 = arith.addi %mul3A_310, %add3A_311 : i32
      %dma_start3A_313 = arith.constant 3 : i32
      %dma_start3A_314 = arith.constant 128 : i32
      %dma_start3A_315 = arith.constant 0 : i32
      %dma_start3A_316 = tpu.memref_slice %arg15[%dma_start3A_313, %dma_start3A_314, %dma_start3A_315] : memref<4x256x64xf32, #tpu.memory_space<vmem>> -> memref<1x128x64xf32, #tpu.memory_space<vmem>>
      %dma_start3A_317 = tpu.memref_squeeze %dma_start3A_316 : memref<1x128x64xf32, #tpu.memory_space<vmem>> -> memref<128x64xf32, #tpu.memory_space<vmem>>
      %dma_start3A_318 = arith.constant 0 : i32
      %dma_start3A_319 = tpu.memref_slice %arg14[%add3A_312, %dma_start3A_318] : memref<80x128xi32, #tpu.memory_space<vmem>> -> memref<1x128xi32, #tpu.memory_space<vmem>>
      %dma_start3A_320 = tpu.memref_squeeze %dma_start3A_319 : memref<1x128xi32, #tpu.memory_space<vmem>> -> memref<128xi32, #tpu.memory_space<vmem>>
      %dma_start3A_321 = arith.constant 0 : i32
      %dma_start3A_322 = arith.constant 0 : i32
      %dma_start3A_323 = tpu.memref_slice %arg11[%dma_start3A_321, %dma_start3A_322] : memref<10240x64xf32, #tpu.memory_space<vmem_shared>> -> memref<10240x64xf32, #tpu.memory_space<vmem_shared>>
      tpu.enqueue_indirect_dma source(%dma_start3A_317 : memref<128x64xf32, #tpu.memory_space<vmem>>) target(%dma_start3A_323 : memref<10240x64xf32, #tpu.memory_space<vmem_shared>>) offsets(%dma_start3A_320 : memref<128xi32, #tpu.memory_space<vmem>>) semaphore(%arg24 : memref<!tpu.dma_semaphore, #tpu.memory_space<semaphore_mem>>) {add = true}
      %convert_element_type3A_324 = arith.extui %eq3A_1 : i1 to i32
      %cond3A_325 = arith.constant 0 : i32
      %cond3A_326 = arith.cmpi ne, %convert_element_type3A_324, %cond3A_325 : i32
      scf.if %cond3A_326 {
        %dma_start3A_514 = arith.constant 0 : i32
        %dma_start3A_515 = tpu.memref_slice %arg14[%add3A_312, %dma_start3A_514] : memref<80x128xi32, #tpu.memory_space<vmem>> -> memref<1x128xi32, #tpu.memory_space<vmem>>
        %dma_start3A_516 = tpu.memref_squeeze %dma_start3A_515 : memref<1x128xi32, #tpu.memory_space<vmem>> -> memref<128xi32, #tpu.memory_space<vmem>>
        %dma_start3A_517 = arith.constant 0 : i32
        %dma_start3A_518 = tpu.memref_slice %arg12[%dma_start3A_517] : memref<10240xf32, #tpu.memory_space<vmem_shared>> -> memref<10240xf32, #tpu.memory_space<vmem_shared>>
        tpu.enqueue_indirect_dma source(%arg16 : memref<128xf32, #tpu.memory_space<vmem>>) target(%dma_start3A_518 : memref<10240xf32, #tpu.memory_space<vmem_shared>>) offsets(%dma_start3A_516 : memref<128xi32, #tpu.memory_space<vmem>>) semaphore(%arg24 : memref<!tpu.dma_semaphore, #tpu.memory_space<semaphore_mem>>) {add = true}
      } else {
      }
      %mul3A_327 = arith.constant 4 : i32
      %mul3A_328 = arith.muli %mul3A_327, %scan3A_123 : i32
      %add3A_329 = arith.constant 0 : i32
      %add3A_330 = arith.addi %mul3A_328, %add3A_329 : i32
      %add3A_331 = arith.constant 4 : i32
      %add3A_332 = arith.addi %add3A_330, %add3A_331 : i32
      %mul3A_333 = arith.constant 2 : i32
      %mul3A_334 = arith.muli %mul3A_333, %add3A_330 : i32
      %add3A_335 = arith.constant 0 : i32
      %add3A_336 = arith.addi %mul3A_334, %add3A_335 : i32
      %dma_wait3A_337 = arith.constant 0 : i32
      %dma_wait3A_338 = arith.constant 0 : i32
      %dma_wait3A_339 = arith.constant 0 : i32
      %dma_wait3A_340 = tpu.memref_slice %arg15[%dma_wait3A_337, %dma_wait3A_338, %dma_wait3A_339] : memref<4x256x64xf32, #tpu.memory_space<vmem>> -> memref<1x128x64xf32, #tpu.memory_space<vmem>>
      %dma_wait3A_341 = tpu.memref_squeeze %dma_wait3A_340 : memref<1x128x64xf32, #tpu.memory_space<vmem>> -> memref<128x64xf32, #tpu.memory_space<vmem>>
      %dma_wait3A_342 = arith.constant 0 : i32
      %dma_wait3A_343 = tpu.memref_slice %arg14[%add3A_336, %dma_wait3A_342] : memref<80x128xi32, #tpu.memory_space<vmem>> -> memref<1x128xi32, #tpu.memory_space<vmem>>
      %dma_wait3A_344 = tpu.memref_squeeze %dma_wait3A_343 : memref<1x128xi32, #tpu.memory_space<vmem>> -> memref<128xi32, #tpu.memory_space<vmem>>
      %dma_wait3A_345 = arith.constant 0 : i32
      %dma_wait3A_346 = arith.constant 0 : i32
      %dma_wait3A_347 = tpu.memref_slice %arg11[%dma_wait3A_345, %dma_wait3A_346] : memref<10240x64xf32, #tpu.memory_space<vmem_shared>> -> memref<10240x64xf32, #tpu.memory_space<vmem_shared>>
      tpu.wait_indirect_dma semaphore(%arg21 : memref<!tpu.dma_semaphore, #tpu.memory_space<semaphore_mem>>) src(%dma_wait3A_341 : memref<128x64xf32, #tpu.memory_space<vmem>>) dst(%dma_wait3A_347 : memref<10240x64xf32, #tpu.memory_space<vmem_shared>>)
      %convert_element_type3A_348 = arith.extui %eq3A_1 : i1 to i32
      %cond3A_349 = arith.constant 0 : i32
      %cond3A_350 = arith.cmpi ne, %convert_element_type3A_348, %cond3A_349 : i32
      scf.if %cond3A_350 {
        %dma_wait3A_514 = arith.constant 0 : i32
        %dma_wait3A_515 = tpu.memref_slice %arg14[%add3A_336, %dma_wait3A_514] : memref<80x128xi32, #tpu.memory_space<vmem>> -> memref<1x128xi32, #tpu.memory_space<vmem>>
        %dma_wait3A_516 = tpu.memref_squeeze %dma_wait3A_515 : memref<1x128xi32, #tpu.memory_space<vmem>> -> memref<128xi32, #tpu.memory_space<vmem>>
        %dma_wait3A_517 = arith.constant 0 : i32
        %dma_wait3A_518 = tpu.memref_slice %arg12[%dma_wait3A_517] : memref<10240xf32, #tpu.memory_space<vmem_shared>> -> memref<10240xf32, #tpu.memory_space<vmem_shared>>
        tpu.wait_indirect_dma semaphore(%arg21 : memref<!tpu.dma_semaphore, #tpu.memory_space<semaphore_mem>>) src(%arg16 : memref<128xf32, #tpu.memory_space<vmem>>) dst(%dma_wait3A_518 : memref<10240xf32, #tpu.memory_space<vmem_shared>>)
      } else {
      }
      %mul3A_351 = arith.constant 2 : i32
      %mul3A_352 = arith.muli %mul3A_351, %add3A_330 : i32
      %add3A_353 = arith.constant 1 : i32
      %add3A_354 = arith.addi %mul3A_352, %add3A_353 : i32
      %dma_wait3A_355 = arith.constant 0 : i32
      %dma_wait3A_356 = arith.constant 128 : i32
      %dma_wait3A_357 = arith.constant 0 : i32
      %dma_wait3A_358 = tpu.memref_slice %arg15[%dma_wait3A_355, %dma_wait3A_356, %dma_wait3A_357] : memref<4x256x64xf32, #tpu.memory_space<vmem>> -> memref<1x128x64xf32, #tpu.memory_space<vmem>>
      %dma_wait3A_359 = tpu.memref_squeeze %dma_wait3A_358 : memref<1x128x64xf32, #tpu.memory_space<vmem>> -> memref<128x64xf32, #tpu.memory_space<vmem>>
      %dma_wait3A_360 = arith.constant 0 : i32
      %dma_wait3A_361 = tpu.memref_slice %arg14[%add3A_354, %dma_wait3A_360] : memref<80x128xi32, #tpu.memory_space<vmem>> -> memref<1x128xi32, #tpu.memory_space<vmem>>
      %dma_wait3A_362 = tpu.memref_squeeze %dma_wait3A_361 : memref<1x128xi32, #tpu.memory_space<vmem>> -> memref<128xi32, #tpu.memory_space<vmem>>
      %dma_wait3A_363 = arith.constant 0 : i32
      %dma_wait3A_364 = arith.constant 0 : i32
      %dma_wait3A_365 = tpu.memref_slice %arg11[%dma_wait3A_363, %dma_wait3A_364] : memref<10240x64xf32, #tpu.memory_space<vmem_shared>> -> memref<10240x64xf32, #tpu.memory_space<vmem_shared>>
      tpu.wait_indirect_dma semaphore(%arg21 : memref<!tpu.dma_semaphore, #tpu.memory_space<semaphore_mem>>) src(%dma_wait3A_359 : memref<128x64xf32, #tpu.memory_space<vmem>>) dst(%dma_wait3A_365 : memref<10240x64xf32, #tpu.memory_space<vmem_shared>>)
      %convert_element_type3A_366 = arith.extui %eq3A_1 : i1 to i32
      %cond3A_367 = arith.constant 0 : i32
      %cond3A_368 = arith.cmpi ne, %convert_element_type3A_366, %cond3A_367 : i32
      scf.if %cond3A_368 {
        %dma_wait3A_514 = arith.constant 0 : i32
        %dma_wait3A_515 = tpu.memref_slice %arg14[%add3A_354, %dma_wait3A_514] : memref<80x128xi32, #tpu.memory_space<vmem>> -> memref<1x128xi32, #tpu.memory_space<vmem>>
        %dma_wait3A_516 = tpu.memref_squeeze %dma_wait3A_515 : memref<1x128xi32, #tpu.memory_space<vmem>> -> memref<128xi32, #tpu.memory_space<vmem>>
        %dma_wait3A_517 = arith.constant 0 : i32
        %dma_wait3A_518 = tpu.memref_slice %arg12[%dma_wait3A_517] : memref<10240xf32, #tpu.memory_space<vmem_shared>> -> memref<10240xf32, #tpu.memory_space<vmem_shared>>
        tpu.wait_indirect_dma semaphore(%arg21 : memref<!tpu.dma_semaphore, #tpu.memory_space<semaphore_mem>>) src(%arg16 : memref<128xf32, #tpu.memory_space<vmem>>) dst(%dma_wait3A_518 : memref<10240xf32, #tpu.memory_space<vmem_shared>>)
      } else {
      }
      %lt3A = arith.constant 40 : i32
      %lt3A_369 = arith.cmpi slt, %add3A_332, %lt3A : i32
      %convert_element_type3A_370 = arith.extui %lt3A_369 : i1 to i32
      %cond3A_371 = arith.constant 0 : i32
      %cond3A_372 = arith.cmpi ne, %convert_element_type3A_370, %cond3A_371 : i32
      scf.if %cond3A_372 {
        %mul3A_514 = arith.constant 256 : i32
        %mul3A_515 = arith.muli %mul3A_514, %add3A_332 : i32
        %dma_start3A_516 = arith.constant 0 : i32
        %dma_start3A_517 = arith.constant 0 : i32
        %dma_start3A_518 = arith.constant 0 : i32
        %dma_start3A_519 = tpu.memref_slice %arg15[%dma_start3A_516, %dma_start3A_517, %dma_start3A_518] : memref<4x256x64xf32, #tpu.memory_space<vmem>> -> memref<1x256x64xf32, #tpu.memory_space<vmem>>
        %dma_start3A_520 = tpu.memref_squeeze %dma_start3A_519 : memref<1x256x64xf32, #tpu.memory_space<vmem>> -> memref<256x64xf32, #tpu.memory_space<vmem>>
        %dma_start3A_521 = tpu.memref_slice %arg13[%mul3A_515] : memref<10240xi32, #tpu.memory_space<vmem>> -> memref<256xi32, #tpu.memory_space<vmem>>
        %dma_start3A_522 = arith.constant 0 : i32
        %dma_start3A_523 = arith.constant 0 : i32
        %dma_start3A_524 = tpu.memref_slice %arg2[%dma_start3A_522, %dma_start3A_523] : memref<20000x64xf32, #tpu.memory_space<hbm>> -> memref<20000x64xf32, #tpu.memory_space<hbm>>
        tpu.enqueue_indirect_dma source(%dma_start3A_524 : memref<20000x64xf32, #tpu.memory_space<hbm>>) target(%dma_start3A_520 : memref<256x64xf32, #tpu.memory_space<vmem>>) offsets(%dma_start3A_521 : memref<256xi32, #tpu.memory_space<vmem>>) semaphore(%arg17 : memref<!tpu.dma_semaphore, #tpu.memory_space<semaphore_mem>>)
      } else {
      }
      %mul3A_373 = arith.constant 4 : i32
      %mul3A_374 = arith.muli %mul3A_373, %scan3A_123 : i32
      %add3A_375 = arith.constant 1 : i32
      %add3A_376 = arith.addi %mul3A_374, %add3A_375 : i32
      %add3A_377 = arith.constant 4 : i32
      %add3A_378 = arith.addi %add3A_376, %add3A_377 : i32
      %mul3A_379 = arith.constant 2 : i32
      %mul3A_380 = arith.muli %mul3A_379, %add3A_376 : i32
      %add3A_381 = arith.constant 0 : i32
      %add3A_382 = arith.addi %mul3A_380, %add3A_381 : i32
      %dma_wait3A_383 = arith.constant 1 : i32
      %dma_wait3A_384 = arith.constant 0 : i32
      %dma_wait3A_385 = arith.constant 0 : i32
      %dma_wait3A_386 = tpu.memref_slice %arg15[%dma_wait3A_383, %dma_wait3A_384, %dma_wait3A_385] : memref<4x256x64xf32, #tpu.memory_space<vmem>> -> memref<1x128x64xf32, #tpu.memory_space<vmem>>
      %dma_wait3A_387 = tpu.memref_squeeze %dma_wait3A_386 : memref<1x128x64xf32, #tpu.memory_space<vmem>> -> memref<128x64xf32, #tpu.memory_space<vmem>>
      %dma_wait3A_388 = arith.constant 0 : i32
      %dma_wait3A_389 = tpu.memref_slice %arg14[%add3A_382, %dma_wait3A_388] : memref<80x128xi32, #tpu.memory_space<vmem>> -> memref<1x128xi32, #tpu.memory_space<vmem>>
      %dma_wait3A_390 = tpu.memref_squeeze %dma_wait3A_389 : memref<1x128xi32, #tpu.memory_space<vmem>> -> memref<128xi32, #tpu.memory_space<vmem>>
      %dma_wait3A_391 = arith.constant 0 : i32
      %dma_wait3A_392 = arith.constant 0 : i32
      %dma_wait3A_393 = tpu.memref_slice %arg11[%dma_wait3A_391, %dma_wait3A_392] : memref<10240x64xf32, #tpu.memory_space<vmem_shared>> -> memref<10240x64xf32, #tpu.memory_space<vmem_shared>>
      tpu.wait_indirect_dma semaphore(%arg22 : memref<!tpu.dma_semaphore, #tpu.memory_space<semaphore_mem>>) src(%dma_wait3A_387 : memref<128x64xf32, #tpu.memory_space<vmem>>) dst(%dma_wait3A_393 : memref<10240x64xf32, #tpu.memory_space<vmem_shared>>)
      %convert_element_type3A_394 = arith.extui %eq3A_1 : i1 to i32
      %cond3A_395 = arith.constant 0 : i32
      %cond3A_396 = arith.cmpi ne, %convert_element_type3A_394, %cond3A_395 : i32
      scf.if %cond3A_396 {
        %dma_wait3A_514 = arith.constant 0 : i32
        %dma_wait3A_515 = tpu.memref_slice %arg14[%add3A_382, %dma_wait3A_514] : memref<80x128xi32, #tpu.memory_space<vmem>> -> memref<1x128xi32, #tpu.memory_space<vmem>>
        %dma_wait3A_516 = tpu.memref_squeeze %dma_wait3A_515 : memref<1x128xi32, #tpu.memory_space<vmem>> -> memref<128xi32, #tpu.memory_space<vmem>>
        %dma_wait3A_517 = arith.constant 0 : i32
        %dma_wait3A_518 = tpu.memref_slice %arg12[%dma_wait3A_517] : memref<10240xf32, #tpu.memory_space<vmem_shared>> -> memref<10240xf32, #tpu.memory_space<vmem_shared>>
        tpu.wait_indirect_dma semaphore(%arg22 : memref<!tpu.dma_semaphore, #tpu.memory_space<semaphore_mem>>) src(%arg16 : memref<128xf32, #tpu.memory_space<vmem>>) dst(%dma_wait3A_518 : memref<10240xf32, #tpu.memory_space<vmem_shared>>)
      } else {
      }
      %mul3A_397 = arith.constant 2 : i32
      %mul3A_398 = arith.muli %mul3A_397, %add3A_376 : i32
      %add3A_399 = arith.constant 1 : i32
      %add3A_400 = arith.addi %mul3A_398, %add3A_399 : i32
      %dma_wait3A_401 = arith.constant 1 : i32
      %dma_wait3A_402 = arith.constant 128 : i32
      %dma_wait3A_403 = arith.constant 0 : i32
      %dma_wait3A_404 = tpu.memref_slice %arg15[%dma_wait3A_401, %dma_wait3A_402, %dma_wait3A_403] : memref<4x256x64xf32, #tpu.memory_space<vmem>> -> memref<1x128x64xf32, #tpu.memory_space<vmem>>
      %dma_wait3A_405 = tpu.memref_squeeze %dma_wait3A_404 : memref<1x128x64xf32, #tpu.memory_space<vmem>> -> memref<128x64xf32, #tpu.memory_space<vmem>>
      %dma_wait3A_406 = arith.constant 0 : i32
      %dma_wait3A_407 = tpu.memref_slice %arg14[%add3A_400, %dma_wait3A_406] : memref<80x128xi32, #tpu.memory_space<vmem>> -> memref<1x128xi32, #tpu.memory_space<vmem>>
      %dma_wait3A_408 = tpu.memref_squeeze %dma_wait3A_407 : memref<1x128xi32, #tpu.memory_space<vmem>> -> memref<128xi32, #tpu.memory_space<vmem>>
      %dma_wait3A_409 = arith.constant 0 : i32
      %dma_wait3A_410 = arith.constant 0 : i32
      %dma_wait3A_411 = tpu.memref_slice %arg11[%dma_wait3A_409, %dma_wait3A_410] : memref<10240x64xf32, #tpu.memory_space<vmem_shared>> -> memref<10240x64xf32, #tpu.memory_space<vmem_shared>>
      tpu.wait_indirect_dma semaphore(%arg22 : memref<!tpu.dma_semaphore, #tpu.memory_space<semaphore_mem>>) src(%dma_wait3A_405 : memref<128x64xf32, #tpu.memory_space<vmem>>) dst(%dma_wait3A_411 : memref<10240x64xf32, #tpu.memory_space<vmem_shared>>)
      %convert_element_type3A_412 = arith.extui %eq3A_1 : i1 to i32
      %cond3A_413 = arith.constant 0 : i32
      %cond3A_414 = arith.cmpi ne, %convert_element_type3A_412, %cond3A_413 : i32
      scf.if %cond3A_414 {
        %dma_wait3A_514 = arith.constant 0 : i32
        %dma_wait3A_515 = tpu.memref_slice %arg14[%add3A_400, %dma_wait3A_514] : memref<80x128xi32, #tpu.memory_space<vmem>> -> memref<1x128xi32, #tpu.memory_space<vmem>>
        %dma_wait3A_516 = tpu.memref_squeeze %dma_wait3A_515 : memref<1x128xi32, #tpu.memory_space<vmem>> -> memref<128xi32, #tpu.memory_space<vmem>>
        %dma_wait3A_517 = arith.constant 0 : i32
        %dma_wait3A_518 = tpu.memref_slice %arg12[%dma_wait3A_517] : memref<10240xf32, #tpu.memory_space<vmem_shared>> -> memref<10240xf32, #tpu.memory_space<vmem_shared>>
        tpu.wait_indirect_dma semaphore(%arg22 : memref<!tpu.dma_semaphore, #tpu.memory_space<semaphore_mem>>) src(%arg16 : memref<128xf32, #tpu.memory_space<vmem>>) dst(%dma_wait3A_518 : memref<10240xf32, #tpu.memory_space<vmem_shared>>)
      } else {
      }
      %lt3A_415 = arith.constant 40 : i32
      %lt3A_416 = arith.cmpi slt, %add3A_378, %lt3A_415 : i32
      %convert_element_type3A_417 = arith.extui %lt3A_416 : i1 to i32
      %cond3A_418 = arith.constant 0 : i32
      %cond3A_419 = arith.cmpi ne, %convert_element_type3A_417, %cond3A_418 : i32
      scf.if %cond3A_419 {
        %mul3A_514 = arith.constant 256 : i32
        %mul3A_515 = arith.muli %mul3A_514, %add3A_378 : i32
        %dma_start3A_516 = arith.constant 1 : i32
        %dma_start3A_517 = arith.constant 0 : i32
        %dma_start3A_518 = arith.constant 0 : i32
        %dma_start3A_519 = tpu.memref_slice %arg15[%dma_start3A_516, %dma_start3A_517, %dma_start3A_518] : memref<4x256x64xf32, #tpu.memory_space<vmem>> -> memref<1x256x64xf32, #tpu.memory_space<vmem>>
        %dma_start3A_520 = tpu.memref_squeeze %dma_start3A_519 : memref<1x256x64xf32, #tpu.memory_space<vmem>> -> memref<256x64xf32, #tpu.memory_space<vmem>>
        %dma_start3A_521 = tpu.memref_slice %arg13[%mul3A_515] : memref<10240xi32, #tpu.memory_space<vmem>> -> memref<256xi32, #tpu.memory_space<vmem>>
        %dma_start3A_522 = arith.constant 0 : i32
        %dma_start3A_523 = arith.constant 0 : i32
        %dma_start3A_524 = tpu.memref_slice %arg2[%dma_start3A_522, %dma_start3A_523] : memref<20000x64xf32, #tpu.memory_space<hbm>> -> memref<20000x64xf32, #tpu.memory_space<hbm>>
        tpu.enqueue_indirect_dma source(%dma_start3A_524 : memref<20000x64xf32, #tpu.memory_space<hbm>>) target(%dma_start3A_520 : memref<256x64xf32, #tpu.memory_space<vmem>>) offsets(%dma_start3A_521 : memref<256xi32, #tpu.memory_space<vmem>>) semaphore(%arg18 : memref<!tpu.dma_semaphore, #tpu.memory_space<semaphore_mem>>)
      } else {
      }
      %mul3A_420 = arith.constant 4 : i32
      %mul3A_421 = arith.muli %mul3A_420, %scan3A_123 : i32
      %add3A_422 = arith.constant 2 : i32
      %add3A_423 = arith.addi %mul3A_421, %add3A_422 : i32
      %add3A_424 = arith.constant 4 : i32
      %add3A_425 = arith.addi %add3A_423, %add3A_424 : i32
      %mul3A_426 = arith.constant 2 : i32
      %mul3A_427 = arith.muli %mul3A_426, %add3A_423 : i32
      %add3A_428 = arith.constant 0 : i32
      %add3A_429 = arith.addi %mul3A_427, %add3A_428 : i32
      %dma_wait3A_430 = arith.constant 2 : i32
      %dma_wait3A_431 = arith.constant 0 : i32
      %dma_wait3A_432 = arith.constant 0 : i32
      %dma_wait3A_433 = tpu.memref_slice %arg15[%dma_wait3A_430, %dma_wait3A_431, %dma_wait3A_432] : memref<4x256x64xf32, #tpu.memory_space<vmem>> -> memref<1x128x64xf32, #tpu.memory_space<vmem>>
      %dma_wait3A_434 = tpu.memref_squeeze %dma_wait3A_433 : memref<1x128x64xf32, #tpu.memory_space<vmem>> -> memref<128x64xf32, #tpu.memory_space<vmem>>
      %dma_wait3A_435 = arith.constant 0 : i32
      %dma_wait3A_436 = tpu.memref_slice %arg14[%add3A_429, %dma_wait3A_435] : memref<80x128xi32, #tpu.memory_space<vmem>> -> memref<1x128xi32, #tpu.memory_space<vmem>>
      %dma_wait3A_437 = tpu.memref_squeeze %dma_wait3A_436 : memref<1x128xi32, #tpu.memory_space<vmem>> -> memref<128xi32, #tpu.memory_space<vmem>>
      %dma_wait3A_438 = arith.constant 0 : i32
      %dma_wait3A_439 = arith.constant 0 : i32
      %dma_wait3A_440 = tpu.memref_slice %arg11[%dma_wait3A_438, %dma_wait3A_439] : memref<10240x64xf32, #tpu.memory_space<vmem_shared>> -> memref<10240x64xf32, #tpu.memory_space<vmem_shared>>
      tpu.wait_indirect_dma semaphore(%arg23 : memref<!tpu.dma_semaphore, #tpu.memory_space<semaphore_mem>>) src(%dma_wait3A_434 : memref<128x64xf32, #tpu.memory_space<vmem>>) dst(%dma_wait3A_440 : memref<10240x64xf32, #tpu.memory_space<vmem_shared>>)
      %convert_element_type3A_441 = arith.extui %eq3A_1 : i1 to i32
      %cond3A_442 = arith.constant 0 : i32
      %cond3A_443 = arith.cmpi ne, %convert_element_type3A_441, %cond3A_442 : i32
      scf.if %cond3A_443 {
        %dma_wait3A_514 = arith.constant 0 : i32
        %dma_wait3A_515 = tpu.memref_slice %arg14[%add3A_429, %dma_wait3A_514] : memref<80x128xi32, #tpu.memory_space<vmem>> -> memref<1x128xi32, #tpu.memory_space<vmem>>
        %dma_wait3A_516 = tpu.memref_squeeze %dma_wait3A_515 : memref<1x128xi32, #tpu.memory_space<vmem>> -> memref<128xi32, #tpu.memory_space<vmem>>
        %dma_wait3A_517 = arith.constant 0 : i32
        %dma_wait3A_518 = tpu.memref_slice %arg12[%dma_wait3A_517] : memref<10240xf32, #tpu.memory_space<vmem_shared>> -> memref<10240xf32, #tpu.memory_space<vmem_shared>>
        tpu.wait_indirect_dma semaphore(%arg23 : memref<!tpu.dma_semaphore, #tpu.memory_space<semaphore_mem>>) src(%arg16 : memref<128xf32, #tpu.memory_space<vmem>>) dst(%dma_wait3A_518 : memref<10240xf32, #tpu.memory_space<vmem_shared>>)
      } else {
      }
      %mul3A_444 = arith.constant 2 : i32
      %mul3A_445 = arith.muli %mul3A_444, %add3A_423 : i32
      %add3A_446 = arith.constant 1 : i32
      %add3A_447 = arith.addi %mul3A_445, %add3A_446 : i32
      %dma_wait3A_448 = arith.constant 2 : i32
      %dma_wait3A_449 = arith.constant 128 : i32
      %dma_wait3A_450 = arith.constant 0 : i32
      %dma_wait3A_451 = tpu.memref_slice %arg15[%dma_wait3A_448, %dma_wait3A_449, %dma_wait3A_450] : memref<4x256x64xf32, #tpu.memory_space<vmem>> -> memref<1x128x64xf32, #tpu.memory_space<vmem>>
      %dma_wait3A_452 = tpu.memref_squeeze %dma_wait3A_451 : memref<1x128x64xf32, #tpu.memory_space<vmem>> -> memref<128x64xf32, #tpu.memory_space<vmem>>
      %dma_wait3A_453 = arith.constant 0 : i32
      %dma_wait3A_454 = tpu.memref_slice %arg14[%add3A_447, %dma_wait3A_453] : memref<80x128xi32, #tpu.memory_space<vmem>> -> memref<1x128xi32, #tpu.memory_space<vmem>>
      %dma_wait3A_455 = tpu.memref_squeeze %dma_wait3A_454 : memref<1x128xi32, #tpu.memory_space<vmem>> -> memref<128xi32, #tpu.memory_space<vmem>>
      %dma_wait3A_456 = arith.constant 0 : i32
      %dma_wait3A_457 = arith.constant 0 : i32
      %dma_wait3A_458 = tpu.memref_slice %arg11[%dma_wait3A_456, %dma_wait3A_457] : memref<10240x64xf32, #tpu.memory_space<vmem_shared>> -> memref<10240x64xf32, #tpu.memory_space<vmem_shared>>
      tpu.wait_indirect_dma semaphore(%arg23 : memref<!tpu.dma_semaphore, #tpu.memory_space<semaphore_mem>>) src(%dma_wait3A_452 : memref<128x64xf32, #tpu.memory_space<vmem>>) dst(%dma_wait3A_458 : memref<10240x64xf32, #tpu.memory_space<vmem_shared>>)
      %convert_element_type3A_459 = arith.extui %eq3A_1 : i1 to i32
      %cond3A_460 = arith.constant 0 : i32
      %cond3A_461 = arith.cmpi ne, %convert_element_type3A_459, %cond3A_460 : i32
      scf.if %cond3A_461 {
        %dma_wait3A_514 = arith.constant 0 : i32
        %dma_wait3A_515 = tpu.memref_slice %arg14[%add3A_447, %dma_wait3A_514] : memref<80x128xi32, #tpu.memory_space<vmem>> -> memref<1x128xi32, #tpu.memory_space<vmem>>
        %dma_wait3A_516 = tpu.memref_squeeze %dma_wait3A_515 : memref<1x128xi32, #tpu.memory_space<vmem>> -> memref<128xi32, #tpu.memory_space<vmem>>
        %dma_wait3A_517 = arith.constant 0 : i32
        %dma_wait3A_518 = tpu.memref_slice %arg12[%dma_wait3A_517] : memref<10240xf32, #tpu.memory_space<vmem_shared>> -> memref<10240xf32, #tpu.memory_space<vmem_shared>>
        tpu.wait_indirect_dma semaphore(%arg23 : memref<!tpu.dma_semaphore, #tpu.memory_space<semaphore_mem>>) src(%arg16 : memref<128xf32, #tpu.memory_space<vmem>>) dst(%dma_wait3A_518 : memref<10240xf32, #tpu.memory_space<vmem_shared>>)
      } else {
      }
      %lt3A_462 = arith.constant 40 : i32
      %lt3A_463 = arith.cmpi slt, %add3A_425, %lt3A_462 : i32
      %convert_element_type3A_464 = arith.extui %lt3A_463 : i1 to i32
      %cond3A_465 = arith.constant 0 : i32
      %cond3A_466 = arith.cmpi ne, %convert_element_type3A_464, %cond3A_465 : i32
      scf.if %cond3A_466 {
        %mul3A_514 = arith.constant 256 : i32
        %mul3A_515 = arith.muli %mul3A_514, %add3A_425 : i32
        %dma_start3A_516 = arith.constant 2 : i32
        %dma_start3A_517 = arith.constant 0 : i32
        %dma_start3A_518 = arith.constant 0 : i32
        %dma_start3A_519 = tpu.memref_slice %arg15[%dma_start3A_516, %dma_start3A_517, %dma_start3A_518] : memref<4x256x64xf32, #tpu.memory_space<vmem>> -> memref<1x256x64xf32, #tpu.memory_space<vmem>>
        %dma_start3A_520 = tpu.memref_squeeze %dma_start3A_519 : memref<1x256x64xf32, #tpu.memory_space<vmem>> -> memref<256x64xf32, #tpu.memory_space<vmem>>
        %dma_start3A_521 = tpu.memref_slice %arg13[%mul3A_515] : memref<10240xi32, #tpu.memory_space<vmem>> -> memref<256xi32, #tpu.memory_space<vmem>>
        %dma_start3A_522 = arith.constant 0 : i32
        %dma_start3A_523 = arith.constant 0 : i32
        %dma_start3A_524 = tpu.memref_slice %arg2[%dma_start3A_522, %dma_start3A_523] : memref<20000x64xf32, #tpu.memory_space<hbm>> -> memref<20000x64xf32, #tpu.memory_space<hbm>>
        tpu.enqueue_indirect_dma source(%dma_start3A_524 : memref<20000x64xf32, #tpu.memory_space<hbm>>) target(%dma_start3A_520 : memref<256x64xf32, #tpu.memory_space<vmem>>) offsets(%dma_start3A_521 : memref<256xi32, #tpu.memory_space<vmem>>) semaphore(%arg19 : memref<!tpu.dma_semaphore, #tpu.memory_space<semaphore_mem>>)
      } else {
      }
      %mul3A_467 = arith.constant 4 : i32
      %mul3A_468 = arith.muli %mul3A_467, %scan3A_123 : i32
      %add3A_469 = arith.constant 3 : i32
      %add3A_470 = arith.addi %mul3A_468, %add3A_469 : i32
      %add3A_471 = arith.constant 4 : i32
      %add3A_472 = arith.addi %add3A_470, %add3A_471 : i32
      %mul3A_473 = arith.constant 2 : i32
      %mul3A_474 = arith.muli %mul3A_473, %add3A_470 : i32
      %add3A_475 = arith.constant 0 : i32
      %add3A_476 = arith.addi %mul3A_474, %add3A_475 : i32
      %dma_wait3A_477 = arith.constant 3 : i32
      %dma_wait3A_478 = arith.constant 0 : i32
      %dma_wait3A_479 = arith.constant 0 : i32
      %dma_wait3A_480 = tpu.memref_slice %arg15[%dma_wait3A_477, %dma_wait3A_478, %dma_wait3A_479] : memref<4x256x64xf32, #tpu.memory_space<vmem>> -> memref<1x128x64xf32, #tpu.memory_space<vmem>>
      %dma_wait3A_481 = tpu.memref_squeeze %dma_wait3A_480 : memref<1x128x64xf32, #tpu.memory_space<vmem>> -> memref<128x64xf32, #tpu.memory_space<vmem>>
      %dma_wait3A_482 = arith.constant 0 : i32
      %dma_wait3A_483 = tpu.memref_slice %arg14[%add3A_476, %dma_wait3A_482] : memref<80x128xi32, #tpu.memory_space<vmem>> -> memref<1x128xi32, #tpu.memory_space<vmem>>
      %dma_wait3A_484 = tpu.memref_squeeze %dma_wait3A_483 : memref<1x128xi32, #tpu.memory_space<vmem>> -> memref<128xi32, #tpu.memory_space<vmem>>
      %dma_wait3A_485 = arith.constant 0 : i32
      %dma_wait3A_486 = arith.constant 0 : i32
      %dma_wait3A_487 = tpu.memref_slice %arg11[%dma_wait3A_485, %dma_wait3A_486] : memref<10240x64xf32, #tpu.memory_space<vmem_shared>> -> memref<10240x64xf32, #tpu.memory_space<vmem_shared>>
      tpu.wait_indirect_dma semaphore(%arg24 : memref<!tpu.dma_semaphore, #tpu.memory_space<semaphore_mem>>) src(%dma_wait3A_481 : memref<128x64xf32, #tpu.memory_space<vmem>>) dst(%dma_wait3A_487 : memref<10240x64xf32, #tpu.memory_space<vmem_shared>>)
      %convert_element_type3A_488 = arith.extui %eq3A_1 : i1 to i32
      %cond3A_489 = arith.constant 0 : i32
      %cond3A_490 = arith.cmpi ne, %convert_element_type3A_488, %cond3A_489 : i32
      scf.if %cond3A_490 {
        %dma_wait3A_514 = arith.constant 0 : i32
        %dma_wait3A_515 = tpu.memref_slice %arg14[%add3A_476, %dma_wait3A_514] : memref<80x128xi32, #tpu.memory_space<vmem>> -> memref<1x128xi32, #tpu.memory_space<vmem>>
        %dma_wait3A_516 = tpu.memref_squeeze %dma_wait3A_515 : memref<1x128xi32, #tpu.memory_space<vmem>> -> memref<128xi32, #tpu.memory_space<vmem>>
        %dma_wait3A_517 = arith.constant 0 : i32
        %dma_wait3A_518 = tpu.memref_slice %arg12[%dma_wait3A_517] : memref<10240xf32, #tpu.memory_space<vmem_shared>> -> memref<10240xf32, #tpu.memory_space<vmem_shared>>
        tpu.wait_indirect_dma semaphore(%arg24 : memref<!tpu.dma_semaphore, #tpu.memory_space<semaphore_mem>>) src(%arg16 : memref<128xf32, #tpu.memory_space<vmem>>) dst(%dma_wait3A_518 : memref<10240xf32, #tpu.memory_space<vmem_shared>>)
      } else {
      }
      %mul3A_491 = arith.constant 2 : i32
      %mul3A_492 = arith.muli %mul3A_491, %add3A_470 : i32
      %add3A_493 = arith.constant 1 : i32
      %add3A_494 = arith.addi %mul3A_492, %add3A_493 : i32
      %dma_wait3A_495 = arith.constant 3 : i32
      %dma_wait3A_496 = arith.constant 128 : i32
      %dma_wait3A_497 = arith.constant 0 : i32
      %dma_wait3A_498 = tpu.memref_slice %arg15[%dma_wait3A_495, %dma_wait3A_496, %dma_wait3A_497] : memref<4x256x64xf32, #tpu.memory_space<vmem>> -> memref<1x128x64xf32, #tpu.memory_space<vmem>>
      %dma_wait3A_499 = tpu.memref_squeeze %dma_wait3A_498 : memref<1x128x64xf32, #tpu.memory_space<vmem>> -> memref<128x64xf32, #tpu.memory_space<vmem>>
      %dma_wait3A_500 = arith.constant 0 : i32
      %dma_wait3A_501 = tpu.memref_slice %arg14[%add3A_494, %dma_wait3A_500] : memref<80x128xi32, #tpu.memory_space<vmem>> -> memref<1x128xi32, #tpu.memory_space<vmem>>
      %dma_wait3A_502 = tpu.memref_squeeze %dma_wait3A_501 : memref<1x128xi32, #tpu.memory_space<vmem>> -> memref<128xi32, #tpu.memory_space<vmem>>
      %dma_wait3A_503 = arith.constant 0 : i32
      %dma_wait3A_504 = arith.constant 0 : i32
      %dma_wait3A_505 = tpu.memref_slice %arg11[%dma_wait3A_503, %dma_wait3A_504] : memref<10240x64xf32, #tpu.memory_space<vmem_shared>> -> memref<10240x64xf32, #tpu.memory_space<vmem_shared>>
      tpu.wait_indirect_dma semaphore(%arg24 : memref<!tpu.dma_semaphore, #tpu.memory_space<semaphore_mem>>) src(%dma_wait3A_499 : memref<128x64xf32, #tpu.memory_space<vmem>>) dst(%dma_wait3A_505 : memref<10240x64xf32, #tpu.memory_space<vmem_shared>>)
      %convert_element_type3A_506 = arith.extui %eq3A_1 : i1 to i32
      %cond3A_507 = arith.constant 0 : i32
      %cond3A_508 = arith.cmpi ne, %convert_element_type3A_506, %cond3A_507 : i32
      scf.if %cond3A_508 {
        %dma_wait3A_514 = arith.constant 0 : i32
        %dma_wait3A_515 = tpu.memref_slice %arg14[%add3A_494, %dma_wait3A_514] : memref<80x128xi32, #tpu.memory_space<vmem>> -> memref<1x128xi32, #tpu.memory_space<vmem>>
        %dma_wait3A_516 = tpu.memref_squeeze %dma_wait3A_515 : memref<1x128xi32, #tpu.memory_space<vmem>> -> memref<128xi32, #tpu.memory_space<vmem>>
        %dma_wait3A_517 = arith.constant 0 : i32
        %dma_wait3A_518 = tpu.memref_slice %arg12[%dma_wait3A_517] : memref<10240xf32, #tpu.memory_space<vmem_shared>> -> memref<10240xf32, #tpu.memory_space<vmem_shared>>
        tpu.wait_indirect_dma semaphore(%arg24 : memref<!tpu.dma_semaphore, #tpu.memory_space<semaphore_mem>>) src(%arg16 : memref<128xf32, #tpu.memory_space<vmem>>) dst(%dma_wait3A_518 : memref<10240xf32, #tpu.memory_space<vmem_shared>>)
      } else {
      }
      %lt3A_509 = arith.constant 40 : i32
      %lt3A_510 = arith.cmpi slt, %add3A_472, %lt3A_509 : i32
      %convert_element_type3A_511 = arith.extui %lt3A_510 : i1 to i32
      %cond3A_512 = arith.constant 0 : i32
      %cond3A_513 = arith.cmpi ne, %convert_element_type3A_511, %cond3A_512 : i32
      scf.if %cond3A_513 {
        %mul3A_514 = arith.constant 256 : i32
        %mul3A_515 = arith.muli %mul3A_514, %add3A_472 : i32
        %dma_start3A_516 = arith.constant 3 : i32
        %dma_start3A_517 = arith.constant 0 : i32
        %dma_start3A_518 = arith.constant 0 : i32
        %dma_start3A_519 = tpu.memref_slice %arg15[%dma_start3A_516, %dma_start3A_517, %dma_start3A_518] : memref<4x256x64xf32, #tpu.memory_space<vmem>> -> memref<1x256x64xf32, #tpu.memory_space<vmem>>
        %dma_start3A_520 = tpu.memref_squeeze %dma_start3A_519 : memref<1x256x64xf32, #tpu.memory_space<vmem>> -> memref<256x64xf32, #tpu.memory_space<vmem>>
        %dma_start3A_521 = tpu.memref_slice %arg13[%mul3A_515] : memref<10240xi32, #tpu.memory_space<vmem>> -> memref<256xi32, #tpu.memory_space<vmem>>
        %dma_start3A_522 = arith.constant 0 : i32
        %dma_start3A_523 = arith.constant 0 : i32
        %dma_start3A_524 = tpu.memref_slice %arg2[%dma_start3A_522, %dma_start3A_523] : memref<20000x64xf32, #tpu.memory_space<hbm>> -> memref<20000x64xf32, #tpu.memory_space<hbm>>
        tpu.enqueue_indirect_dma source(%dma_start3A_524 : memref<20000x64xf32, #tpu.memory_space<hbm>>) target(%dma_start3A_520 : memref<256x64xf32, #tpu.memory_space<vmem>>) offsets(%dma_start3A_521 : memref<256xi32, #tpu.memory_space<vmem>>) semaphore(%arg20 : memref<!tpu.dma_semaphore, #tpu.memory_space<semaphore_mem>>)
      } else {
      }
    }
    %scan3A_60 = arith.constant 10 : i32
    %convert_element_type3A_61 = arith.extui %eq3A_1 : i1 to i32
    %cond3A_62 = arith.constant 0 : i32
    %cond3A_63 = arith.cmpi ne, %convert_element_type3A_61, %cond3A_62 : i32
    scf.if %cond3A_63 {
      %add3A_123 = arith.constant 10240 : i32
      %add3A_124 = arith.addi %mul3A_6, %add3A_123 : i32
      "tpu.region"() ({
        %run_scoped3A = tpu.sem_alloc : memref<!tpu.dma_semaphore, #tpu.memory_space<semaphore_mem>>
        %dma_start3A_125 = tpu.memref_slice %arg3[%add3A_124] : memref<327680xi32, #tpu.memory_space<hbm>> -> memref<10240xi32, #tpu.memory_space<hbm>>
        %dma_start3A_126 = tpu.memref_slice %arg3[%add3A_124] : memref<327680xi32, #tpu.memory_space<hbm>> -> memref<10240xi32, #tpu.memory_space<hbm>>
        tpu.enqueue_dma source(%dma_start3A_126 : memref<10240xi32, #tpu.memory_space<hbm>>) target(%arg13 : memref<10240xi32, #tpu.memory_space<vmem>>) target_semaphore(%run_scoped3A : memref<!tpu.dma_semaphore, #tpu.memory_space<semaphore_mem>>)
        %dma_wait3A = tpu.memref_slice %arg3[%add3A_124] : memref<327680xi32, #tpu.memory_space<hbm>> -> memref<10240xi32, #tpu.memory_space<hbm>>
        %dma_wait3A_127 = tpu.memref_slice %arg3[%add3A_124] : memref<327680xi32, #tpu.memory_space<hbm>> -> memref<10240xi32, #tpu.memory_space<hbm>>
        tpu.wait_dma2 semaphore(%run_scoped3A : memref<!tpu.dma_semaphore, #tpu.memory_space<semaphore_mem>>) src(%dma_wait3A_127 : memref<10240xi32, #tpu.memory_space<hbm>>) dst(%arg13 : memref<10240xi32, #tpu.memory_space<vmem>>)
        tpu.yield
      }) : () -> ()
    } else {
    }
    %not3A_64 = arith.constant true
    %not3A_65 = arith.xori %eq3A_1, %not3A_64 : i1
    %convert_element_type3A_66 = arith.extui %not3A_65 : i1 to i32
    %cond3A_67 = arith.constant 0 : i32
    %cond3A_68 = arith.cmpi ne, %convert_element_type3A_66, %cond3A_67 : i32
    scf.if %cond3A_68 {
      %add3A_123 = arith.constant 10240 : i32
      %add3A_124 = arith.addi %mul3A_6, %add3A_123 : i32
      "tpu.region"() ({
        %run_scoped3A = tpu.sem_alloc : memref<!tpu.dma_semaphore, #tpu.memory_space<semaphore_mem>>
        %dma_start3A_125 = tpu.memref_slice %arg4[%add3A_124] : memref<327680xi32, #tpu.memory_space<hbm>> -> memref<10240xi32, #tpu.memory_space<hbm>>
        %dma_start3A_126 = tpu.memref_slice %arg4[%add3A_124] : memref<327680xi32, #tpu.memory_space<hbm>> -> memref<10240xi32, #tpu.memory_space<hbm>>
        tpu.enqueue_dma source(%dma_start3A_126 : memref<10240xi32, #tpu.memory_space<hbm>>) target(%arg13 : memref<10240xi32, #tpu.memory_space<vmem>>) target_semaphore(%run_scoped3A : memref<!tpu.dma_semaphore, #tpu.memory_space<semaphore_mem>>)
        %dma_wait3A = tpu.memref_slice %arg4[%add3A_124] : memref<327680xi32, #tpu.memory_space<hbm>> -> memref<10240xi32, #tpu.memory_space<hbm>>
        %dma_wait3A_127 = tpu.memref_slice %arg4[%add3A_124] : memref<327680xi32, #tpu.memory_space<hbm>> -> memref<10240xi32, #tpu.memory_space<hbm>>
        tpu.wait_dma2 semaphore(%run_scoped3A : memref<!tpu.dma_semaphore, #tpu.memory_space<semaphore_mem>>) src(%dma_wait3A_127 : memref<10240xi32, #tpu.memory_space<hbm>>) dst(%arg13 : memref<10240xi32, #tpu.memory_space<vmem>>)
        tpu.yield
      }) : () -> ()
    } else {
    }
    %mul3A_69 = arith.constant 160 : i32
    %mul3A_70 = arith.muli %arg1, %mul3A_69 : i32
    %add3A_71 = arith.constant 80 : i32
    %add3A_72 = arith.addi %mul3A_70, %add3A_71 : i32
    "tpu.region"() ({
      %run_scoped3A = tpu.sem_alloc : memref<!tpu.dma_semaphore, #tpu.memory_space<semaphore_mem>>
      %dma_start3A_123 = arith.constant 0 : i32
      %dma_start3A_124 = tpu.memref_slice %arg5[%add3A_72, %dma_start3A_123] : memref<2560x128xi32, #tpu.memory_space<hbm>> -> memref<80x128xi32, #tpu.memory_space<hbm>>
      %dma_start3A_125 = arith.constant 0 : i32
      %dma_start3A_126 = tpu.memref_slice %arg5[%add3A_72, %dma_start3A_125] : memref<2560x128xi32, #tpu.memory_space<hbm>> -> memref<80x128xi32, #tpu.memory_space<hbm>>
      tpu.enqueue_dma source(%dma_start3A_126 : memref<80x128xi32, #tpu.memory_space<hbm>>) target(%arg14 : memref<80x128xi32, #tpu.memory_space<vmem>>) target_semaphore(%run_scoped3A : memref<!tpu.dma_semaphore, #tpu.memory_space<semaphore_mem>>)
      %dma_wait3A = arith.constant 0 : i32
      %dma_wait3A_127 = tpu.memref_slice %arg5[%add3A_72, %dma_wait3A] : memref<2560x128xi32, #tpu.memory_space<hbm>> -> memref<80x128xi32, #tpu.memory_space<hbm>>
      %dma_wait3A_128 = arith.constant 0 : i32
      %dma_wait3A_129 = tpu.memref_slice %arg5[%add3A_72, %dma_wait3A_128] : memref<2560x128xi32, #tpu.memory_space<hbm>> -> memref<80x128xi32, #tpu.memory_space<hbm>>
      tpu.wait_dma2 semaphore(%run_scoped3A : memref<!tpu.dma_semaphore, #tpu.memory_space<semaphore_mem>>) src(%dma_wait3A_129 : memref<80x128xi32, #tpu.memory_space<hbm>>) dst(%arg14 : memref<80x128xi32, #tpu.memory_space<vmem>>)
      tpu.yield
    }) : () -> ()
    %dma_start3A_73 = arith.constant 0 : i32
    %dma_start3A_74 = arith.constant 0 : i32
    %dma_start3A_75 = arith.constant 0 : i32
    %dma_start3A_76 = tpu.memref_slice %arg15[%dma_start3A_73, %dma_start3A_74, %dma_start3A_75] : memref<4x256x64xf32, #tpu.memory_space<vmem>> -> memref<1x256x64xf32, #tpu.memory_space<vmem>>
    %dma_start3A_77 = tpu.memref_squeeze %dma_start3A_76 : memref<1x256x64xf32, #tpu.memory_space<vmem>> -> memref<256x64xf32, #tpu.memory_space<vmem>>
    %dma_start3A_78 = arith.constant 0 : i32
    %dma_start3A_79 = tpu.memref_slice %arg13[%dma_start3A_78] : memref<10240xi32, #tpu.memory_space<vmem>> -> memref<256xi32, #tpu.memory_space<vmem>>
    %dma_start3A_80 = arith.constant 0 : i32
    %dma_start3A_81 = arith.constant 0 : i32
    %dma_start3A_82 = tpu.memref_slice %arg2[%dma_start3A_80, %dma_start3A_81] : memref<20000x64xf32, #tpu.memory_space<hbm>> -> memref<20000x64xf32, #tpu.memory_space<hbm>>
    tpu.enqueue_indirect_dma source(%dma_start3A_82 : memref<20000x64xf32, #tpu.memory_space<hbm>>) target(%dma_start3A_77 : memref<256x64xf32, #tpu.memory_space<vmem>>) offsets(%dma_start3A_79 : memref<256xi32, #tpu.memory_space<vmem>>) semaphore(%arg17 : memref<!tpu.dma_semaphore, #tpu.memory_space<semaphore_mem>>)
    %dma_start3A_83 = arith.constant 1 : i32
    %dma_start3A_84 = arith.constant 0 : i32
    %dma_start3A_85 = arith.constant 0 : i32
    %dma_start3A_86 = tpu.memref_slice %arg15[%dma_start3A_83, %dma_start3A_84, %dma_start3A_85] : memref<4x256x64xf32, #tpu.memory_space<vmem>> -> memref<1x256x64xf32, #tpu.memory_space<vmem>>
    %dma_start3A_87 = tpu.memref_squeeze %dma_start3A_86 : memref<1x256x64xf32, #tpu.memory_space<vmem>> -> memref<256x64xf32, #tpu.memory_space<vmem>>
    %dma_start3A_88 = arith.constant 256 : i32
    %dma_start3A_89 = tpu.memref_slice %arg13[%dma_start3A_88] : memref<10240xi32, #tpu.memory_space<vmem>> -> memref<256xi32, #tpu.memory_space<vmem>>
    %dma_start3A_90 = arith.constant 0 : i32
    %dma_start3A_91 = arith.constant 0 : i32
    %dma_start3A_92 = tpu.memref_slice %arg2[%dma_start3A_90, %dma_start3A_91] : memref<20000x64xf32, #tpu.memory_space<hbm>> -> memref<20000x64xf32, #tpu.memory_space<hbm>>
    tpu.enqueue_indirect_dma source(%dma_start3A_92 : memref<20000x64xf32, #tpu.memory_space<hbm>>) target(%dma_start3A_87 : memref<256x64xf32, #tpu.memory_space<vmem>>) offsets(%dma_start3A_89 : memref<256xi32, #tpu.memory_space<vmem>>) semaphore(%arg18 : memref<!tpu.dma_semaphore, #tpu.memory_space<semaphore_mem>>)
    %dma_start3A_93 = arith.constant 2 : i32
    %dma_start3A_94 = arith.constant 0 : i32
    %dma_start3A_95 = arith.constant 0 : i32
    %dma_start3A_96 = tpu.memref_slice %arg15[%dma_start3A_93, %dma_start3A_94, %dma_start3A_95] : memref<4x256x64xf32, #tpu.memory_space<vmem>> -> memref<1x256x64xf32, #tpu.memory_space<vmem>>
    %dma_start3A_97 = tpu.memref_squeeze %dma_start3A_96 : memref<1x256x64xf32, #tpu.memory_space<vmem>> -> memref<256x64xf32, #tpu.memory_space<vmem>>
    %dma_start3A_98 = arith.constant 512 : i32
    %dma_start3A_99 = tpu.memref_slice %arg13[%dma_start3A_98] : memref<10240xi32, #tpu.memory_space<vmem>> -> memref<256xi32, #tpu.memory_space<vmem>>
    %dma_start3A_100 = arith.constant 0 : i32
    %dma_start3A_101 = arith.constant 0 : i32
    %dma_start3A_102 = tpu.memref_slice %arg2[%dma_start3A_100, %dma_start3A_101] : memref<20000x64xf32, #tpu.memory_space<hbm>> -> memref<20000x64xf32, #tpu.memory_space<hbm>>
    tpu.enqueue_indirect_dma source(%dma_start3A_102 : memref<20000x64xf32, #tpu.memory_space<hbm>>) target(%dma_start3A_97 : memref<256x64xf32, #tpu.memory_space<vmem>>) offsets(%dma_start3A_99 : memref<256xi32, #tpu.memory_space<vmem>>) semaphore(%arg19 : memref<!tpu.dma_semaphore, #tpu.memory_space<semaphore_mem>>)
    %dma_start3A_103 = arith.constant 3 : i32
    %dma_start3A_104 = arith.constant 0 : i32
    %dma_start3A_105 = arith.constant 0 : i32
    %dma_start3A_106 = tpu.memref_slice %arg15[%dma_start3A_103, %dma_start3A_104, %dma_start3A_105] : memref<4x256x64xf32, #tpu.memory_space<vmem>> -> memref<1x256x64xf32, #tpu.memory_space<vmem>>
    %dma_start3A_107 = tpu.memref_squeeze %dma_start3A_106 : memref<1x256x64xf32, #tpu.memory_space<vmem>> -> memref<256x64xf32, #tpu.memory_space<vmem>>
    %dma_start3A_108 = arith.constant 768 : i32
    %dma_start3A_109 = tpu.memref_slice %arg13[%dma_start3A_108] : memref<10240xi32, #tpu.memory_space<vmem>> -> memref<256xi32, #tpu.memory_space<vmem>>
    %dma_start3A_110 = arith.constant 0 : i32
    %dma_start3A_111 = arith.constant 0 : i32
    %dma_start3A_112 = tpu.memref_slice %arg2[%dma_start3A_110, %dma_start3A_111] : memref<20000x64xf32, #tpu.memory_space<hbm>> -> memref<20000x64xf32, #tpu.memory_space<hbm>>
    tpu.enqueue_indirect_dma source(%dma_start3A_112 : memref<20000x64xf32, #tpu.memory_space<hbm>>) target(%dma_start3A_107 : memref<256x64xf32, #tpu.memory_space<vmem>>) offsets(%dma_start3A_109 : memref<256xi32, #tpu.memory_space<vmem>>) semaphore(%arg20 : memref<!tpu.dma_semaphore, #tpu.memory_space<semaphore_mem>>)
    %scan3A_113 = arith.constant 0 : i32
    %scan3A_114 = arith.constant 0 : i32
    %scan3A_115 = arith.constant 10 : i32
    %scan3A_116 = arith.addi %scan3A_114, %scan3A_115 : i32
    %scan3A_117 = arith.constant 1 : i32
    scf.for %scan3A_123 = %scan3A_114 to %scan3A_116 step %scan3A_117  : i32 {
      %mul3A_124 = arith.constant 4 : i32
      %mul3A_125 = arith.muli %mul3A_124, %scan3A_123 : i32
      %add3A_126 = arith.constant 0 : i32
      %add3A_127 = arith.addi %mul3A_125, %add3A_126 : i32
      %mul3A_128 = arith.constant 256 : i32
      %mul3A_129 = arith.muli %mul3A_128, %add3A_127 : i32
      %dma_wait3A = arith.constant 0 : i32
      %dma_wait3A_130 = arith.constant 0 : i32
      %dma_wait3A_131 = arith.constant 0 : i32
      %dma_wait3A_132 = tpu.memref_slice %arg15[%dma_wait3A, %dma_wait3A_130, %dma_wait3A_131] : memref<4x256x64xf32, #tpu.memory_space<vmem>> -> memref<1x256x64xf32, #tpu.memory_space<vmem>>
      %dma_wait3A_133 = tpu.memref_squeeze %dma_wait3A_132 : memref<1x256x64xf32, #tpu.memory_space<vmem>> -> memref<256x64xf32, #tpu.memory_space<vmem>>
      %dma_wait3A_134 = tpu.memref_slice %arg13[%mul3A_129] : memref<10240xi32, #tpu.memory_space<vmem>> -> memref<256xi32, #tpu.memory_space<vmem>>
      %dma_wait3A_135 = arith.constant 0 : i32
      %dma_wait3A_136 = arith.constant 0 : i32
      %dma_wait3A_137 = tpu.memref_slice %arg2[%dma_wait3A_135, %dma_wait3A_136] : memref<20000x64xf32, #tpu.memory_space<hbm>> -> memref<20000x64xf32, #tpu.memory_space<hbm>>
      tpu.wait_indirect_dma semaphore(%arg17 : memref<!tpu.dma_semaphore, #tpu.memory_space<semaphore_mem>>) src(%dma_wait3A_137 : memref<20000x64xf32, #tpu.memory_space<hbm>>) dst(%dma_wait3A_133 : memref<256x64xf32, #tpu.memory_space<vmem>>)
      %mul3A_138 = arith.constant 2 : i32
      %mul3A_139 = arith.muli %mul3A_138, %add3A_127 : i32
      %add3A_140 = arith.constant 0 : i32
      %add3A_141 = arith.addi %mul3A_139, %add3A_140 : i32
      %dma_start3A_142 = arith.constant 0 : i32
      %dma_start3A_143 = arith.constant 0 : i32
      %dma_start3A_144 = arith.constant 0 : i32
      %dma_start3A_145 = tpu.memref_slice %arg15[%dma_start3A_142, %dma_start3A_143, %dma_start3A_144] : memref<4x256x64xf32, #tpu.memory_space<vmem>> -> memref<1x128x64xf32, #tpu.memory_space<vmem>>
      %dma_start3A_146 = tpu.memref_squeeze %dma_start3A_145 : memref<1x128x64xf32, #tpu.memory_space<vmem>> -> memref<128x64xf32, #tpu.memory_space<vmem>>
      %dma_start3A_147 = arith.constant 0 : i32
      %dma_start3A_148 = tpu.memref_slice %arg14[%add3A_141, %dma_start3A_147] : memref<80x128xi32, #tpu.memory_space<vmem>> -> memref<1x128xi32, #tpu.memory_space<vmem>>
      %dma_start3A_149 = tpu.memref_squeeze %dma_start3A_148 : memref<1x128xi32, #tpu.memory_space<vmem>> -> memref<128xi32, #tpu.memory_space<vmem>>
      %dma_start3A_150 = arith.constant 0 : i32
      %dma_start3A_151 = arith.constant 0 : i32
      %dma_start3A_152 = tpu.memref_slice %arg11[%dma_start3A_150, %dma_start3A_151] : memref<10240x64xf32, #tpu.memory_space<vmem_shared>> -> memref<10240x64xf32, #tpu.memory_space<vmem_shared>>
      tpu.enqueue_indirect_dma source(%dma_start3A_146 : memref<128x64xf32, #tpu.memory_space<vmem>>) target(%dma_start3A_152 : memref<10240x64xf32, #tpu.memory_space<vmem_shared>>) offsets(%dma_start3A_149 : memref<128xi32, #tpu.memory_space<vmem>>) semaphore(%arg21 : memref<!tpu.dma_semaphore, #tpu.memory_space<semaphore_mem>>) {add = true}
      %convert_element_type3A_153 = arith.extui %eq3A_1 : i1 to i32
      %cond3A_154 = arith.constant 0 : i32
      %cond3A_155 = arith.cmpi ne, %convert_element_type3A_153, %cond3A_154 : i32
      scf.if %cond3A_155 {
        %dma_start3A_514 = arith.constant 0 : i32
        %dma_start3A_515 = tpu.memref_slice %arg14[%add3A_141, %dma_start3A_514] : memref<80x128xi32, #tpu.memory_space<vmem>> -> memref<1x128xi32, #tpu.memory_space<vmem>>
        %dma_start3A_516 = tpu.memref_squeeze %dma_start3A_515 : memref<1x128xi32, #tpu.memory_space<vmem>> -> memref<128xi32, #tpu.memory_space<vmem>>
        %dma_start3A_517 = arith.constant 0 : i32
        %dma_start3A_518 = tpu.memref_slice %arg12[%dma_start3A_517] : memref<10240xf32, #tpu.memory_space<vmem_shared>> -> memref<10240xf32, #tpu.memory_space<vmem_shared>>
        tpu.enqueue_indirect_dma source(%arg16 : memref<128xf32, #tpu.memory_space<vmem>>) target(%dma_start3A_518 : memref<10240xf32, #tpu.memory_space<vmem_shared>>) offsets(%dma_start3A_516 : memref<128xi32, #tpu.memory_space<vmem>>) semaphore(%arg21 : memref<!tpu.dma_semaphore, #tpu.memory_space<semaphore_mem>>) {add = true}
      } else {
      }
      %mul3A_156 = arith.constant 2 : i32
      %mul3A_157 = arith.muli %mul3A_156, %add3A_127 : i32
      %add3A_158 = arith.constant 1 : i32
      %add3A_159 = arith.addi %mul3A_157, %add3A_158 : i32
      %dma_start3A_160 = arith.constant 0 : i32
      %dma_start3A_161 = arith.constant 128 : i32
      %dma_start3A_162 = arith.constant 0 : i32
      %dma_start3A_163 = tpu.memref_slice %arg15[%dma_start3A_160, %dma_start3A_161, %dma_start3A_162] : memref<4x256x64xf32, #tpu.memory_space<vmem>> -> memref<1x128x64xf32, #tpu.memory_space<vmem>>
      %dma_start3A_164 = tpu.memref_squeeze %dma_start3A_163 : memref<1x128x64xf32, #tpu.memory_space<vmem>> -> memref<128x64xf32, #tpu.memory_space<vmem>>
      %dma_start3A_165 = arith.constant 0 : i32
      %dma_start3A_166 = tpu.memref_slice %arg14[%add3A_159, %dma_start3A_165] : memref<80x128xi32, #tpu.memory_space<vmem>> -> memref<1x128xi32, #tpu.memory_space<vmem>>
      %dma_start3A_167 = tpu.memref_squeeze %dma_start3A_166 : memref<1x128xi32, #tpu.memory_space<vmem>> -> memref<128xi32, #tpu.memory_space<vmem>>
      %dma_start3A_168 = arith.constant 0 : i32
      %dma_start3A_169 = arith.constant 0 : i32
      %dma_start3A_170 = tpu.memref_slice %arg11[%dma_start3A_168, %dma_start3A_169] : memref<10240x64xf32, #tpu.memory_space<vmem_shared>> -> memref<10240x64xf32, #tpu.memory_space<vmem_shared>>
      tpu.enqueue_indirect_dma source(%dma_start3A_164 : memref<128x64xf32, #tpu.memory_space<vmem>>) target(%dma_start3A_170 : memref<10240x64xf32, #tpu.memory_space<vmem_shared>>) offsets(%dma_start3A_167 : memref<128xi32, #tpu.memory_space<vmem>>) semaphore(%arg21 : memref<!tpu.dma_semaphore, #tpu.memory_space<semaphore_mem>>) {add = true}
      %convert_element_type3A_171 = arith.extui %eq3A_1 : i1 to i32
      %cond3A_172 = arith.constant 0 : i32
      %cond3A_173 = arith.cmpi ne, %convert_element_type3A_171, %cond3A_172 : i32
      scf.if %cond3A_173 {
        %dma_start3A_514 = arith.constant 0 : i32
        %dma_start3A_515 = tpu.memref_slice %arg14[%add3A_159, %dma_start3A_514] : memref<80x128xi32, #tpu.memory_space<vmem>> -> memref<1x128xi32, #tpu.memory_space<vmem>>
        %dma_start3A_516 = tpu.memref_squeeze %dma_start3A_515 : memref<1x128xi32, #tpu.memory_space<vmem>> -> memref<128xi32, #tpu.memory_space<vmem>>
        %dma_start3A_517 = arith.constant 0 : i32
        %dma_start3A_518 = tpu.memref_slice %arg12[%dma_start3A_517] : memref<10240xf32, #tpu.memory_space<vmem_shared>> -> memref<10240xf32, #tpu.memory_space<vmem_shared>>
        tpu.enqueue_indirect_dma source(%arg16 : memref<128xf32, #tpu.memory_space<vmem>>) target(%dma_start3A_518 : memref<10240xf32, #tpu.memory_space<vmem_shared>>) offsets(%dma_start3A_516 : memref<128xi32, #tpu.memory_space<vmem>>) semaphore(%arg21 : memref<!tpu.dma_semaphore, #tpu.memory_space<semaphore_mem>>) {add = true}
      } else {
      }
      %mul3A_174 = arith.constant 4 : i32
      %mul3A_175 = arith.muli %mul3A_174, %scan3A_123 : i32
      %add3A_176 = arith.constant 1 : i32
      %add3A_177 = arith.addi %mul3A_175, %add3A_176 : i32
      %mul3A_178 = arith.constant 256 : i32
      %mul3A_179 = arith.muli %mul3A_178, %add3A_177 : i32
      %dma_wait3A_180 = arith.constant 1 : i32
      %dma_wait3A_181 = arith.constant 0 : i32
      %dma_wait3A_182 = arith.constant 0 : i32
      %dma_wait3A_183 = tpu.memref_slice %arg15[%dma_wait3A_180, %dma_wait3A_181, %dma_wait3A_182] : memref<4x256x64xf32, #tpu.memory_space<vmem>> -> memref<1x256x64xf32, #tpu.memory_space<vmem>>
      %dma_wait3A_184 = tpu.memref_squeeze %dma_wait3A_183 : memref<1x256x64xf32, #tpu.memory_space<vmem>> -> memref<256x64xf32, #tpu.memory_space<vmem>>
      %dma_wait3A_185 = tpu.memref_slice %arg13[%mul3A_179] : memref<10240xi32, #tpu.memory_space<vmem>> -> memref<256xi32, #tpu.memory_space<vmem>>
      %dma_wait3A_186 = arith.constant 0 : i32
      %dma_wait3A_187 = arith.constant 0 : i32
      %dma_wait3A_188 = tpu.memref_slice %arg2[%dma_wait3A_186, %dma_wait3A_187] : memref<20000x64xf32, #tpu.memory_space<hbm>> -> memref<20000x64xf32, #tpu.memory_space<hbm>>
      tpu.wait_indirect_dma semaphore(%arg18 : memref<!tpu.dma_semaphore, #tpu.memory_space<semaphore_mem>>) src(%dma_wait3A_188 : memref<20000x64xf32, #tpu.memory_space<hbm>>) dst(%dma_wait3A_184 : memref<256x64xf32, #tpu.memory_space<vmem>>)
      %mul3A_189 = arith.constant 2 : i32
      %mul3A_190 = arith.muli %mul3A_189, %add3A_177 : i32
      %add3A_191 = arith.constant 0 : i32
      %add3A_192 = arith.addi %mul3A_190, %add3A_191 : i32
      %dma_start3A_193 = arith.constant 1 : i32
      %dma_start3A_194 = arith.constant 0 : i32
      %dma_start3A_195 = arith.constant 0 : i32
      %dma_start3A_196 = tpu.memref_slice %arg15[%dma_start3A_193, %dma_start3A_194, %dma_start3A_195] : memref<4x256x64xf32, #tpu.memory_space<vmem>> -> memref<1x128x64xf32, #tpu.memory_space<vmem>>
      %dma_start3A_197 = tpu.memref_squeeze %dma_start3A_196 : memref<1x128x64xf32, #tpu.memory_space<vmem>> -> memref<128x64xf32, #tpu.memory_space<vmem>>
      %dma_start3A_198 = arith.constant 0 : i32
      %dma_start3A_199 = tpu.memref_slice %arg14[%add3A_192, %dma_start3A_198] : memref<80x128xi32, #tpu.memory_space<vmem>> -> memref<1x128xi32, #tpu.memory_space<vmem>>
      %dma_start3A_200 = tpu.memref_squeeze %dma_start3A_199 : memref<1x128xi32, #tpu.memory_space<vmem>> -> memref<128xi32, #tpu.memory_space<vmem>>
      %dma_start3A_201 = arith.constant 0 : i32
      %dma_start3A_202 = arith.constant 0 : i32
      %dma_start3A_203 = tpu.memref_slice %arg11[%dma_start3A_201, %dma_start3A_202] : memref<10240x64xf32, #tpu.memory_space<vmem_shared>> -> memref<10240x64xf32, #tpu.memory_space<vmem_shared>>
      tpu.enqueue_indirect_dma source(%dma_start3A_197 : memref<128x64xf32, #tpu.memory_space<vmem>>) target(%dma_start3A_203 : memref<10240x64xf32, #tpu.memory_space<vmem_shared>>) offsets(%dma_start3A_200 : memref<128xi32, #tpu.memory_space<vmem>>) semaphore(%arg22 : memref<!tpu.dma_semaphore, #tpu.memory_space<semaphore_mem>>) {add = true}
      %convert_element_type3A_204 = arith.extui %eq3A_1 : i1 to i32
      %cond3A_205 = arith.constant 0 : i32
      %cond3A_206 = arith.cmpi ne, %convert_element_type3A_204, %cond3A_205 : i32
      scf.if %cond3A_206 {
        %dma_start3A_514 = arith.constant 0 : i32
        %dma_start3A_515 = tpu.memref_slice %arg14[%add3A_192, %dma_start3A_514] : memref<80x128xi32, #tpu.memory_space<vmem>> -> memref<1x128xi32, #tpu.memory_space<vmem>>
        %dma_start3A_516 = tpu.memref_squeeze %dma_start3A_515 : memref<1x128xi32, #tpu.memory_space<vmem>> -> memref<128xi32, #tpu.memory_space<vmem>>
        %dma_start3A_517 = arith.constant 0 : i32
        %dma_start3A_518 = tpu.memref_slice %arg12[%dma_start3A_517] : memref<10240xf32, #tpu.memory_space<vmem_shared>> -> memref<10240xf32, #tpu.memory_space<vmem_shared>>
        tpu.enqueue_indirect_dma source(%arg16 : memref<128xf32, #tpu.memory_space<vmem>>) target(%dma_start3A_518 : memref<10240xf32, #tpu.memory_space<vmem_shared>>) offsets(%dma_start3A_516 : memref<128xi32, #tpu.memory_space<vmem>>) semaphore(%arg22 : memref<!tpu.dma_semaphore, #tpu.memory_space<semaphore_mem>>) {add = true}
      } else {
      }
      %mul3A_207 = arith.constant 2 : i32
      %mul3A_208 = arith.muli %mul3A_207, %add3A_177 : i32
      %add3A_209 = arith.constant 1 : i32
      %add3A_210 = arith.addi %mul3A_208, %add3A_209 : i32
      %dma_start3A_211 = arith.constant 1 : i32
      %dma_start3A_212 = arith.constant 128 : i32
      %dma_start3A_213 = arith.constant 0 : i32
      %dma_start3A_214 = tpu.memref_slice %arg15[%dma_start3A_211, %dma_start3A_212, %dma_start3A_213] : memref<4x256x64xf32, #tpu.memory_space<vmem>> -> memref<1x128x64xf32, #tpu.memory_space<vmem>>
      %dma_start3A_215 = tpu.memref_squeeze %dma_start3A_214 : memref<1x128x64xf32, #tpu.memory_space<vmem>> -> memref<128x64xf32, #tpu.memory_space<vmem>>
      %dma_start3A_216 = arith.constant 0 : i32
      %dma_start3A_217 = tpu.memref_slice %arg14[%add3A_210, %dma_start3A_216] : memref<80x128xi32, #tpu.memory_space<vmem>> -> memref<1x128xi32, #tpu.memory_space<vmem>>
      %dma_start3A_218 = tpu.memref_squeeze %dma_start3A_217 : memref<1x128xi32, #tpu.memory_space<vmem>> -> memref<128xi32, #tpu.memory_space<vmem>>
      %dma_start3A_219 = arith.constant 0 : i32
      %dma_start3A_220 = arith.constant 0 : i32
      %dma_start3A_221 = tpu.memref_slice %arg11[%dma_start3A_219, %dma_start3A_220] : memref<10240x64xf32, #tpu.memory_space<vmem_shared>> -> memref<10240x64xf32, #tpu.memory_space<vmem_shared>>
      tpu.enqueue_indirect_dma source(%dma_start3A_215 : memref<128x64xf32, #tpu.memory_space<vmem>>) target(%dma_start3A_221 : memref<10240x64xf32, #tpu.memory_space<vmem_shared>>) offsets(%dma_start3A_218 : memref<128xi32, #tpu.memory_space<vmem>>) semaphore(%arg22 : memref<!tpu.dma_semaphore, #tpu.memory_space<semaphore_mem>>) {add = true}
      %convert_element_type3A_222 = arith.extui %eq3A_1 : i1 to i32
      %cond3A_223 = arith.constant 0 : i32
      %cond3A_224 = arith.cmpi ne, %convert_element_type3A_222, %cond3A_223 : i32
      scf.if %cond3A_224 {
        %dma_start3A_514 = arith.constant 0 : i32
        %dma_start3A_515 = tpu.memref_slice %arg14[%add3A_210, %dma_start3A_514] : memref<80x128xi32, #tpu.memory_space<vmem>> -> memref<1x128xi32, #tpu.memory_space<vmem>>
        %dma_start3A_516 = tpu.memref_squeeze %dma_start3A_515 : memref<1x128xi32, #tpu.memory_space<vmem>> -> memref<128xi32, #tpu.memory_space<vmem>>
        %dma_start3A_517 = arith.constant 0 : i32
        %dma_start3A_518 = tpu.memref_slice %arg12[%dma_start3A_517] : memref<10240xf32, #tpu.memory_space<vmem_shared>> -> memref<10240xf32, #tpu.memory_space<vmem_shared>>
        tpu.enqueue_indirect_dma source(%arg16 : memref<128xf32, #tpu.memory_space<vmem>>) target(%dma_start3A_518 : memref<10240xf32, #tpu.memory_space<vmem_shared>>) offsets(%dma_start3A_516 : memref<128xi32, #tpu.memory_space<vmem>>) semaphore(%arg22 : memref<!tpu.dma_semaphore, #tpu.memory_space<semaphore_mem>>) {add = true}
      } else {
      }
      %mul3A_225 = arith.constant 4 : i32
      %mul3A_226 = arith.muli %mul3A_225, %scan3A_123 : i32
      %add3A_227 = arith.constant 2 : i32
      %add3A_228 = arith.addi %mul3A_226, %add3A_227 : i32
      %mul3A_229 = arith.constant 256 : i32
      %mul3A_230 = arith.muli %mul3A_229, %add3A_228 : i32
      %dma_wait3A_231 = arith.constant 2 : i32
      %dma_wait3A_232 = arith.constant 0 : i32
      %dma_wait3A_233 = arith.constant 0 : i32
      %dma_wait3A_234 = tpu.memref_slice %arg15[%dma_wait3A_231, %dma_wait3A_232, %dma_wait3A_233] : memref<4x256x64xf32, #tpu.memory_space<vmem>> -> memref<1x256x64xf32, #tpu.memory_space<vmem>>
      %dma_wait3A_235 = tpu.memref_squeeze %dma_wait3A_234 : memref<1x256x64xf32, #tpu.memory_space<vmem>> -> memref<256x64xf32, #tpu.memory_space<vmem>>
      %dma_wait3A_236 = tpu.memref_slice %arg13[%mul3A_230] : memref<10240xi32, #tpu.memory_space<vmem>> -> memref<256xi32, #tpu.memory_space<vmem>>
      %dma_wait3A_237 = arith.constant 0 : i32
      %dma_wait3A_238 = arith.constant 0 : i32
      %dma_wait3A_239 = tpu.memref_slice %arg2[%dma_wait3A_237, %dma_wait3A_238] : memref<20000x64xf32, #tpu.memory_space<hbm>> -> memref<20000x64xf32, #tpu.memory_space<hbm>>
      tpu.wait_indirect_dma semaphore(%arg19 : memref<!tpu.dma_semaphore, #tpu.memory_space<semaphore_mem>>) src(%dma_wait3A_239 : memref<20000x64xf32, #tpu.memory_space<hbm>>) dst(%dma_wait3A_235 : memref<256x64xf32, #tpu.memory_space<vmem>>)
      %mul3A_240 = arith.constant 2 : i32
      %mul3A_241 = arith.muli %mul3A_240, %add3A_228 : i32
      %add3A_242 = arith.constant 0 : i32
      %add3A_243 = arith.addi %mul3A_241, %add3A_242 : i32
      %dma_start3A_244 = arith.constant 2 : i32
      %dma_start3A_245 = arith.constant 0 : i32
      %dma_start3A_246 = arith.constant 0 : i32
      %dma_start3A_247 = tpu.memref_slice %arg15[%dma_start3A_244, %dma_start3A_245, %dma_start3A_246] : memref<4x256x64xf32, #tpu.memory_space<vmem>> -> memref<1x128x64xf32, #tpu.memory_space<vmem>>
      %dma_start3A_248 = tpu.memref_squeeze %dma_start3A_247 : memref<1x128x64xf32, #tpu.memory_space<vmem>> -> memref<128x64xf32, #tpu.memory_space<vmem>>
      %dma_start3A_249 = arith.constant 0 : i32
      %dma_start3A_250 = tpu.memref_slice %arg14[%add3A_243, %dma_start3A_249] : memref<80x128xi32, #tpu.memory_space<vmem>> -> memref<1x128xi32, #tpu.memory_space<vmem>>
      %dma_start3A_251 = tpu.memref_squeeze %dma_start3A_250 : memref<1x128xi32, #tpu.memory_space<vmem>> -> memref<128xi32, #tpu.memory_space<vmem>>
      %dma_start3A_252 = arith.constant 0 : i32
      %dma_start3A_253 = arith.constant 0 : i32
      %dma_start3A_254 = tpu.memref_slice %arg11[%dma_start3A_252, %dma_start3A_253] : memref<10240x64xf32, #tpu.memory_space<vmem_shared>> -> memref<10240x64xf32, #tpu.memory_space<vmem_shared>>
      tpu.enqueue_indirect_dma source(%dma_start3A_248 : memref<128x64xf32, #tpu.memory_space<vmem>>) target(%dma_start3A_254 : memref<10240x64xf32, #tpu.memory_space<vmem_shared>>) offsets(%dma_start3A_251 : memref<128xi32, #tpu.memory_space<vmem>>) semaphore(%arg23 : memref<!tpu.dma_semaphore, #tpu.memory_space<semaphore_mem>>) {add = true}
      %convert_element_type3A_255 = arith.extui %eq3A_1 : i1 to i32
      %cond3A_256 = arith.constant 0 : i32
      %cond3A_257 = arith.cmpi ne, %convert_element_type3A_255, %cond3A_256 : i32
      scf.if %cond3A_257 {
        %dma_start3A_514 = arith.constant 0 : i32
        %dma_start3A_515 = tpu.memref_slice %arg14[%add3A_243, %dma_start3A_514] : memref<80x128xi32, #tpu.memory_space<vmem>> -> memref<1x128xi32, #tpu.memory_space<vmem>>
        %dma_start3A_516 = tpu.memref_squeeze %dma_start3A_515 : memref<1x128xi32, #tpu.memory_space<vmem>> -> memref<128xi32, #tpu.memory_space<vmem>>
        %dma_start3A_517 = arith.constant 0 : i32
        %dma_start3A_518 = tpu.memref_slice %arg12[%dma_start3A_517] : memref<10240xf32, #tpu.memory_space<vmem_shared>> -> memref<10240xf32, #tpu.memory_space<vmem_shared>>
        tpu.enqueue_indirect_dma source(%arg16 : memref<128xf32, #tpu.memory_space<vmem>>) target(%dma_start3A_518 : memref<10240xf32, #tpu.memory_space<vmem_shared>>) offsets(%dma_start3A_516 : memref<128xi32, #tpu.memory_space<vmem>>) semaphore(%arg23 : memref<!tpu.dma_semaphore, #tpu.memory_space<semaphore_mem>>) {add = true}
      } else {
      }
      %mul3A_258 = arith.constant 2 : i32
      %mul3A_259 = arith.muli %mul3A_258, %add3A_228 : i32
      %add3A_260 = arith.constant 1 : i32
      %add3A_261 = arith.addi %mul3A_259, %add3A_260 : i32
      %dma_start3A_262 = arith.constant 2 : i32
      %dma_start3A_263 = arith.constant 128 : i32
      %dma_start3A_264 = arith.constant 0 : i32
      %dma_start3A_265 = tpu.memref_slice %arg15[%dma_start3A_262, %dma_start3A_263, %dma_start3A_264] : memref<4x256x64xf32, #tpu.memory_space<vmem>> -> memref<1x128x64xf32, #tpu.memory_space<vmem>>
      %dma_start3A_266 = tpu.memref_squeeze %dma_start3A_265 : memref<1x128x64xf32, #tpu.memory_space<vmem>> -> memref<128x64xf32, #tpu.memory_space<vmem>>
      %dma_start3A_267 = arith.constant 0 : i32
      %dma_start3A_268 = tpu.memref_slice %arg14[%add3A_261, %dma_start3A_267] : memref<80x128xi32, #tpu.memory_space<vmem>> -> memref<1x128xi32, #tpu.memory_space<vmem>>
      %dma_start3A_269 = tpu.memref_squeeze %dma_start3A_268 : memref<1x128xi32, #tpu.memory_space<vmem>> -> memref<128xi32, #tpu.memory_space<vmem>>
      %dma_start3A_270 = arith.constant 0 : i32
      %dma_start3A_271 = arith.constant 0 : i32
      %dma_start3A_272 = tpu.memref_slice %arg11[%dma_start3A_270, %dma_start3A_271] : memref<10240x64xf32, #tpu.memory_space<vmem_shared>> -> memref<10240x64xf32, #tpu.memory_space<vmem_shared>>
      tpu.enqueue_indirect_dma source(%dma_start3A_266 : memref<128x64xf32, #tpu.memory_space<vmem>>) target(%dma_start3A_272 : memref<10240x64xf32, #tpu.memory_space<vmem_shared>>) offsets(%dma_start3A_269 : memref<128xi32, #tpu.memory_space<vmem>>) semaphore(%arg23 : memref<!tpu.dma_semaphore, #tpu.memory_space<semaphore_mem>>) {add = true}
      %convert_element_type3A_273 = arith.extui %eq3A_1 : i1 to i32
      %cond3A_274 = arith.constant 0 : i32
      %cond3A_275 = arith.cmpi ne, %convert_element_type3A_273, %cond3A_274 : i32
      scf.if %cond3A_275 {
        %dma_start3A_514 = arith.constant 0 : i32
        %dma_start3A_515 = tpu.memref_slice %arg14[%add3A_261, %dma_start3A_514] : memref<80x128xi32, #tpu.memory_space<vmem>> -> memref<1x128xi32, #tpu.memory_space<vmem>>
        %dma_start3A_516 = tpu.memref_squeeze %dma_start3A_515 : memref<1x128xi32, #tpu.memory_space<vmem>> -> memref<128xi32, #tpu.memory_space<vmem>>
        %dma_start3A_517 = arith.constant 0 : i32
        %dma_start3A_518 = tpu.memref_slice %arg12[%dma_start3A_517] : memref<10240xf32, #tpu.memory_space<vmem_shared>> -> memref<10240xf32, #tpu.memory_space<vmem_shared>>
        tpu.enqueue_indirect_dma source(%arg16 : memref<128xf32, #tpu.memory_space<vmem>>) target(%dma_start3A_518 : memref<10240xf32, #tpu.memory_space<vmem_shared>>) offsets(%dma_start3A_516 : memref<128xi32, #tpu.memory_space<vmem>>) semaphore(%arg23 : memref<!tpu.dma_semaphore, #tpu.memory_space<semaphore_mem>>) {add = true}
      } else {
      }
      %mul3A_276 = arith.constant 4 : i32
      %mul3A_277 = arith.muli %mul3A_276, %scan3A_123 : i32
      %add3A_278 = arith.constant 3 : i32
      %add3A_279 = arith.addi %mul3A_277, %add3A_278 : i32
      %mul3A_280 = arith.constant 256 : i32
      %mul3A_281 = arith.muli %mul3A_280, %add3A_279 : i32
      %dma_wait3A_282 = arith.constant 3 : i32
      %dma_wait3A_283 = arith.constant 0 : i32
      %dma_wait3A_284 = arith.constant 0 : i32
      %dma_wait3A_285 = tpu.memref_slice %arg15[%dma_wait3A_282, %dma_wait3A_283, %dma_wait3A_284] : memref<4x256x64xf32, #tpu.memory_space<vmem>> -> memref<1x256x64xf32, #tpu.memory_space<vmem>>
      %dma_wait3A_286 = tpu.memref_squeeze %dma_wait3A_285 : memref<1x256x64xf32, #tpu.memory_space<vmem>> -> memref<256x64xf32, #tpu.memory_space<vmem>>
      %dma_wait3A_287 = tpu.memref_slice %arg13[%mul3A_281] : memref<10240xi32, #tpu.memory_space<vmem>> -> memref<256xi32, #tpu.memory_space<vmem>>
      %dma_wait3A_288 = arith.constant 0 : i32
      %dma_wait3A_289 = arith.constant 0 : i32
      %dma_wait3A_290 = tpu.memref_slice %arg2[%dma_wait3A_288, %dma_wait3A_289] : memref<20000x64xf32, #tpu.memory_space<hbm>> -> memref<20000x64xf32, #tpu.memory_space<hbm>>
      tpu.wait_indirect_dma semaphore(%arg20 : memref<!tpu.dma_semaphore, #tpu.memory_space<semaphore_mem>>) src(%dma_wait3A_290 : memref<20000x64xf32, #tpu.memory_space<hbm>>) dst(%dma_wait3A_286 : memref<256x64xf32, #tpu.memory_space<vmem>>)
      %mul3A_291 = arith.constant 2 : i32
      %mul3A_292 = arith.muli %mul3A_291, %add3A_279 : i32
      %add3A_293 = arith.constant 0 : i32
      %add3A_294 = arith.addi %mul3A_292, %add3A_293 : i32
      %dma_start3A_295 = arith.constant 3 : i32
      %dma_start3A_296 = arith.constant 0 : i32
      %dma_start3A_297 = arith.constant 0 : i32
      %dma_start3A_298 = tpu.memref_slice %arg15[%dma_start3A_295, %dma_start3A_296, %dma_start3A_297] : memref<4x256x64xf32, #tpu.memory_space<vmem>> -> memref<1x128x64xf32, #tpu.memory_space<vmem>>
      %dma_start3A_299 = tpu.memref_squeeze %dma_start3A_298 : memref<1x128x64xf32, #tpu.memory_space<vmem>> -> memref<128x64xf32, #tpu.memory_space<vmem>>
      %dma_start3A_300 = arith.constant 0 : i32
      %dma_start3A_301 = tpu.memref_slice %arg14[%add3A_294, %dma_start3A_300] : memref<80x128xi32, #tpu.memory_space<vmem>> -> memref<1x128xi32, #tpu.memory_space<vmem>>
      %dma_start3A_302 = tpu.memref_squeeze %dma_start3A_301 : memref<1x128xi32, #tpu.memory_space<vmem>> -> memref<128xi32, #tpu.memory_space<vmem>>
      %dma_start3A_303 = arith.constant 0 : i32
      %dma_start3A_304 = arith.constant 0 : i32
      %dma_start3A_305 = tpu.memref_slice %arg11[%dma_start3A_303, %dma_start3A_304] : memref<10240x64xf32, #tpu.memory_space<vmem_shared>> -> memref<10240x64xf32, #tpu.memory_space<vmem_shared>>
      tpu.enqueue_indirect_dma source(%dma_start3A_299 : memref<128x64xf32, #tpu.memory_space<vmem>>) target(%dma_start3A_305 : memref<10240x64xf32, #tpu.memory_space<vmem_shared>>) offsets(%dma_start3A_302 : memref<128xi32, #tpu.memory_space<vmem>>) semaphore(%arg24 : memref<!tpu.dma_semaphore, #tpu.memory_space<semaphore_mem>>) {add = true}
      %convert_element_type3A_306 = arith.extui %eq3A_1 : i1 to i32
      %cond3A_307 = arith.constant 0 : i32
      %cond3A_308 = arith.cmpi ne, %convert_element_type3A_306, %cond3A_307 : i32
      scf.if %cond3A_308 {
        %dma_start3A_514 = arith.constant 0 : i32
        %dma_start3A_515 = tpu.memref_slice %arg14[%add3A_294, %dma_start3A_514] : memref<80x128xi32, #tpu.memory_space<vmem>> -> memref<1x128xi32, #tpu.memory_space<vmem>>
        %dma_start3A_516 = tpu.memref_squeeze %dma_start3A_515 : memref<1x128xi32, #tpu.memory_space<vmem>> -> memref<128xi32, #tpu.memory_space<vmem>>
        %dma_start3A_517 = arith.constant 0 : i32
        %dma_start3A_518 = tpu.memref_slice %arg12[%dma_start3A_517] : memref<10240xf32, #tpu.memory_space<vmem_shared>> -> memref<10240xf32, #tpu.memory_space<vmem_shared>>
        tpu.enqueue_indirect_dma source(%arg16 : memref<128xf32, #tpu.memory_space<vmem>>) target(%dma_start3A_518 : memref<10240xf32, #tpu.memory_space<vmem_shared>>) offsets(%dma_start3A_516 : memref<128xi32, #tpu.memory_space<vmem>>) semaphore(%arg24 : memref<!tpu.dma_semaphore, #tpu.memory_space<semaphore_mem>>) {add = true}
      } else {
      }
      %mul3A_309 = arith.constant 2 : i32
      %mul3A_310 = arith.muli %mul3A_309, %add3A_279 : i32
      %add3A_311 = arith.constant 1 : i32
      %add3A_312 = arith.addi %mul3A_310, %add3A_311 : i32
      %dma_start3A_313 = arith.constant 3 : i32
      %dma_start3A_314 = arith.constant 128 : i32
      %dma_start3A_315 = arith.constant 0 : i32
      %dma_start3A_316 = tpu.memref_slice %arg15[%dma_start3A_313, %dma_start3A_314, %dma_start3A_315] : memref<4x256x64xf32, #tpu.memory_space<vmem>> -> memref<1x128x64xf32, #tpu.memory_space<vmem>>
      %dma_start3A_317 = tpu.memref_squeeze %dma_start3A_316 : memref<1x128x64xf32, #tpu.memory_space<vmem>> -> memref<128x64xf32, #tpu.memory_space<vmem>>
      %dma_start3A_318 = arith.constant 0 : i32
      %dma_start3A_319 = tpu.memref_slice %arg14[%add3A_312, %dma_start3A_318] : memref<80x128xi32, #tpu.memory_space<vmem>> -> memref<1x128xi32, #tpu.memory_space<vmem>>
      %dma_start3A_320 = tpu.memref_squeeze %dma_start3A_319 : memref<1x128xi32, #tpu.memory_space<vmem>> -> memref<128xi32, #tpu.memory_space<vmem>>
      %dma_start3A_321 = arith.constant 0 : i32
      %dma_start3A_322 = arith.constant 0 : i32
      %dma_start3A_323 = tpu.memref_slice %arg11[%dma_start3A_321, %dma_start3A_322] : memref<10240x64xf32, #tpu.memory_space<vmem_shared>> -> memref<10240x64xf32, #tpu.memory_space<vmem_shared>>
      tpu.enqueue_indirect_dma source(%dma_start3A_317 : memref<128x64xf32, #tpu.memory_space<vmem>>) target(%dma_start3A_323 : memref<10240x64xf32, #tpu.memory_space<vmem_shared>>) offsets(%dma_start3A_320 : memref<128xi32, #tpu.memory_space<vmem>>) semaphore(%arg24 : memref<!tpu.dma_semaphore, #tpu.memory_space<semaphore_mem>>) {add = true}
      %convert_element_type3A_324 = arith.extui %eq3A_1 : i1 to i32
      %cond3A_325 = arith.constant 0 : i32
      %cond3A_326 = arith.cmpi ne, %convert_element_type3A_324, %cond3A_325 : i32
      scf.if %cond3A_326 {
        %dma_start3A_514 = arith.constant 0 : i32
        %dma_start3A_515 = tpu.memref_slice %arg14[%add3A_312, %dma_start3A_514] : memref<80x128xi32, #tpu.memory_space<vmem>> -> memref<1x128xi32, #tpu.memory_space<vmem>>
        %dma_start3A_516 = tpu.memref_squeeze %dma_start3A_515 : memref<1x128xi32, #tpu.memory_space<vmem>> -> memref<128xi32, #tpu.memory_space<vmem>>
        %dma_start3A_517 = arith.constant 0 : i32
        %dma_start3A_518 = tpu.memref_slice %arg12[%dma_start3A_517] : memref<10240xf32, #tpu.memory_space<vmem_shared>> -> memref<10240xf32, #tpu.memory_space<vmem_shared>>
        tpu.enqueue_indirect_dma source(%arg16 : memref<128xf32, #tpu.memory_space<vmem>>) target(%dma_start3A_518 : memref<10240xf32, #tpu.memory_space<vmem_shared>>) offsets(%dma_start3A_516 : memref<128xi32, #tpu.memory_space<vmem>>) semaphore(%arg24 : memref<!tpu.dma_semaphore, #tpu.memory_space<semaphore_mem>>) {add = true}
      } else {
      }
      %mul3A_327 = arith.constant 4 : i32
      %mul3A_328 = arith.muli %mul3A_327, %scan3A_123 : i32
      %add3A_329 = arith.constant 0 : i32
      %add3A_330 = arith.addi %mul3A_328, %add3A_329 : i32
      %add3A_331 = arith.constant 4 : i32
      %add3A_332 = arith.addi %add3A_330, %add3A_331 : i32
      %mul3A_333 = arith.constant 2 : i32
      %mul3A_334 = arith.muli %mul3A_333, %add3A_330 : i32
      %add3A_335 = arith.constant 0 : i32
      %add3A_336 = arith.addi %mul3A_334, %add3A_335 : i32
      %dma_wait3A_337 = arith.constant 0 : i32
      %dma_wait3A_338 = arith.constant 0 : i32
      %dma_wait3A_339 = arith.constant 0 : i32
      %dma_wait3A_340 = tpu.memref_slice %arg15[%dma_wait3A_337, %dma_wait3A_338, %dma_wait3A_339] : memref<4x256x64xf32, #tpu.memory_space<vmem>> -> memref<1x128x64xf32, #tpu.memory_space<vmem>>
      %dma_wait3A_341 = tpu.memref_squeeze %dma_wait3A_340 : memref<1x128x64xf32, #tpu.memory_space<vmem>> -> memref<128x64xf32, #tpu.memory_space<vmem>>
      %dma_wait3A_342 = arith.constant 0 : i32
      %dma_wait3A_343 = tpu.memref_slice %arg14[%add3A_336, %dma_wait3A_342] : memref<80x128xi32, #tpu.memory_space<vmem>> -> memref<1x128xi32, #tpu.memory_space<vmem>>
      %dma_wait3A_344 = tpu.memref_squeeze %dma_wait3A_343 : memref<1x128xi32, #tpu.memory_space<vmem>> -> memref<128xi32, #tpu.memory_space<vmem>>
      %dma_wait3A_345 = arith.constant 0 : i32
      %dma_wait3A_346 = arith.constant 0 : i32
      %dma_wait3A_347 = tpu.memref_slice %arg11[%dma_wait3A_345, %dma_wait3A_346] : memref<10240x64xf32, #tpu.memory_space<vmem_shared>> -> memref<10240x64xf32, #tpu.memory_space<vmem_shared>>
      tpu.wait_indirect_dma semaphore(%arg21 : memref<!tpu.dma_semaphore, #tpu.memory_space<semaphore_mem>>) src(%dma_wait3A_341 : memref<128x64xf32, #tpu.memory_space<vmem>>) dst(%dma_wait3A_347 : memref<10240x64xf32, #tpu.memory_space<vmem_shared>>)
      %convert_element_type3A_348 = arith.extui %eq3A_1 : i1 to i32
      %cond3A_349 = arith.constant 0 : i32
      %cond3A_350 = arith.cmpi ne, %convert_element_type3A_348, %cond3A_349 : i32
      scf.if %cond3A_350 {
        %dma_wait3A_514 = arith.constant 0 : i32
        %dma_wait3A_515 = tpu.memref_slice %arg14[%add3A_336, %dma_wait3A_514] : memref<80x128xi32, #tpu.memory_space<vmem>> -> memref<1x128xi32, #tpu.memory_space<vmem>>
        %dma_wait3A_516 = tpu.memref_squeeze %dma_wait3A_515 : memref<1x128xi32, #tpu.memory_space<vmem>> -> memref<128xi32, #tpu.memory_space<vmem>>
        %dma_wait3A_517 = arith.constant 0 : i32
        %dma_wait3A_518 = tpu.memref_slice %arg12[%dma_wait3A_517] : memref<10240xf32, #tpu.memory_space<vmem_shared>> -> memref<10240xf32, #tpu.memory_space<vmem_shared>>
        tpu.wait_indirect_dma semaphore(%arg21 : memref<!tpu.dma_semaphore, #tpu.memory_space<semaphore_mem>>) src(%arg16 : memref<128xf32, #tpu.memory_space<vmem>>) dst(%dma_wait3A_518 : memref<10240xf32, #tpu.memory_space<vmem_shared>>)
      } else {
      }
      %mul3A_351 = arith.constant 2 : i32
      %mul3A_352 = arith.muli %mul3A_351, %add3A_330 : i32
      %add3A_353 = arith.constant 1 : i32
      %add3A_354 = arith.addi %mul3A_352, %add3A_353 : i32
      %dma_wait3A_355 = arith.constant 0 : i32
      %dma_wait3A_356 = arith.constant 128 : i32
      %dma_wait3A_357 = arith.constant 0 : i32
      %dma_wait3A_358 = tpu.memref_slice %arg15[%dma_wait3A_355, %dma_wait3A_356, %dma_wait3A_357] : memref<4x256x64xf32, #tpu.memory_space<vmem>> -> memref<1x128x64xf32, #tpu.memory_space<vmem>>
      %dma_wait3A_359 = tpu.memref_squeeze %dma_wait3A_358 : memref<1x128x64xf32, #tpu.memory_space<vmem>> -> memref<128x64xf32, #tpu.memory_space<vmem>>
      %dma_wait3A_360 = arith.constant 0 : i32
      %dma_wait3A_361 = tpu.memref_slice %arg14[%add3A_354, %dma_wait3A_360] : memref<80x128xi32, #tpu.memory_space<vmem>> -> memref<1x128xi32, #tpu.memory_space<vmem>>
      %dma_wait3A_362 = tpu.memref_squeeze %dma_wait3A_361 : memref<1x128xi32, #tpu.memory_space<vmem>> -> memref<128xi32, #tpu.memory_space<vmem>>
      %dma_wait3A_363 = arith.constant 0 : i32
      %dma_wait3A_364 = arith.constant 0 : i32
      %dma_wait3A_365 = tpu.memref_slice %arg11[%dma_wait3A_363, %dma_wait3A_364] : memref<10240x64xf32, #tpu.memory_space<vmem_shared>> -> memref<10240x64xf32, #tpu.memory_space<vmem_shared>>
      tpu.wait_indirect_dma semaphore(%arg21 : memref<!tpu.dma_semaphore, #tpu.memory_space<semaphore_mem>>) src(%dma_wait3A_359 : memref<128x64xf32, #tpu.memory_space<vmem>>) dst(%dma_wait3A_365 : memref<10240x64xf32, #tpu.memory_space<vmem_shared>>)
      %convert_element_type3A_366 = arith.extui %eq3A_1 : i1 to i32
      %cond3A_367 = arith.constant 0 : i32
      %cond3A_368 = arith.cmpi ne, %convert_element_type3A_366, %cond3A_367 : i32
      scf.if %cond3A_368 {
        %dma_wait3A_514 = arith.constant 0 : i32
        %dma_wait3A_515 = tpu.memref_slice %arg14[%add3A_354, %dma_wait3A_514] : memref<80x128xi32, #tpu.memory_space<vmem>> -> memref<1x128xi32, #tpu.memory_space<vmem>>
        %dma_wait3A_516 = tpu.memref_squeeze %dma_wait3A_515 : memref<1x128xi32, #tpu.memory_space<vmem>> -> memref<128xi32, #tpu.memory_space<vmem>>
        %dma_wait3A_517 = arith.constant 0 : i32
        %dma_wait3A_518 = tpu.memref_slice %arg12[%dma_wait3A_517] : memref<10240xf32, #tpu.memory_space<vmem_shared>> -> memref<10240xf32, #tpu.memory_space<vmem_shared>>
        tpu.wait_indirect_dma semaphore(%arg21 : memref<!tpu.dma_semaphore, #tpu.memory_space<semaphore_mem>>) src(%arg16 : memref<128xf32, #tpu.memory_space<vmem>>) dst(%dma_wait3A_518 : memref<10240xf32, #tpu.memory_space<vmem_shared>>)
      } else {
      }
      %lt3A = arith.constant 40 : i32
      %lt3A_369 = arith.cmpi slt, %add3A_332, %lt3A : i32
      %convert_element_type3A_370 = arith.extui %lt3A_369 : i1 to i32
      %cond3A_371 = arith.constant 0 : i32
      %cond3A_372 = arith.cmpi ne, %convert_element_type3A_370, %cond3A_371 : i32
      scf.if %cond3A_372 {
        %mul3A_514 = arith.constant 256 : i32
        %mul3A_515 = arith.muli %mul3A_514, %add3A_332 : i32
        %dma_start3A_516 = arith.constant 0 : i32
        %dma_start3A_517 = arith.constant 0 : i32
        %dma_start3A_518 = arith.constant 0 : i32
        %dma_start3A_519 = tpu.memref_slice %arg15[%dma_start3A_516, %dma_start3A_517, %dma_start3A_518] : memref<4x256x64xf32, #tpu.memory_space<vmem>> -> memref<1x256x64xf32, #tpu.memory_space<vmem>>
        %dma_start3A_520 = tpu.memref_squeeze %dma_start3A_519 : memref<1x256x64xf32, #tpu.memory_space<vmem>> -> memref<256x64xf32, #tpu.memory_space<vmem>>
        %dma_start3A_521 = tpu.memref_slice %arg13[%mul3A_515] : memref<10240xi32, #tpu.memory_space<vmem>> -> memref<256xi32, #tpu.memory_space<vmem>>
        %dma_start3A_522 = arith.constant 0 : i32
        %dma_start3A_523 = arith.constant 0 : i32
        %dma_start3A_524 = tpu.memref_slice %arg2[%dma_start3A_522, %dma_start3A_523] : memref<20000x64xf32, #tpu.memory_space<hbm>> -> memref<20000x64xf32, #tpu.memory_space<hbm>>
        tpu.enqueue_indirect_dma source(%dma_start3A_524 : memref<20000x64xf32, #tpu.memory_space<hbm>>) target(%dma_start3A_520 : memref<256x64xf32, #tpu.memory_space<vmem>>) offsets(%dma_start3A_521 : memref<256xi32, #tpu.memory_space<vmem>>) semaphore(%arg17 : memref<!tpu.dma_semaphore, #tpu.memory_space<semaphore_mem>>)
      } else {
      }
      %mul3A_373 = arith.constant 4 : i32
      %mul3A_374 = arith.muli %mul3A_373, %scan3A_123 : i32
      %add3A_375 = arith.constant 1 : i32
      %add3A_376 = arith.addi %mul3A_374, %add3A_375 : i32
      %add3A_377 = arith.constant 4 : i32
      %add3A_378 = arith.addi %add3A_376, %add3A_377 : i32
      %mul3A_379 = arith.constant 2 : i32
      %mul3A_380 = arith.muli %mul3A_379, %add3A_376 : i32
      %add3A_381 = arith.constant 0 : i32
      %add3A_382 = arith.addi %mul3A_380, %add3A_381 : i32
      %dma_wait3A_383 = arith.constant 1 : i32
      %dma_wait3A_384 = arith.constant 0 : i32
      %dma_wait3A_385 = arith.constant 0 : i32
      %dma_wait3A_386 = tpu.memref_slice %arg15[%dma_wait3A_383, %dma_wait3A_384, %dma_wait3A_385] : memref<4x256x64xf32, #tpu.memory_space<vmem>> -> memref<1x128x64xf32, #tpu.memory_space<vmem>>
      %dma_wait3A_387 = tpu.memref_squeeze %dma_wait3A_386 : memref<1x128x64xf32, #tpu.memory_space<vmem>> -> memref<128x64xf32, #tpu.memory_space<vmem>>
      %dma_wait3A_388 = arith.constant 0 : i32
      %dma_wait3A_389 = tpu.memref_slice %arg14[%add3A_382, %dma_wait3A_388] : memref<80x128xi32, #tpu.memory_space<vmem>> -> memref<1x128xi32, #tpu.memory_space<vmem>>
      %dma_wait3A_390 = tpu.memref_squeeze %dma_wait3A_389 : memref<1x128xi32, #tpu.memory_space<vmem>> -> memref<128xi32, #tpu.memory_space<vmem>>
      %dma_wait3A_391 = arith.constant 0 : i32
      %dma_wait3A_392 = arith.constant 0 : i32
      %dma_wait3A_393 = tpu.memref_slice %arg11[%dma_wait3A_391, %dma_wait3A_392] : memref<10240x64xf32, #tpu.memory_space<vmem_shared>> -> memref<10240x64xf32, #tpu.memory_space<vmem_shared>>
      tpu.wait_indirect_dma semaphore(%arg22 : memref<!tpu.dma_semaphore, #tpu.memory_space<semaphore_mem>>) src(%dma_wait3A_387 : memref<128x64xf32, #tpu.memory_space<vmem>>) dst(%dma_wait3A_393 : memref<10240x64xf32, #tpu.memory_space<vmem_shared>>)
      %convert_element_type3A_394 = arith.extui %eq3A_1 : i1 to i32
      %cond3A_395 = arith.constant 0 : i32
      %cond3A_396 = arith.cmpi ne, %convert_element_type3A_394, %cond3A_395 : i32
      scf.if %cond3A_396 {
        %dma_wait3A_514 = arith.constant 0 : i32
        %dma_wait3A_515 = tpu.memref_slice %arg14[%add3A_382, %dma_wait3A_514] : memref<80x128xi32, #tpu.memory_space<vmem>> -> memref<1x128xi32, #tpu.memory_space<vmem>>
        %dma_wait3A_516 = tpu.memref_squeeze %dma_wait3A_515 : memref<1x128xi32, #tpu.memory_space<vmem>> -> memref<128xi32, #tpu.memory_space<vmem>>
        %dma_wait3A_517 = arith.constant 0 : i32
        %dma_wait3A_518 = tpu.memref_slice %arg12[%dma_wait3A_517] : memref<10240xf32, #tpu.memory_space<vmem_shared>> -> memref<10240xf32, #tpu.memory_space<vmem_shared>>
        tpu.wait_indirect_dma semaphore(%arg22 : memref<!tpu.dma_semaphore, #tpu.memory_space<semaphore_mem>>) src(%arg16 : memref<128xf32, #tpu.memory_space<vmem>>) dst(%dma_wait3A_518 : memref<10240xf32, #tpu.memory_space<vmem_shared>>)
      } else {
      }
      %mul3A_397 = arith.constant 2 : i32
      %mul3A_398 = arith.muli %mul3A_397, %add3A_376 : i32
      %add3A_399 = arith.constant 1 : i32
      %add3A_400 = arith.addi %mul3A_398, %add3A_399 : i32
      %dma_wait3A_401 = arith.constant 1 : i32
      %dma_wait3A_402 = arith.constant 128 : i32
      %dma_wait3A_403 = arith.constant 0 : i32
      %dma_wait3A_404 = tpu.memref_slice %arg15[%dma_wait3A_401, %dma_wait3A_402, %dma_wait3A_403] : memref<4x256x64xf32, #tpu.memory_space<vmem>> -> memref<1x128x64xf32, #tpu.memory_space<vmem>>
      %dma_wait3A_405 = tpu.memref_squeeze %dma_wait3A_404 : memref<1x128x64xf32, #tpu.memory_space<vmem>> -> memref<128x64xf32, #tpu.memory_space<vmem>>
      %dma_wait3A_406 = arith.constant 0 : i32
      %dma_wait3A_407 = tpu.memref_slice %arg14[%add3A_400, %dma_wait3A_406] : memref<80x128xi32, #tpu.memory_space<vmem>> -> memref<1x128xi32, #tpu.memory_space<vmem>>
      %dma_wait3A_408 = tpu.memref_squeeze %dma_wait3A_407 : memref<1x128xi32, #tpu.memory_space<vmem>> -> memref<128xi32, #tpu.memory_space<vmem>>
      %dma_wait3A_409 = arith.constant 0 : i32
      %dma_wait3A_410 = arith.constant 0 : i32
      %dma_wait3A_411 = tpu.memref_slice %arg11[%dma_wait3A_409, %dma_wait3A_410] : memref<10240x64xf32, #tpu.memory_space<vmem_shared>> -> memref<10240x64xf32, #tpu.memory_space<vmem_shared>>
      tpu.wait_indirect_dma semaphore(%arg22 : memref<!tpu.dma_semaphore, #tpu.memory_space<semaphore_mem>>) src(%dma_wait3A_405 : memref<128x64xf32, #tpu.memory_space<vmem>>) dst(%dma_wait3A_411 : memref<10240x64xf32, #tpu.memory_space<vmem_shared>>)
      %convert_element_type3A_412 = arith.extui %eq3A_1 : i1 to i32
      %cond3A_413 = arith.constant 0 : i32
      %cond3A_414 = arith.cmpi ne, %convert_element_type3A_412, %cond3A_413 : i32
      scf.if %cond3A_414 {
        %dma_wait3A_514 = arith.constant 0 : i32
        %dma_wait3A_515 = tpu.memref_slice %arg14[%add3A_400, %dma_wait3A_514] : memref<80x128xi32, #tpu.memory_space<vmem>> -> memref<1x128xi32, #tpu.memory_space<vmem>>
        %dma_wait3A_516 = tpu.memref_squeeze %dma_wait3A_515 : memref<1x128xi32, #tpu.memory_space<vmem>> -> memref<128xi32, #tpu.memory_space<vmem>>
        %dma_wait3A_517 = arith.constant 0 : i32
        %dma_wait3A_518 = tpu.memref_slice %arg12[%dma_wait3A_517] : memref<10240xf32, #tpu.memory_space<vmem_shared>> -> memref<10240xf32, #tpu.memory_space<vmem_shared>>
        tpu.wait_indirect_dma semaphore(%arg22 : memref<!tpu.dma_semaphore, #tpu.memory_space<semaphore_mem>>) src(%arg16 : memref<128xf32, #tpu.memory_space<vmem>>) dst(%dma_wait3A_518 : memref<10240xf32, #tpu.memory_space<vmem_shared>>)
      } else {
      }
      %lt3A_415 = arith.constant 40 : i32
      %lt3A_416 = arith.cmpi slt, %add3A_378, %lt3A_415 : i32
      %convert_element_type3A_417 = arith.extui %lt3A_416 : i1 to i32
      %cond3A_418 = arith.constant 0 : i32
      %cond3A_419 = arith.cmpi ne, %convert_element_type3A_417, %cond3A_418 : i32
      scf.if %cond3A_419 {
        %mul3A_514 = arith.constant 256 : i32
        %mul3A_515 = arith.muli %mul3A_514, %add3A_378 : i32
        %dma_start3A_516 = arith.constant 1 : i32
        %dma_start3A_517 = arith.constant 0 : i32
        %dma_start3A_518 = arith.constant 0 : i32
        %dma_start3A_519 = tpu.memref_slice %arg15[%dma_start3A_516, %dma_start3A_517, %dma_start3A_518] : memref<4x256x64xf32, #tpu.memory_space<vmem>> -> memref<1x256x64xf32, #tpu.memory_space<vmem>>
        %dma_start3A_520 = tpu.memref_squeeze %dma_start3A_519 : memref<1x256x64xf32, #tpu.memory_space<vmem>> -> memref<256x64xf32, #tpu.memory_space<vmem>>
        %dma_start3A_521 = tpu.memref_slice %arg13[%mul3A_515] : memref<10240xi32, #tpu.memory_space<vmem>> -> memref<256xi32, #tpu.memory_space<vmem>>
        %dma_start3A_522 = arith.constant 0 : i32
        %dma_start3A_523 = arith.constant 0 : i32
        %dma_start3A_524 = tpu.memref_slice %arg2[%dma_start3A_522, %dma_start3A_523] : memref<20000x64xf32, #tpu.memory_space<hbm>> -> memref<20000x64xf32, #tpu.memory_space<hbm>>
        tpu.enqueue_indirect_dma source(%dma_start3A_524 : memref<20000x64xf32, #tpu.memory_space<hbm>>) target(%dma_start3A_520 : memref<256x64xf32, #tpu.memory_space<vmem>>) offsets(%dma_start3A_521 : memref<256xi32, #tpu.memory_space<vmem>>) semaphore(%arg18 : memref<!tpu.dma_semaphore, #tpu.memory_space<semaphore_mem>>)
      } else {
      }
      %mul3A_420 = arith.constant 4 : i32
      %mul3A_421 = arith.muli %mul3A_420, %scan3A_123 : i32
      %add3A_422 = arith.constant 2 : i32
      %add3A_423 = arith.addi %mul3A_421, %add3A_422 : i32
      %add3A_424 = arith.constant 4 : i32
      %add3A_425 = arith.addi %add3A_423, %add3A_424 : i32
      %mul3A_426 = arith.constant 2 : i32
      %mul3A_427 = arith.muli %mul3A_426, %add3A_423 : i32
      %add3A_428 = arith.constant 0 : i32
      %add3A_429 = arith.addi %mul3A_427, %add3A_428 : i32
      %dma_wait3A_430 = arith.constant 2 : i32
      %dma_wait3A_431 = arith.constant 0 : i32
      %dma_wait3A_432 = arith.constant 0 : i32
      %dma_wait3A_433 = tpu.memref_slice %arg15[%dma_wait3A_430, %dma_wait3A_431, %dma_wait3A_432] : memref<4x256x64xf32, #tpu.memory_space<vmem>> -> memref<1x128x64xf32, #tpu.memory_space<vmem>>
      %dma_wait3A_434 = tpu.memref_squeeze %dma_wait3A_433 : memref<1x128x64xf32, #tpu.memory_space<vmem>> -> memref<128x64xf32, #tpu.memory_space<vmem>>
      %dma_wait3A_435 = arith.constant 0 : i32
      %dma_wait3A_436 = tpu.memref_slice %arg14[%add3A_429, %dma_wait3A_435] : memref<80x128xi32, #tpu.memory_space<vmem>> -> memref<1x128xi32, #tpu.memory_space<vmem>>
      %dma_wait3A_437 = tpu.memref_squeeze %dma_wait3A_436 : memref<1x128xi32, #tpu.memory_space<vmem>> -> memref<128xi32, #tpu.memory_space<vmem>>
      %dma_wait3A_438 = arith.constant 0 : i32
      %dma_wait3A_439 = arith.constant 0 : i32
      %dma_wait3A_440 = tpu.memref_slice %arg11[%dma_wait3A_438, %dma_wait3A_439] : memref<10240x64xf32, #tpu.memory_space<vmem_shared>> -> memref<10240x64xf32, #tpu.memory_space<vmem_shared>>
      tpu.wait_indirect_dma semaphore(%arg23 : memref<!tpu.dma_semaphore, #tpu.memory_space<semaphore_mem>>) src(%dma_wait3A_434 : memref<128x64xf32, #tpu.memory_space<vmem>>) dst(%dma_wait3A_440 : memref<10240x64xf32, #tpu.memory_space<vmem_shared>>)
      %convert_element_type3A_441 = arith.extui %eq3A_1 : i1 to i32
      %cond3A_442 = arith.constant 0 : i32
      %cond3A_443 = arith.cmpi ne, %convert_element_type3A_441, %cond3A_442 : i32
      scf.if %cond3A_443 {
        %dma_wait3A_514 = arith.constant 0 : i32
        %dma_wait3A_515 = tpu.memref_slice %arg14[%add3A_429, %dma_wait3A_514] : memref<80x128xi32, #tpu.memory_space<vmem>> -> memref<1x128xi32, #tpu.memory_space<vmem>>
        %dma_wait3A_516 = tpu.memref_squeeze %dma_wait3A_515 : memref<1x128xi32, #tpu.memory_space<vmem>> -> memref<128xi32, #tpu.memory_space<vmem>>
        %dma_wait3A_517 = arith.constant 0 : i32
        %dma_wait3A_518 = tpu.memref_slice %arg12[%dma_wait3A_517] : memref<10240xf32, #tpu.memory_space<vmem_shared>> -> memref<10240xf32, #tpu.memory_space<vmem_shared>>
        tpu.wait_indirect_dma semaphore(%arg23 : memref<!tpu.dma_semaphore, #tpu.memory_space<semaphore_mem>>) src(%arg16 : memref<128xf32, #tpu.memory_space<vmem>>) dst(%dma_wait3A_518 : memref<10240xf32, #tpu.memory_space<vmem_shared>>)
      } else {
      }
      %mul3A_444 = arith.constant 2 : i32
      %mul3A_445 = arith.muli %mul3A_444, %add3A_423 : i32
      %add3A_446 = arith.constant 1 : i32
      %add3A_447 = arith.addi %mul3A_445, %add3A_446 : i32
      %dma_wait3A_448 = arith.constant 2 : i32
      %dma_wait3A_449 = arith.constant 128 : i32
      %dma_wait3A_450 = arith.constant 0 : i32
      %dma_wait3A_451 = tpu.memref_slice %arg15[%dma_wait3A_448, %dma_wait3A_449, %dma_wait3A_450] : memref<4x256x64xf32, #tpu.memory_space<vmem>> -> memref<1x128x64xf32, #tpu.memory_space<vmem>>
      %dma_wait3A_452 = tpu.memref_squeeze %dma_wait3A_451 : memref<1x128x64xf32, #tpu.memory_space<vmem>> -> memref<128x64xf32, #tpu.memory_space<vmem>>
      %dma_wait3A_453 = arith.constant 0 : i32
      %dma_wait3A_454 = tpu.memref_slice %arg14[%add3A_447, %dma_wait3A_453] : memref<80x128xi32, #tpu.memory_space<vmem>> -> memref<1x128xi32, #tpu.memory_space<vmem>>
      %dma_wait3A_455 = tpu.memref_squeeze %dma_wait3A_454 : memref<1x128xi32, #tpu.memory_space<vmem>> -> memref<128xi32, #tpu.memory_space<vmem>>
      %dma_wait3A_456 = arith.constant 0 : i32
      %dma_wait3A_457 = arith.constant 0 : i32
      %dma_wait3A_458 = tpu.memref_slice %arg11[%dma_wait3A_456, %dma_wait3A_457] : memref<10240x64xf32, #tpu.memory_space<vmem_shared>> -> memref<10240x64xf32, #tpu.memory_space<vmem_shared>>
      tpu.wait_indirect_dma semaphore(%arg23 : memref<!tpu.dma_semaphore, #tpu.memory_space<semaphore_mem>>) src(%dma_wait3A_452 : memref<128x64xf32, #tpu.memory_space<vmem>>) dst(%dma_wait3A_458 : memref<10240x64xf32, #tpu.memory_space<vmem_shared>>)
      %convert_element_type3A_459 = arith.extui %eq3A_1 : i1 to i32
      %cond3A_460 = arith.constant 0 : i32
      %cond3A_461 = arith.cmpi ne, %convert_element_type3A_459, %cond3A_460 : i32
      scf.if %cond3A_461 {
        %dma_wait3A_514 = arith.constant 0 : i32
        %dma_wait3A_515 = tpu.memref_slice %arg14[%add3A_447, %dma_wait3A_514] : memref<80x128xi32, #tpu.memory_space<vmem>> -> memref<1x128xi32, #tpu.memory_space<vmem>>
        %dma_wait3A_516 = tpu.memref_squeeze %dma_wait3A_515 : memref<1x128xi32, #tpu.memory_space<vmem>> -> memref<128xi32, #tpu.memory_space<vmem>>
        %dma_wait3A_517 = arith.constant 0 : i32
        %dma_wait3A_518 = tpu.memref_slice %arg12[%dma_wait3A_517] : memref<10240xf32, #tpu.memory_space<vmem_shared>> -> memref<10240xf32, #tpu.memory_space<vmem_shared>>
        tpu.wait_indirect_dma semaphore(%arg23 : memref<!tpu.dma_semaphore, #tpu.memory_space<semaphore_mem>>) src(%arg16 : memref<128xf32, #tpu.memory_space<vmem>>) dst(%dma_wait3A_518 : memref<10240xf32, #tpu.memory_space<vmem_shared>>)
      } else {
      }
      %lt3A_462 = arith.constant 40 : i32
      %lt3A_463 = arith.cmpi slt, %add3A_425, %lt3A_462 : i32
      %convert_element_type3A_464 = arith.extui %lt3A_463 : i1 to i32
      %cond3A_465 = arith.constant 0 : i32
      %cond3A_466 = arith.cmpi ne, %convert_element_type3A_464, %cond3A_465 : i32
      scf.if %cond3A_466 {
        %mul3A_514 = arith.constant 256 : i32
        %mul3A_515 = arith.muli %mul3A_514, %add3A_425 : i32
        %dma_start3A_516 = arith.constant 2 : i32
        %dma_start3A_517 = arith.constant 0 : i32
        %dma_start3A_518 = arith.constant 0 : i32
        %dma_start3A_519 = tpu.memref_slice %arg15[%dma_start3A_516, %dma_start3A_517, %dma_start3A_518] : memref<4x256x64xf32, #tpu.memory_space<vmem>> -> memref<1x256x64xf32, #tpu.memory_space<vmem>>
        %dma_start3A_520 = tpu.memref_squeeze %dma_start3A_519 : memref<1x256x64xf32, #tpu.memory_space<vmem>> -> memref<256x64xf32, #tpu.memory_space<vmem>>
        %dma_start3A_521 = tpu.memref_slice %arg13[%mul3A_515] : memref<10240xi32, #tpu.memory_space<vmem>> -> memref<256xi32, #tpu.memory_space<vmem>>
        %dma_start3A_522 = arith.constant 0 : i32
        %dma_start3A_523 = arith.constant 0 : i32
        %dma_start3A_524 = tpu.memref_slice %arg2[%dma_start3A_522, %dma_start3A_523] : memref<20000x64xf32, #tpu.memory_space<hbm>> -> memref<20000x64xf32, #tpu.memory_space<hbm>>
        tpu.enqueue_indirect_dma source(%dma_start3A_524 : memref<20000x64xf32, #tpu.memory_space<hbm>>) target(%dma_start3A_520 : memref<256x64xf32, #tpu.memory_space<vmem>>) offsets(%dma_start3A_521 : memref<256xi32, #tpu.memory_space<vmem>>) semaphore(%arg19 : memref<!tpu.dma_semaphore, #tpu.memory_space<semaphore_mem>>)
      } else {
      }
      %mul3A_467 = arith.constant 4 : i32
      %mul3A_468 = arith.muli %mul3A_467, %scan3A_123 : i32
      %add3A_469 = arith.constant 3 : i32
      %add3A_470 = arith.addi %mul3A_468, %add3A_469 : i32
      %add3A_471 = arith.constant 4 : i32
      %add3A_472 = arith.addi %add3A_470, %add3A_471 : i32
      %mul3A_473 = arith.constant 2 : i32
      %mul3A_474 = arith.muli %mul3A_473, %add3A_470 : i32
      %add3A_475 = arith.constant 0 : i32
      %add3A_476 = arith.addi %mul3A_474, %add3A_475 : i32
      %dma_wait3A_477 = arith.constant 3 : i32
      %dma_wait3A_478 = arith.constant 0 : i32
      %dma_wait3A_479 = arith.constant 0 : i32
      %dma_wait3A_480 = tpu.memref_slice %arg15[%dma_wait3A_477, %dma_wait3A_478, %dma_wait3A_479] : memref<4x256x64xf32, #tpu.memory_space<vmem>> -> memref<1x128x64xf32, #tpu.memory_space<vmem>>
      %dma_wait3A_481 = tpu.memref_squeeze %dma_wait3A_480 : memref<1x128x64xf32, #tpu.memory_space<vmem>> -> memref<128x64xf32, #tpu.memory_space<vmem>>
      %dma_wait3A_482 = arith.constant 0 : i32
      %dma_wait3A_483 = tpu.memref_slice %arg14[%add3A_476, %dma_wait3A_482] : memref<80x128xi32, #tpu.memory_space<vmem>> -> memref<1x128xi32, #tpu.memory_space<vmem>>
      %dma_wait3A_484 = tpu.memref_squeeze %dma_wait3A_483 : memref<1x128xi32, #tpu.memory_space<vmem>> -> memref<128xi32, #tpu.memory_space<vmem>>
      %dma_wait3A_485 = arith.constant 0 : i32
      %dma_wait3A_486 = arith.constant 0 : i32
      %dma_wait3A_487 = tpu.memref_slice %arg11[%dma_wait3A_485, %dma_wait3A_486] : memref<10240x64xf32, #tpu.memory_space<vmem_shared>> -> memref<10240x64xf32, #tpu.memory_space<vmem_shared>>
      tpu.wait_indirect_dma semaphore(%arg24 : memref<!tpu.dma_semaphore, #tpu.memory_space<semaphore_mem>>) src(%dma_wait3A_481 : memref<128x64xf32, #tpu.memory_space<vmem>>) dst(%dma_wait3A_487 : memref<10240x64xf32, #tpu.memory_space<vmem_shared>>)
      %convert_element_type3A_488 = arith.extui %eq3A_1 : i1 to i32
      %cond3A_489 = arith.constant 0 : i32
      %cond3A_490 = arith.cmpi ne, %convert_element_type3A_488, %cond3A_489 : i32
      scf.if %cond3A_490 {
        %dma_wait3A_514 = arith.constant 0 : i32
        %dma_wait3A_515 = tpu.memref_slice %arg14[%add3A_476, %dma_wait3A_514] : memref<80x128xi32, #tpu.memory_space<vmem>> -> memref<1x128xi32, #tpu.memory_space<vmem>>
        %dma_wait3A_516 = tpu.memref_squeeze %dma_wait3A_515 : memref<1x128xi32, #tpu.memory_space<vmem>> -> memref<128xi32, #tpu.memory_space<vmem>>
        %dma_wait3A_517 = arith.constant 0 : i32
        %dma_wait3A_518 = tpu.memref_slice %arg12[%dma_wait3A_517] : memref<10240xf32, #tpu.memory_space<vmem_shared>> -> memref<10240xf32, #tpu.memory_space<vmem_shared>>
        tpu.wait_indirect_dma semaphore(%arg24 : memref<!tpu.dma_semaphore, #tpu.memory_space<semaphore_mem>>) src(%arg16 : memref<128xf32, #tpu.memory_space<vmem>>) dst(%dma_wait3A_518 : memref<10240xf32, #tpu.memory_space<vmem_shared>>)
      } else {
      }
      %mul3A_491 = arith.constant 2 : i32
      %mul3A_492 = arith.muli %mul3A_491, %add3A_470 : i32
      %add3A_493 = arith.constant 1 : i32
      %add3A_494 = arith.addi %mul3A_492, %add3A_493 : i32
      %dma_wait3A_495 = arith.constant 3 : i32
      %dma_wait3A_496 = arith.constant 128 : i32
      %dma_wait3A_497 = arith.constant 0 : i32
      %dma_wait3A_498 = tpu.memref_slice %arg15[%dma_wait3A_495, %dma_wait3A_496, %dma_wait3A_497] : memref<4x256x64xf32, #tpu.memory_space<vmem>> -> memref<1x128x64xf32, #tpu.memory_space<vmem>>
      %dma_wait3A_499 = tpu.memref_squeeze %dma_wait3A_498 : memref<1x128x64xf32, #tpu.memory_space<vmem>> -> memref<128x64xf32, #tpu.memory_space<vmem>>
      %dma_wait3A_500 = arith.constant 0 : i32
      %dma_wait3A_501 = tpu.memref_slice %arg14[%add3A_494, %dma_wait3A_500] : memref<80x128xi32, #tpu.memory_space<vmem>> -> memref<1x128xi32, #tpu.memory_space<vmem>>
      %dma_wait3A_502 = tpu.memref_squeeze %dma_wait3A_501 : memref<1x128xi32, #tpu.memory_space<vmem>> -> memref<128xi32, #tpu.memory_space<vmem>>
      %dma_wait3A_503 = arith.constant 0 : i32
      %dma_wait3A_504 = arith.constant 0 : i32
      %dma_wait3A_505 = tpu.memref_slice %arg11[%dma_wait3A_503, %dma_wait3A_504] : memref<10240x64xf32, #tpu.memory_space<vmem_shared>> -> memref<10240x64xf32, #tpu.memory_space<vmem_shared>>
      tpu.wait_indirect_dma semaphore(%arg24 : memref<!tpu.dma_semaphore, #tpu.memory_space<semaphore_mem>>) src(%dma_wait3A_499 : memref<128x64xf32, #tpu.memory_space<vmem>>) dst(%dma_wait3A_505 : memref<10240x64xf32, #tpu.memory_space<vmem_shared>>)
      %convert_element_type3A_506 = arith.extui %eq3A_1 : i1 to i32
      %cond3A_507 = arith.constant 0 : i32
      %cond3A_508 = arith.cmpi ne, %convert_element_type3A_506, %cond3A_507 : i32
      scf.if %cond3A_508 {
        %dma_wait3A_514 = arith.constant 0 : i32
        %dma_wait3A_515 = tpu.memref_slice %arg14[%add3A_494, %dma_wait3A_514] : memref<80x128xi32, #tpu.memory_space<vmem>> -> memref<1x128xi32, #tpu.memory_space<vmem>>
        %dma_wait3A_516 = tpu.memref_squeeze %dma_wait3A_515 : memref<1x128xi32, #tpu.memory_space<vmem>> -> memref<128xi32, #tpu.memory_space<vmem>>
        %dma_wait3A_517 = arith.constant 0 : i32
        %dma_wait3A_518 = tpu.memref_slice %arg12[%dma_wait3A_517] : memref<10240xf32, #tpu.memory_space<vmem_shared>> -> memref<10240xf32, #tpu.memory_space<vmem_shared>>
        tpu.wait_indirect_dma semaphore(%arg24 : memref<!tpu.dma_semaphore, #tpu.memory_space<semaphore_mem>>) src(%arg16 : memref<128xf32, #tpu.memory_space<vmem>>) dst(%dma_wait3A_518 : memref<10240xf32, #tpu.memory_space<vmem_shared>>)
      } else {
      }
      %lt3A_509 = arith.constant 40 : i32
      %lt3A_510 = arith.cmpi slt, %add3A_472, %lt3A_509 : i32
      %convert_element_type3A_511 = arith.extui %lt3A_510 : i1 to i32
      %cond3A_512 = arith.constant 0 : i32
      %cond3A_513 = arith.cmpi ne, %convert_element_type3A_511, %cond3A_512 : i32
      scf.if %cond3A_513 {
        %mul3A_514 = arith.constant 256 : i32
        %mul3A_515 = arith.muli %mul3A_514, %add3A_472 : i32
        %dma_start3A_516 = arith.constant 3 : i32
        %dma_start3A_517 = arith.constant 0 : i32
        %dma_start3A_518 = arith.constant 0 : i32
        %dma_start3A_519 = tpu.memref_slice %arg15[%dma_start3A_516, %dma_start3A_517, %dma_start3A_518] : memref<4x256x64xf32, #tpu.memory_space<vmem>> -> memref<1x256x64xf32, #tpu.memory_space<vmem>>
        %dma_start3A_520 = tpu.memref_squeeze %dma_start3A_519 : memref<1x256x64xf32, #tpu.memory_space<vmem>> -> memref<256x64xf32, #tpu.memory_space<vmem>>
        %dma_start3A_521 = tpu.memref_slice %arg13[%mul3A_515] : memref<10240xi32, #tpu.memory_space<vmem>> -> memref<256xi32, #tpu.memory_space<vmem>>
        %dma_start3A_522 = arith.constant 0 : i32
        %dma_start3A_523 = arith.constant 0 : i32
        %dma_start3A_524 = tpu.memref_slice %arg2[%dma_start3A_522, %dma_start3A_523] : memref<20000x64xf32, #tpu.memory_space<hbm>> -> memref<20000x64xf32, #tpu.memory_space<hbm>>
        tpu.enqueue_indirect_dma source(%dma_start3A_524 : memref<20000x64xf32, #tpu.memory_space<hbm>>) target(%dma_start3A_520 : memref<256x64xf32, #tpu.memory_space<vmem>>) offsets(%dma_start3A_521 : memref<256xi32, #tpu.memory_space<vmem>>) semaphore(%arg20 : memref<!tpu.dma_semaphore, #tpu.memory_space<semaphore_mem>>)
      } else {
      }
    }
    %scan3A_118 = arith.constant 10 : i32
    %barrier3A_119 = arith.constant 0 : index
    tpu.barrier barrier_id(%barrier3A_119)
    "tpu.region"() ({
      %run_scoped3A = tpu.sem_alloc : memref<!tpu.dma_semaphore, #tpu.memory_space<semaphore_mem>>
      %dma_start3A_123 = arith.constant 0 : i32
      %dma_start3A_124 = tpu.memref_slice %arg9[%arg0, %mul3A_0, %dma_start3A_123] : memref<2x10240x64xf32, #tpu.memory_space<hbm>> -> memref<1x640x64xf32, #tpu.memory_space<hbm>>
      %dma_start3A_125 = tpu.memref_squeeze %dma_start3A_124 : memref<1x640x64xf32, #tpu.memory_space<hbm>> -> memref<640x64xf32, #tpu.memory_space<hbm>>
      %dma_start3A_126 = arith.constant 0 : i32
      %dma_start3A_127 = tpu.memref_slice %arg11[%mul3A_0, %dma_start3A_126] : memref<10240x64xf32, #tpu.memory_space<vmem_shared>> -> memref<640x64xf32, #tpu.memory_space<vmem_shared>>
      tpu.enqueue_dma source(%dma_start3A_127 : memref<640x64xf32, #tpu.memory_space<vmem_shared>>) target(%dma_start3A_125 : memref<640x64xf32, #tpu.memory_space<hbm>>) target_semaphore(%run_scoped3A : memref<!tpu.dma_semaphore, #tpu.memory_space<semaphore_mem>>)
      %dma_wait3A = arith.constant 0 : i32
      %dma_wait3A_128 = tpu.memref_slice %arg9[%arg0, %mul3A_0, %dma_wait3A] : memref<2x10240x64xf32, #tpu.memory_space<hbm>> -> memref<1x640x64xf32, #tpu.memory_space<hbm>>
      %dma_wait3A_129 = tpu.memref_squeeze %dma_wait3A_128 : memref<1x640x64xf32, #tpu.memory_space<hbm>> -> memref<640x64xf32, #tpu.memory_space<hbm>>
      %dma_wait3A_130 = arith.constant 0 : i32
      %dma_wait3A_131 = tpu.memref_slice %arg11[%mul3A_0, %dma_wait3A_130] : memref<10240x64xf32, #tpu.memory_space<vmem_shared>> -> memref<640x64xf32, #tpu.memory_space<vmem_shared>>
      tpu.wait_dma2 semaphore(%run_scoped3A : memref<!tpu.dma_semaphore, #tpu.memory_space<semaphore_mem>>) src(%dma_wait3A_131 : memref<640x64xf32, #tpu.memory_space<vmem_shared>>) dst(%dma_wait3A_129 : memref<640x64xf32, #tpu.memory_space<hbm>>)
      tpu.yield
    }) : () -> ()
    %convert_element_type3A_120 = arith.extui %eq3A_1 : i1 to i32
    %cond3A_121 = arith.constant 0 : i32
    %cond3A_122 = arith.cmpi ne, %convert_element_type3A_120, %cond3A_121 : i32
    scf.if %cond3A_122 {
      "tpu.region"() ({
        %run_scoped3A = tpu.sem_alloc : memref<!tpu.dma_semaphore, #tpu.memory_space<semaphore_mem>>
        %dma_start3A_123 = tpu.memref_slice %arg10[%mul3A_0] : memref<10240xf32, #tpu.memory_space<hbm>> -> memref<640xf32, #tpu.memory_space<hbm>>
        %dma_start3A_124 = tpu.memref_slice %arg12[%mul3A_0] : memref<10240xf32, #tpu.memory_space<vmem_shared>> -> memref<640xf32, #tpu.memory_space<vmem_shared>>
        tpu.enqueue_dma source(%dma_start3A_124 : memref<640xf32, #tpu.memory_space<vmem_shared>>) target(%dma_start3A_123 : memref<640xf32, #tpu.memory_space<hbm>>) target_semaphore(%run_scoped3A : memref<!tpu.dma_semaphore, #tpu.memory_space<semaphore_mem>>)
        %dma_wait3A = tpu.memref_slice %arg10[%mul3A_0] : memref<10240xf32, #tpu.memory_space<hbm>> -> memref<640xf32, #tpu.memory_space<hbm>>
        %dma_wait3A_125 = tpu.memref_slice %arg12[%mul3A_0] : memref<10240xf32, #tpu.memory_space<vmem_shared>> -> memref<640xf32, #tpu.memory_space<vmem_shared>>
        tpu.wait_dma2 semaphore(%run_scoped3A : memref<!tpu.dma_semaphore, #tpu.memory_space<semaphore_mem>>) src(%dma_wait3A_125 : memref<640xf32, #tpu.memory_space<vmem_shared>>) dst(%dma_wait3A : memref<640xf32, #tpu.memory_space<hbm>>)
        tpu.yield
      }) : () -> ()
    } else {
    }
    return
  }
}

module attributes {stable_mosaic.version = 14 : i64} {
  func.func @_root1_body(%arg0: i32, %arg1: memref<1000x128xf32, #tpu.memory_space<vmem>>, %arg2: memref<128x128xf32, #tpu.memory_space<vmem>>, %arg3: memref<1x128xf32, #tpu.memory_space<vmem>>, %arg4: memref<1000x128xf32, #tpu.memory_space<vmem>>) attributes {dimension_semantics = [#tpu.dimension_semantics<arbitrary>], iteration_bounds = array<i64: 10>, scalar_prefetch = 0 : i64, scratch_operands = 0 : i64, tpu.core_type = #tpu.core_type<tc>, window_params = [{transform_indices = @transform_0, window_bounds = array<i64: 1000, 128>}, {pipeline_mode = #tpu.pipeline_mode<synchronous>, transform_indices = @transform_1, window_bounds = array<i64: 128, 128>}, {pipeline_mode = #tpu.pipeline_mode<synchronous>, transform_indices = @transform_2, window_bounds = array<i64: 1, 128>}, {transform_indices = @transform_3, window_bounds = array<i64: 1000, 128>}]} {
    %get3A = arith.constant 0 : index
    %get3A_0 = arith.constant 0 : index
    %get3A_1 = vector.load %arg1[%get3A, %get3A_0] : memref<1000x128xf32, #tpu.memory_space<vmem>>, vector<1000x128xf32>
    %get3A_2 = arith.constant 0 : index
    %get3A_3 = arith.constant 0 : index
    %get3A_4 = vector.load %arg2[%get3A_2, %get3A_3] : memref<128x128xf32, #tpu.memory_space<vmem>>, vector<128x128xf32>
    %dot_general3A = arith.constant dense<0.000000e+00> : vector<1000x128xf32>
    %dot_general3A_5 = tpu.matmul %get3A_1, %get3A_4, %dot_general3A {dimension_numbers = #tpu.dot_dimension_numbers<[1], [0], [0], [1], [0, 0, 1, 1], [], []>, precision = #tpu.contract_precision<fp32>, transpose_lhs_hint = false} : vector<1000x128xf32>, vector<128x128xf32>, vector<1000x128xf32> -> vector<1000x128xf32>
    %get3A_6 = arith.constant 0 : index
    %get3A_7 = arith.constant 0 : index
    %get3A_8 = vector.load %arg3[%get3A_6, %get3A_7] : memref<1x128xf32, #tpu.memory_space<vmem>>, vector<1x128xf32>
    %add3A = vector.broadcast %get3A_8 : vector<1x128xf32> to vector<1000x128xf32>
    %add3A_9 = arith.addf %dot_general3A_5, %add3A : vector<1000x128xf32>
    %swap3A = arith.constant 0 : index
    %swap3A_10 = arith.constant 0 : index
    %swap3A_11 = vector.load %arg4[%swap3A, %swap3A_10] : memref<1000x128xf32, #tpu.memory_space<vmem>>, vector<1000x128xf32>
    tpu.vector_store %arg4[%swap3A, %swap3A_10], %add3A_9 {strides = array<i32>} : memref<1000x128xf32, #tpu.memory_space<vmem>>, vector<1000x128xf32>,
    return
  }
  func.func @transform_0(%arg0: i32) -> (i32, i32) {
    %c0_i32 = arith.constant 0 : i32
    %c0_i32_0 = arith.constant 0 : i32
    return %arg0, %c0_i32 : i32, i32
  }
  func.func @transform_1(%arg0: i32) -> (i32, i32) {
    %c0_i32 = arith.constant 0 : i32
    %c0_i32_0 = arith.constant 0 : i32
    %c0_i32_1 = arith.constant 0 : i32
    return %c0_i32, %c0_i32_0 : i32, i32
  }
  func.func @transform_2(%arg0: i32) -> (i32, i32) {
    %c0_i32 = arith.constant 0 : i32
    %c0_i32_0 = arith.constant 0 : i32
    %c0_i32_1 = arith.constant 0 : i32
    return %c0_i32, %c0_i32_0 : i32, i32
  }
  func.func @transform_3(%arg0: i32) -> (i32, i32) {
    %c0_i32 = arith.constant 0 : i32
    %c0_i32_0 = arith.constant 0 : i32
    return %arg0, %c0_i32 : i32, i32
  }
}

module attributes {stable_mosaic.version = 14 : i64} {
  func.func @_dense1_body(%arg0: i32, %arg1: memref<2x1000x64xf32, #tpu.memory_space<vmem>>, %arg2: memref<1000x1xf32, #tpu.memory_space<vmem>>, %arg3: memref<1000x128xf32, #tpu.memory_space<vmem>>, %arg4: memref<128x128xf32, #tpu.memory_space<vmem>>, %arg5: memref<2x1000x64xf32, #tpu.memory_space<vmem>>) attributes {dimension_semantics = [#tpu.dimension_semantics<arbitrary>], iteration_bounds = array<i64: 10>, scalar_prefetch = 0 : i64, scratch_operands = 0 : i64, tpu.core_type = #tpu.core_type<tc>, window_params = [{transform_indices = @transform_0, window_bounds = array<i64: 2, 1000, 64>}, {transform_indices = @transform_1, window_bounds = array<i64: 1000, 1>}, {transform_indices = @transform_2, window_bounds = array<i64: 1000, 128>}, {pipeline_mode = #tpu.pipeline_mode<synchronous>, transform_indices = @transform_3, window_bounds = array<i64: 128, 128>}, {transform_indices = @transform_4, window_bounds = array<i64: 2, 1000, 64>}]} {
    %get3A = arith.constant 0 : index
    %get3A_0 = arith.constant 0 : index
    %get3A_1 = vector.load %arg2[%get3A, %get3A_0] : memref<1000x1xf32, #tpu.memory_space<vmem>>, vector<1000x1xf32>
    %max3A = arith.constant 1.000000e+00 : f32
    %max3A_2 = vector.broadcast %max3A : f32 to vector<1000x1xf32>
    %max3A_3 = arith.maximumf %get3A_1, %max3A_2 : vector<1000x1xf32>
    %div3A = arith.constant 1.000000e+00 : f32
    %div3A_4 = vector.broadcast %div3A : f32 to vector<1000x1xf32>
    %div3A_5 = arith.divf %div3A_4, %max3A_3 : vector<1000x1xf32>
    %get3A_6 = arith.constant 0 : index
    %get3A_7 = arith.constant 0 : index
    %get3A_8 = vector.load %arg4[%get3A_6, %get3A_7] : memref<128x128xf32, #tpu.memory_space<vmem>>, vector<128x128xf32>
    %get3A_9 = arith.constant 0 : index
    %get3A_10 = arith.constant 0 : index
    %get3A_11 = arith.constant 0 : index
    %get3A_12 = vector.load %arg1[%get3A_9, %get3A_10, %get3A_11] : memref<2x1000x64xf32, #tpu.memory_space<vmem>>, vector<1x1000x64xf32>
    %get3A_13 = vector.shape_cast %get3A_12 : vector<1x1000x64xf32> to vector<1000x64xf32>
    %mul3A = vector.broadcast %div3A_5 : vector<1000x1xf32> to vector<1000x64xf32>
    %mul3A_14 = arith.mulf %get3A_13, %mul3A : vector<1000x64xf32>
    %slice3A = vector.extract_strided_slice %get3A_8 {offsets = [0, 0], sizes = [64, 128], strides = [1, 1]} : vector<128x128xf32> to vector<64x128xf32>
    %dot_general3A = arith.constant dense<0.000000e+00> : vector<1000x128xf32>
    %dot_general3A_15 = tpu.matmul %mul3A_14, %slice3A, %dot_general3A {dimension_numbers = #tpu.dot_dimension_numbers<[1], [0], [0], [1], [0, 0, 1, 1], [], []>, precision = #tpu.contract_precision<fp32>, transpose_lhs_hint = false} : vector<1000x64xf32>, vector<64x128xf32>, vector<1000x128xf32> -> vector<1000x128xf32>
    %get3A_16 = arith.constant 1 : index
    %get3A_17 = arith.constant 0 : index
    %get3A_18 = arith.constant 0 : index
    %get3A_19 = vector.load %arg1[%get3A_16, %get3A_17, %get3A_18] : memref<2x1000x64xf32, #tpu.memory_space<vmem>>, vector<1x1000x64xf32>
    %get3A_20 = vector.shape_cast %get3A_19 : vector<1x1000x64xf32> to vector<1000x64xf32>
    %mul3A_21 = vector.broadcast %div3A_5 : vector<1000x1xf32> to vector<1000x64xf32>
    %mul3A_22 = arith.mulf %get3A_20, %mul3A_21 : vector<1000x64xf32>
    %slice3A_23 = vector.extract_strided_slice %get3A_8 {offsets = [64, 0], sizes = [64, 128], strides = [1, 1]} : vector<128x128xf32> to vector<64x128xf32>
    %dot_general3A_24 = arith.constant dense<0.000000e+00> : vector<1000x128xf32>
    %dot_general3A_25 = tpu.matmul %mul3A_22, %slice3A_23, %dot_general3A_24 {dimension_numbers = #tpu.dot_dimension_numbers<[1], [0], [0], [1], [0, 0, 1, 1], [], []>, precision = #tpu.contract_precision<fp32>, transpose_lhs_hint = false} : vector<1000x64xf32>, vector<64x128xf32>, vector<1000x128xf32> -> vector<1000x128xf32>
    %add3A = arith.addf %dot_general3A_15, %dot_general3A_25 : vector<1000x128xf32>
    %get3A_26 = arith.constant 0 : index
    %get3A_27 = arith.constant 0 : index
    %get3A_28 = vector.load %arg3[%get3A_26, %get3A_27] : memref<1000x128xf32, #tpu.memory_space<vmem>>, vector<1000x128xf32>
    %add3A_29 = arith.addf %add3A, %get3A_28 : vector<1000x128xf32>
    %max3A_30 = arith.constant 0.000000e+00 : f32
    %max3A_31 = vector.broadcast %max3A_30 : f32 to vector<1000x128xf32>
    %max3A_32 = arith.maximumf %add3A_29, %max3A_31 : vector<1000x128xf32>
    %slice3A_33 = vector.extract_strided_slice %max3A_32 {offsets = [0, 0], sizes = [1000, 64], strides = [1, 1]} : vector<1000x128xf32> to vector<1000x64xf32>
    %swap3A = arith.constant 0 : index
    %swap3A_34 = arith.constant 0 : index
    %swap3A_35 = arith.constant 0 : index
    %swap3A_36 = vector.load %arg5[%swap3A, %swap3A_34, %swap3A_35] : memref<2x1000x64xf32, #tpu.memory_space<vmem>>, vector<1x1000x64xf32>
    %swap3A_37 = vector.shape_cast %swap3A_36 : vector<1x1000x64xf32> to vector<1000x64xf32>
    %swap3A_38 = vector.shape_cast %slice3A_33 : vector<1000x64xf32> to vector<1x1000x64xf32>
    tpu.vector_store %arg5[%swap3A, %swap3A_34, %swap3A_35], %swap3A_38 {strides = array<i32>} : memref<2x1000x64xf32, #tpu.memory_space<vmem>>, vector<1x1000x64xf32>,
    %slice3A_39 = vector.extract_strided_slice %max3A_32 {offsets = [0, 64], sizes = [1000, 64], strides = [1, 1]} : vector<1000x128xf32> to vector<1000x64xf32>
    %swap3A_40 = arith.constant 1 : index
    %swap3A_41 = arith.constant 0 : index
    %swap3A_42 = arith.constant 0 : index
    %swap3A_43 = vector.load %arg5[%swap3A_40, %swap3A_41, %swap3A_42] : memref<2x1000x64xf32, #tpu.memory_space<vmem>>, vector<1x1000x64xf32>
    %swap3A_44 = vector.shape_cast %swap3A_43 : vector<1x1000x64xf32> to vector<1000x64xf32>
    %swap3A_45 = vector.shape_cast %slice3A_39 : vector<1000x64xf32> to vector<1x1000x64xf32>
    tpu.vector_store %arg5[%swap3A_40, %swap3A_41, %swap3A_42], %swap3A_45 {strides = array<i32>} : memref<2x1000x64xf32, #tpu.memory_space<vmem>>, vector<1x1000x64xf32>,
    return
  }
  func.func @transform_0(%arg0: i32) -> (i32, i32, i32) {
    %c0_i32 = arith.constant 0 : i32
    %c0_i32_0 = arith.constant 0 : i32
    %c0_i32_1 = arith.constant 0 : i32
    return %c0_i32, %arg0, %c0_i32_0 : i32, i32, i32
  }
  func.func @transform_1(%arg0: i32) -> (i32, i32) {
    %c0_i32 = arith.constant 0 : i32
    %c0_i32_0 = arith.constant 0 : i32
    return %arg0, %c0_i32 : i32, i32
  }
  func.func @transform_2(%arg0: i32) -> (i32, i32) {
    %c0_i32 = arith.constant 0 : i32
    %c0_i32_0 = arith.constant 0 : i32
    return %arg0, %c0_i32 : i32, i32
  }
  func.func @transform_3(%arg0: i32) -> (i32, i32) {
    %c0_i32 = arith.constant 0 : i32
    %c0_i32_0 = arith.constant 0 : i32
    %c0_i32_1 = arith.constant 0 : i32
    return %c0_i32, %c0_i32_0 : i32, i32
  }
  func.func @transform_4(%arg0: i32) -> (i32, i32, i32) {
    %c0_i32 = arith.constant 0 : i32
    %c0_i32_0 = arith.constant 0 : i32
    %c0_i32_1 = arith.constant 0 : i32
    return %c0_i32, %arg0, %c0_i32_0 : i32, i32, i32
  }
}

module attributes {stable_mosaic.version = 14 : i64} {
  func.func @_root2_body(%arg0: i32, %arg1: memref<2x1000x64xf32, #tpu.memory_space<vmem>>, %arg2: memref<128x128xf32, #tpu.memory_space<vmem>>, %arg3: memref<1x128xf32, #tpu.memory_space<vmem>>, %arg4: memref<128x1xf32, #tpu.memory_space<vmem>>, %arg5: memref<1000x128xf32, #tpu.memory_space<vmem>>, %arg6: memref<1000x1xf32, #tpu.memory_space<vmem>>) attributes {dimension_semantics = [#tpu.dimension_semantics<arbitrary>], iteration_bounds = array<i64: 10>, scalar_prefetch = 0 : i64, scratch_operands = 0 : i64, tpu.core_type = #tpu.core_type<tc>, window_params = [{transform_indices = @transform_0, window_bounds = array<i64: 2, 1000, 64>}, {pipeline_mode = #tpu.pipeline_mode<synchronous>, transform_indices = @transform_1, window_bounds = array<i64: 128, 128>}, {pipeline_mode = #tpu.pipeline_mode<synchronous>, transform_indices = @transform_2, window_bounds = array<i64: 1, 128>}, {pipeline_mode = #tpu.pipeline_mode<synchronous>, transform_indices = @transform_3, window_bounds = array<i64: 128, 1>}, {transform_indices = @transform_4, window_bounds = array<i64: 1000, 128>}, {transform_indices = @transform_5, window_bounds = array<i64: 1000, 1>}]} {
    %get3A = arith.constant 0 : index
    %get3A_0 = arith.constant 0 : index
    %get3A_1 = arith.constant 0 : index
    %get3A_2 = vector.load %arg1[%get3A, %get3A_0, %get3A_1] : memref<2x1000x64xf32, #tpu.memory_space<vmem>>, vector<1x1000x64xf32>
    %get3A_3 = vector.shape_cast %get3A_2 : vector<1x1000x64xf32> to vector<1000x64xf32>
    %get3A_4 = arith.constant 1 : index
    %get3A_5 = arith.constant 0 : index
    %get3A_6 = arith.constant 0 : index
    %get3A_7 = vector.load %arg1[%get3A_4, %get3A_5, %get3A_6] : memref<2x1000x64xf32, #tpu.memory_space<vmem>>, vector<1x1000x64xf32>
    %get3A_8 = vector.shape_cast %get3A_7 : vector<1x1000x64xf32> to vector<1000x64xf32>
    %get3A_9 = arith.constant 0 : index
    %get3A_10 = arith.constant 0 : index
    %get3A_11 = vector.load %arg2[%get3A_9, %get3A_10] : memref<128x128xf32, #tpu.memory_space<vmem>>, vector<128x128xf32>
    %get3A_12 = arith.constant 0 : index
    %get3A_13 = arith.constant 0 : index
    %get3A_14 = vector.load %arg4[%get3A_12, %get3A_13] : memref<128x1xf32, #tpu.memory_space<vmem>>, vector<128x1xf32>
    %slice3A = vector.extract_strided_slice %get3A_11 {offsets = [0, 0], sizes = [64, 128], strides = [1, 1]} : vector<128x128xf32> to vector<64x128xf32>
    %dot_general3A = arith.constant dense<0.000000e+00> : vector<1000x128xf32>
    %dot_general3A_15 = tpu.matmul %get3A_3, %slice3A, %dot_general3A {dimension_numbers = #tpu.dot_dimension_numbers<[1], [0], [0], [1], [0, 0, 1, 1], [], []>, precision = #tpu.contract_precision<fp32>, transpose_lhs_hint = false} : vector<1000x64xf32>, vector<64x128xf32>, vector<1000x128xf32> -> vector<1000x128xf32>
    %slice3A_16 = vector.extract_strided_slice %get3A_11 {offsets = [64, 0], sizes = [64, 128], strides = [1, 1]} : vector<128x128xf32> to vector<64x128xf32>
    %dot_general3A_17 = arith.constant dense<0.000000e+00> : vector<1000x128xf32>
    %dot_general3A_18 = tpu.matmul %get3A_8, %slice3A_16, %dot_general3A_17 {dimension_numbers = #tpu.dot_dimension_numbers<[1], [0], [0], [1], [0, 0, 1, 1], [], []>, precision = #tpu.contract_precision<fp32>, transpose_lhs_hint = false} : vector<1000x64xf32>, vector<64x128xf32>, vector<1000x128xf32> -> vector<1000x128xf32>
    %add3A = arith.addf %dot_general3A_15, %dot_general3A_18 : vector<1000x128xf32>
    %get3A_19 = arith.constant 0 : index
    %get3A_20 = arith.constant 0 : index
    %get3A_21 = vector.load %arg3[%get3A_19, %get3A_20] : memref<1x128xf32, #tpu.memory_space<vmem>>, vector<1x128xf32>
    %add3A_22 = vector.broadcast %get3A_21 : vector<1x128xf32> to vector<1000x128xf32>
    %add3A_23 = arith.addf %add3A, %add3A_22 : vector<1000x128xf32>
    %swap3A = arith.constant 0 : index
    %swap3A_24 = arith.constant 0 : index
    %swap3A_25 = vector.load %arg5[%swap3A, %swap3A_24] : memref<1000x128xf32, #tpu.memory_space<vmem>>, vector<1000x128xf32>
    tpu.vector_store %arg5[%swap3A, %swap3A_24], %add3A_23 {strides = array<i32>} : memref<1000x128xf32, #tpu.memory_space<vmem>>, vector<1000x128xf32>,
    %slice3A_26 = vector.extract_strided_slice %get3A_14 {offsets = [0, 0], sizes = [64, 1], strides = [1, 1]} : vector<128x1xf32> to vector<64x1xf32>
    %dot_general3A_27 = arith.constant dense<0.000000e+00> : vector<1000x1xf32>
    %dot_general3A_28 = tpu.matmul %get3A_3, %slice3A_26, %dot_general3A_27 {dimension_numbers = #tpu.dot_dimension_numbers<[1], [0], [0], [1], [0, 0, 1, 1], [], []>, precision = #tpu.contract_precision<fp32>, transpose_lhs_hint = false} : vector<1000x64xf32>, vector<64x1xf32>, vector<1000x1xf32> -> vector<1000x1xf32>
    %slice3A_29 = vector.extract_strided_slice %get3A_14 {offsets = [64, 0], sizes = [64, 1], strides = [1, 1]} : vector<128x1xf32> to vector<64x1xf32>
    %dot_general3A_30 = arith.constant dense<0.000000e+00> : vector<1000x1xf32>
    %dot_general3A_31 = tpu.matmul %get3A_8, %slice3A_29, %dot_general3A_30 {dimension_numbers = #tpu.dot_dimension_numbers<[1], [0], [0], [1], [0, 0, 1, 1], [], []>, precision = #tpu.contract_precision<fp32>, transpose_lhs_hint = false} : vector<1000x64xf32>, vector<64x1xf32>, vector<1000x1xf32> -> vector<1000x1xf32>
    %add3A_32 = arith.addf %dot_general3A_28, %dot_general3A_31 : vector<1000x1xf32>
    %swap3A_33 = arith.constant 0 : index
    %swap3A_34 = arith.constant 0 : index
    %swap3A_35 = vector.load %arg6[%swap3A_33, %swap3A_34] : memref<1000x1xf32, #tpu.memory_space<vmem>>, vector<1000x1xf32>
    tpu.vector_store %arg6[%swap3A_33, %swap3A_34], %add3A_32 {strides = array<i32>} : memref<1000x1xf32, #tpu.memory_space<vmem>>, vector<1000x1xf32>,
    return
  }
  func.func @transform_0(%arg0: i32) -> (i32, i32, i32) {
    %c0_i32 = arith.constant 0 : i32
    %c0_i32_0 = arith.constant 0 : i32
    %c0_i32_1 = arith.constant 0 : i32
    return %c0_i32, %arg0, %c0_i32_0 : i32, i32, i32
  }
  func.func @transform_1(%arg0: i32) -> (i32, i32) {
    %c0_i32 = arith.constant 0 : i32
    %c0_i32_0 = arith.constant 0 : i32
    %c0_i32_1 = arith.constant 0 : i32
    return %c0_i32, %c0_i32_0 : i32, i32
  }
  func.func @transform_2(%arg0: i32) -> (i32, i32) {
    %c0_i32 = arith.constant 0 : i32
    %c0_i32_0 = arith.constant 0 : i32
    %c0_i32_1 = arith.constant 0 : i32
    return %c0_i32, %c0_i32_0 : i32, i32
  }
  func.func @transform_3(%arg0: i32) -> (i32, i32) {
    %c0_i32 = arith.constant 0 : i32
    %c0_i32_0 = arith.constant 0 : i32
    %c0_i32_1 = arith.constant 0 : i32
    return %c0_i32, %c0_i32_0 : i32, i32
  }
  func.func @transform_4(%arg0: i32) -> (i32, i32) {
    %c0_i32 = arith.constant 0 : i32
    %c0_i32_0 = arith.constant 0 : i32
    return %arg0, %c0_i32 : i32, i32
  }
  func.func @transform_5(%arg0: i32) -> (i32, i32) {
    %c0_i32 = arith.constant 0 : i32
    %c0_i32_0 = arith.constant 0 : i32
    return %arg0, %c0_i32 : i32, i32
  }
}

module attributes {stable_mosaic.version = 14 : i64} {
  func.func @_dense2_body(%arg0: i32, %arg1: memref<2x1000x64xf32, #tpu.memory_space<vmem>>, %arg2: memref<1000x1xf32, #tpu.memory_space<vmem>>, %arg3: memref<1000x128xf32, #tpu.memory_space<vmem>>, %arg4: memref<1000x1xf32, #tpu.memory_space<vmem>>, %arg5: memref<128x128xf32, #tpu.memory_space<vmem>>, %arg6: memref<128x1xf32, #tpu.memory_space<vmem>>, %arg7: memref<1x1xf32, #tpu.memory_space<vmem>>, %arg8: memref<1000x1xf32, #tpu.memory_space<vmem>>) attributes {dimension_semantics = [#tpu.dimension_semantics<arbitrary>], iteration_bounds = array<i64: 10>, scalar_prefetch = 0 : i64, scratch_operands = 0 : i64, tpu.core_type = #tpu.core_type<tc>, window_params = [{transform_indices = @transform_0, window_bounds = array<i64: 2, 1000, 64>}, {transform_indices = @transform_1, window_bounds = array<i64: 1000, 1>}, {transform_indices = @transform_2, window_bounds = array<i64: 1000, 128>}, {transform_indices = @transform_3, window_bounds = array<i64: 1000, 1>}, {pipeline_mode = #tpu.pipeline_mode<synchronous>, transform_indices = @transform_4, window_bounds = array<i64: 128, 128>}, {pipeline_mode = #tpu.pipeline_mode<synchronous>, transform_indices = @transform_5, window_bounds = array<i64: 128, 1>}, {pipeline_mode = #tpu.pipeline_mode<synchronous>, transform_indices = @transform_6, window_bounds = array<i64: 1, 1>}, {transform_indices = @transform_7, window_bounds = array<i64: 1000, 1>}]} {
    %get3A = arith.constant 0 : index
    %get3A_0 = arith.constant 0 : index
    %get3A_1 = vector.load %arg2[%get3A, %get3A_0] : memref<1000x1xf32, #tpu.memory_space<vmem>>, vector<1000x1xf32>
    %max3A = arith.constant 1.000000e+00 : f32
    %max3A_2 = vector.broadcast %max3A : f32 to vector<1000x1xf32>
    %max3A_3 = arith.maximumf %get3A_1, %max3A_2 : vector<1000x1xf32>
    %div3A = arith.constant 1.000000e+00 : f32
    %div3A_4 = vector.broadcast %div3A : f32 to vector<1000x1xf32>
    %div3A_5 = arith.divf %div3A_4, %max3A_3 : vector<1000x1xf32>
    %get3A_6 = arith.constant 0 : index
    %get3A_7 = arith.constant 0 : index
    %get3A_8 = vector.load %arg5[%get3A_6, %get3A_7] : memref<128x128xf32, #tpu.memory_space<vmem>>, vector<128x128xf32>
    %get3A_9 = arith.constant 0 : index
    %get3A_10 = arith.constant 0 : index
    %get3A_11 = arith.constant 0 : index
    %get3A_12 = vector.load %arg1[%get3A_9, %get3A_10, %get3A_11] : memref<2x1000x64xf32, #tpu.memory_space<vmem>>, vector<1x1000x64xf32>
    %get3A_13 = vector.shape_cast %get3A_12 : vector<1x1000x64xf32> to vector<1000x64xf32>
    %mul3A = vector.broadcast %div3A_5 : vector<1000x1xf32> to vector<1000x64xf32>
    %mul3A_14 = arith.mulf %get3A_13, %mul3A : vector<1000x64xf32>
    %slice3A = vector.extract_strided_slice %get3A_8 {offsets = [0, 0], sizes = [64, 128], strides = [1, 1]} : vector<128x128xf32> to vector<64x128xf32>
    %dot_general3A = arith.constant dense<0.000000e+00> : vector<1000x128xf32>
    %dot_general3A_15 = tpu.matmul %mul3A_14, %slice3A, %dot_general3A {dimension_numbers = #tpu.dot_dimension_numbers<[1], [0], [0], [1], [0, 0, 1, 1], [], []>, precision = #tpu.contract_precision<fp32>, transpose_lhs_hint = false} : vector<1000x64xf32>, vector<64x128xf32>, vector<1000x128xf32> -> vector<1000x128xf32>
    %get3A_16 = arith.constant 1 : index
    %get3A_17 = arith.constant 0 : index
    %get3A_18 = arith.constant 0 : index
    %get3A_19 = vector.load %arg1[%get3A_16, %get3A_17, %get3A_18] : memref<2x1000x64xf32, #tpu.memory_space<vmem>>, vector<1x1000x64xf32>
    %get3A_20 = vector.shape_cast %get3A_19 : vector<1x1000x64xf32> to vector<1000x64xf32>
    %mul3A_21 = vector.broadcast %div3A_5 : vector<1000x1xf32> to vector<1000x64xf32>
    %mul3A_22 = arith.mulf %get3A_20, %mul3A_21 : vector<1000x64xf32>
    %slice3A_23 = vector.extract_strided_slice %get3A_8 {offsets = [64, 0], sizes = [64, 128], strides = [1, 1]} : vector<128x128xf32> to vector<64x128xf32>
    %dot_general3A_24 = arith.constant dense<0.000000e+00> : vector<1000x128xf32>
    %dot_general3A_25 = tpu.matmul %mul3A_22, %slice3A_23, %dot_general3A_24 {dimension_numbers = #tpu.dot_dimension_numbers<[1], [0], [0], [1], [0, 0, 1, 1], [], []>, precision = #tpu.contract_precision<fp32>, transpose_lhs_hint = false} : vector<1000x64xf32>, vector<64x128xf32>, vector<1000x128xf32> -> vector<1000x128xf32>
    %add3A = arith.addf %dot_general3A_15, %dot_general3A_25 : vector<1000x128xf32>
    %get3A_26 = arith.constant 0 : index
    %get3A_27 = arith.constant 0 : index
    %get3A_28 = vector.load %arg3[%get3A_26, %get3A_27] : memref<1000x128xf32, #tpu.memory_space<vmem>>, vector<1000x128xf32>
    %add3A_29 = arith.addf %add3A, %get3A_28 : vector<1000x128xf32>
    %max3A_30 = arith.constant 0.000000e+00 : f32
    %max3A_31 = vector.broadcast %max3A_30 : f32 to vector<1000x128xf32>
    %max3A_32 = arith.maximumf %add3A_29, %max3A_31 : vector<1000x128xf32>
    %get3A_33 = arith.constant 0 : index
    %get3A_34 = arith.constant 0 : index
    %get3A_35 = vector.load %arg4[%get3A_33, %get3A_34] : memref<1000x1xf32, #tpu.memory_space<vmem>>, vector<1000x1xf32>
    %get3A_36 = arith.constant 0 : index
    %get3A_37 = arith.constant 0 : index
    %get3A_38 = vector.load %arg6[%get3A_36, %get3A_37] : memref<128x1xf32, #tpu.memory_space<vmem>>, vector<128x1xf32>
    %dot_general3A_39 = arith.constant dense<0.000000e+00> : vector<1000x1xf32>
    %dot_general3A_40 = tpu.matmul %max3A_32, %get3A_38, %dot_general3A_39 {dimension_numbers = #tpu.dot_dimension_numbers<[1], [0], [0], [1], [0, 0, 1, 1], [], []>, precision = #tpu.contract_precision<fp32>, transpose_lhs_hint = false} : vector<1000x128xf32>, vector<128x1xf32>, vector<1000x1xf32> -> vector<1000x1xf32>
    %add3A_41 = arith.addf %get3A_35, %dot_general3A_40 : vector<1000x1xf32>
    %get3A_42 = arith.constant 0 : index
    %get3A_43 = arith.constant 0 : index
    %get3A_44 = vector.load %arg7[%get3A_42, %get3A_43] : memref<1x1xf32, #tpu.memory_space<vmem>>, vector<1x1xf32>
    %add3A_45 = vector.broadcast %get3A_44 : vector<1x1xf32> to vector<1000x1xf32>
    %add3A_46 = arith.addf %add3A_41, %add3A_45 : vector<1000x1xf32>
    %swap3A = arith.constant 0 : index
    %swap3A_47 = arith.constant 0 : index
    %swap3A_48 = vector.load %arg8[%swap3A, %swap3A_47] : memref<1000x1xf32, #tpu.memory_space<vmem>>, vector<1000x1xf32>
    tpu.vector_store %arg8[%swap3A, %swap3A_47], %add3A_46 {strides = array<i32>} : memref<1000x1xf32, #tpu.memory_space<vmem>>, vector<1000x1xf32>,
    return
  }
  func.func @transform_0(%arg0: i32) -> (i32, i32, i32) {
    %c0_i32 = arith.constant 0 : i32
    %c0_i32_0 = arith.constant 0 : i32
    %c0_i32_1 = arith.constant 0 : i32
    return %c0_i32, %arg0, %c0_i32_0 : i32, i32, i32
  }
  func.func @transform_1(%arg0: i32) -> (i32, i32) {
    %c0_i32 = arith.constant 0 : i32
    %c0_i32_0 = arith.constant 0 : i32
    return %arg0, %c0_i32 : i32, i32
  }
  func.func @transform_2(%arg0: i32) -> (i32, i32) {
    %c0_i32 = arith.constant 0 : i32
    %c0_i32_0 = arith.constant 0 : i32
    return %arg0, %c0_i32 : i32, i32
  }
  func.func @transform_3(%arg0: i32) -> (i32, i32) {
    %c0_i32 = arith.constant 0 : i32
    %c0_i32_0 = arith.constant 0 : i32
    return %arg0, %c0_i32 : i32, i32
  }
  func.func @transform_4(%arg0: i32) -> (i32, i32) {
    %c0_i32 = arith.constant 0 : i32
    %c0_i32_0 = arith.constant 0 : i32
    %c0_i32_1 = arith.constant 0 : i32
    return %c0_i32, %c0_i32_0 : i32, i32
  }
  func.func @transform_5(%arg0: i32) -> (i32, i32) {
    %c0_i32 = arith.constant 0 : i32
    %c0_i32_0 = arith.constant 0 : i32
    %c0_i32_1 = arith.constant 0 : i32
    return %c0_i32, %c0_i32_0 : i32, i32
  }
  func.func @transform_6(%arg0: i32) -> (i32, i32) {
    %c0_i32 = arith.constant 0 : i32
    %c0_i32_0 = arith.constant 0 : i32
    %c0_i32_1 = arith.constant 0 : i32
    return %c0_i32, %c0_i32_0 : i32, i32
  }
  func.func @transform_7(%arg0: i32) -> (i32, i32) {
    %c0_i32 = arith.constant 0 : i32
    %c0_i32_0 = arith.constant 0 : i32
    return %arg0, %c0_i32 : i32, i32
  }
}

</mosaic_0001>

<sc_bundles>
// kernel: kernel.11.cloned.1.call-start
scs
__scs_entry_jumppad:
0x0: {  	(pc) =	sbr.rel $0x88, $3  }
0x1: {  	(tag) =	ssettag $0x0;
	lr =	simm.s32 $0x1  }
0x2: {  	[smem:$0x3F97] =	sst lr;
	_ =	strace $0xD0000000  }
0x3: {  	_ = 	snop  }
0x4: {  	_ = 	snop  }
0x5: {  	_ = 	snop  }
0x6: {  	_ = 	snop  }
0x7: {  	_ = 	snop  }
__scs_overlays_trampoline_lowered:
0x8: {  	[smem:$0x3FA6] =	sst s0  }
0x9: {  	[smem:$0x3FA7] =	sst s1  }
0xa: {  	[smem:$0x3FA8] =	sst s2  }
0xb: {  	[smem:$0x3FA9] =	sst s3  }
0xc: {  	[smem:$0x3FAA] =	sst s4  }
0xd: {  	[smem:$0x3FAB] =	sst s5  }
0xe: {  	[smem:$0x3FAC] =	sst s6  }
0xf: {  	[smem:$0x3FAD] =	sst s7  }
0x10: {  	[smem:$0x3FAE] =	sst s8  }
0x11: {  	[smem:$0x3FAF] =	sst s9;
	s0 =	simm.s32 @!p0 $0x0  }
0x12: {  	s1 =	sld [smem:$0x3F95];
	s0 =	simm.s32 @p0 $0x1  }
0x13: {  	[smem:$0x3FB0] =	sst s0;
	s0 =	simm.s32 @!p1 $0x0  }
0x14: {  	s2 =	sld [smem:$0x3F94];
	s0 =	simm.s32 @p1 $0x1  }
0x15: {  	[smem:$0x3FB1] =	sst s0;
	s0 =	simm.s32 @!p2 $0x0  }
0x16: {  	s3 =	sld [smem:$0x3FDB];
	s0 =	simm.s32 @p2 $0x1  }
0x17: {  	s4 =	simm.s32 $0x1BF5;
	[smem:$0x3FB3] =	sst s0  }
0x18: {  	s0 =	sld [smem:$0x3F96];
	_ =	swait.ge [sflag:s4], $0x0  }
0x19: {  	s7 =	sld [smem:$0x3F97]  }
0x1a: {  	s8 =	sadd.s32 $0xFFFFE003, lr  }
0x1b: {  	s9 =	sadd.s32 $0xFFFFFEF7, lr;
	s5 =	simm.s32 $0xFFFFFFFF;
	p2 =	slt.u32 s8, $0xFFFFF086  }
0x1c: {  	p1 =	slt.u32 s9, $0xF7A;
	s5 =	simm.s32 @!p2 $0x0  }
0x1d: {  	s5 =	simm.s32 @p1 $0x1;
	p0 =	seq.s32 s7, s2  }
0x1e: {  	s7 =	smul.u32 @!p0 $0xF7A, s2;
	p2 =	seq.s32 @!p0 s5, $0x0  }
0x1f: {  	s9 =	smul.u32 $0xF7A, s1;
	s8 =	simm.s32 @!p0 $0x1BF5;
	p2 =	por !p2, p0  }
0x20: {  	[sflag:s8] =	ssyncset.s32 @!p0 $0xFFFFF086;
	s6 =	sadd.s32 @!p0 s3, s7;
	s7 =	simm.s32 @!p0 $0x108  }
0x21: {  	s3 =	sadd.s32 s3, s9;
	s6 =	sadd.s32 @!p0 $0x88, s6;
	s7 =	simm.s32 @p2 $0x1082  }
0x22: {  	[simem:s7], [sflag:s8] =	dma.local @!p0 [hbm:s6], $0xF7A  }
0x23: {  	s9 =	sor.u32 $0xD0000000, s2;
	s6 =	simm.s32 $0x108;
	_ =	swait.ge @!p0 [sflag:s8], $0x0  }
0x24: {  	s3 =	sadd.s32 $0x88, s3;
	s6 =	simm.s32 @!p1 $0x1082;
	[sflag:s4] =	ssyncset.s32 $0xFFFFF086  }
0x25: {  	[simem:s6], [sflag:s4] =	dma.local [hbm:s3], $0xF7A  }
0x26: {  	[smem:$0x3F97] =	sst s1;
	(tag) =	ssettag s2;
	_ =	strace s9  }
0x27: {  	s1 =	sld [smem:$0x3FA7]  }
0x28: {  	s2 =	sld [smem:$0x3FA8]  }
0x29: {  	s4 =	sld [smem:$0x3FAA]  }
0x2a: {  	p0 =	seq.s32 s5, $0x0;
	s5 =	sld [smem:$0x3FAB]  }
0x2b: {  	s6 =	sld [smem:$0x3FAC]  }
0x2c: {  	s7 =	sld [smem:$0x3FAD]  }
0x2d: {  	s3 =	simm.s32 $0x108;
	s8 =	sld [smem:$0x3FAE]  }
0x2e: {  	s3 =	simm.s32 @!p0 $0x1082;
	s9 =	sld [smem:$0x3FAF]  }
0x2f: {  	lr =	sadd.s32 s0, s3;
	s0 =	sld [smem:$0x3FA6]  }
0x30: {  	s3 =	sld [smem:$0x3FA9]  }
0x31: {  	[smem:$0x3FB2] =	sst s10  }
0x32: {  	s10 =	sld [smem:$0x3FB0];
	_ =	sdelay $0x3  }
0x33: {  	p0 =	seq.s32 s10, $0x1;
	s10 =	sld [smem:$0x3FB2];
	_ =	sdelay $0x3  }
0x34: {  	[smem:$0x3FB2] =	sst s10  }
0x35: {  	s10 =	sld [smem:$0x3FB1];
	_ =	sdelay $0x3  }
0x36: {  	p1 =	seq.s32 s10, $0x1;
	s10 =	sld [smem:$0x3FB2];
	_ =	sdelay $0x3  }
0x37: {  	[smem:$0x3FB2] =	sst s10  }
0x38: {  	s10 =	sld [smem:$0x3FB3]  }
0x39: {  	_ = 	snop;
	(pc) =	sbr.ind lr, $3  }
0x3a: {  	_ = 	snop  }
0x3b: {  	_ = 	snop  }
0x3c: {  	p2 =	seq.s32 s10, $0x1;
	s10 =	sld [smem:$0x3FB2]  }
0x3d: {  	_ =	shalt  }
0x3e: {  	_ =	shalt  }
0x3f: {  	_ =	shalt  }
0x40: {  	_ =	shalt  }
0x41: {  	_ =	shalt  }
0x42: {  	_ =	shalt  }
0x43: {  	_ =	shalt  }
0x44: {  	_ =	shalt  }
0x45: {  	_ =	shalt  }
0x46: {  	_ =	shalt  }
0x47: {  	_ =	shalt  }
0x48: {  	_ =	shalt  }
0x49: {  	_ =	shalt  }
0x4a: {  	_ =	shalt  }
0x4b: {  	_ =	shalt  }
0x4c: {  	_ =	shalt  }
0x4d: {  	_ =	shalt  }
0x4e: {  	_ =	shalt  }
0x4f: {  	_ =	shalt  }
0x50: {  	_ =	shalt  }
0x51: {  	_ =	shalt  }
0x52: {  	_ =	shalt  }
0x53: {  	_ =	shalt  }
0x54: {  	_ =	shalt  }
0x55: {  	_ =	shalt  }
0x56: {  	_ =	shalt  }
0x57: {  	_ =	shalt  }
0x58: {  	_ =	shalt  }
0x59: {  	_ =	shalt  }
0x5a: {  	_ =	shalt  }
0x5b: {  	_ =	shalt  }
0x5c: {  	_ =	shalt  }
0x5d: {  	_ =	shalt  }
0x5e: {  	_ =	shalt  }
0x5f: {  	_ =	shalt  }
0x60: {  	_ =	shalt  }
0x61: {  	_ =	shalt  }
0x62: {  	_ =	shalt  }
0x63: {  	_ =	shalt  }
0x64: {  	_ =	shalt  }
0x65: {  	_ =	shalt  }
0x66: {  	_ =	shalt  }
0x67: {  	_ =	shalt  }
0x68: {  	_ =	shalt  }
0x69: {  	_ =	shalt  }
0x6a: {  	_ =	shalt  }
0x6b: {  	_ =	shalt  }
0x6c: {  	_ =	shalt  }
0x6d: {  	_ =	shalt  }
0x6e: {  	_ =	shalt  }
0x6f: {  	_ =	shalt  }
0x70: {  	_ =	shalt  }
0x71: {  	_ =	shalt  }
0x72: {  	_ =	shalt  }
0x73: {  	_ =	shalt  }
0x74: {  	_ =	shalt  }
0x75: {  	_ =	shalt  }
0x76: {  	_ =	shalt  }
0x77: {  	_ =	shalt  }
0x78: {  	_ =	shalt  }
0x79: {  	_ =	shalt  }
0x7a: {  	_ =	shalt  }
0x7b: {  	_ =	shalt  }
0x7c: {  	_ =	shalt  }
0x7d: {  	_ =	shalt  }
0x7e: {  	_ =	shalt  }
0x7f: {  	_ =	shalt  }
0x80: {  	_ =	shalt  }
0x81: {  	_ =	shalt  }
0x82: {  	_ =	shalt  }
0x83: {  	_ =	shalt  }
0x84: {  	_ =	shalt  }
0x85: {  	_ =	shalt  }
0x86: {  	_ =	shalt  }
0x87: {  	_ =	shalt  }
.Lfunc_end0:
.L_simem_size_0:
called_computation.1_lowered:
.L_overlay_start_0:
0x88: {  	s2 =	sld [smem:$0x3FD9]  }
0x89: {  	s3 =	sld [smem:$0x3FFE];
	_ =	sdelay $0x1  }
0x8a: {  	s1 =	srdreg.scid  }
0x8b: {  	s0 =	sand.u32 $0x1, s1  }
0x8c: {  	s16 =	sshll.u32 s0, $0xA;
	s2 =	sadd.s32 s3, s2  }
0x8d: {  	s2 =	sadd.s32 s2, s16  }
0x8e: {  	[smem:$0x3FBE] =	sst s2  }
0x8f: {  	_ = 	snop  }
0x90: {  	(tm) =	ssettm $0x1  }
0x91: {  	s17 =	sld [smem:$0x3FFB];
	_ =	sdelay $0x3  }
0x92: {  	_ =	strace s17  }
0x93: {  	s2 =	sld [smem:$0x3FFC];
	_ =	sdelay $0x3  }
0x94: {  	_ =	strace s2  }
0x95: {  	s2 =	sld [smem:$0x3FFD];
	_ =	sdelay $0x3  }
0x96: {  	_ =	strace s2  }
0x97: {  	_ =	strace $0x8FFFFFFF  }
0x98: {  	s18 =	sld [smem:$0x3FDB];
	_ =	sdelay $0x1  }
0x99: {  	s19 =	simm.s32 $_scs_section_size  }
0x9a: {  	s4 =	simm.s32 $_size__tile_overlayer_lowered;
	s5 =	simm.s32 $_tile_overlayer_lowered  }
0x9b: {  	s22 =	simm.s32 $0x1BFF;
	s21 =	sshll.u32 s5, $0x1;
	s2 =	sadd.s32 s19, s18  }
0x9c: {  	s6 =	simm.s32 $0x0;
	s20 =	sshll.u32 s4, $0x1;
	s4 =	sadd.s32 s21, s2  }
0x9d: {  	[timem:s6], [sflag:s22] =	dma.local [hbm:s4], s20  }
0x9e: {  	_ =	swait.ge [sflag:s22], s20  }
0x9f: {  	s3 =	ssub.s32 $0x0, s20;
	[sflag:s22] =	ssyncset.done $0x0  }
0xa0: {  	[sflag:s22] =	ssyncadd.s32 s3;
	_ =	sdelay $0x1  }
0xa1: {  	s23 =	simm.s32 $0x1B8B  }
0xa2: {  	_ =	swait.ge [sflag:s23], $0x1  }
0xa3: {  	[sflag:s23] =	ssyncset.done $0x0  }
0xa4: {  	s25 =	simm.s32 $0x1B8E;
	s24 =	sld [smem:$0x3FFE];
	[sflag:s23] =	ssyncadd.s32 $0xFFFFFFFF  }
0xa5: {  	s26 =	simm.s32 $execute0_lowered;
	[smem:$0x3FD2] =	sst s25  }
0xa6: {  	s4 =	sshll.u32 s26, $0x1;
	_ =	strace $0x80000049;
	[dreg:$0x1] =	wrdreg $0xFFFFFFFF  }
0xa7: {  	s28 =	simm.s32 $_size_execute0_lowered;
	s2 =	sadd.s32 s2, s4;
	[dreg:$0x0] =	wrdreg $0x0  }
0xa8: {  	s4 =	sshll.u32 s28, $0x1;
	[dreg:$0x2] =	wrdreg s2  }
0xa9: {  	[dreg:$0x3] =	wrdreg s4  }
0xaa: {  	[dreg:$0x4] =	wrdreg $0xC0  }
0xab: {  	_ =	task [dreg:s6], $0x5FFFF  }
0xac: {  	[dreg:$0x1] =	wrdreg $0xFFFFFFFF  }
0xad: {  	[dreg:$0x0] =	wrdreg $0x60  }
0xae: {  	[dreg:$0x2] =	wrdreg s24  }
0xaf: {  	[dreg:$0x3] =	wrdreg $0x0  }
0xb0: {  	[dreg:$0x4] =	wrdreg $0x9  }
0xb1: {  	_ =	task.clear_ibuf [dreg:s6], $0x5FFFF;
	_ =	strace $0x90000049  }
0xb2: {  	s29 =	simm.s32 $0x9;
	_ =	strace $0x8000004B  }
0xb3: {  	_ =	swait.ge [sflag:s29], $0x1  }
0xb4: {  	[sflag:s29] =	ssyncadd.s32 $0xFFFFFFFF  }
0xb5: {  	_ =	strace $0x9000004B  }
0xb6: {  	_ =	sfence  }
0xb7: {  	s30 =	sld [smem:$0x0];
	_ =	sdelay $0x2  }
0xb8: {  	s31 =	sshll.u32 s1, $0xD;
	s1 =	sshrl.u32 s1, $0x2  }
0xb9: {  	s3 =	sand.u32 $0x4000, s31;
	s1 =	sadd.s32 s1, s30  }
0xba: {  	s0 =	sor.u32 s3, s0;
	s1 =	sshll.u32 s1, $0x11  }
0xbb: {  	s0 =	sor.u32 s1, s0  }
0xbc: {  	s0 =	sadd.s32 $0x8F2B, s0  }
0xbd: {  	[sflag:s0] =	ssyncadd.remote.s32 $0x1  }
0xbe: {  	_ =	sfence.sel $0xFFFF  }
0xbf: {  	[dreg:$0x0] =	wrdreg $0xFFFFFFFF;
	(pc) =	sbr.abs _section_cstart, $3  }
0xc0: {  	[dreg:$0x1] =	wrdreg $0xFFFFFFFF  }
0xc1: {  	_ =	task.clear_ibuf [dreg:s6], $0x2FFFF;
	_ =	strace $0x9FFFFFFF  }
0xc2: {  	(tm) =	ssettm $0x7FFFFFFF  }
0xc3: {  	_ =	shalt  }
tec
execute0_lowered:
.L_overlay_start_1:
0x0: {  	(tag) =	ssettag $0x1  }
0x1: {  	s0 =	rddreg [dreg:$0x0]  }
0x2: {  	s2 =	rddreg [dreg:$0x1]  }
0x3: {  	s1 =	srdreg.scid;
	s10 =	stileid.u32;
	s4 =	simm.s32 $0x0  }
0x4: {  	s11 =	simm.s32 $0x33C00;
	s14 =	simm.s32 $0x9;
	s15 =	simm.s32 $0xA000  }
0x5: {  	s17 =	simm.s32 $0x100;
	s18 =	simm.s32 $0xF000;
	s20 =	simm.s32 $0x13000  }
0x6: {  	s28 =	simm.s32 $0x11000;
	s29 =	simm.s32 $0x2;
	s30 =	simm.s32 $0x15000  }
0x7: {  	s31 =	simm.s32 $0x3;
	s16 =	simm.s32 $0x8;
	s3 =	smul.u32 $0xA000, s10  }
0x8: {  	s1 =	sand.u32 $0x1, s1;
	[smem:$0x7FF] =	sst s4;
	s9 =	smul.u32 $0x5000, s10  }
0x9: {  	s4 =	sadd.s32 $0x49000, s0;
	s23 =	sshll.u32 s10, $0x6;
	s10 =	smul.u32 $0xA00, s10  }
0xa: {  	s7 =	sadd.s32 $0x3DC00, s0;
	s6 =	sadd.s32 $0x47C00, s0;
	s5 =	smul.u32 $0xA0000, s1  }
0xb: {  	_ =	strace $0x8000004A;
	[dreg:$0x3] =	wrdreg s6;
	s21 =	ssub.s32 $0x2, s1  }
0xc: {  	p0 =	seq.s32 s1, $0x0;
	s6 =	sor.u32 $0x1C09, s23;
	s1 =	simm.s32 $0x4  }
0xd: {  	s23 =	simm.s32 $0xEF00;
	s8 =	sshrl.u32 s21, $0x1;
	s22 =	sadd.s32 s3, s2  }
0xe: {  	s9 =	sshrl.u32 s9, $0x3;
	s10 =	sadd.s32 s7, s10;
	s11 =	simm.s32 @!p0 $0x29C00  }
0xf: {  	s5 =	sadd.s32 s3, s5;
	s8 =	ssub.s32 s21, s8;
	s24 =	sadd.s32 $0x500, s9  }
0x10: {  	[dreg:$0x4] =	wrdreg s10;
	s13 =	sshrl.u32 s22, $0x3;
	s22 =	simm.s32 $0x17000  }
0x11: {  	s3 =	simm.s32 $0x1D000;
	s21 =	simm.s32 $0xEE80;
	s10 =	simm.s32 $0x0  }
0x12: {  	s5 =	sshrl.u32 s5, $0x3;
	s7 =	sadd.s32 s7, s24;
	s25 =	smax.u32 s8, $0x1  }
0x13: {  	s8 =	simm.s32 $0x7;
	s5 =	sadd.s32 s5, s0;
	[dreg:$0x5] =	wrdreg s7  }
0x14: {  	[dreg:$0x7] =	wrdreg s25;
	s0 =	sadd.s32 s11, s0;
	s5 =	sadd.s32 $0x70200, s5  }
0x15: {  	s25 =	simm.s32 $0x1;
	s26 =	sadd.s32 s0, s9;
	[dreg:$0x6] =	wrdreg s5  }
0x16: {  	s7 =	simm.s32 $0x6;
	s0 =	sadd.s32 s0, s24;
	[dreg:$0x8] =	wrdreg s26  }
0x17: {  	s24 =	simm.s32 $0x1B000;
	s9 =	simm.s32 $0xEF80;
	[dreg:$0x9] =	wrdreg s0  }
0x18: {  	s26 =	simm.s32 $0x80;
	s0 =	simm.s32 $0x19000;
	s5 =	simm.s32 $0x5  }
.LBB2_1:
0x19: {  	s11 =	rddreg [dreg:$0x3]  }
0x1a: {  	[spmem:s13], [sflag:s6] =	dma.local [hbm:s11], $0x1400  }
0x1b: {  	_ =	swait.ge [sflag:s14], $0x1400  }
0x1c: {  	[sflag:s14] =	ssyncset.done $0x0  }
0x1d: {  	[sflag:s14] =	ssyncadd.s32 $0xFFFFEC00  }
0x1e: {  	[bflag:$0x0] =	sbarrier.arrive $0xFFFF  }
0x1f: {  	s11 =	simm.s32 $0x0;
	s12 =	rddreg [dreg:$0x8]  }
0x20: {  	[tilespmem:s15], [sflag:$0x9] =	stream.linear.gather [hbm4b:s12+s11], $0x2800, $0x38;
	[tilespmem:$0x1F000] =	vst v63  }
0x21: {  	_ =	swait.ge [sflag:s14], $0x2800  }
0x22: {  	[sflag:s14] =	ssyncset.done $0x0  }
0x23: {  	s19 =	simm.s32 $0xC800;
	s12 =	rddreg [dreg:$0x4];
	[sflag:s14] =	ssyncadd.s32 $0xFFFFD800  }
0x24: {  	[tilespmem:s19], [sflag:$0x9] =	stream.linear.gather [hbm4b:s12+s11], $0x2800, $0x38;
	[tilespmem:$0x1F000] =	vst v63  }
0x25: {  	_ =	swait.ge [sflag:s14], $0x2800  }
0x26: {  	[sflag:s14] =	ssyncset.done $0x0  }
0x27: {  	[sflag:s14] =	ssyncadd.s32 $0xFFFFD800  }
0x28: {  	[tilespmem:s18], [sflag:$0x1] =	stream.indirect.gather [hbm4b:s4+s17], $0x40, s15, s17, $0xb8;
	[tilespmem:$0x1F000] =	vst v63  }
0x29: {  	s12 =	simm.s32 $0xA100  }
0x2a: {  	[tilespmem:s20], [sflag:$0x2] =	stream.indirect.gather [hbm4b:s4+s17], $0x40, s12, s17, $0xb8;
	[tilespmem:$0x1F000] =	vst v63  }
0x2b: {  	s19 =	simm.s32 $0xA200  }
0x2c: {  	[tilespmem:s22], [sflag:$0x3] =	stream.indirect.gather [hbm4b:s4+s17], $0x40, s19, s17, $0xb8;
	[tilespmem:$0x1F000] =	vst v63  }
0x2d: {  	s12 =	simm.s32 $0xA300  }
0x2e: {  	[tilespmem:s24], [sflag:$0x4] =	stream.indirect.gather [hbm4b:s4+s17], $0x40, s12, s17, $0xb8;
	[tilespmem:$0x1F000] =	vst v63  }
0x2f: {  	_ =	swait.ge [sflag:s25], $0x4000  }
0x30: {  	[sflag:s25] =	ssyncset.done $0x0  }
0x31: {  	s19 =	simm.s32 $0xC800;
	[sflag:s25] =	ssyncadd.s32 $0xFFFFC000  }
0x32: {  	[spmem:s2] =	stream.indirect.scatter.add.f32 [tilespmem:s18], [sflag:$0x5], $0x40, s19, s26, $0xb8;
	[tilespmem:$0x1F000] =	vst v63  }
0x33: {  	s12 =	simm.s32 $0xC880  }
0x34: {  	[spmem:s2] =	stream.indirect.scatter.add.f32 [tilespmem:s28], [sflag:$0x5], $0x40, s12, s26, $0xb8;
	[tilespmem:$0x1F000] =	vst v63  }
0x35: {  	_ =	swait.ge [sflag:s29], $0x4000  }
0x36: {  	[sflag:s29] =	ssyncset.done $0x0  }
0x37: {  	s19 =	simm.s32 $0xC900;
	[sflag:s29] =	ssyncadd.s32 $0xFFFFC000  }
0x38: {  	[spmem:s2] =	stream.indirect.scatter.add.f32 [tilespmem:s20], [sflag:$0x6], $0x40, s19, s26, $0xb8;
	[tilespmem:$0x1F000] =	vst v63  }
0x39: {  	s12 =	simm.s32 $0xC980  }
0x3a: {  	[spmem:s2] =	stream.indirect.scatter.add.f32 [tilespmem:s30], [sflag:$0x6], $0x40, s12, s26, $0xb8;
	[tilespmem:$0x1F000] =	vst v63  }
0x3b: {  	_ =	swait.ge [sflag:s31], $0x4000  }
0x3c: {  	[sflag:s31] =	ssyncset.done $0x0  }
0x3d: {  	s19 =	simm.s32 $0xCA00;
	[sflag:s31] =	ssyncadd.s32 $0xFFFFC000  }
0x3e: {  	[spmem:s2] =	stream.indirect.scatter.add.f32 [tilespmem:s22], [sflag:$0x7], $0x40, s19, s26, $0xb8;
	[tilespmem:$0x1F000] =	vst v63  }
0x3f: {  	s12 =	simm.s32 $0xCA80  }
0x40: {  	[spmem:s2] =	stream.indirect.scatter.add.f32 [tilespmem:s0], [sflag:$0x7], $0x40, s12, s26, $0xb8;
	[tilespmem:$0x1F000] =	vst v63  }
0x41: {  	_ =	swait.ge [sflag:s1], $0x4000  }
0x42: {  	[sflag:s1] =	ssyncset.done $0x0  }
0x43: {  	s19 =	simm.s32 $0xCB00;
	[sflag:s1] =	ssyncadd.s32 $0xFFFFC000  }
0x44: {  	[spmem:s2] =	stream.indirect.scatter.add.f32 [tilespmem:s24], [sflag:$0x8], $0x40, s19, s26, $0xb8;
	[tilespmem:$0x1F000] =	vst v63  }
0x45: {  	s12 =	simm.s32 $0xCB80  }
0x46: {  	[spmem:s2] =	stream.indirect.scatter.add.f32 [tilespmem:s3], [sflag:$0x8], $0x40, s12, s26, $0xb8;
	[tilespmem:$0x1F000] =	vst v63  }
0x47: {  	_ =	swait.ge [sflag:s5], $0x2000  }
0x48: {  	[sflag:s5] =	ssyncset.done $0x0  }
0x49: {  	[sflag:s5] =	ssyncadd.s32 $0xFFFFE000  }
0x4a: {  	_ =	swait.ge [sflag:s5], $0x2000  }
0x4b: {  	[sflag:s5] =	ssyncset.done $0x0  }
0x4c: {  	s19 =	simm.s32 $0xA400;
	[sflag:s5] =	ssyncadd.s32 $0xFFFFE000  }
0x4d: {  	[tilespmem:s18], [sflag:$0x1] =	stream.indirect.gather [hbm4b:s4+s17], $0x40, s19, s17, $0xb8;
	[tilespmem:$0x1F000] =	vst v63  }
0x4e: {  	_ =	swait.ge [sflag:s7], $0x2000  }
0x4f: {  	[sflag:s7] =	ssyncset.done $0x0  }
0x50: {  	[sflag:s7] =	ssyncadd.s32 $0xFFFFE000  }
0x51: {  	_ =	swait.ge [sflag:s7], $0x2000  }
0x52: {  	[sflag:s7] =	ssyncset.done $0x0  }
0x53: {  	s12 =	simm.s32 $0xA500;
	[sflag:s7] =	ssyncadd.s32 $0xFFFFE000  }
0x54: {  	[tilespmem:s20], [sflag:$0x2] =	stream.indirect.gather [hbm4b:s4+s17], $0x40, s12, s17, $0xb8;
	[tilespmem:$0x1F000] =	vst v63  }
0x55: {  	_ =	swait.ge [sflag:s8], $0x2000  }
0x56: {  	[sflag:s8] =	ssyncset.done $0x0  }
0x57: {  	[sflag:s8] =	ssyncadd.s32 $0xFFFFE000  }
0x58: {  	_ =	swait.ge [sflag:s8], $0x2000  }
0x59: {  	[sflag:s8] =	ssyncset.done $0x0  }
0x5a: {  	s19 =	simm.s32 $0xA600;
	[sflag:s8] =	ssyncadd.s32 $0xFFFFE000  }
0x5b: {  	[tilespmem:s22], [sflag:$0x3] =	stream.indirect.gather [hbm4b:s4+s17], $0x40, s19, s17, $0xb8;
	[tilespmem:$0x1F000] =	vst v63  }
0x5c: {  	_ =	swait.ge [sflag:s16], $0x2000  }
0x5d: {  	[sflag:s16] =	ssyncset.done $0x0  }
0x5e: {  	[sflag:s16] =	ssyncadd.s32 $0xFFFFE000  }
0x5f: {  	_ =	swait.ge [sflag:s16], $0x2000  }
0x60: {  	[sflag:s16] =	ssyncset.done $0x0  }
0x61: {  	s11 =	simm.s32 $0xA700;
	s19 =	simm.s32 $0x1000;
	[sflag:s16] =	ssyncadd.s32 $0xFFFFE000  }
.LBB2_2:
0x62: {  	[tilespmem:s24], [sflag:$0x4] =	stream.indirect.gather [hbm4b:s4+s17], $0x40, s11, s17, $0xb8;
	[tilespmem:$0x1F000] =	vst v63  }
0x63: {  	s11 =	smov.u32 s19  }
0x64: {  	p0 =	sne.s32 s19, $0x8000;
	s19 =	sadd.s32 $0x1000, s19;
	_ =	swait.ge [sflag:s25], $0x4000  }
0x65: {  	s11 =	sshra.s32 s11, $0x2;
	[sflag:s25] =	ssyncset.done $0x0  }
0x66: {  	s12 =	sadd.s32 $0xC800, s11;
	[sflag:s25] =	ssyncadd.s32 $0xFFFFC000  }
0x67: {  	[spmem:s2] =	stream.indirect.scatter.add.f32 [tilespmem:s18], [sflag:$0x5], $0x40, s12, s26, $0xb8;
	[tilespmem:$0x1F000] =	vst v63  }
0x68: {  	s12 =	sadd.s32 $0xC880, s11  }
0x69: {  	[spmem:s2] =	stream.indirect.scatter.add.f32 [tilespmem:s28], [sflag:$0x5], $0x40, s12, s26, $0xb8;
	[tilespmem:$0x1F000] =	vst v63  }
0x6a: {  	_ =	swait.ge [sflag:s29], $0x4000  }
0x6b: {  	[sflag:s29] =	ssyncset.done $0x0  }
0x6c: {  	s12 =	sadd.s32 $0xC900, s11;
	[sflag:s29] =	ssyncadd.s32 $0xFFFFC000  }
0x6d: {  	[spmem:s2] =	stream.indirect.scatter.add.f32 [tilespmem:s20], [sflag:$0x6], $0x40, s12, s26, $0xb8;
	[tilespmem:$0x1F000] =	vst v63  }
0x6e: {  	s12 =	sadd.s32 $0xC980, s11  }
0x6f: {  	[spmem:s2] =	stream.indirect.scatter.add.f32 [tilespmem:s30], [sflag:$0x6], $0x40, s12, s26, $0xb8;
	[tilespmem:$0x1F000] =	vst v63  }
0x70: {  	_ =	swait.ge [sflag:s31], $0x4000  }
0x71: {  	[sflag:s31] =	ssyncset.done $0x0  }
0x72: {  	s12 =	sadd.s32 $0xCA00, s11;
	[sflag:s31] =	ssyncadd.s32 $0xFFFFC000  }
0x73: {  	[spmem:s2] =	stream.indirect.scatter.add.f32 [tilespmem:s22], [sflag:$0x7], $0x40, s12, s26, $0xb8;
	[tilespmem:$0x1F000] =	vst v63  }
0x74: {  	s12 =	sadd.s32 $0xCA80, s11  }
0x75: {  	[spmem:s2] =	stream.indirect.scatter.add.f32 [tilespmem:s0], [sflag:$0x7], $0x40, s12, s26, $0xb8;
	[tilespmem:$0x1F000] =	vst v63  }
0x76: {  	_ =	swait.ge [sflag:s1], $0x4000  }
0x77: {  	[sflag:s1] =	ssyncset.done $0x0  }
0x78: {  	s12 =	sadd.s32 $0xCB00, s11;
	[sflag:s1] =	ssyncadd.s32 $0xFFFFC000  }
0x79: {  	[spmem:s2] =	stream.indirect.scatter.add.f32 [tilespmem:s24], [sflag:$0x8], $0x40, s12, s26, $0xb8;
	[tilespmem:$0x1F000] =	vst v63  }
0x7a: {  	s12 =	sadd.s32 $0xCB80, s11  }
0x7b: {  	[spmem:s2] =	stream.indirect.scatter.add.f32 [tilespmem:s3], [sflag:$0x8], $0x40, s12, s26, $0xb8;
	[tilespmem:$0x1F000] =	vst v63  }
0x7c: {  	_ =	swait.ge [sflag:s5], $0x2000  }
0x7d: {  	[sflag:s5] =	ssyncset.done $0x0  }
0x7e: {  	[sflag:s5] =	ssyncadd.s32 $0xFFFFE000  }
0x7f: {  	_ =	swait.ge [sflag:s5], $0x2000  }
0x80: {  	[sflag:s5] =	ssyncset.done $0x0  }
0x81: {  	s12 =	sadd.s32 $0xA400, s11;
	[sflag:s5] =	ssyncadd.s32 $0xFFFFE000  }
0x82: {  	[tilespmem:s18], [sflag:$0x1] =	stream.indirect.gather [hbm4b:s4+s17], $0x40, s12, s17, $0xb8;
	[tilespmem:$0x1F000] =	vst v63  }
0x83: {  	_ =	swait.ge [sflag:s7], $0x2000  }
0x84: {  	[sflag:s7] =	ssyncset.done $0x0  }
0x85: {  	[sflag:s7] =	ssyncadd.s32 $0xFFFFE000  }
0x86: {  	_ =	swait.ge [sflag:s7], $0x2000  }
0x87: {  	[sflag:s7] =	ssyncset.done $0x0  }
0x88: {  	s12 =	sadd.s32 $0xA500, s11;
	[sflag:s7] =	ssyncadd.s32 $0xFFFFE000  }
0x89: {  	[tilespmem:s20], [sflag:$0x2] =	stream.indirect.gather [hbm4b:s4+s17], $0x40, s12, s17, $0xb8;
	[tilespmem:$0x1F000] =	vst v63  }
0x8a: {  	_ =	swait.ge [sflag:s8], $0x2000  }
0x8b: {  	[sflag:s8] =	ssyncset.done $0x0  }
0x8c: {  	[sflag:s8] =	ssyncadd.s32 $0xFFFFE000  }
0x8d: {  	_ =	swait.ge [sflag:s8], $0x2000  }
0x8e: {  	[sflag:s8] =	ssyncset.done $0x0  }
0x8f: {  	s12 =	sadd.s32 $0xA600, s11;
	[sflag:s8] =	ssyncadd.s32 $0xFFFFE000  }
0x90: {  	[tilespmem:s22], [sflag:$0x3] =	stream.indirect.gather [hbm4b:s4+s17], $0x40, s12, s17, $0xb8;
	[tilespmem:$0x1F000] =	vst v63  }
0x91: {  	_ =	swait.ge [sflag:s16], $0x2000  }
.Ltmp0:
0x92: {  	[sflag:s16] =	ssyncset.done $0x0;
	(pc) =	sbr.rel @p0 .LBB2_2-.Ltmp0, $4  }
0x93: {  	[sflag:s16] =	ssyncadd.s32 $0xFFFFE000  }
0x94: {  	_ =	swait.ge [sflag:s16], $0x2000  }
0x95: {  	[sflag:s16] =	ssyncset.done $0x0  }
0x96: {  	s11 =	sadd.s32 $0xA700, s11;
	[sflag:s16] =	ssyncadd.s32 $0xFFFFE000  }
0x97: {  	[tilespmem:s24], [sflag:$0x4] =	stream.indirect.gather [hbm4b:s4+s17], $0x40, s11, s17, $0xb8;
	[tilespmem:$0x1F000] =	vst v63  }
0x98: {  	_ =	swait.ge [sflag:s25], $0x4000  }
0x99: {  	[sflag:s25] =	ssyncset.done $0x0  }
0x9a: {  	s19 =	simm.s32 $0xEC00;
	[sflag:s25] =	ssyncadd.s32 $0xFFFFC000  }
0x9b: {  	[spmem:s2] =	stream.indirect.scatter.add.f32 [tilespmem:s18], [sflag:$0x5], $0x40, s19, s26, $0xb8;
	[tilespmem:$0x1F000] =	vst v63  }
0x9c: {  	s12 =	simm.s32 $0xEC80  }
0x9d: {  	[spmem:s2] =	stream.indirect.scatter.add.f32 [tilespmem:s28], [sflag:$0x5], $0x40, s12, s26, $0xb8;
	[tilespmem:$0x1F000] =	vst v63  }
0x9e: {  	_ =	swait.ge [sflag:s29], $0x4000  }
0x9f: {  	[sflag:s29] =	ssyncset.done $0x0  }
0xa0: {  	s19 =	simm.s32 $0xED00;
	[sflag:s29] =	ssyncadd.s32 $0xFFFFC000  }
0xa1: {  	[spmem:s2] =	stream.indirect.scatter.add.f32 [tilespmem:s20], [sflag:$0x6], $0x40, s19, s26, $0xb8;
	[tilespmem:$0x1F000] =	vst v63  }
0xa2: {  	s12 =	simm.s32 $0xED80  }
0xa3: {  	[spmem:s2] =	stream.indirect.scatter.add.f32 [tilespmem:s30], [sflag:$0x6], $0x40, s12, s26, $0xb8;
	[tilespmem:$0x1F000] =	vst v63  }
0xa4: {  	_ =	swait.ge [sflag:s31], $0x4000  }
0xa5: {  	[sflag:s31] =	ssyncset.done $0x0  }
0xa6: {  	s19 =	simm.s32 $0xEE00;
	[sflag:s31] =	ssyncadd.s32 $0xFFFFC000  }
0xa7: {  	[spmem:s2] =	stream.indirect.scatter.add.f32 [tilespmem:s22], [sflag:$0x7], $0x40, s19, s26, $0xb8;
	[tilespmem:$0x1F000] =	vst v63  }
0xa8: {  	_ = 	snop  }
0xa9: {  	[spmem:s2] =	stream.indirect.scatter.add.f32 [tilespmem:s0], [sflag:$0x7], $0x40, s21, s26, $0xb8;
	[tilespmem:$0x1F000] =	vst v63  }
0xaa: {  	_ =	swait.ge [sflag:s1], $0x4000  }
0xab: {  	[sflag:s1] =	ssyncset.done $0x0  }
0xac: {  	[sflag:s1] =	ssyncadd.s32 $0xFFFFC000  }
0xad: {  	[spmem:s2] =	stream.indirect.scatter.add.f32 [tilespmem:s24], [sflag:$0x8], $0x40, s23, s26, $0xb8;
	[tilespmem:$0x1F000] =	vst v63  }
0xae: {  	_ = 	snop  }
0xaf: {  	[spmem:s2] =	stream.indirect.scatter.add.f32 [tilespmem:s3], [sflag:$0x8], $0x40, s9, s26, $0xb8;
	[tilespmem:$0x1F000] =	vst v63  }
0xb0: {  	_ =	swait.ge [sflag:s5], $0x2000  }
0xb1: {  	[sflag:s5] =	ssyncset.done $0x0  }
0xb2: {  	[sflag:s5] =	ssyncadd.s32 $0xFFFFE000  }
0xb3: {  	_ =	swait.ge [sflag:s5], $0x2000  }
0xb4: {  	[sflag:s5] =	ssyncset.done $0x0  }
0xb5: {  	[sflag:s5] =	ssyncadd.s32 $0xFFFFE000  }
0xb6: {  	_ =	swait.ge [sflag:s7], $0x2000  }
0xb7: {  	[sflag:s7] =	ssyncset.done $0x0  }
0xb8: {  	[sflag:s7] =	ssyncadd.s32 $0xFFFFE000  }
0xb9: {  	_ =	swait.ge [sflag:s7], $0x2000  }
0xba: {  	[sflag:s7] =	ssyncset.done $0x0  }
0xbb: {  	[sflag:s7] =	ssyncadd.s32 $0xFFFFE000  }
0xbc: {  	_ =	swait.ge [sflag:s8], $0x2000  }
0xbd: {  	[sflag:s8] =	ssyncset.done $0x0  }
0xbe: {  	[sflag:s8] =	ssyncadd.s32 $0xFFFFE000  }
0xbf: {  	_ =	swait.ge [sflag:s8], $0x2000  }
0xc0: {  	[sflag:s8] =	ssyncset.done $0x0  }
0xc1: {  	[sflag:s8] =	ssyncadd.s32 $0xFFFFE000  }
0xc2: {  	_ =	swait.ge [sflag:s16], $0x2000  }
0xc3: {  	[sflag:s16] =	ssyncset.done $0x0  }
0xc4: {  	[sflag:s16] =	ssyncadd.s32 $0xFFFFE000  }
0xc5: {  	_ =	swait.ge [sflag:s16], $0x2000  }
0xc6: {  	[sflag:s16] =	ssyncset.done $0x0  }
0xc7: {  	s11 =	simm.s32 $0x0;
	s12 =	rddreg [dreg:$0x9];
	[sflag:s16] =	ssyncadd.s32 $0xFFFFE000  }
0xc8: {  	[tilespmem:s15], [sflag:$0x9] =	stream.linear.gather [hbm4b:s12+s11], $0x2800, $0x38;
	[tilespmem:$0x1F000] =	vst v63  }
0xc9: {  	_ =	swait.ge [sflag:s14], $0x2800  }
0xca: {  	[sflag:s14] =	ssyncset.done $0x0  }
0xcb: {  	s19 =	simm.s32 $0xC800;
	s12 =	rddreg [dreg:$0x5];
	[sflag:s14] =	ssyncadd.s32 $0xFFFFD800  }
0xcc: {  	[tilespmem:s19], [sflag:$0x9] =	stream.linear.gather [hbm4b:s12+s11], $0x2800, $0x38;
	[tilespmem:$0x1F000] =	vst v63  }
0xcd: {  	_ =	swait.ge [sflag:s14], $0x2800  }
0xce: {  	[sflag:s14] =	ssyncset.done $0x0  }
0xcf: {  	[sflag:s14] =	ssyncadd.s32 $0xFFFFD800  }
0xd0: {  	[tilespmem:s18], [sflag:$0x1] =	stream.indirect.gather [hbm4b:s4+s17], $0x40, s15, s17, $0xb8;
	[tilespmem:$0x1F000] =	vst v63  }
0xd1: {  	s12 =	simm.s32 $0xA100  }
0xd2: {  	[tilespmem:s20], [sflag:$0x2] =	stream.indirect.gather [hbm4b:s4+s17], $0x40, s12, s17, $0xb8;
	[tilespmem:$0x1F000] =	vst v63  }
0xd3: {  	s19 =	simm.s32 $0xA200  }
0xd4: {  	[tilespmem:s22], [sflag:$0x3] =	stream.indirect.gather [hbm4b:s4+s17], $0x40, s19, s17, $0xb8;
	[tilespmem:$0x1F000] =	vst v63  }
0xd5: {  	s12 =	simm.s32 $0xA300  }
0xd6: {  	[tilespmem:s24], [sflag:$0x4] =	stream.indirect.gather [hbm4b:s4+s17], $0x40, s12, s17, $0xb8;
	[tilespmem:$0x1F000] =	vst v63  }
0xd7: {  	_ =	swait.ge [sflag:s25], $0x4000  }
0xd8: {  	[sflag:s25] =	ssyncset.done $0x0  }
0xd9: {  	s19 =	simm.s32 $0xC800;
	[sflag:s25] =	ssyncadd.s32 $0xFFFFC000  }
0xda: {  	[spmem:s2] =	stream.indirect.scatter.add.f32 [tilespmem:s18], [sflag:$0x5], $0x40, s19, s26, $0xb8;
	[tilespmem:$0x1F000] =	vst v63  }
0xdb: {  	s12 =	simm.s32 $0xC880  }
0xdc: {  	[spmem:s2] =	stream.indirect.scatter.add.f32 [tilespmem:s28], [sflag:$0x5], $0x40, s12, s26, $0xb8;
	[tilespmem:$0x1F000] =	vst v63  }
0xdd: {  	_ =	swait.ge [sflag:s29], $0x4000  }
0xde: {  	[sflag:s29] =	ssyncset.done $0x0  }
0xdf: {  	s19 =	simm.s32 $0xC900;
	[sflag:s29] =	ssyncadd.s32 $0xFFFFC000  }
0xe0: {  	[spmem:s2] =	stream.indirect.scatter.add.f32 [tilespmem:s20], [sflag:$0x6], $0x40, s19, s26, $0xb8;
	[tilespmem:$0x1F000] =	vst v63  }
0xe1: {  	s12 =	simm.s32 $0xC980  }
0xe2: {  	[spmem:s2] =	stream.indirect.scatter.add.f32 [tilespmem:s30], [sflag:$0x6], $0x40, s12, s26, $0xb8;
	[tilespmem:$0x1F000] =	vst v63  }
0xe3: {  	_ =	swait.ge [sflag:s31], $0x4000  }
0xe4: {  	[sflag:s31] =	ssyncset.done $0x0  }
0xe5: {  	s19 =	simm.s32 $0xCA00;
	[sflag:s31] =	ssyncadd.s32 $0xFFFFC000  }
0xe6: {  	[spmem:s2] =	stream.indirect.scatter.add.f32 [tilespmem:s22], [sflag:$0x7], $0x40, s19, s26, $0xb8;
	[tilespmem:$0x1F000] =	vst v63  }
0xe7: {  	s12 =	simm.s32 $0xCA80  }
0xe8: {  	[spmem:s2] =	stream.indirect.scatter.add.f32 [tilespmem:s0], [sflag:$0x7], $0x40, s12, s26, $0xb8;
	[tilespmem:$0x1F000] =	vst v63  }
0xe9: {  	_ =	swait.ge [sflag:s1], $0x4000  }
0xea: {  	[sflag:s1] =	ssyncset.done $0x0  }
0xeb: {  	s19 =	simm.s32 $0xCB00;
	[sflag:s1] =	ssyncadd.s32 $0xFFFFC000  }
0xec: {  	[spmem:s2] =	stream.indirect.scatter.add.f32 [tilespmem:s24], [sflag:$0x8], $0x40, s19, s26, $0xb8;
	[tilespmem:$0x1F000] =	vst v63  }
0xed: {  	s12 =	simm.s32 $0xCB80  }
0xee: {  	[spmem:s2] =	stream.indirect.scatter.add.f32 [tilespmem:s3], [sflag:$0x8], $0x40, s12, s26, $0xb8;
	[tilespmem:$0x1F000] =	vst v63  }
0xef: {  	_ =	swait.ge [sflag:s5], $0x2000  }
0xf0: {  	[sflag:s5] =	ssyncset.done $0x0  }
0xf1: {  	[sflag:s5] =	ssyncadd.s32 $0xFFFFE000  }
0xf2: {  	_ =	swait.ge [sflag:s5], $0x2000  }
0xf3: {  	[sflag:s5] =	ssyncset.done $0x0  }
0xf4: {  	s19 =	simm.s32 $0xA400;
	[sflag:s5] =	ssyncadd.s32 $0xFFFFE000  }
0xf5: {  	[tilespmem:s18], [sflag:$0x1] =	stream.indirect.gather [hbm4b:s4+s17], $0x40, s19, s17, $0xb8;
	[tilespmem:$0x1F000] =	vst v63  }
0xf6: {  	_ =	swait.ge [sflag:s7], $0x2000  }
0xf7: {  	[sflag:s7] =	ssyncset.done $0x0  }
0xf8: {  	[sflag:s7] =	ssyncadd.s32 $0xFFFFE000  }
0xf9: {  	_ =	swait.ge [sflag:s7], $0x2000  }
0xfa: {  	[sflag:s7] =	ssyncset.done $0x0  }
0xfb: {  	s12 =	simm.s32 $0xA500;
	[sflag:s7] =	ssyncadd.s32 $0xFFFFE000  }
0xfc: {  	[tilespmem:s20], [sflag:$0x2] =	stream.indirect.gather [hbm4b:s4+s17], $0x40, s12, s17, $0xb8;
	[tilespmem:$0x1F000] =	vst v63  }
0xfd: {  	_ =	swait.ge [sflag:s8], $0x2000  }
0xfe: {  	[sflag:s8] =	ssyncset.done $0x0  }
0xff: {  	[sflag:s8] =	ssyncadd.s32 $0xFFFFE000  }
0x100: {  	_ =	swait.ge [sflag:s8], $0x2000  }
0x101: {  	[sflag:s8] =	ssyncset.done $0x0  }
0x102: {  	s19 =	simm.s32 $0xA600;
	[sflag:s8] =	ssyncadd.s32 $0xFFFFE000  }
0x103: {  	[tilespmem:s22], [sflag:$0x3] =	stream.indirect.gather [hbm4b:s4+s17], $0x40, s19, s17, $0xb8;
	[tilespmem:$0x1F000] =	vst v63  }
0x104: {  	_ =	swait.ge [sflag:s16], $0x2000  }
0x105: {  	[sflag:s16] =	ssyncset.done $0x0  }
0x106: {  	[sflag:s16] =	ssyncadd.s32 $0xFFFFE000  }
0x107: {  	_ =	swait.ge [sflag:s16], $0x2000  }
0x108: {  	[sflag:s16] =	ssyncset.done $0x0  }
0x109: {  	s11 =	simm.s32 $0xA700;
	s19 =	simm.s32 $0x1000;
	[sflag:s16] =	ssyncadd.s32 $0xFFFFE000  }
.LBB2_4:
0x10a: {  	[tilespmem:s24], [sflag:$0x4] =	stream.indirect.gather [hbm4b:s4+s17], $0x40, s11, s17, $0xb8;
	[tilespmem:$0x1F000] =	vst v63  }
0x10b: {  	s11 =	smov.u32 s19  }
0x10c: {  	p0 =	sne.s32 s19, $0x8000;
	s19 =	sadd.s32 $0x1000, s19;
	_ =	swait.ge [sflag:s25], $0x4000  }
0x10d: {  	s11 =	sshra.s32 s11, $0x2;
	[sflag:s25] =	ssyncset.done $0x0  }
0x10e: {  	s12 =	sadd.s32 $0xC800, s11;
	[sflag:s25] =	ssyncadd.s32 $0xFFFFC000  }
0x10f: {  	[spmem:s2] =	stream.indirect.scatter.add.f32 [tilespmem:s18], [sflag:$0x5], $0x40, s12, s26, $0xb8;
	[tilespmem:$0x1F000] =	vst v63  }
0x110: {  	s12 =	sadd.s32 $0xC880, s11  }
0x111: {  	[spmem:s2] =	stream.indirect.scatter.add.f32 [tilespmem:s28], [sflag:$0x5], $0x40, s12, s26, $0xb8;
	[tilespmem:$0x1F000] =	vst v63  }
0x112: {  	_ =	swait.ge [sflag:s29], $0x4000  }
0x113: {  	[sflag:s29] =	ssyncset.done $0x0  }
0x114: {  	s12 =	sadd.s32 $0xC900, s11;
	[sflag:s29] =	ssyncadd.s32 $0xFFFFC000  }
0x115: {  	[spmem:s2] =	stream.indirect.scatter.add.f32 [tilespmem:s20], [sflag:$0x6], $0x40, s12, s26, $0xb8;
	[tilespmem:$0x1F000] =	vst v63  }
0x116: {  	s12 =	sadd.s32 $0xC980, s11  }
0x117: {  	[spmem:s2] =	stream.indirect.scatter.add.f32 [tilespmem:s30], [sflag:$0x6], $0x40, s12, s26, $0xb8;
	[tilespmem:$0x1F000] =	vst v63  }
0x118: {  	_ =	swait.ge [sflag:s31], $0x4000  }
0x119: {  	[sflag:s31] =	ssyncset.done $0x0  }
0x11a: {  	s12 =	sadd.s32 $0xCA00, s11;
	[sflag:s31] =	ssyncadd.s32 $0xFFFFC000  }
0x11b: {  	[spmem:s2] =	stream.indirect.scatter.add.f32 [tilespmem:s22], [sflag:$0x7], $0x40, s12, s26, $0xb8;
	[tilespmem:$0x1F000] =	vst v63  }
0x11c: {  	s12 =	sadd.s32 $0xCA80, s11  }
0x11d: {  	[spmem:s2] =	stream.indirect.scatter.add.f32 [tilespmem:s0], [sflag:$0x7], $0x40, s12, s26, $0xb8;
	[tilespmem:$0x1F000] =	vst v63  }
0x11e: {  	_ =	swait.ge [sflag:s1], $0x4000  }
0x11f: {  	[sflag:s1] =	ssyncset.done $0x0  }
0x120: {  	s12 =	sadd.s32 $0xCB00, s11;
	[sflag:s1] =	ssyncadd.s32 $0xFFFFC000  }
0x121: {  	[spmem:s2] =	stream.indirect.scatter.add.f32 [tilespmem:s24], [sflag:$0x8], $0x40, s12, s26, $0xb8;
	[tilespmem:$0x1F000] =	vst v63  }
0x122: {  	s12 =	sadd.s32 $0xCB80, s11  }
0x123: {  	[spmem:s2] =	stream.indirect.scatter.add.f32 [tilespmem:s3], [sflag:$0x8], $0x40, s12, s26, $0xb8;
	[tilespmem:$0x1F000] =	vst v63  }
0x124: {  	_ =	swait.ge [sflag:s5], $0x2000  }
0x125: {  	[sflag:s5] =	ssyncset.done $0x0  }
0x126: {  	[sflag:s5] =	ssyncadd.s32 $0xFFFFE000  }
0x127: {  	_ =	swait.ge [sflag:s5], $0x2000  }
0x128: {  	[sflag:s5] =	ssyncset.done $0x0  }
0x129: {  	s12 =	sadd.s32 $0xA400, s11;
	[sflag:s5] =	ssyncadd.s32 $0xFFFFE000  }
0x12a: {  	[tilespmem:s18], [sflag:$0x1] =	stream.indirect.gather [hbm4b:s4+s17], $0x40, s12, s17, $0xb8;
	[tilespmem:$0x1F000] =	vst v63  }
0x12b: {  	_ =	swait.ge [sflag:s7], $0x2000  }
0x12c: {  	[sflag:s7] =	ssyncset.done $0x0  }
0x12d: {  	[sflag:s7] =	ssyncadd.s32 $0xFFFFE000  }
0x12e: {  	_ =	swait.ge [sflag:s7], $0x2000  }
0x12f: {  	[sflag:s7] =	ssyncset.done $0x0  }
0x130: {  	s12 =	sadd.s32 $0xA500, s11;
	[sflag:s7] =	ssyncadd.s32 $0xFFFFE000  }
0x131: {  	[tilespmem:s20], [sflag:$0x2] =	stream.indirect.gather [hbm4b:s4+s17], $0x40, s12, s17, $0xb8;
	[tilespmem:$0x1F000] =	vst v63  }
0x132: {  	_ =	swait.ge [sflag:s8], $0x2000  }
0x133: {  	[sflag:s8] =	ssyncset.done $0x0  }
0x134: {  	[sflag:s8] =	ssyncadd.s32 $0xFFFFE000  }
0x135: {  	_ =	swait.ge [sflag:s8], $0x2000  }
0x136: {  	[sflag:s8] =	ssyncset.done $0x0  }
0x137: {  	s12 =	sadd.s32 $0xA600, s11;
	[sflag:s8] =	ssyncadd.s32 $0xFFFFE000  }
0x138: {  	[tilespmem:s22], [sflag:$0x3] =	stream.indirect.gather [hbm4b:s4+s17], $0x40, s12, s17, $0xb8;
	[tilespmem:$0x1F000] =	vst v63  }
0x139: {  	_ =	swait.ge [sflag:s16], $0x2000  }
.Ltmp1:
0x13a: {  	[sflag:s16] =	ssyncset.done $0x0;
	(pc) =	sbr.rel @p0 .LBB2_4-.Ltmp1, $4  }
0x13b: {  	[sflag:s16] =	ssyncadd.s32 $0xFFFFE000  }
0x13c: {  	_ =	swait.ge [sflag:s16], $0x2000  }
0x13d: {  	[sflag:s16] =	ssyncset.done $0x0  }
0x13e: {  	s11 =	sadd.s32 $0xA700, s11;
	[sflag:s16] =	ssyncadd.s32 $0xFFFFE000  }
0x13f: {  	[tilespmem:s24], [sflag:$0x4] =	stream.indirect.gather [hbm4b:s4+s17], $0x40, s11, s17, $0xb8;
	[tilespmem:$0x1F000] =	vst v63  }
0x140: {  	_ =	swait.ge [sflag:s25], $0x4000  }
0x141: {  	[sflag:s25] =	ssyncset.done $0x0  }
0x142: {  	s19 =	simm.s32 $0xEC00;
	[sflag:s25] =	ssyncadd.s32 $0xFFFFC000  }
0x143: {  	[spmem:s2] =	stream.indirect.scatter.add.f32 [tilespmem:s18], [sflag:$0x5], $0x40, s19, s26, $0xb8;
	[tilespmem:$0x1F000] =	vst v63  }
0x144: {  	s12 =	simm.s32 $0xEC80  }
0x145: {  	[spmem:s2] =	stream.indirect.scatter.add.f32 [tilespmem:s28], [sflag:$0x5], $0x40, s12, s26, $0xb8;
	[tilespmem:$0x1F000] =	vst v63  }
0x146: {  	_ =	swait.ge [sflag:s29], $0x4000  }
0x147: {  	[sflag:s29] =	ssyncset.done $0x0  }
0x148: {  	s19 =	simm.s32 $0xED00;
	[sflag:s29] =	ssyncadd.s32 $0xFFFFC000  }
0x149: {  	[spmem:s2] =	stream.indirect.scatter.add.f32 [tilespmem:s20], [sflag:$0x6], $0x40, s19, s26, $0xb8;
	[tilespmem:$0x1F000] =	vst v63  }
0x14a: {  	s12 =	simm.s32 $0xED80  }
0x14b: {  	[spmem:s2] =	stream.indirect.scatter.add.f32 [tilespmem:s30], [sflag:$0x6], $0x40, s12, s26, $0xb8;
	[tilespmem:$0x1F000] =	vst v63  }
0x14c: {  	_ =	swait.ge [sflag:s31], $0x4000  }
0x14d: {  	[sflag:s31] =	ssyncset.done $0x0  }
0x14e: {  	s19 =	simm.s32 $0xEE00;
	[sflag:s31] =	ssyncadd.s32 $0xFFFFC000  }
0x14f: {  	[spmem:s2] =	stream.indirect.scatter.add.f32 [tilespmem:s22], [sflag:$0x7], $0x40, s19, s26, $0xb8;
	[tilespmem:$0x1F000] =	vst v63  }
0x150: {  	_ = 	snop  }
0x151: {  	[spmem:s2] =	stream.indirect.scatter.add.f32 [tilespmem:s0], [sflag:$0x7], $0x40, s21, s26, $0xb8;
	[tilespmem:$0x1F000] =	vst v63  }
0x152: {  	_ =	swait.ge [sflag:s1], $0x4000  }
0x153: {  	[sflag:s1] =	ssyncset.done $0x0  }
0x154: {  	[sflag:s1] =	ssyncadd.s32 $0xFFFFC000  }
0x155: {  	[spmem:s2] =	stream.indirect.scatter.add.f32 [tilespmem:s24], [sflag:$0x8], $0x40, s23, s26, $0xb8;
	[tilespmem:$0x1F000] =	vst v63  }
0x156: {  	_ = 	snop  }
0x157: {  	[spmem:s2] =	stream.indirect.scatter.add.f32 [tilespmem:s3], [sflag:$0x8], $0x40, s9, s26, $0xb8;
	[tilespmem:$0x1F000] =	vst v63  }
0x158: {  	_ =	swait.ge [sflag:s5], $0x2000  }
0x159: {  	[sflag:s5] =	ssyncset.done $0x0  }
0x15a: {  	[sflag:s5] =	ssyncadd.s32 $0xFFFFE000  }
0x15b: {  	_ =	swait.ge [sflag:s5], $0x2000  }
0x15c: {  	[sflag:s5] =	ssyncset.done $0x0  }
0x15d: {  	[sflag:s5] =	ssyncadd.s32 $0xFFFFE000  }
0x15e: {  	_ =	swait.ge [sflag:s7], $0x2000  }
0x15f: {  	[sflag:s7] =	ssyncset.done $0x0  }
0x160: {  	[sflag:s7] =	ssyncadd.s32 $0xFFFFE000  }
0x161: {  	_ =	swait.ge [sflag:s7], $0x2000  }
0x162: {  	[sflag:s7] =	ssyncset.done $0x0  }
0x163: {  	[sflag:s7] =	ssyncadd.s32 $0xFFFFE000  }
0x164: {  	_ =	swait.ge [sflag:s8], $0x2000  }
0x165: {  	[sflag:s8] =	ssyncset.done $0x0  }
0x166: {  	[sflag:s8] =	ssyncadd.s32 $0xFFFFE000  }
0x167: {  	_ =	swait.ge [sflag:s8], $0x2000  }
0x168: {  	[sflag:s8] =	ssyncset.done $0x0  }
0x169: {  	[sflag:s8] =	ssyncadd.s32 $0xFFFFE000  }
0x16a: {  	_ =	swait.ge [sflag:s16], $0x2000  }
0x16b: {  	[sflag:s16] =	ssyncset.done $0x0  }
0x16c: {  	[sflag:s16] =	ssyncadd.s32 $0xFFFFE000  }
0x16d: {  	_ =	swait.ge [sflag:s16], $0x2000  }
0x16e: {  	[sflag:s16] =	ssyncset.done $0x0  }
0x16f: {  	[sflag:s16] =	ssyncadd.s32 $0xFFFFE000  }
0x170: {  	[bflag:$0x0] =	sbarrier.arrive $0xFFFF  }
0x171: {  	s12 =	rddreg [dreg:$0x6]  }
0x172: {  	[hbm:s12], [sflag:s6] =	dma.local [spmem:s13], $0x1400  }
0x173: {  	_ =	swait.ge [sflag:s14], $0x1400  }
0x174: {  	s10 =	sadd.s32 $0x1, s10;
	s19 =	rddreg [dreg:$0x7]  }
0x175: {  	p0 =	sne.s32 s10, s19  }
.Ltmp2:
0x176: {  	_ = 	snop;
	(pc) =	sbr.rel @p0 .LBB2_1-.Ltmp2, $3  }
0x177: {  	_ =	sdelay $0x1  }
0x178: {  	[sflag:s14] =	ssyncset.done $0x0  }
0x179: {  	[sflag:s14] =	ssyncadd.s32 $0xFFFFEC00  }
0x17a: {  	_ =	sfence.sel $0x180000  }
0x17b: {  	[bflag:$0x0] =	sbarrier.arrive $0xFFFF  }
0x17c: {  	_ =	strace $0x9000004A  }
0x17d: {  	s0 =	stileid.u32;
	[bflag:$0x2] =	sbarrier.arrive $0xFFFF  }
0x17e: {  	p0 =	sne.s32 s0, $0x0;
	s0 =	rddreg [dreg:$0x2]  }
0x17f: {  	s0 =	sadd.s32 @!p0 $0x100000, s0  }
0x180: {  	[sflag:s0] =	ssyncadd.tile.s32 @!p0 $0x1;
	_ =	shalt  }
.Lfunc_end2:
_tile_overlayer_lowered:
.L_overlay_start_2:
0x181: {  	(tag) =	ssettag $0x2  }
0x182: {  	s0 =	rddreg [dreg:$0x0];
	s2 =	stileid.u32  }
0x183: {  	s1 =	rddreg [dreg:$0x1];
	p0 =	sne.s32 s2, $0x0  }
0x184: {  	s3 =	rddreg [dreg:$0x2];
	[bflag:$0x3] =	sbarrier.arrive $0xFFFF;
	s2 =	simm.s32 @!p0 $0x1C09  }
0x185: {  	[timem:s3], [sflag:s2] =	dma.local @!p0 [hbm:s0], s1  }
0x186: {  	s0 =	simm.s32 @!p0 $0x9  }
0x187: {  	_ =	swait.ge @!p0 [sflag:s0], s1  }
0x188: {  	s1 =	ssub.s32 @!p0 $0x0, s1;
	[sflag:s0] =	ssyncset.done @!p0 $0x0  }
0x189: {  	[sflag:s0] =	ssyncadd.s32 @!p0 s1  }
0x18a: {  	[bflag:$0x3] =	sbarrier.arrive $0xFFFF  }
0x18b: {  	_ =	shalt  }

// kernel: kernel.8.cloned.1.call-start
scs
__scs_entry_jumppad:
0x0: {  	(pc) =	sbr.rel $0x88, $3  }
0x1: {  	(tag) =	ssettag $0x0;
	lr =	simm.s32 $0x1  }
0x2: {  	[smem:$0x3F97] =	sst lr;
	_ =	strace $0xD0000000  }
0x3: {  	_ = 	snop  }
0x4: {  	_ = 	snop  }
0x5: {  	_ = 	snop  }
0x6: {  	_ = 	snop  }
0x7: {  	_ = 	snop  }
__scs_overlays_trampoline_lowered:
0x8: {  	[smem:$0x3FA6] =	sst s0  }
0x9: {  	[smem:$0x3FA7] =	sst s1  }
0xa: {  	[smem:$0x3FA8] =	sst s2  }
0xb: {  	[smem:$0x3FA9] =	sst s3  }
0xc: {  	[smem:$0x3FAA] =	sst s4  }
0xd: {  	[smem:$0x3FAB] =	sst s5  }
0xe: {  	[smem:$0x3FAC] =	sst s6  }
0xf: {  	[smem:$0x3FAD] =	sst s7  }
0x10: {  	[smem:$0x3FAE] =	sst s8  }
0x11: {  	[smem:$0x3FAF] =	sst s9;
	s0 =	simm.s32 @!p0 $0x0  }
0x12: {  	s1 =	sld [smem:$0x3F95];
	s0 =	simm.s32 @p0 $0x1  }
0x13: {  	[smem:$0x3FB0] =	sst s0;
	s0 =	simm.s32 @!p1 $0x0  }
0x14: {  	s2 =	sld [smem:$0x3F94];
	s0 =	simm.s32 @p1 $0x1  }
0x15: {  	[smem:$0x3FB1] =	sst s0;
	s0 =	simm.s32 @!p2 $0x0  }
0x16: {  	s3 =	sld [smem:$0x3FDB];
	s0 =	simm.s32 @p2 $0x1  }
0x17: {  	s4 =	simm.s32 $0x1BF5;
	[smem:$0x3FB3] =	sst s0  }
0x18: {  	s0 =	sld [smem:$0x3F96];
	_ =	swait.ge [sflag:s4], $0x0  }
0x19: {  	s7 =	sld [smem:$0x3F97]  }
0x1a: {  	s8 =	sadd.s32 $0xFFFFE003, lr  }
0x1b: {  	s9 =	sadd.s32 $0xFFFFFEF7, lr;
	s5 =	simm.s32 $0xFFFFFFFF;
	p2 =	slt.u32 s8, $0xFFFFF086  }
0x1c: {  	p1 =	slt.u32 s9, $0xF7A;
	s5 =	simm.s32 @!p2 $0x0  }
0x1d: {  	s5 =	simm.s32 @p1 $0x1;
	p0 =	seq.s32 s7, s2  }
0x1e: {  	s7 =	smul.u32 @!p0 $0xF7A, s2;
	p2 =	seq.s32 @!p0 s5, $0x0  }
0x1f: {  	s9 =	smul.u32 $0xF7A, s1;
	s8 =	simm.s32 @!p0 $0x1BF5;
	p2 =	por !p2, p0  }
0x20: {  	[sflag:s8] =	ssyncset.s32 @!p0 $0xFFFFF086;
	s6 =	sadd.s32 @!p0 s3, s7;
	s7 =	simm.s32 @!p0 $0x108  }
0x21: {  	s3 =	sadd.s32 s3, s9;
	s6 =	sadd.s32 @!p0 $0x88, s6;
	s7 =	simm.s32 @p2 $0x1082  }
0x22: {  	[simem:s7], [sflag:s8] =	dma.local @!p0 [hbm:s6], $0xF7A  }
0x23: {  	s9 =	sor.u32 $0xD0000000, s2;
	s6 =	simm.s32 $0x108;
	_ =	swait.ge @!p0 [sflag:s8], $0x0  }
0x24: {  	s3 =	sadd.s32 $0x88, s3;
	s6 =	simm.s32 @!p1 $0x1082;
	[sflag:s4] =	ssyncset.s32 $0xFFFFF086  }
0x25: {  	[simem:s6], [sflag:s4] =	dma.local [hbm:s3], $0xF7A  }
0x26: {  	[smem:$0x3F97] =	sst s1;
	(tag) =	ssettag s2;
	_ =	strace s9  }
0x27: {  	s1 =	sld [smem:$0x3FA7]  }
0x28: {  	s2 =	sld [smem:$0x3FA8]  }
0x29: {  	s4 =	sld [smem:$0x3FAA]  }
0x2a: {  	p0 =	seq.s32 s5, $0x0;
	s5 =	sld [smem:$0x3FAB]  }
0x2b: {  	s6 =	sld [smem:$0x3FAC]  }
0x2c: {  	s7 =	sld [smem:$0x3FAD]  }
0x2d: {  	s3 =	simm.s32 $0x108;
	s8 =	sld [smem:$0x3FAE]  }
0x2e: {  	s3 =	simm.s32 @!p0 $0x1082;
	s9 =	sld [smem:$0x3FAF]  }
0x2f: {  	lr =	sadd.s32 s0, s3;
	s0 =	sld [smem:$0x3FA6]  }
0x30: {  	s3 =	sld [smem:$0x3FA9]  }
0x31: {  	[smem:$0x3FB2] =	sst s10  }
0x32: {  	s10 =	sld [smem:$0x3FB0];
	_ =	sdelay $0x3  }
0x33: {  	p0 =	seq.s32 s10, $0x1;
	s10 =	sld [smem:$0x3FB2];
	_ =	sdelay $0x3  }
0x34: {  	[smem:$0x3FB2] =	sst s10  }
0x35: {  	s10 =	sld [smem:$0x3FB1];
	_ =	sdelay $0x3  }
0x36: {  	p1 =	seq.s32 s10, $0x1;
	s10 =	sld [smem:$0x3FB2];
	_ =	sdelay $0x3  }
0x37: {  	[smem:$0x3FB2] =	sst s10  }
0x38: {  	s10 =	sld [smem:$0x3FB3]  }
0x39: {  	_ = 	snop;
	(pc) =	sbr.ind lr, $3  }
0x3a: {  	_ = 	snop  }
0x3b: {  	_ = 	snop  }
0x3c: {  	p2 =	seq.s32 s10, $0x1;
	s10 =	sld [smem:$0x3FB2]  }
0x3d: {  	_ =	shalt  }
0x3e: {  	_ =	shalt  }
0x3f: {  	_ =	shalt  }
0x40: {  	_ =	shalt  }
0x41: {  	_ =	shalt  }
0x42: {  	_ =	shalt  }
0x43: {  	_ =	shalt  }
0x44: {  	_ =	shalt  }
0x45: {  	_ =	shalt  }
0x46: {  	_ =	shalt  }
0x47: {  	_ =	shalt  }
0x48: {  	_ =	shalt  }
0x49: {  	_ =	shalt  }
0x4a: {  	_ =	shalt  }
0x4b: {  	_ =	shalt  }
0x4c: {  	_ =	shalt  }
0x4d: {  	_ =	shalt  }
0x4e: {  	_ =	shalt  }
0x4f: {  	_ =	shalt  }
0x50: {  	_ =	shalt  }
0x51: {  	_ =	shalt  }
0x52: {  	_ =	shalt  }
0x53: {  	_ =	shalt  }
0x54: {  	_ =	shalt  }
0x55: {  	_ =	shalt  }
0x56: {  	_ =	shalt  }
0x57: {  	_ =	shalt  }
0x58: {  	_ =	shalt  }
0x59: {  	_ =	shalt  }
0x5a: {  	_ =	shalt  }
0x5b: {  	_ =	shalt  }
0x5c: {  	_ =	shalt  }
0x5d: {  	_ =	shalt  }
0x5e: {  	_ =	shalt  }
0x5f: {  	_ =	shalt  }
0x60: {  	_ =	shalt  }
0x61: {  	_ =	shalt  }
0x62: {  	_ =	shalt  }
0x63: {  	_ =	shalt  }
0x64: {  	_ =	shalt  }
0x65: {  	_ =	shalt  }
0x66: {  	_ =	shalt  }
0x67: {  	_ =	shalt  }
0x68: {  	_ =	shalt  }
0x69: {  	_ =	shalt  }
0x6a: {  	_ =	shalt  }
0x6b: {  	_ =	shalt  }
0x6c: {  	_ =	shalt  }
0x6d: {  	_ =	shalt  }
0x6e: {  	_ =	shalt  }
0x6f: {  	_ =	shalt  }
0x70: {  	_ =	shalt  }
0x71: {  	_ =	shalt  }
0x72: {  	_ =	shalt  }
0x73: {  	_ =	shalt  }
0x74: {  	_ =	shalt  }
0x75: {  	_ =	shalt  }
0x76: {  	_ =	shalt  }
0x77: {  	_ =	shalt  }
0x78: {  	_ =	shalt  }
0x79: {  	_ =	shalt  }
0x7a: {  	_ =	shalt  }
0x7b: {  	_ =	shalt  }
0x7c: {  	_ =	shalt  }
0x7d: {  	_ =	shalt  }
0x7e: {  	_ =	shalt  }
0x7f: {  	_ =	shalt  }
0x80: {  	_ =	shalt  }
0x81: {  	_ =	shalt  }
0x82: {  	_ =	shalt  }
0x83: {  	_ =	shalt  }
0x84: {  	_ =	shalt  }
0x85: {  	_ =	shalt  }
0x86: {  	_ =	shalt  }
0x87: {  	_ =	shalt  }
.Lfunc_end0:
.L_simem_size_0:
called_computation_lowered:
.L_overlay_start_0:
0x88: {  	s2 =	sld [smem:$0x3FD9]  }
0x89: {  	s3 =	sld [smem:$0x3FFE];
	_ =	sdelay $0x1  }
0x8a: {  	s1 =	srdreg.scid  }
0x8b: {  	s0 =	sand.u32 $0x1, s1  }
0x8c: {  	s17 =	sshll.u32 s0, $0xA;
	s2 =	sadd.s32 s3, s2  }
0x8d: {  	s2 =	sadd.s32 s2, s17  }
0x8e: {  	[smem:$0x3FBE] =	sst s2  }
0x8f: {  	_ = 	snop  }
0x90: {  	s2 =	sld [smem:$0x3FD0];
	(tm) =	ssettm $0x1  }
0x91: {  	s18 =	sld [smem:$0x3FFB];
	_ =	sdelay $0x3  }
0x92: {  	_ =	strace s18  }
0x93: {  	s3 =	sld [smem:$0x3FFC];
	_ =	sdelay $0x3  }
0x94: {  	_ =	strace s3  }
0x95: {  	s3 =	sld [smem:$0x3FFD];
	_ =	sdelay $0x3  }
0x96: {  	_ =	strace s3  }
0x97: {  	_ =	strace $0x8FFFFFFF  }
0x98: {  	s19 =	sld [smem:$0x3FDB];
	_ =	sdelay $0x1  }
0x99: {  	s4 =	simm.s32 $_scs_section_size  }
0x9a: {  	s5 =	simm.s32 $_size__tile_overlayer_lowered;
	s6 =	simm.s32 $_tile_overlayer_lowered  }
0x9b: {  	s22 =	simm.s32 $0x1BFF;
	s21 =	sshll.u32 s6, $0x1;
	s3 =	sadd.s32 s4, s19  }
0x9c: {  	s7 =	simm.s32 $0x0;
	s20 =	sshll.u32 s5, $0x1;
	s5 =	sadd.s32 s21, s3  }
0x9d: {  	[timem:s7], [sflag:s22] =	dma.local [hbm:s5], s20  }
0x9e: {  	_ =	swait.ge [sflag:s22], s20  }
0x9f: {  	s4 =	ssub.s32 $0x0, s20;
	[sflag:s22] =	ssyncset.done $0x0  }
0xa0: {  	[sflag:s22] =	ssyncadd.s32 s4;
	_ =	sdelay $0x1  }
0xa1: {  	s23 =	simm.s32 $0x1B8B  }
0xa2: {  	_ =	swait.ge [sflag:s23], $0x1  }
0xa3: {  	[sflag:s23] =	ssyncset.done $0x0  }
0xa4: {  	s25 =	simm.s32 $0x1B8E;
	s24 =	sld [smem:$0x3FFE];
	[sflag:s23] =	ssyncadd.s32 $0xFFFFFFFF  }
0xa5: {  	s26 =	simm.s32 $execute0_lowered;
	[smem:$0x3FD2] =	sst s25  }
0xa6: {  	s5 =	sshll.u32 s26, $0x1;
	_ =	strace $0x80000046;
	[dreg:$0x1] =	wrdreg $0xFFFFFFFF  }
0xa7: {  	s28 =	simm.s32 $_size_execute0_lowered;
	s3 =	sadd.s32 s3, s5;
	[dreg:$0x0] =	wrdreg $0x0  }
0xa8: {  	s5 =	sshll.u32 s28, $0x1;
	[dreg:$0x2] =	wrdreg s3  }
0xa9: {  	[dreg:$0x3] =	wrdreg s5  }
0xaa: {  	[dreg:$0x4] =	wrdreg $0xC0  }
0xab: {  	_ =	task [dreg:s7], $0x5FFFF  }
0xac: {  	[dreg:$0x1] =	wrdreg $0xFFFFFFFF  }
0xad: {  	[dreg:$0x0] =	wrdreg $0x60  }
0xae: {  	[dreg:$0x2] =	wrdreg s24  }
0xaf: {  	[dreg:$0x3] =	wrdreg s2  }
0xb0: {  	[dreg:$0x4] =	wrdreg $0x0  }
0xb1: {  	[dreg:$0x5] =	wrdreg $0xA0000  }
0xb2: {  	[dreg:$0x6] =	wrdreg $0x9  }
0xb3: {  	_ =	task.clear_ibuf [dreg:s7], $0x7FFFF;
	_ =	strace $0x90000046  }
0xb4: {  	s29 =	simm.s32 $0x9;
	_ =	strace $0x80000048  }
0xb5: {  	_ =	swait.ge [sflag:s29], $0x1  }
0xb6: {  	[sflag:s29] =	ssyncadd.s32 $0xFFFFFFFF  }
0xb7: {  	_ =	strace $0x90000048  }
0xb8: {  	_ =	sfence  }
0xb9: {  	s30 =	sld [smem:$0x0];
	_ =	sdelay $0x2  }
0xba: {  	s31 =	sshll.u32 s1, $0xD;
	s1 =	sshrl.u32 s1, $0x2  }
0xbb: {  	s3 =	sand.u32 $0x4000, s31;
	s1 =	sadd.s32 s1, s30  }
0xbc: {  	s0 =	sor.u32 s3, s0;
	s1 =	sshll.u32 s1, $0x11  }
0xbd: {  	s0 =	sor.u32 s1, s0  }
0xbe: {  	s0 =	sadd.s32 $0x8F2B, s0  }
0xbf: {  	[sflag:s0] =	ssyncadd.remote.s32 $0x1  }
0xc0: {  	_ =	sfence.sel $0xFFFF  }
0xc1: {  	[dreg:$0x0] =	wrdreg $0xFFFFFFFF;
	(pc) =	sbr.abs _section_cstart, $3  }
0xc2: {  	[dreg:$0x1] =	wrdreg $0xFFFFFFFF  }
0xc3: {  	_ =	task.clear_ibuf [dreg:s7], $0x2FFFF;
	_ =	strace $0x9FFFFFFF  }
0xc4: {  	(tm) =	ssettm $0x7FFFFFFF  }
0xc5: {  	_ =	shalt  }
tec
execute0_lowered:
.L_overlay_start_1:
0x0: {  	(tag) =	ssettag $0x1  }
0x1: {  	s0 =	rddreg [dreg:$0x0]  }
0x2: {  	s2 =	rddreg [dreg:$0x2]  }
0x3: {  	s4 =	rddreg [dreg:$0x3];
	s3 =	simm.s32 $0x0  }
0x4: {  	s1 =	srdreg.scid;
	s11 =	stileid.u32;
	s19 =	simm.s32 $0x9  }
0x5: {  	s31 =	simm.s32 $0xA280;
	s28 =	simm.s32 $0x13280;
	s30 =	simm.s32 $0x17280  }
0x6: {  	[smem:$0x7FF] =	sst s3;
	s1 =	sand.u32 $0x1, s1;
	s20 =	smul.u32 $0xA000, s11  }
0x7: {  	s6 =	sadd.s32 $0x2A00, s0;
	s13 =	sadd.s32 $0x33C00, s0;
	s15 =	sadd.s32 $0x3DC00, s0  }
0x8: {  	s7 =	sadd.s32 $0x47C00, s0;
	s21 =	smul.u32 $0x280, s11;
	s8 =	sadd.s32 $0x49000, s0  }
0x9: {  	s23 =	smul.u32 $0x5000, s11;
	_ =	strace $0x80000047;
	[dreg:$0x8] =	wrdreg s7  }
0xa: {  	s24 =	sshll.u32 s11, $0x6;
	s11 =	smul.u32 $0xA00, s11;
	[dreg:$0x9] =	wrdreg s8  }
0xb: {  	s14 =	sadd.s32 $0x29C00, s0;
	s5 =	smul.u32 $0xA0000, s1;
	[dreg:$0x7] =	wrdreg s15  }
0xc: {  	s22 =	ssub.s32 $0x2, s1;
	s12 =	sor.u32 $0x1C09, s24;
	[dreg:$0x5] =	wrdreg s13  }
0xd: {  	p0 =	sne.s32 s1, $0x0;
	[dreg:$0x6] =	wrdreg s14;
	s24 =	simm.s32 $0x100  }
0xe: {  	s1 =	simm.s32 $0x80;
	s9 =	sshrl.u32 s21, $0x3;
	s10 =	sshrl.u32 s22, $0x1  }
0xf: {  	s3 =	sadd.s32 s20, s2;
	s7 =	sadd.s32 s21, s4;
	s25 =	sadd.s32 s15, s11  }
0x10: {  	s11 =	simm.s32 $0x7;
	s5 =	sadd.s32 s20, s5;
	s8 =	ssub.s32 s22, s10  }
0x11: {  	[dreg:$0xa] =	wrdreg s25;
	s16 =	sshrl.u32 s3, $0x3;
	s17 =	sshrl.u32 @!p0 s7, $0x3  }
0x12: {  	s25 =	simm.s32 $0xF280;
	s3 =	simm.s32 $0x1;
	s7 =	simm.s32 $0x2  }
0x13: {  	s10 =	simm.s32 $0x6;
	s5 =	sshrl.u32 s5, $0x3;
	s26 =	smax.u32 s8, $0x1  }
0x14: {  	[dreg:$0xf] =	wrdreg s17;
	s5 =	sadd.s32 s5, s0;
	s0 =	sadd.s32 s9, s0  }
0x15: {  	s9 =	sshrl.u32 s23, $0x3;
	[dreg:$0xd] =	wrdreg s26;
	s5 =	sadd.s32 $0x49800, s5  }
.Ltmp0:
0x16: {  	s0 =	sadd.s32 $0x49200, s0;
	[dreg:$0xb] =	wrdreg s5;
	(pc) =	sbr.rel .LBB2_1-.Ltmp0, $4  }
0x17: {  	s29 =	sadd.s32 $0x500, s9;
	[dreg:$0xc] =	wrdreg s0;
	s0 =	smov.u32 s13  }
0x18: {  	s8 =	simm.s32 $0x3;
	[dreg:$0xe] =	wrdreg s29;
	s0 =	smov.u32 @p0 s14  }
0x19: {  	s5 =	simm.s32 $0x4;
	s13 =	simm.s32 $0x0;
	s0 =	sadd.s32 s0, s9  }
0x1a: {  	s9 =	simm.s32 $0x8;
	[dreg:$0x10] =	wrdreg s0;
	s0 =	simm.s32 $0x1B280  }
.LBB2_10:
0x1b: {  	[bflag:$0x0] =	sbarrier.arrive $0xFFFF  }
0x1c: {  	s14 =	rddreg [dreg:$0xb]  }
0x1d: {  	[hbm:s14], [sflag:s12] =	dma.local [spmem:s20], $0x1400  }
0x1e: {  	_ =	swait.ge [sflag:s19], $0x1400  }
0x1f: {  	[sflag:s19] =	ssyncset.done $0x0;
	s14 =	rddreg [dreg:$0xc]  }
0x20: {  	s17 =	rddreg [dreg:$0xf];
	[sflag:s19] =	ssyncadd.s32 $0xFFFFEC00  }
0x21: {  	[hbm:s14], [sflag:s12] =	dma.local @!p0 [spmem:s17], $0x50  }
0x22: {  	s14 =	simm.s32 @!p0 $0x9  }
0x23: {  	_ =	swait.ge @!p0 [sflag:s14], $0x50  }
0x24: {  	s13 =	sadd.s32 $0x1, s13;
	s15 =	rddreg [dreg:$0xd]  }
0x25: {  	p1 =	sne.s32 s13, s15  }
.Ltmp1:
0x26: {  	_ = 	snop;
	(pc) =	sbr.rel @!p1 .LBB2_11-.Ltmp1, $3  }
0x27: {  	_ =	sdelay $0x1  }
0x28: {  	[sflag:s14] =	ssyncset.done @!p0 $0x0  }
0x29: {  	s16 =	smov.u32 s20;
	[sflag:s14] =	ssyncadd.s32 @!p0 $0xFFFFFFB0  }
.LBB2_1:
0x2a: {  	s14 =	rddreg [dreg:$0x8]  }
0x2b: {  	[spmem:s16], [sflag:s12] =	dma.local [hbm:s14], $0x1400  }
0x2c: {  	_ =	swait.ge [sflag:s19], $0x1400  }
0x2d: {  	[sflag:s19] =	ssyncset.done $0x0  }
0x2e: {  	[sflag:s19] =	ssyncadd.s32 $0xFFFFEC00  }
0x2f: {  	s15 =	simm.s32 @!p0 $0x9;
	s14 =	rddreg [dreg:$0x1]  }
0x30: {  	[spmem:s17], [sflag:s12] =	dma.local @!p0 [hbm:s14], $0x50  }
0x31: {  	_ =	swait.ge @!p0 [sflag:s15], $0x50  }
0x32: {  	s20 =	smov.u32 s16;
	s16 =	simm.s32 @!p0 $0x0;
	[sflag:s15] =	ssyncset.done @!p0 $0x0  }
0x33: {  	s14 =	simm.s32 @!p0 $0x1F280;
	s17 =	rddreg [dreg:$0x9];
	[sflag:s15] =	ssyncadd.s32 @!p0 $0xFFFFFFB0  }
0x34: {  	[tilespmem:s14], [sflag:$0x9] =	stream.linear.gather @!p0 [hbm4b:s17+s16], $0x80, $0x38;
	[tilespmem:$0x1F300] =	vst v63  }
0x35: {  	_ =	swait.ge @!p0 [sflag:s15], $0x80  }
0x36: {  	[sflag:s15] =	ssyncset.done @!p0 $0x0  }
0x37: {  	[sflag:s15] =	ssyncadd.s32 @!p0 $0xFFFFFF80  }
0x38: {  	[bflag:$0x0] =	sbarrier.arrive $0xFFFF  }
0x39: {  	s18 =	simm.s32 $0x0;
	s21 =	rddreg [dreg:$0x10]  }
0x3a: {  	[tilespmem:s31], [sflag:$0x9] =	stream.linear.gather [hbm4b:s21+s18], $0x2800, $0x38;
	[tilespmem:$0x1F300] =	vst v63  }
0x3b: {  	_ =	swait.ge [sflag:s19], $0x2800  }
0x3c: {  	[sflag:s19] =	ssyncset.done $0x0  }
0x3d: {  	s23 =	simm.s32 $0xCA80;
	s22 =	rddreg [dreg:$0xa];
	[sflag:s19] =	ssyncadd.s32 $0xFFFFD800  }
0x3e: {  	[tilespmem:s23], [sflag:$0x9] =	stream.linear.gather [hbm4b:s22+s18], $0x2800, $0x38;
	[tilespmem:$0x1F300] =	vst v63  }
0x3f: {  	_ =	swait.ge [sflag:s19], $0x2800  }
0x40: {  	[sflag:s19] =	ssyncset.done $0x0  }
0x41: {  	[sflag:s19] =	ssyncadd.s32 $0xFFFFD800  }
0x42: {  	[tilespmem:s25], [sflag:$0x1] =	stream.indirect.gather [hbm4b:s6+s24], $0x40, s31, s24, $0xb8;
	[tilespmem:$0x1F300] =	vst v63  }
0x43: {  	s26 =	simm.s32 $0xA380  }
0x44: {  	[tilespmem:s28], [sflag:$0x2] =	stream.indirect.gather [hbm4b:s6+s24], $0x40, s26, s24, $0xb8;
	[tilespmem:$0x1F300] =	vst v63  }
.Ltmp2:
0x45: {  	_ = 	snop;
	(pc) =	sbr.rel .LBB2_2-.Ltmp2, $4  }
0x46: {  	s29 =	simm.s32 $0xA480  }
0x47: {  	[tilespmem:s30], [sflag:$0x3] =	stream.indirect.gather [hbm4b:s6+s24], $0x40, s29, s24, $0xb8;
	[tilespmem:$0x1F300] =	vst v63  }
0x48: {  	s16 =	simm.s32 $0x0;
	s15 =	simm.s32 $0x9;
	s31 =	simm.s32 $0xA580  }
0x49: {  	[tilespmem:s0], [sflag:$0x4] =	stream.indirect.gather [hbm4b:s6+s24], $0x40, s31, s24, $0xb8;
	[tilespmem:$0x1F300] =	vst v63  }
.LBB2_5:
.Ltmp3:
0x4a: {  	(pc) =	sbr.rel @p1 .LBB2_6-.Ltmp3, $4  }
0x4b: {  	_ = 	snop  }
0x4c: {  	_ =	swait.ge [sflag:s9], $0x2000  }
0x4d: {  	[sflag:s9] =	ssyncset.done $0x0  }
0x4e: {  	[sflag:s9] =	ssyncadd.s32 $0xFFFFE000  }
.LBB2_12:
0x4f: {  	s17 =	sadd.s32 $0xA980, s23;
	s16 =	sadd.s32 $0x1000, s16;
	s15 =	sadd.s32 $0xFFFFFFFF, s15  }
0x50: {  	[tilespmem:s0], [sflag:$0x4] =	stream.indirect.gather [hbm4b:s6+s24], $0x40, s17, s24, $0xb8;
	[tilespmem:$0x1F300] =	vst v63  }
.LBB2_2:
0x51: {  	_ =	swait.ge [sflag:s3], $0x4000  }
0x52: {  	s23 =	sshra.s32 s16, $0x2;
	[sflag:s3] =	ssyncset.done $0x0  }
0x53: {  	s21 =	sshra.s32 @p0 s16, $0x2;
	s26 =	sadd.s32 $0xCA80, s23;
	[sflag:s3] =	ssyncadd.s32 $0xFFFFC000  }
0x54: {  	[spmem:s2] =	stream.indirect.scatter.add.f32 [tilespmem:s25], [sflag:$0x5], $0x40, s26, s1, $0xb8;
	[tilespmem:$0x1F300] =	vst v63  }
0x55: {  	s31 =	simm.s32 @p0 $0x80;
	s17 =	simm.s32 @p0 $0x11280;
	s29 =	sadd.s32 @p0 $0xCB00, s21  }
0x56: {  	[spmem:s2] =	stream.indirect.scatter.add.f32 @p0 [tilespmem:s17], [sflag:$0x5], $0x40, s29, s31, $0xb8;
	[tilespmem:$0x1F300] =	vst v63  }
0x57: {  	s17 =	simm.s32 @!p0 $0x80  }
0x58: {  	[spmem:s4] =	stream.indirect.scatter.add.f32 @!p0 [tilespmem:s14], [sflag:$0x5], $0x1, s26, s17, $0xb8;
	[tilespmem:$0x1F300] =	vst v63  }
0x59: {  	s26 =	sshra.s32 @!p0 s16, $0x2  }
0x5a: {  	s18 =	simm.s32 @!p0 $0x11280;
	s29 =	sadd.s32 @!p0 $0xCB00, s26  }
0x5b: {  	[spmem:s2] =	stream.indirect.scatter.add.f32 @!p0 [tilespmem:s18], [sflag:$0x5], $0x40, s29, s17, $0xb8;
	[tilespmem:$0x1F300] =	vst v63  }
0x5c: {  	_ = 	snop  }
0x5d: {  	[spmem:s4] =	stream.indirect.scatter.add.f32 @!p0 [tilespmem:s14], [sflag:$0x5], $0x1, s29, s17, $0xb8;
	[tilespmem:$0x1F300] =	vst v63  }
0x5e: {  	_ =	swait.ge [sflag:s7], $0x4000  }
0x5f: {  	[sflag:s7] =	ssyncset.done $0x0  }
0x60: {  	s18 =	sadd.s32 $0xCB80, s23;
	[sflag:s7] =	ssyncadd.s32 $0xFFFFC000  }
0x61: {  	[spmem:s2] =	stream.indirect.scatter.add.f32 [tilespmem:s28], [sflag:$0x6], $0x40, s18, s1, $0xb8;
	[tilespmem:$0x1F300] =	vst v63  }
0x62: {  	s22 =	simm.s32 @p0 $0x15280;
	s29 =	sadd.s32 @p0 $0xCC00, s21  }
0x63: {  	[spmem:s2] =	stream.indirect.scatter.add.f32 @p0 [tilespmem:s22], [sflag:$0x6], $0x40, s29, s31, $0xb8;
	[tilespmem:$0x1F300] =	vst v63  }
0x64: {  	_ = 	snop  }
0x65: {  	[spmem:s4] =	stream.indirect.scatter.add.f32 @!p0 [tilespmem:s14], [sflag:$0x6], $0x1, s18, s17, $0xb8;
	[tilespmem:$0x1F300] =	vst v63  }
0x66: {  	s22 =	simm.s32 @!p0 $0x15280;
	s18 =	sadd.s32 @!p0 $0xCC00, s26  }
0x67: {  	[spmem:s2] =	stream.indirect.scatter.add.f32 @!p0 [tilespmem:s22], [sflag:$0x6], $0x40, s18, s17, $0xb8;
	[tilespmem:$0x1F300] =	vst v63  }
0x68: {  	_ = 	snop  }
0x69: {  	[spmem:s4] =	stream.indirect.scatter.add.f32 @!p0 [tilespmem:s14], [sflag:$0x6], $0x1, s18, s17, $0xb8;
	[tilespmem:$0x1F300] =	vst v63  }
0x6a: {  	_ =	swait.ge [sflag:s8], $0x4000  }
0x6b: {  	[sflag:s8] =	ssyncset.done $0x0  }
0x6c: {  	s18 =	sadd.s32 $0xCC80, s23;
	[sflag:s8] =	ssyncadd.s32 $0xFFFFC000  }
0x6d: {  	[spmem:s2] =	stream.indirect.scatter.add.f32 [tilespmem:s30], [sflag:$0x7], $0x40, s18, s1, $0xb8;
	[tilespmem:$0x1F300] =	vst v63  }
0x6e: {  	s29 =	simm.s32 @p0 $0x19280;
	s22 =	sadd.s32 @p0 $0xCD00, s21  }
0x6f: {  	[spmem:s2] =	stream.indirect.scatter.add.f32 @p0 [tilespmem:s29], [sflag:$0x7], $0x40, s22, s31, $0xb8;
	[tilespmem:$0x1F300] =	vst v63  }
0x70: {  	_ = 	snop  }
0x71: {  	[spmem:s4] =	stream.indirect.scatter.add.f32 @!p0 [tilespmem:s14], [sflag:$0x7], $0x1, s18, s17, $0xb8;
	[tilespmem:$0x1F300] =	vst v63  }
0x72: {  	s22 =	simm.s32 @!p0 $0x19280;
	s18 =	sadd.s32 @!p0 $0xCD00, s26  }
0x73: {  	[spmem:s2] =	stream.indirect.scatter.add.f32 @!p0 [tilespmem:s22], [sflag:$0x7], $0x40, s18, s17, $0xb8;
	[tilespmem:$0x1F300] =	vst v63  }
0x74: {  	_ = 	snop  }
0x75: {  	[spmem:s4] =	stream.indirect.scatter.add.f32 @!p0 [tilespmem:s14], [sflag:$0x7], $0x1, s18, s17, $0xb8;
	[tilespmem:$0x1F300] =	vst v63  }
0x76: {  	_ =	swait.ge [sflag:s5], $0x4000  }
0x77: {  	[sflag:s5] =	ssyncset.done $0x0  }
0x78: {  	s18 =	sadd.s32 $0xCD80, s23;
	[sflag:s5] =	ssyncadd.s32 $0xFFFFC000  }
0x79: {  	[spmem:s2] =	stream.indirect.scatter.add.f32 [tilespmem:s0], [sflag:$0x8], $0x40, s18, s1, $0xb8;
	[tilespmem:$0x1F300] =	vst v63  }
0x7a: {  	s21 =	sadd.s32 @p0 $0xCE00, s21;
	s22 =	simm.s32 @p0 $0x1D280  }
0x7b: {  	[spmem:s2] =	stream.indirect.scatter.add.f32 @p0 [tilespmem:s22], [sflag:$0x8], $0x40, s21, s31, $0xb8;
	[tilespmem:$0x1F300] =	vst v63  }
0x7c: {  	s21 =	simm.s32 @p0 $0x5  }
0x7d: {  	_ =	swait.ge @p0 [sflag:s21], $0x2000  }
0x7e: {  	[sflag:s21] =	ssyncset.done @p0 $0x0  }
0x7f: {  	[sflag:s21] =	ssyncadd.s32 @p0 $0xFFFFE000  }
0x80: {  	_ =	swait.ge @p0 [sflag:s21], $0x2000  }
0x81: {  	[sflag:s21] =	ssyncset.done @p0 $0x0  }
0x82: {  	[sflag:s21] =	ssyncadd.s32 @p0 $0xFFFFE000  }
0x83: {  	[spmem:s4] =	stream.indirect.scatter.add.f32 @!p0 [tilespmem:s14], [sflag:$0x8], $0x1, s18, s17, $0xb8;
	[tilespmem:$0x1F300] =	vst v63  }
0x84: {  	s21 =	simm.s32 @!p0 $0x1D280;
	s18 =	sadd.s32 @!p0 $0xCE00, s26  }
0x85: {  	[spmem:s2] =	stream.indirect.scatter.add.f32 @!p0 [tilespmem:s21], [sflag:$0x8], $0x40, s18, s17, $0xb8;
	[tilespmem:$0x1F300] =	vst v63  }
0x86: {  	_ = 	snop  }
0x87: {  	[spmem:s4] =	stream.indirect.scatter.add.f32 @!p0 [tilespmem:s14], [sflag:$0x8], $0x1, s18, s17, $0xb8;
	[tilespmem:$0x1F300] =	vst v63  }
0x88: {  	s17 =	simm.s32 @!p0 $0x5  }
0x89: {  	_ =	swait.ge @!p0 [sflag:s17], $0x2000  }
0x8a: {  	[sflag:s17] =	ssyncset.done @!p0 $0x0  }
0x8b: {  	[sflag:s17] =	ssyncadd.s32 @!p0 $0xFFFFE000  }
0x8c: {  	_ =	swait.ge @!p0 [sflag:s17], $0x80  }
0x8d: {  	[sflag:s17] =	ssyncset.done @!p0 $0x0  }
0x8e: {  	[sflag:s17] =	ssyncadd.s32 @!p0 $0xFFFFFF80  }
0x8f: {  	_ =	swait.ge @!p0 [sflag:s17], $0x2000  }
0x90: {  	[sflag:s17] =	ssyncset.done @!p0 $0x0  }
0x91: {  	[sflag:s17] =	ssyncadd.s32 @!p0 $0xFFFFE000  }
0x92: {  	_ =	swait.ge @!p0 [sflag:s17], $0x80  }
0x93: {  	p1 =	seq.s32 s15, $0x0;
	[sflag:s17] =	ssyncset.done @!p0 $0x0  }
0x94: {  	[sflag:s17] =	ssyncadd.s32 @!p0 $0xFFFFFF80;
	s17 =	sshra.s32 @!p1 s16, $0x2  }
0x95: {  	s22 =	simm.s32 @!p1 $0xF280;
	s21 =	simm.s32 @!p1 $0x100;
	s18 =	sadd.s32 @!p1 $0xA680, s17  }
0x96: {  	[tilespmem:s22], [sflag:$0x1] =	stream.indirect.gather @!p1 [hbm4b:s6+s21], $0x40, s18, s21, $0xb8;
	[tilespmem:$0x1F300] =	vst v63  }
0x97: {  	_ =	swait.ge [sflag:s10], $0x2000  }
0x98: {  	[sflag:s10] =	ssyncset.done $0x0  }
0x99: {  	s18 =	simm.s32 @p0 $0x6;
	[sflag:s10] =	ssyncadd.s32 $0xFFFFE000  }
0x9a: {  	_ =	swait.ge @p0 [sflag:s18], $0x2000  }
0x9b: {  	[sflag:s18] =	ssyncset.done @p0 $0x0  }
0x9c: {  	[sflag:s18] =	ssyncadd.s32 @p0 $0xFFFFE000;
	s18 =	simm.s32 @!p0 $0x6  }
0x9d: {  	_ =	swait.ge @!p0 [sflag:s18], $0x80  }
0x9e: {  	[sflag:s18] =	ssyncset.done @!p0 $0x0  }
0x9f: {  	[sflag:s18] =	ssyncadd.s32 @!p0 $0xFFFFFF80  }
0xa0: {  	_ =	swait.ge @!p0 [sflag:s18], $0x2000  }
0xa1: {  	[sflag:s18] =	ssyncset.done @!p0 $0x0  }
0xa2: {  	[sflag:s18] =	ssyncadd.s32 @!p0 $0xFFFFE000  }
0xa3: {  	_ =	swait.ge @!p0 [sflag:s18], $0x80  }
0xa4: {  	[sflag:s18] =	ssyncset.done @!p0 $0x0  }
0xa5: {  	s22 =	simm.s32 @!p1 $0x13280;
	[sflag:s18] =	ssyncadd.s32 @!p0 $0xFFFFFF80;
	s18 =	sadd.s32 @!p1 $0xA780, s17  }
0xa6: {  	[tilespmem:s22], [sflag:$0x2] =	stream.indirect.gather @!p1 [hbm4b:s6+s21], $0x40, s18, s21, $0xb8;
	[tilespmem:$0x1F300] =	vst v63  }
0xa7: {  	_ =	swait.ge [sflag:s11], $0x2000  }
0xa8: {  	[sflag:s11] =	ssyncset.done $0x0  }
0xa9: {  	s18 =	simm.s32 @p0 $0x7;
	[sflag:s11] =	ssyncadd.s32 $0xFFFFE000  }
0xaa: {  	_ =	swait.ge @p0 [sflag:s18], $0x2000  }
0xab: {  	[sflag:s18] =	ssyncset.done @p0 $0x0  }
0xac: {  	[sflag:s18] =	ssyncadd.s32 @p0 $0xFFFFE000;
	s18 =	simm.s32 @!p0 $0x7  }
0xad: {  	_ =	swait.ge @!p0 [sflag:s18], $0x80  }
0xae: {  	[sflag:s18] =	ssyncset.done @!p0 $0x0  }
0xaf: {  	[sflag:s18] =	ssyncadd.s32 @!p0 $0xFFFFFF80  }
0xb0: {  	_ =	swait.ge @!p0 [sflag:s18], $0x2000  }
0xb1: {  	[sflag:s18] =	ssyncset.done @!p0 $0x0  }
0xb2: {  	[sflag:s18] =	ssyncadd.s32 @!p0 $0xFFFFE000  }
0xb3: {  	_ =	swait.ge @!p0 [sflag:s18], $0x80  }
0xb4: {  	s17 =	sadd.s32 @!p1 $0xA880, s17;
	[sflag:s18] =	ssyncset.done @!p0 $0x0  }
.Ltmp4:
0xb5: {  	[sflag:s18] =	ssyncadd.s32 @!p0 $0xFFFFFF80;
	s18 =	simm.s32 @!p1 $0x17280;
	(pc) =	sbr.rel @p0 .LBB2_5-.Ltmp4, $4  }
0xb6: {  	[tilespmem:s18], [sflag:$0x3] =	stream.indirect.gather @!p1 [hbm4b:s6+s21], $0x40, s17, s21, $0xb8;
	[tilespmem:$0x1F300] =	vst v63  }
0xb7: {  	_ =	swait.ge [sflag:s9], $0x2000  }
0xb8: {  	[sflag:s9] =	ssyncset.done $0x0  }
0xb9: {  	[sflag:s9] =	ssyncadd.s32 $0xFFFFE000  }
0xba: {  	_ =	swait.ge [sflag:s9], $0x80  }
0xbb: {  	[sflag:s9] =	ssyncset.done $0x0  }
0xbc: {  	[sflag:s9] =	ssyncadd.s32 $0xFFFFFF80  }
0xbd: {  	_ =	swait.ge [sflag:s9], $0x2000  }
.Ltmp5:
0xbe: {  	[sflag:s9] =	ssyncset.done $0x0;
	(pc) =	sbr.rel @!p1 .LBB2_12-.Ltmp5, $4  }
0xbf: {  	[sflag:s9] =	ssyncadd.s32 $0xFFFFE000  }
0xc0: {  	_ =	swait.ge [sflag:s9], $0x80  }
0xc1: {  	[sflag:s9] =	ssyncset.done $0x0  }
0xc2: {  	[sflag:s9] =	ssyncadd.s32 $0xFFFFFF80  }
.Ltmp6:
0xc3: {  	(pc) =	sbr.rel .LBB2_7-.Ltmp6, $2  }
0xc4: {  	_ =	sdelay $0x2  }
0xc5: {  	s14 =	rddreg [dreg:$0x5]  }
.LBB2_6:
0xc6: {  	s14 =	rddreg [dreg:$0x6]  }
.LBB2_7:
0xc7: {  	s16 =	rddreg [dreg:$0xe]  }
0xc8: {  	s31 =	simm.s32 $0xA280;
	s15 =	sadd.s32 s14, s16;
	s14 =	simm.s32 $0x0  }
0xc9: {  	[tilespmem:s31], [sflag:$0x9] =	stream.linear.gather [hbm4b:s15+s14], $0x2800, $0x38;
	[tilespmem:$0x1F300] =	vst v63  }
0xca: {  	_ =	swait.ge [sflag:s19], $0x2800  }
0xcb: {  	[sflag:s19] =	ssyncset.done $0x0;
	s21 =	rddreg [dreg:$0x7]  }
0xcc: {  	s22 =	simm.s32 $0xCA80;
	[sflag:s19] =	ssyncadd.s32 $0xFFFFD800;
	s15 =	sadd.s32 s21, s16  }
0xcd: {  	[tilespmem:s22], [sflag:$0x9] =	stream.linear.gather [hbm4b:s15+s14], $0x2800, $0x38;
	[tilespmem:$0x1F300] =	vst v63  }
0xce: {  	_ =	swait.ge [sflag:s19], $0x2800  }
0xcf: {  	[sflag:s19] =	ssyncset.done $0x0  }
0xd0: {  	[sflag:s19] =	ssyncadd.s32 $0xFFFFD800  }
0xd1: {  	[tilespmem:s25], [sflag:$0x1] =	stream.indirect.gather [hbm4b:s6+s24], $0x40, s31, s24, $0xb8;
	[tilespmem:$0x1F300] =	vst v63  }
0xd2: {  	s23 =	simm.s32 $0xA380  }
0xd3: {  	[tilespmem:s28], [sflag:$0x2] =	stream.indirect.gather [hbm4b:s6+s24], $0x40, s23, s24, $0xb8;
	[tilespmem:$0x1F300] =	vst v63  }
0xd4: {  	s26 =	simm.s32 $0xA480  }
0xd5: {  	[tilespmem:s30], [sflag:$0x3] =	stream.indirect.gather [hbm4b:s6+s24], $0x40, s26, s24, $0xb8;
	[tilespmem:$0x1F300] =	vst v63  }
0xd6: {  	s29 =	simm.s32 $0xA580  }
0xd7: {  	[tilespmem:s0], [sflag:$0x4] =	stream.indirect.gather [hbm4b:s6+s24], $0x40, s29, s24, $0xb8;
	[tilespmem:$0x1F300] =	vst v63  }
.LBB2_8:
0xd8: {  	_ =	swait.ge [sflag:s3], $0x4000  }
0xd9: {  	s15 =	sshra.s32 s14, $0x2;
	[sflag:s3] =	ssyncset.done $0x0  }
0xda: {  	s17 =	sshra.s32 @p0 s14, $0x2;
	s16 =	sadd.s32 $0xCA80, s15;
	[sflag:s3] =	ssyncadd.s32 $0xFFFFC000  }
0xdb: {  	[spmem:s2] =	stream.indirect.scatter.add.f32 [tilespmem:s25], [sflag:$0x5], $0x40, s16, s1, $0xb8;
	[tilespmem:$0x1F300] =	vst v63  }
0xdc: {  	s21 =	simm.s32 @p0 $0x80;
	s22 =	simm.s32 @p0 $0x11280;
	s18 =	sadd.s32 @p0 $0xCB00, s17  }
0xdd: {  	[spmem:s2] =	stream.indirect.scatter.add.f32 @p0 [tilespmem:s22], [sflag:$0x5], $0x40, s18, s21, $0xb8;
	[tilespmem:$0x1F300] =	vst v63  }
0xde: {  	s18 =	simm.s32 @!p0 $0x80;
	s22 =	simm.s32 @!p0 $0x1F280  }
0xdf: {  	[spmem:s4] =	stream.indirect.scatter.add.f32 @!p0 [tilespmem:s22], [sflag:$0x5], $0x1, s16, s18, $0xb8;
	[tilespmem:$0x1F300] =	vst v63  }
0xe0: {  	s16 =	sshra.s32 @!p0 s14, $0x2  }
0xe1: {  	s26 =	simm.s32 @!p0 $0x11280;
	s23 =	sadd.s32 @!p0 $0xCB00, s16  }
0xe2: {  	[spmem:s2] =	stream.indirect.scatter.add.f32 @!p0 [tilespmem:s26], [sflag:$0x5], $0x40, s23, s18, $0xb8;
	[tilespmem:$0x1F300] =	vst v63  }
0xe3: {  	_ = 	snop  }
0xe4: {  	[spmem:s4] =	stream.indirect.scatter.add.f32 @!p0 [tilespmem:s22], [sflag:$0x5], $0x1, s23, s18, $0xb8;
	[tilespmem:$0x1F300] =	vst v63  }
0xe5: {  	_ =	swait.ge [sflag:s7], $0x4000  }
0xe6: {  	[sflag:s7] =	ssyncset.done $0x0  }
0xe7: {  	s23 =	sadd.s32 $0xCB80, s15;
	[sflag:s7] =	ssyncadd.s32 $0xFFFFC000  }
0xe8: {  	[spmem:s2] =	stream.indirect.scatter.add.f32 [tilespmem:s28], [sflag:$0x6], $0x40, s23, s1, $0xb8;
	[tilespmem:$0x1F300] =	vst v63  }
0xe9: {  	s29 =	simm.s32 @p0 $0x15280;
	s26 =	sadd.s32 @p0 $0xCC00, s17  }
0xea: {  	[spmem:s2] =	stream.indirect.scatter.add.f32 @p0 [tilespmem:s29], [sflag:$0x6], $0x40, s26, s21, $0xb8;
	[tilespmem:$0x1F300] =	vst v63  }
0xeb: {  	_ = 	snop  }
0xec: {  	[spmem:s4] =	stream.indirect.scatter.add.f32 @!p0 [tilespmem:s22], [sflag:$0x6], $0x1, s23, s18, $0xb8;
	[tilespmem:$0x1F300] =	vst v63  }
0xed: {  	s26 =	simm.s32 @!p0 $0x15280;
	s23 =	sadd.s32 @!p0 $0xCC00, s16  }
0xee: {  	[spmem:s2] =	stream.indirect.scatter.add.f32 @!p0 [tilespmem:s26], [sflag:$0x6], $0x40, s23, s18, $0xb8;
	[tilespmem:$0x1F300] =	vst v63  }
0xef: {  	_ = 	snop  }
0xf0: {  	[spmem:s4] =	stream.indirect.scatter.add.f32 @!p0 [tilespmem:s22], [sflag:$0x6], $0x1, s23, s18, $0xb8;
	[tilespmem:$0x1F300] =	vst v63  }
0xf1: {  	_ =	swait.ge [sflag:s8], $0x4000  }
0xf2: {  	[sflag:s8] =	ssyncset.done $0x0  }
0xf3: {  	s23 =	sadd.s32 $0xCC80, s15;
	[sflag:s8] =	ssyncadd.s32 $0xFFFFC000  }
0xf4: {  	[spmem:s2] =	stream.indirect.scatter.add.f32 [tilespmem:s30], [sflag:$0x7], $0x40, s23, s1, $0xb8;
	[tilespmem:$0x1F300] =	vst v63  }
0xf5: {  	s29 =	simm.s32 @p0 $0x19280;
	s26 =	sadd.s32 @p0 $0xCD00, s17  }
0xf6: {  	[spmem:s2] =	stream.indirect.scatter.add.f32 @p0 [tilespmem:s29], [sflag:$0x7], $0x40, s26, s21, $0xb8;
	[tilespmem:$0x1F300] =	vst v63  }
0xf7: {  	_ = 	snop  }
0xf8: {  	[spmem:s4] =	stream.indirect.scatter.add.f32 @!p0 [tilespmem:s22], [sflag:$0x7], $0x1, s23, s18, $0xb8;
	[tilespmem:$0x1F300] =	vst v63  }
0xf9: {  	s26 =	simm.s32 @!p0 $0x19280;
	s23 =	sadd.s32 @!p0 $0xCD00, s16  }
0xfa: {  	[spmem:s2] =	stream.indirect.scatter.add.f32 @!p0 [tilespmem:s26], [sflag:$0x7], $0x40, s23, s18, $0xb8;
	[tilespmem:$0x1F300] =	vst v63  }
0xfb: {  	_ = 	snop  }
0xfc: {  	[spmem:s4] =	stream.indirect.scatter.add.f32 @!p0 [tilespmem:s22], [sflag:$0x7], $0x1, s23, s18, $0xb8;
	[tilespmem:$0x1F300] =	vst v63  }
0xfd: {  	_ =	swait.ge [sflag:s5], $0x4000  }
0xfe: {  	[sflag:s5] =	ssyncset.done $0x0  }
0xff: {  	s23 =	sadd.s32 $0xCD80, s15;
	[sflag:s5] =	ssyncadd.s32 $0xFFFFC000  }
0x100: {  	[spmem:s2] =	stream.indirect.scatter.add.f32 [tilespmem:s0], [sflag:$0x8], $0x40, s23, s1, $0xb8;
	[tilespmem:$0x1F300] =	vst v63  }
0x101: {  	s17 =	sadd.s32 @p0 $0xCE00, s17;
	s26 =	simm.s32 @p0 $0x1D280  }
0x102: {  	[spmem:s2] =	stream.indirect.scatter.add.f32 @p0 [tilespmem:s26], [sflag:$0x8], $0x40, s17, s21, $0xb8;
	[tilespmem:$0x1F300] =	vst v63  }
0x103: {  	s17 =	simm.s32 @p0 $0x5  }
0x104: {  	_ =	swait.ge @p0 [sflag:s17], $0x2000  }
0x105: {  	[sflag:s17] =	ssyncset.done @p0 $0x0  }
0x106: {  	[sflag:s17] =	ssyncadd.s32 @p0 $0xFFFFE000  }
0x107: {  	_ =	swait.ge @p0 [sflag:s17], $0x2000  }
0x108: {  	[sflag:s17] =	ssyncset.done @p0 $0x0  }
0x109: {  	[sflag:s17] =	ssyncadd.s32 @p0 $0xFFFFE000  }
0x10a: {  	[spmem:s4] =	stream.indirect.scatter.add.f32 @!p0 [tilespmem:s22], [sflag:$0x8], $0x1, s23, s18, $0xb8;
	[tilespmem:$0x1F300] =	vst v63  }
0x10b: {  	s16 =	sadd.s32 @!p0 $0xCE00, s16;
	s17 =	simm.s32 @!p0 $0x1D280  }
0x10c: {  	[spmem:s2] =	stream.indirect.scatter.add.f32 @!p0 [tilespmem:s17], [sflag:$0x8], $0x40, s16, s18, $0xb8;
	[tilespmem:$0x1F300] =	vst v63  }
0x10d: {  	_ = 	snop  }
0x10e: {  	[spmem:s4] =	stream.indirect.scatter.add.f32 @!p0 [tilespmem:s22], [sflag:$0x8], $0x1, s16, s18, $0xb8;
	[tilespmem:$0x1F300] =	vst v63  }
0x10f: {  	s16 =	simm.s32 @!p0 $0x5  }
0x110: {  	_ =	swait.ge @!p0 [sflag:s16], $0x2000  }
0x111: {  	[sflag:s16] =	ssyncset.done @!p0 $0x0  }
0x112: {  	[sflag:s16] =	ssyncadd.s32 @!p0 $0xFFFFE000  }
0x113: {  	_ =	swait.ge @!p0 [sflag:s16], $0x80  }
0x114: {  	[sflag:s16] =	ssyncset.done @!p0 $0x0  }
0x115: {  	[sflag:s16] =	ssyncadd.s32 @!p0 $0xFFFFFF80  }
0x116: {  	_ =	swait.ge @!p0 [sflag:s16], $0x2000  }
0x117: {  	[sflag:s16] =	ssyncset.done @!p0 $0x0  }
0x118: {  	[sflag:s16] =	ssyncadd.s32 @!p0 $0xFFFFE000  }
0x119: {  	_ =	swait.ge @!p0 [sflag:s16], $0x80  }
0x11a: {  	p1 =	seq.s32 s14, $0x9000;
	[sflag:s16] =	ssyncset.done @!p0 $0x0  }
0x11b: {  	[sflag:s16] =	ssyncadd.s32 @!p0 $0xFFFFFF80;
	s16 =	sshra.s32 @!p1 s14, $0x2  }
0x11c: {  	s21 =	simm.s32 @!p1 $0xF280;
	s18 =	simm.s32 @!p1 $0x100;
	s17 =	sadd.s32 @!p1 $0xA680, s16  }
0x11d: {  	[tilespmem:s21], [sflag:$0x1] =	stream.indirect.gather @!p1 [hbm4b:s6+s18], $0x40, s17, s18, $0xb8;
	[tilespmem:$0x1F300] =	vst v63  }
0x11e: {  	_ =	swait.ge [sflag:s10], $0x2000  }
0x11f: {  	[sflag:s10] =	ssyncset.done $0x0  }
0x120: {  	s17 =	simm.s32 @p0 $0x6;
	[sflag:s10] =	ssyncadd.s32 $0xFFFFE000  }
0x121: {  	_ =	swait.ge @p0 [sflag:s17], $0x2000  }
0x122: {  	[sflag:s17] =	ssyncset.done @p0 $0x0  }
0x123: {  	[sflag:s17] =	ssyncadd.s32 @p0 $0xFFFFE000;
	s17 =	simm.s32 @!p0 $0x6  }
0x124: {  	_ =	swait.ge @!p0 [sflag:s17], $0x80  }
0x125: {  	[sflag:s17] =	ssyncset.done @!p0 $0x0  }
0x126: {  	[sflag:s17] =	ssyncadd.s32 @!p0 $0xFFFFFF80  }
0x127: {  	_ =	swait.ge @!p0 [sflag:s17], $0x2000  }
0x128: {  	[sflag:s17] =	ssyncset.done @!p0 $0x0  }
0x129: {  	[sflag:s17] =	ssyncadd.s32 @!p0 $0xFFFFE000  }
0x12a: {  	_ =	swait.ge @!p0 [sflag:s17], $0x80  }
0x12b: {  	[sflag:s17] =	ssyncset.done @!p0 $0x0  }
0x12c: {  	s21 =	simm.s32 @!p1 $0x13280;
	[sflag:s17] =	ssyncadd.s32 @!p0 $0xFFFFFF80;
	s17 =	sadd.s32 @!p1 $0xA780, s16  }
0x12d: {  	[tilespmem:s21], [sflag:$0x2] =	stream.indirect.gather @!p1 [hbm4b:s6+s18], $0x40, s17, s18, $0xb8;
	[tilespmem:$0x1F300] =	vst v63  }
0x12e: {  	_ =	swait.ge [sflag:s11], $0x2000  }
0x12f: {  	[sflag:s11] =	ssyncset.done $0x0  }
0x130: {  	s17 =	simm.s32 @p0 $0x7;
	[sflag:s11] =	ssyncadd.s32 $0xFFFFE000  }
0x131: {  	_ =	swait.ge @p0 [sflag:s17], $0x2000  }
0x132: {  	[sflag:s17] =	ssyncset.done @p0 $0x0  }
0x133: {  	[sflag:s17] =	ssyncadd.s32 @p0 $0xFFFFE000;
	s17 =	simm.s32 @!p0 $0x7  }
0x134: {  	_ =	swait.ge @!p0 [sflag:s17], $0x80  }
0x135: {  	[sflag:s17] =	ssyncset.done @!p0 $0x0  }
0x136: {  	[sflag:s17] =	ssyncadd.s32 @!p0 $0xFFFFFF80  }
0x137: {  	_ =	swait.ge @!p0 [sflag:s17], $0x2000  }
0x138: {  	[sflag:s17] =	ssyncset.done @!p0 $0x0  }
0x139: {  	[sflag:s17] =	ssyncadd.s32 @!p0 $0xFFFFE000  }
0x13a: {  	_ =	swait.ge @!p0 [sflag:s17], $0x80  }
0x13b: {  	[sflag:s17] =	ssyncset.done @!p0 $0x0  }
0x13c: {  	s16 =	sadd.s32 @!p1 $0xA880, s16;
	[sflag:s17] =	ssyncadd.s32 @!p0 $0xFFFFFF80;
	s17 =	simm.s32 @!p1 $0x17280  }
0x13d: {  	[tilespmem:s17], [sflag:$0x3] =	stream.indirect.gather @!p1 [hbm4b:s6+s18], $0x40, s16, s18, $0xb8;
	[tilespmem:$0x1F300] =	vst v63  }
0x13e: {  	_ =	swait.ge [sflag:s9], $0x2000  }
0x13f: {  	[sflag:s9] =	ssyncset.done $0x0  }
0x140: {  	s16 =	simm.s32 @p0 $0x8;
	[sflag:s9] =	ssyncadd.s32 $0xFFFFE000  }
0x141: {  	_ =	swait.ge @p0 [sflag:s16], $0x2000  }
0x142: {  	[sflag:s16] =	ssyncset.done @p0 $0x0  }
0x143: {  	[sflag:s16] =	ssyncadd.s32 @p0 $0xFFFFE000;
	s16 =	simm.s32 @!p0 $0x8  }
0x144: {  	_ =	swait.ge @!p0 [sflag:s16], $0x80  }
0x145: {  	[sflag:s16] =	ssyncset.done @!p0 $0x0  }
0x146: {  	[sflag:s16] =	ssyncadd.s32 @!p0 $0xFFFFFF80  }
0x147: {  	_ =	swait.ge @!p0 [sflag:s16], $0x2000  }
.Ltmp7:
0x148: {  	[sflag:s16] =	ssyncset.done @!p0 $0x0;
	(pc) =	sbr.rel @p1 .LBB2_10-.Ltmp7, $4  }
0x149: {  	[sflag:s16] =	ssyncadd.s32 @!p0 $0xFFFFE000  }
0x14a: {  	_ =	swait.ge @!p0 [sflag:s16], $0x80  }
0x14b: {  	[sflag:s16] =	ssyncset.done @!p0 $0x0  }
0x14c: {  	[sflag:s16] =	ssyncadd.s32 @!p0 $0xFFFFFF80  }
.Ltmp8:
0x14d: {  	(pc) =	sbr.rel .LBB2_8-.Ltmp8, $3  }
0x14e: {  	_ =	sdelay $0x1  }
0x14f: {  	s15 =	sadd.s32 $0xA980, s15;
	s14 =	sadd.s32 $0x1000, s14  }
0x150: {  	[tilespmem:s0], [sflag:$0x4] =	stream.indirect.gather [hbm4b:s6+s24], $0x40, s15, s24, $0xb8;
	[tilespmem:$0x1F300] =	vst v63  }
.LBB2_11:
0x151: {  	_ =	sfence.sel $0x180000  }
0x152: {  	[bflag:$0x0] =	sbarrier.arrive $0xFFFF  }
0x153: {  	_ =	strace $0x90000047  }
0x154: {  	s0 =	stileid.u32;
	[bflag:$0x2] =	sbarrier.arrive $0xFFFF  }
0x155: {  	p0 =	sne.s32 s0, $0x0;
	s0 =	rddreg [dreg:$0x4]  }
0x156: {  	s0 =	sadd.s32 @!p0 $0x100000, s0  }
0x157: {  	[sflag:s0] =	ssyncadd.tile.s32 @!p0 $0x1;
	_ =	shalt  }
.Lfunc_end2:
_tile_overlayer_lowered:
.L_overlay_start_2:
0x158: {  	(tag) =	ssettag $0x2  }
0x159: {  	s0 =	rddreg [dreg:$0x0];
	s2 =	stileid.u32  }
0x15a: {  	s1 =	rddreg [dreg:$0x1];
	p0 =	sne.s32 s2, $0x0  }
0x15b: {  	s3 =	rddreg [dreg:$0x2];
	[bflag:$0x3] =	sbarrier.arrive $0xFFFF;
	s2 =	simm.s32 @!p0 $0x1C09  }
0x15c: {  	[timem:s3], [sflag:s2] =	dma.local @!p0 [hbm:s0], s1  }
0x15d: {  	s0 =	simm.s32 @!p0 $0x9  }
0x15e: {  	_ =	swait.ge @!p0 [sflag:s0], s1  }
0x15f: {  	s1 =	ssub.s32 @!p0 $0x0, s1;
	[sflag:s0] =	ssyncset.done @!p0 $0x0  }
0x160: {  	[sflag:s0] =	ssyncadd.s32 @!p0 s1  }
0x161: {  	[bflag:$0x3] =	sbarrier.arrive $0xFFFF  }
0x162: {  	_ =	shalt  }

</sc_bundles>
